<compile_context>
chip_gen: v7x
topology: tpu7x:2x2x1
jax: 0.10.2.dev20260603
libtpu: 0.0.44.dev20260713+nightly
codegen_flags: <defaults>
</compile_context>

<pallas_src>
import jax
import jax.numpy as jnp
from jax import lax
from jax.experimental import pallas as pl
from jax.experimental.pallas import tpu as pltpu
from jax.experimental.pallas import tpu_sc as plsc

N = 10000
D = 128
E = 320000
NC = 2
NS = 16
NW = NC * NS
CHUNK = 128
NCH = -(-E // (NW * CHUNK))
EPW = NCH * CHUNK
EP = NW * EPW
NPAD = 10112
RT = NPAD // NS
DEGW = 16
IB = 32
NBLK = -(-NCH // IB)


def _zero_vmem_rows(ref, rows, width, dtype=jnp.float32):
    lanes = 32 if dtype == jnp.bfloat16 else 16
    z = jnp.zeros((lanes,), dtype)

    def body(i, _):
        for j in range(width // lanes):
            ref[i, pl.ds(j * lanes, lanes)] = z
        return 0

    lax.fori_loop(0, rows, body, 0, unroll=False)


def _make_sc_segsum(with_deg):
    out_type = [jax.ShapeDtypeStruct((NC, NPAD, D), jnp.bfloat16)]
    scratch = [
        pltpu.VMEM((IB, CHUNK), jnp.int32),
        pltpu.VMEM((IB, CHUNK), jnp.int32),
        pltpu.VMEM((CHUNK, D), jnp.bfloat16),
        pltpu.VMEM((CHUNK, D), jnp.bfloat16),
        pltpu.VMEM((CHUNK, D), jnp.bfloat16),
        pltpu.VMEM((CHUNK, D), jnp.bfloat16),
        pltpu.VMEM_SHARED((NPAD, D), jnp.bfloat16),
        pltpu.SemaphoreType.DMA,
        pltpu.SemaphoreType.DMA,
        pltpu.SemaphoreType.DMA,
        pltpu.SemaphoreType.DMA,
    ]
    if with_deg:
        out_type.append(jax.ShapeDtypeStruct((NC, NPAD, DEGW), jnp.float32))
        scratch += [
            pltpu.VMEM((CHUNK, DEGW), jnp.float32),
            pltpu.VMEM((CHUNK, DEGW), jnp.float32),
            pltpu.VMEM_SHARED((NPAD, DEGW), jnp.float32),
        ]
    mesh = plsc.VectorSubcoreMesh(core_axis_name="c", subcore_axis_name="s")

    def body(y, srcs, dsts, *refs):
        if with_deg:
            (acc_out, deg_out, idx_s, idx_d, buf, buf1, buf2, buf3, acc_sh,
             sem, sem1, sem2, sem3, ones_v, zdeg, deg_sh) = refs
        else:
            (acc_out, idx_s, idx_d, buf, buf1, buf2, buf3, acc_sh,
             sem, sem1, sem2, sem3) = refs
        bufs = [buf, buf1, buf2, buf3]
        sems = [sem, sem1, sem2, sem3]
        cid = lax.axis_index("c")
        sid = lax.axis_index("s")
        wid = sid * NC + cid

        _zero_vmem_rows(buf, CHUNK, D, jnp.bfloat16)
        r0 = sid * RT
        done = 0
        for t in range((RT + CHUNK - 1) // CHUNK):
            rows = min(CHUNK, RT - done)
            pltpu.sync_copy(buf.at[pl.ds(0, rows)],
                            acc_sh.at[pl.ds(r0 + done, rows)])
            done += rows
        if with_deg:
            one = jnp.ones((16,), jnp.float32)

            def fill_ones(i, _):
                ones_v[i] = one
                return 0

            lax.fori_loop(0, CHUNK, fill_ones, 0, unroll=False)
            _zero_vmem_rows(zdeg, CHUNK, DEGW)
            done = 0
            for t in range((RT + CHUNK - 1) // CHUNK):
                rows = min(CHUNK, RT - done)
                pltpu.sync_copy(zdeg.at[pl.ds(0, rows)],
                                deg_sh.at[pl.ds(r0 + done, rows)])
                done += rows
        plsc.subcore_barrier()

        def scat(b, j):
            pltpu.sync_copy(b, acc_sh.at[idx_d.at[j]], add=True)
            if with_deg:
                pltpu.sync_copy(ones_v, deg_sh.at[idx_d.at[j]], add=True)

        RING = 4

        def fire(l, j):
            pltpu.async_copy(y.at[idx_s.at[j]], bufs[l], sems[l])

        def wait(l, j):
            pltpu.make_async_copy(y.at[idx_s.at[j]], bufs[l],
                                  sems[l]).wait()

        def run_block(nch):
            ngr = nch // RING
            for l in range(RING - 1):
                fire(l, l)

            def group(g, _):
                for l in range(RING):
                    j = RING * g + l
                    wait(l, j)
                    fire((l + RING - 1) % RING, j + RING - 1)
                    scat(bufs[l], j)
                return 0

            lax.fori_loop(0, max(ngr - 1, 0), group, 0, unroll=False)
            for l in range(nch - RING * max(ngr - 1, 0)):
                j = RING * max(ngr - 1, 0) + l
                wait(l % RING, j)
                if j + RING - 1 < nch:
                    fire((l + RING - 1) % RING, j + RING - 1)
                scat(bufs[l % RING], j)

        for blk in range(NBLK):
            nch = min(IB, NCH - blk * IB)
            pltpu.sync_copy(srcs.at[wid, pl.ds(blk * IB, nch)],
                            idx_s.at[pl.ds(0, nch)])
            pltpu.sync_copy(dsts.at[wid, pl.ds(blk * IB, nch)],
                            idx_d.at[pl.ds(0, nch)])
            run_block(nch)
        plsc.subcore_barrier()

        pltpu.sync_copy(acc_sh.at[pl.ds(r0, RT)],
                        acc_out.at[cid, pl.ds(r0, RT)])
        if with_deg:
            pltpu.sync_copy(deg_sh.at[pl.ds(r0, RT)],
                            deg_out.at[cid, pl.ds(r0, RT)])

    return pl.kernel(body, out_type=out_type, mesh=mesh,
                     scratch_types=scratch,
                     compiler_params=pltpu.CompilerParams(
                         use_tc_tiling_on_sc=False))


_sc_segsum_deg = _make_sc_segsum(with_deg=True)
_sc_segsum = _make_sc_segsum(with_deg=False)

BM = 1000
_DN = (((1,), (1,)), ((), ()))


def _tc_pre_body(x_ref, wl_ref, wr_ref, b_ref, y_ref, z_ref):
    xb = x_ref[...]
    y_ref[...] = lax.dot_general(xb, wl_ref[...], _DN,
                                 preferred_element_type=jnp.float32
                                 ).astype(jnp.bfloat16)
    z_ref[...] = lax.dot_general(xb, wr_ref[...], _DN,
                                 preferred_element_type=jnp.float32) + b_ref[...]


_tc_pre = pl.pallas_call(
    _tc_pre_body,
    grid=(N // BM,),
    in_specs=[
        pl.BlockSpec((BM, D), lambda m: (m, 0)),
        pl.BlockSpec((D, D), lambda m: (0, 0)),
        pl.BlockSpec((D, D), lambda m: (0, 0)),
        pl.BlockSpec((1, D), lambda m: (0, 0)),
    ],
    out_specs=[pl.BlockSpec((BM, D), lambda m: (m, 0)),
               pl.BlockSpec((BM, D), lambda m: (m, 0))],
    out_shape=[jax.ShapeDtypeStruct((N, D), jnp.bfloat16),
               jax.ShapeDtypeStruct((N, D), jnp.float32)],
)


def _tc_mid_body(acc_ref, deg_ref, z1_ref, wl_ref, wr_ref, b_ref,
                 y_ref, z_ref):
    agg = acc_ref[0].astype(jnp.float32) + acc_ref[1].astype(jnp.float32)
    d = deg_ref[0, :, 0:1] + deg_ref[1, :, 0:1]
    inv = 1.0 / jnp.maximum(d, 1.0)
    h = jnp.maximum(agg * inv + z1_ref[...], 0.0)
    y_ref[...] = lax.dot_general(h, wl_ref[...], _DN,
                                 preferred_element_type=jnp.float32
                                 ).astype(jnp.bfloat16)
    z_ref[...] = lax.dot_general(h, wr_ref[...], _DN,
                                 preferred_element_type=jnp.float32) + b_ref[...]


_tc_mid = pl.pallas_call(
    _tc_mid_body,
    grid=(N // BM,),
    in_specs=[
        pl.BlockSpec((NC, BM, D), lambda m: (0, m, 0)),
        pl.BlockSpec((NC, BM, DEGW), lambda m: (0, m, 0)),
        pl.BlockSpec((BM, D), lambda m: (m, 0)),
        pl.BlockSpec((D, D), lambda m: (0, 0)),
        pl.BlockSpec((D, D), lambda m: (0, 0)),
        pl.BlockSpec((1, D), lambda m: (0, 0)),
    ],
    out_specs=[pl.BlockSpec((BM, D), lambda m: (m, 0)),
               pl.BlockSpec((BM, D), lambda m: (m, 0))],
    out_shape=[jax.ShapeDtypeStruct((N, D), jnp.bfloat16),
               jax.ShapeDtypeStruct((N, D), jnp.float32)],
)


def _tc_fin_body(acc_ref, deg_ref, z2_ref, out_ref):
    agg = acc_ref[0].astype(jnp.float32) + acc_ref[1].astype(jnp.float32)
    d = deg_ref[0, :, 0:1] + deg_ref[1, :, 0:1]
    inv = 1.0 / jnp.maximum(d, 1.0)
    out_ref[...] = agg * inv + z2_ref[...]


_tc_fin = pl.pallas_call(
    _tc_fin_body,
    grid=(N // BM,),
    in_specs=[
        pl.BlockSpec((NC, BM, D), lambda m: (0, m, 0)),
        pl.BlockSpec((NC, BM, DEGW), lambda m: (0, m, 0)),
        pl.BlockSpec((BM, D), lambda m: (m, 0)),
    ],
    out_specs=pl.BlockSpec((BM, D), lambda m: (m, 0)),
    out_shape=jax.ShapeDtypeStruct((N, D), jnp.float32),
)


def kernel(x, edge_index, edge_weight, W1l, b1, W1r, W2l, b2, W2r):
    del edge_weight
    src = edge_index[0].astype(jnp.int32)
    dst = edge_index[1].astype(jnp.int32)
    pad = EP - E
    src = jnp.concatenate([src, jnp.zeros((pad,), jnp.int32)])
    dst = jnp.concatenate([dst, jnp.full((pad,), N, jnp.int32)])
    src = src.reshape(NW, NCH, CHUNK)
    dst = dst.reshape(NW, NCH, CHUNK)
    b1r = b1.reshape(1, D)
    b2r = b2.reshape(1, D)

    y1, z1 = _tc_pre(x, W1l, W1r, b1r)
    acc1, deg = _sc_segsum_deg(y1, src, dst)
    y2, z2 = _tc_mid(acc1, deg, z1, W2l, W2r, b2r)
    acc2 = _sc_segsum(y2, src, dst)
    if isinstance(acc2, (list, tuple)):
        acc2 = acc2[0]
    return _tc_fin(acc2, deg, z2)

# --- scband reference (transcript-rebuilt; emitter-appended) ---
"""Pipeline reference for scband-graph-sage-5497558139163 (READ-ONLY COPY).

The authoritative reference and input builder live on the scoring server;
editing this copy changes nothing except your own understanding.
"""

import jax, jax.numpy as jnp
import numpy as np

N_NODES = 10000
N_EDGES = 320000
D = 128


def _sage_conv(x, src, dst, Wl, bl, Wr, num_nodes):
    # PyG-style SAGEConv with mean aggregation:
    # out_i = Wl @ mean_{j in N(i)} x_j + bl + Wr @ x_i
    msgs = x[src]  # gather source node features
    agg = jax.ops.segment_sum(msgs, dst, num_segments=num_nodes)
    deg = jax.ops.segment_sum(jnp.ones((src.shape[0],), dtype=x.dtype), dst, num_segments=num_nodes)
    mean = agg / jnp.clip(deg, 1.0)[:, None]
    return mean @ Wl.T + bl + x @ Wr.T


def setup_inputs(seed: int = 0) -> dict:
    key = jax.random.key(seed)
    ks = jax.random.split(key, 10)
    x = jax.random.normal(ks[0], (N_NODES, D), dtype=jnp.float32)
    edge_index = jax.random.randint(ks[1], (2, N_EDGES), 0, N_NODES, dtype=jnp.int64)
    edge_weight = jax.random.uniform(ks[2], (N_EDGES,), dtype=jnp.float32)
    s = 1.0 / np.sqrt(D)
    W1l = jax.random.uniform(ks[3], (D, D), dtype=jnp.float32, minval=-s, maxval=s)
    b1 = jax.random.uniform(ks[4], (D,), dtype=jnp.float32, minval=-s, maxval=s)
    W1r = jax.random.uniform(ks[5], (D, D), dtype=jnp.float32, minval=-s, maxval=s)
    W2l = jax.random.uniform(ks[6], (D, D), dtype=jnp.float32, minval=-s, maxval=s)
    b2 = jax.random.uniform(ks[7], (D,), dtype=jnp.float32, minval=-s, maxval=s)
    W2r = jax.random.uniform(ks[8], (D, D), dtype=jnp.float32, minval=-s, maxval=s)
    return {"x": x, "edge_index": edge_index, "edge_weight": edge_weight,
            "W1l": W1l, "b1": b1, "W1r": W1r, "W2l": W2l, "b2": b2, "W2r": W2r}


def reference(x, edge_index, edge_weight, W1l, b1, W1r, W2l, b2, W2r):
    # adj flattened to a single (edge_index, edge_weight) block; the torch
    # forward concatenates blocks, which is equivalent to one big block.
    # Dropout(p=0.6) is identity in eval mode. edge_weight is concatenated
    # in the torch code but never consumed by SAGEConv.
    src = edge_index[0]
    dst = edge_index[1]
    h = _sage_conv(x, src, dst, W1l, b1, W1r, N_NODES)
    h = jax.nn.relu(h)
    out = _sage_conv(h, src, dst, W2l, b2, W2r, N_NODES)
    return out

if __name__ == "__main__":
    import jax
    _d = setup_inputs()
    print(jax.jit(kernel)(*tuple(_d.values())))

</pallas_src>

<mosaic_0001>
#map = affine_map<(d0, d1) -> (0, 0)>
#map1 = affine_map<(d0, d1) -> (0, 0, 0)>
module attributes {stable_mosaic.version = 14 : i64} {
  func.func @body(%arg0: i32, %arg1: i32, %arg2: memref<10000x128xbf16, #tpu.memory_space<hbm>>, %arg3: memref<32x79x128xi32, #tpu.memory_space<hbm>>, %arg4: memref<32x79x128xi32, #tpu.memory_space<hbm>>, %arg5: memref<2x10112x128xbf16, #tpu.memory_space<hbm>>, %arg6: memref<32x128xi32, #tpu.memory_space<vmem>>, %arg7: memref<32x128xi32, #tpu.memory_space<vmem>>, %arg8: memref<128x128xbf16, #tpu.memory_space<vmem>>, %arg9: memref<128x128xbf16, #tpu.memory_space<vmem>>, %arg10: memref<128x128xbf16, #tpu.memory_space<vmem>>, %arg11: memref<128x128xbf16, #tpu.memory_space<vmem>>, %arg12: memref<10112x128xbf16, #tpu.memory_space<vmem_shared>>, %arg13: memref<!tpu.dma_semaphore, #tpu.memory_space<semaphore_mem>>, %arg14: memref<!tpu.dma_semaphore, #tpu.memory_space<semaphore_mem>>, %arg15: memref<!tpu.dma_semaphore, #tpu.memory_space<semaphore_mem>>, %arg16: memref<!tpu.dma_semaphore, #tpu.memory_space<semaphore_mem>>) attributes {dimension_semantics = [#tpu.dimension_semantics<core_parallel>, #tpu.dimension_semantics<subcore_parallel>], iteration_bounds = array<i64: 2, 16>, scalar_prefetch = 0 : i64, scratch_operands = 11 : i64, tpu.core_type = #tpu.core_type<sc_vector_subcore>, window_params = [{transform_indices = #map}, {transform_indices = #map1}, {transform_indices = #map1}, {transform_indices = #map1}]} {
    %mul3A = arith.constant 2 : i32
    %mul3A_0 = arith.muli %arg1, %mul3A : i32
    %add3A = arith.addi %mul3A_0, %arg0 : i32
    %broadcast_in_dim3A = arith.constant 0.000000e+00 : bf16
    %broadcast_in_dim3A_1 = vector.broadcast %broadcast_in_dim3A : bf16 to vector<32xbf16>
    %scan3A = arith.constant 0 : i32
    %scan3A_2 = arith.constant 0 : i32
    %scan3A_3 = arith.constant 128 : i32
    %scan3A_4 = arith.addi %scan3A_2, %scan3A_3 : i32
    %scan3A_5 = arith.constant 1 : i32
    %scan3A_6 = scf.for %scan3A_264 = %scan3A_2 to %scan3A_4 step %scan3A_5 iter_args(%scan3A_265 = %scan3A) -> (i32)  : i32 {
      %swap3A = arith.index_cast %scan3A_264 : i32 to index
      %swap3A_266 = arith.constant 0 : index
      %swap3A_267 = tpu.vector_load %arg8[%swap3A, %swap3A_266] {strides = array<i32>} : memref<128x128xbf16, #tpu.memory_space<vmem>>, vector<1x32xbf16>,
      %swap3A_268 = vector.shape_cast %swap3A_267 : vector<1x32xbf16> to vector<32xbf16>
      %swap3A_269 = vector.shape_cast %broadcast_in_dim3A_1 : vector<32xbf16> to vector<1x32xbf16>
      tpu.vector_store %arg8[%swap3A, %swap3A_266], %swap3A_269 {strides = array<i32>} : memref<128x128xbf16, #tpu.memory_space<vmem>>, vector<1x32xbf16>,
      %swap3A_270 = arith.index_cast %scan3A_264 : i32 to index
      %swap3A_271 = arith.constant 32 : index
      %swap3A_272 = tpu.vector_load %arg8[%swap3A_270, %swap3A_271] {strides = array<i32>} : memref<128x128xbf16, #tpu.memory_space<vmem>>, vector<1x32xbf16>,
      %swap3A_273 = vector.shape_cast %swap3A_272 : vector<1x32xbf16> to vector<32xbf16>
      %swap3A_274 = vector.shape_cast %broadcast_in_dim3A_1 : vector<32xbf16> to vector<1x32xbf16>
      tpu.vector_store %arg8[%swap3A_270, %swap3A_271], %swap3A_274 {strides = array<i32>} : memref<128x128xbf16, #tpu.memory_space<vmem>>, vector<1x32xbf16>,
      %swap3A_275 = arith.index_cast %scan3A_264 : i32 to index
      %swap3A_276 = arith.constant 64 : index
      %swap3A_277 = tpu.vector_load %arg8[%swap3A_275, %swap3A_276] {strides = array<i32>} : memref<128x128xbf16, #tpu.memory_space<vmem>>, vector<1x32xbf16>,
      %swap3A_278 = vector.shape_cast %swap3A_277 : vector<1x32xbf16> to vector<32xbf16>
      %swap3A_279 = vector.shape_cast %broadcast_in_dim3A_1 : vector<32xbf16> to vector<1x32xbf16>
      tpu.vector_store %arg8[%swap3A_275, %swap3A_276], %swap3A_279 {strides = array<i32>} : memref<128x128xbf16, #tpu.memory_space<vmem>>, vector<1x32xbf16>,
      %swap3A_280 = arith.index_cast %scan3A_264 : i32 to index
      %swap3A_281 = arith.constant 96 : index
      %swap3A_282 = tpu.vector_load %arg8[%swap3A_280, %swap3A_281] {strides = array<i32>} : memref<128x128xbf16, #tpu.memory_space<vmem>>, vector<1x32xbf16>,
      %swap3A_283 = vector.shape_cast %swap3A_282 : vector<1x32xbf16> to vector<32xbf16>
      %swap3A_284 = vector.shape_cast %broadcast_in_dim3A_1 : vector<32xbf16> to vector<1x32xbf16>
      tpu.vector_store %arg8[%swap3A_280, %swap3A_281], %swap3A_284 {strides = array<i32>} : memref<128x128xbf16, #tpu.memory_space<vmem>>, vector<1x32xbf16>,
      %scan3A_285 = arith.constant 0 : i32
      scf.yield %scan3A_285 : i32
    }
    %scan3A_7 = arith.constant 128 : i32
    %mul3A_8 = arith.constant 632 : i32
    %mul3A_9 = arith.muli %arg1, %mul3A_8 : i32
    %add3A_10 = arith.constant 0 : i32
    %add3A_11 = arith.addi %mul3A_9, %add3A_10 : i32
    "tpu.region"() ({
      %run_scoped3A_264 = tpu.sem_alloc : memref<!tpu.dma_semaphore, #tpu.memory_space<semaphore_mem>>
      %dma_start3A_265 = arith.constant 0 : i32
      %dma_start3A_266 = arith.constant 0 : i32
      %dma_start3A_267 = tpu.memref_slice %arg8[%dma_start3A_265, %dma_start3A_266] : memref<128x128xbf16, #tpu.memory_space<vmem>> -> memref<128x128xbf16, #tpu.memory_space<vmem>>
      %dma_start3A_268 = arith.constant 0 : i32
      %dma_start3A_269 = tpu.memref_slice %arg12[%add3A_11, %dma_start3A_268] : memref<10112x128xbf16, #tpu.memory_space<vmem_shared>> -> memref<128x128xbf16, #tpu.memory_space<vmem_shared>>
      %dma_start3A_270 = arith.constant 0 : i32
      %dma_start3A_271 = tpu.memref_slice %arg12[%add3A_11, %dma_start3A_270] : memref<10112x128xbf16, #tpu.memory_space<vmem_shared>> -> memref<128x128xbf16, #tpu.memory_space<vmem_shared>>
      %dma_start3A_272 = arith.constant 0 : i32
      %dma_start3A_273 = arith.constant 0 : i32
      %dma_start3A_274 = tpu.memref_slice %arg8[%dma_start3A_272, %dma_start3A_273] : memref<128x128xbf16, #tpu.memory_space<vmem>> -> memref<128x128xbf16, #tpu.memory_space<vmem>>
      tpu.enqueue_dma source(%dma_start3A_274 : memref<128x128xbf16, #tpu.memory_space<vmem>>) target(%dma_start3A_271 : memref<128x128xbf16, #tpu.memory_space<vmem_shared>>) target_semaphore(%run_scoped3A_264 : memref<!tpu.dma_semaphore, #tpu.memory_space<semaphore_mem>>)
      %dma_wait3A_275 = arith.constant 0 : i32
      %dma_wait3A_276 = arith.constant 0 : i32
      %dma_wait3A_277 = tpu.memref_slice %arg8[%dma_wait3A_275, %dma_wait3A_276] : memref<128x128xbf16, #tpu.memory_space<vmem>> -> memref<128x128xbf16, #tpu.memory_space<vmem>>
      %dma_wait3A_278 = arith.constant 0 : i32
      %dma_wait3A_279 = tpu.memref_slice %arg12[%add3A_11, %dma_wait3A_278] : memref<10112x128xbf16, #tpu.memory_space<vmem_shared>> -> memref<128x128xbf16, #tpu.memory_space<vmem_shared>>
      %dma_wait3A_280 = arith.constant 0 : i32
      %dma_wait3A_281 = tpu.memref_slice %arg12[%add3A_11, %dma_wait3A_280] : memref<10112x128xbf16, #tpu.memory_space<vmem_shared>> -> memref<128x128xbf16, #tpu.memory_space<vmem_shared>>
      %dma_wait3A_282 = arith.constant 0 : i32
      %dma_wait3A_283 = arith.constant 0 : i32
      %dma_wait3A_284 = tpu.memref_slice %arg8[%dma_wait3A_282, %dma_wait3A_283] : memref<128x128xbf16, #tpu.memory_space<vmem>> -> memref<128x128xbf16, #tpu.memory_space<vmem>>
      tpu.wait_dma2 semaphore(%run_scoped3A_264 : memref<!tpu.dma_semaphore, #tpu.memory_space<semaphore_mem>>) src(%dma_wait3A_284 : memref<128x128xbf16, #tpu.memory_space<vmem>>) dst(%dma_wait3A_281 : memref<128x128xbf16, #tpu.memory_space<vmem_shared>>)
      tpu.yield
    }) : () -> ()
    %add3A_12 = arith.constant 128 : i32
    %add3A_13 = arith.addi %mul3A_9, %add3A_12 : i32
    "tpu.region"() ({
      %run_scoped3A_264 = tpu.sem_alloc : memref<!tpu.dma_semaphore, #tpu.memory_space<semaphore_mem>>
      %dma_start3A_265 = arith.constant 0 : i32
      %dma_start3A_266 = arith.constant 0 : i32
      %dma_start3A_267 = tpu.memref_slice %arg8[%dma_start3A_265, %dma_start3A_266] : memref<128x128xbf16, #tpu.memory_space<vmem>> -> memref<128x128xbf16, #tpu.memory_space<vmem>>
      %dma_start3A_268 = arith.constant 0 : i32
      %dma_start3A_269 = tpu.memref_slice %arg12[%add3A_13, %dma_start3A_268] : memref<10112x128xbf16, #tpu.memory_space<vmem_shared>> -> memref<128x128xbf16, #tpu.memory_space<vmem_shared>>
      %dma_start3A_270 = arith.constant 0 : i32
      %dma_start3A_271 = tpu.memref_slice %arg12[%add3A_13, %dma_start3A_270] : memref<10112x128xbf16, #tpu.memory_space<vmem_shared>> -> memref<128x128xbf16, #tpu.memory_space<vmem_shared>>
      %dma_start3A_272 = arith.constant 0 : i32
      %dma_start3A_273 = arith.constant 0 : i32
      %dma_start3A_274 = tpu.memref_slice %arg8[%dma_start3A_272, %dma_start3A_273] : memref<128x128xbf16, #tpu.memory_space<vmem>> -> memref<128x128xbf16, #tpu.memory_space<vmem>>
      tpu.enqueue_dma source(%dma_start3A_274 : memref<128x128xbf16, #tpu.memory_space<vmem>>) target(%dma_start3A_271 : memref<128x128xbf16, #tpu.memory_space<vmem_shared>>) target_semaphore(%run_scoped3A_264 : memref<!tpu.dma_semaphore, #tpu.memory_space<semaphore_mem>>)
      %dma_wait3A_275 = arith.constant 0 : i32
      %dma_wait3A_276 = arith.constant 0 : i32
      %dma_wait3A_277 = tpu.memref_slice %arg8[%dma_wait3A_275, %dma_wait3A_276] : memref<128x128xbf16, #tpu.memory_space<vmem>> -> memref<128x128xbf16, #tpu.memory_space<vmem>>
      %dma_wait3A_278 = arith.constant 0 : i32
      %dma_wait3A_279 = tpu.memref_slice %arg12[%add3A_13, %dma_wait3A_278] : memref<10112x128xbf16, #tpu.memory_space<vmem_shared>> -> memref<128x128xbf16, #tpu.memory_space<vmem_shared>>
      %dma_wait3A_280 = arith.constant 0 : i32
      %dma_wait3A_281 = tpu.memref_slice %arg12[%add3A_13, %dma_wait3A_280] : memref<10112x128xbf16, #tpu.memory_space<vmem_shared>> -> memref<128x128xbf16, #tpu.memory_space<vmem_shared>>
      %dma_wait3A_282 = arith.constant 0 : i32
      %dma_wait3A_283 = arith.constant 0 : i32
      %dma_wait3A_284 = tpu.memref_slice %arg8[%dma_wait3A_282, %dma_wait3A_283] : memref<128x128xbf16, #tpu.memory_space<vmem>> -> memref<128x128xbf16, #tpu.memory_space<vmem>>
      tpu.wait_dma2 semaphore(%run_scoped3A_264 : memref<!tpu.dma_semaphore, #tpu.memory_space<semaphore_mem>>) src(%dma_wait3A_284 : memref<128x128xbf16, #tpu.memory_space<vmem>>) dst(%dma_wait3A_281 : memref<128x128xbf16, #tpu.memory_space<vmem_shared>>)
      tpu.yield
    }) : () -> ()
    %add3A_14 = arith.constant 256 : i32
    %add3A_15 = arith.addi %mul3A_9, %add3A_14 : i32
    "tpu.region"() ({
      %run_scoped3A_264 = tpu.sem_alloc : memref<!tpu.dma_semaphore, #tpu.memory_space<semaphore_mem>>
      %dma_start3A_265 = arith.constant 0 : i32
      %dma_start3A_266 = arith.constant 0 : i32
      %dma_start3A_267 = tpu.memref_slice %arg8[%dma_start3A_265, %dma_start3A_266] : memref<128x128xbf16, #tpu.memory_space<vmem>> -> memref<128x128xbf16, #tpu.memory_space<vmem>>
      %dma_start3A_268 = arith.constant 0 : i32
      %dma_start3A_269 = tpu.memref_slice %arg12[%add3A_15, %dma_start3A_268] : memref<10112x128xbf16, #tpu.memory_space<vmem_shared>> -> memref<128x128xbf16, #tpu.memory_space<vmem_shared>>
      %dma_start3A_270 = arith.constant 0 : i32
      %dma_start3A_271 = tpu.memref_slice %arg12[%add3A_15, %dma_start3A_270] : memref<10112x128xbf16, #tpu.memory_space<vmem_shared>> -> memref<128x128xbf16, #tpu.memory_space<vmem_shared>>
      %dma_start3A_272 = arith.constant 0 : i32
      %dma_start3A_273 = arith.constant 0 : i32
      %dma_start3A_274 = tpu.memref_slice %arg8[%dma_start3A_272, %dma_start3A_273] : memref<128x128xbf16, #tpu.memory_space<vmem>> -> memref<128x128xbf16, #tpu.memory_space<vmem>>
      tpu.enqueue_dma source(%dma_start3A_274 : memref<128x128xbf16, #tpu.memory_space<vmem>>) target(%dma_start3A_271 : memref<128x128xbf16, #tpu.memory_space<vmem_shared>>) target_semaphore(%run_scoped3A_264 : memref<!tpu.dma_semaphore, #tpu.memory_space<semaphore_mem>>)
      %dma_wait3A_275 = arith.constant 0 : i32
      %dma_wait3A_276 = arith.constant 0 : i32
      %dma_wait3A_277 = tpu.memref_slice %arg8[%dma_wait3A_275, %dma_wait3A_276] : memref<128x128xbf16, #tpu.memory_space<vmem>> -> memref<128x128xbf16, #tpu.memory_space<vmem>>
      %dma_wait3A_278 = arith.constant 0 : i32
      %dma_wait3A_279 = tpu.memref_slice %arg12[%add3A_15, %dma_wait3A_278] : memref<10112x128xbf16, #tpu.memory_space<vmem_shared>> -> memref<128x128xbf16, #tpu.memory_space<vmem_shared>>
      %dma_wait3A_280 = arith.constant 0 : i32
      %dma_wait3A_281 = tpu.memref_slice %arg12[%add3A_15, %dma_wait3A_280] : memref<10112x128xbf16, #tpu.memory_space<vmem_shared>> -> memref<128x128xbf16, #tpu.memory_space<vmem_shared>>
      %dma_wait3A_282 = arith.constant 0 : i32
      %dma_wait3A_283 = arith.constant 0 : i32
      %dma_wait3A_284 = tpu.memref_slice %arg8[%dma_wait3A_282, %dma_wait3A_283] : memref<128x128xbf16, #tpu.memory_space<vmem>> -> memref<128x128xbf16, #tpu.memory_space<vmem>>
      tpu.wait_dma2 semaphore(%run_scoped3A_264 : memref<!tpu.dma_semaphore, #tpu.memory_space<semaphore_mem>>) src(%dma_wait3A_284 : memref<128x128xbf16, #tpu.memory_space<vmem>>) dst(%dma_wait3A_281 : memref<128x128xbf16, #tpu.memory_space<vmem_shared>>)
      tpu.yield
    }) : () -> ()
    %add3A_16 = arith.constant 384 : i32
    %add3A_17 = arith.addi %mul3A_9, %add3A_16 : i32
    "tpu.region"() ({
      %run_scoped3A_264 = tpu.sem_alloc : memref<!tpu.dma_semaphore, #tpu.memory_space<semaphore_mem>>
      %dma_start3A_265 = arith.constant 0 : i32
      %dma_start3A_266 = arith.constant 0 : i32
      %dma_start3A_267 = tpu.memref_slice %arg8[%dma_start3A_265, %dma_start3A_266] : memref<128x128xbf16, #tpu.memory_space<vmem>> -> memref<128x128xbf16, #tpu.memory_space<vmem>>
      %dma_start3A_268 = arith.constant 0 : i32
      %dma_start3A_269 = tpu.memref_slice %arg12[%add3A_17, %dma_start3A_268] : memref<10112x128xbf16, #tpu.memory_space<vmem_shared>> -> memref<128x128xbf16, #tpu.memory_space<vmem_shared>>
      %dma_start3A_270 = arith.constant 0 : i32
      %dma_start3A_271 = tpu.memref_slice %arg12[%add3A_17, %dma_start3A_270] : memref<10112x128xbf16, #tpu.memory_space<vmem_shared>> -> memref<128x128xbf16, #tpu.memory_space<vmem_shared>>
      %dma_start3A_272 = arith.constant 0 : i32
      %dma_start3A_273 = arith.constant 0 : i32
      %dma_start3A_274 = tpu.memref_slice %arg8[%dma_start3A_272, %dma_start3A_273] : memref<128x128xbf16, #tpu.memory_space<vmem>> -> memref<128x128xbf16, #tpu.memory_space<vmem>>
      tpu.enqueue_dma source(%dma_start3A_274 : memref<128x128xbf16, #tpu.memory_space<vmem>>) target(%dma_start3A_271 : memref<128x128xbf16, #tpu.memory_space<vmem_shared>>) target_semaphore(%run_scoped3A_264 : memref<!tpu.dma_semaphore, #tpu.memory_space<semaphore_mem>>)
      %dma_wait3A_275 = arith.constant 0 : i32
      %dma_wait3A_276 = arith.constant 0 : i32
      %dma_wait3A_277 = tpu.memref_slice %arg8[%dma_wait3A_275, %dma_wait3A_276] : memref<128x128xbf16, #tpu.memory_space<vmem>> -> memref<128x128xbf16, #tpu.memory_space<vmem>>
      %dma_wait3A_278 = arith.constant 0 : i32
      %dma_wait3A_279 = tpu.memref_slice %arg12[%add3A_17, %dma_wait3A_278] : memref<10112x128xbf16, #tpu.memory_space<vmem_shared>> -> memref<128x128xbf16, #tpu.memory_space<vmem_shared>>
      %dma_wait3A_280 = arith.constant 0 : i32
      %dma_wait3A_281 = tpu.memref_slice %arg12[%add3A_17, %dma_wait3A_280] : memref<10112x128xbf16, #tpu.memory_space<vmem_shared>> -> memref<128x128xbf16, #tpu.memory_space<vmem_shared>>
      %dma_wait3A_282 = arith.constant 0 : i32
      %dma_wait3A_283 = arith.constant 0 : i32
      %dma_wait3A_284 = tpu.memref_slice %arg8[%dma_wait3A_282, %dma_wait3A_283] : memref<128x128xbf16, #tpu.memory_space<vmem>> -> memref<128x128xbf16, #tpu.memory_space<vmem>>
      tpu.wait_dma2 semaphore(%run_scoped3A_264 : memref<!tpu.dma_semaphore, #tpu.memory_space<semaphore_mem>>) src(%dma_wait3A_284 : memref<128x128xbf16, #tpu.memory_space<vmem>>) dst(%dma_wait3A_281 : memref<128x128xbf16, #tpu.memory_space<vmem_shared>>)
      tpu.yield
    }) : () -> ()
    %add3A_18 = arith.constant 512 : i32
    %add3A_19 = arith.addi %mul3A_9, %add3A_18 : i32
    "tpu.region"() ({
      %run_scoped3A_264 = tpu.sem_alloc : memref<!tpu.dma_semaphore, #tpu.memory_space<semaphore_mem>>
      %dma_start3A_265 = arith.constant 0 : i32
      %dma_start3A_266 = arith.constant 0 : i32
      %dma_start3A_267 = tpu.memref_slice %arg8[%dma_start3A_265, %dma_start3A_266] : memref<128x128xbf16, #tpu.memory_space<vmem>> -> memref<120x128xbf16, #tpu.memory_space<vmem>>
      %dma_start3A_268 = arith.constant 0 : i32
      %dma_start3A_269 = tpu.memref_slice %arg12[%add3A_19, %dma_start3A_268] : memref<10112x128xbf16, #tpu.memory_space<vmem_shared>> -> memref<120x128xbf16, #tpu.memory_space<vmem_shared>>
      %dma_start3A_270 = arith.constant 0 : i32
      %dma_start3A_271 = tpu.memref_slice %arg12[%add3A_19, %dma_start3A_270] : memref<10112x128xbf16, #tpu.memory_space<vmem_shared>> -> memref<120x128xbf16, #tpu.memory_space<vmem_shared>>
      %dma_start3A_272 = arith.constant 0 : i32
      %dma_start3A_273 = arith.constant 0 : i32
      %dma_start3A_274 = tpu.memref_slice %arg8[%dma_start3A_272, %dma_start3A_273] : memref<128x128xbf16, #tpu.memory_space<vmem>> -> memref<120x128xbf16, #tpu.memory_space<vmem>>
      tpu.enqueue_dma source(%dma_start3A_274 : memref<120x128xbf16, #tpu.memory_space<vmem>>) target(%dma_start3A_271 : memref<120x128xbf16, #tpu.memory_space<vmem_shared>>) target_semaphore(%run_scoped3A_264 : memref<!tpu.dma_semaphore, #tpu.memory_space<semaphore_mem>>)
      %dma_wait3A_275 = arith.constant 0 : i32
      %dma_wait3A_276 = arith.constant 0 : i32
      %dma_wait3A_277 = tpu.memref_slice %arg8[%dma_wait3A_275, %dma_wait3A_276] : memref<128x128xbf16, #tpu.memory_space<vmem>> -> memref<120x128xbf16, #tpu.memory_space<vmem>>
      %dma_wait3A_278 = arith.constant 0 : i32
      %dma_wait3A_279 = tpu.memref_slice %arg12[%add3A_19, %dma_wait3A_278] : memref<10112x128xbf16, #tpu.memory_space<vmem_shared>> -> memref<120x128xbf16, #tpu.memory_space<vmem_shared>>
      %dma_wait3A_280 = arith.constant 0 : i32
      %dma_wait3A_281 = tpu.memref_slice %arg12[%add3A_19, %dma_wait3A_280] : memref<10112x128xbf16, #tpu.memory_space<vmem_shared>> -> memref<120x128xbf16, #tpu.memory_space<vmem_shared>>
      %dma_wait3A_282 = arith.constant 0 : i32
      %dma_wait3A_283 = arith.constant 0 : i32
      %dma_wait3A_284 = tpu.memref_slice %arg8[%dma_wait3A_282, %dma_wait3A_283] : memref<128x128xbf16, #tpu.memory_space<vmem>> -> memref<120x128xbf16, #tpu.memory_space<vmem>>
      tpu.wait_dma2 semaphore(%run_scoped3A_264 : memref<!tpu.dma_semaphore, #tpu.memory_space<semaphore_mem>>) src(%dma_wait3A_284 : memref<120x128xbf16, #tpu.memory_space<vmem>>) dst(%dma_wait3A_281 : memref<120x128xbf16, #tpu.memory_space<vmem_shared>>)
      tpu.yield
    }) : () -> ()
    %barrier3A = arith.constant 0 : index
    tpu.barrier barrier_id(%barrier3A)
    "tpu.region"() ({
      %run_scoped3A_264 = tpu.sem_alloc : memref<!tpu.dma_semaphore, #tpu.memory_space<semaphore_mem>>
      %dma_start3A_265 = arith.constant 0 : i32
      %dma_start3A_266 = arith.constant 0 : i32
      %dma_start3A_267 = tpu.memref_slice %arg6[%dma_start3A_265, %dma_start3A_266] : memref<32x128xi32, #tpu.memory_space<vmem>> -> memref<32x128xi32, #tpu.memory_space<vmem>>
      %dma_start3A_268 = arith.constant 0 : i32
      %dma_start3A_269 = arith.constant 0 : i32
      %dma_start3A_270 = tpu.memref_slice %arg3[%add3A, %dma_start3A_268, %dma_start3A_269] : memref<32x79x128xi32, #tpu.memory_space<hbm>> -> memref<1x32x128xi32, #tpu.memory_space<hbm>>
      %dma_start3A_271 = tpu.memref_squeeze %dma_start3A_270 : memref<1x32x128xi32, #tpu.memory_space<hbm>> -> memref<32x128xi32, #tpu.memory_space<hbm>>
      %dma_start3A_272 = arith.constant 0 : i32
      %dma_start3A_273 = arith.constant 0 : i32
      %dma_start3A_274 = tpu.memref_slice %arg6[%dma_start3A_272, %dma_start3A_273] : memref<32x128xi32, #tpu.memory_space<vmem>> -> memref<32x128xi32, #tpu.memory_space<vmem>>
      %dma_start3A_275 = arith.constant 0 : i32
      %dma_start3A_276 = arith.constant 0 : i32
      %dma_start3A_277 = tpu.memref_slice %arg3[%add3A, %dma_start3A_275, %dma_start3A_276] : memref<32x79x128xi32, #tpu.memory_space<hbm>> -> memref<1x32x128xi32, #tpu.memory_space<hbm>>
      %dma_start3A_278 = tpu.memref_squeeze %dma_start3A_277 : memref<1x32x128xi32, #tpu.memory_space<hbm>> -> memref<32x128xi32, #tpu.memory_space<hbm>>
      tpu.enqueue_dma source(%dma_start3A_278 : memref<32x128xi32, #tpu.memory_space<hbm>>) target(%dma_start3A_274 : memref<32x128xi32, #tpu.memory_space<vmem>>) target_semaphore(%run_scoped3A_264 : memref<!tpu.dma_semaphore, #tpu.memory_space<semaphore_mem>>)
      %dma_wait3A_279 = arith.constant 0 : i32
      %dma_wait3A_280 = arith.constant 0 : i32
      %dma_wait3A_281 = tpu.memref_slice %arg6[%dma_wait3A_279, %dma_wait3A_280] : memref<32x128xi32, #tpu.memory_space<vmem>> -> memref<32x128xi32, #tpu.memory_space<vmem>>
      %dma_wait3A_282 = arith.constant 0 : i32
      %dma_wait3A_283 = arith.constant 0 : i32
      %dma_wait3A_284 = tpu.memref_slice %arg3[%add3A, %dma_wait3A_282, %dma_wait3A_283] : memref<32x79x128xi32, #tpu.memory_space<hbm>> -> memref<1x32x128xi32, #tpu.memory_space<hbm>>
      %dma_wait3A_285 = tpu.memref_squeeze %dma_wait3A_284 : memref<1x32x128xi32, #tpu.memory_space<hbm>> -> memref<32x128xi32, #tpu.memory_space<hbm>>
      %dma_wait3A_286 = arith.constant 0 : i32
      %dma_wait3A_287 = arith.constant 0 : i32
      %dma_wait3A_288 = tpu.memref_slice %arg6[%dma_wait3A_286, %dma_wait3A_287] : memref<32x128xi32, #tpu.memory_space<vmem>> -> memref<32x128xi32, #tpu.memory_space<vmem>>
      %dma_wait3A_289 = arith.constant 0 : i32
      %dma_wait3A_290 = arith.constant 0 : i32
      %dma_wait3A_291 = tpu.memref_slice %arg3[%add3A, %dma_wait3A_289, %dma_wait3A_290] : memref<32x79x128xi32, #tpu.memory_space<hbm>> -> memref<1x32x128xi32, #tpu.memory_space<hbm>>
      %dma_wait3A_292 = tpu.memref_squeeze %dma_wait3A_291 : memref<1x32x128xi32, #tpu.memory_space<hbm>> -> memref<32x128xi32, #tpu.memory_space<hbm>>
      tpu.wait_dma2 semaphore(%run_scoped3A_264 : memref<!tpu.dma_semaphore, #tpu.memory_space<semaphore_mem>>) src(%dma_wait3A_292 : memref<32x128xi32, #tpu.memory_space<hbm>>) dst(%dma_wait3A_288 : memref<32x128xi32, #tpu.memory_space<vmem>>)
      tpu.yield
    }) : () -> ()
    "tpu.region"() ({
      %run_scoped3A_264 = tpu.sem_alloc : memref<!tpu.dma_semaphore, #tpu.memory_space<semaphore_mem>>
      %dma_start3A_265 = arith.constant 0 : i32
      %dma_start3A_266 = arith.constant 0 : i32
      %dma_start3A_267 = tpu.memref_slice %arg7[%dma_start3A_265, %dma_start3A_266] : memref<32x128xi32, #tpu.memory_space<vmem>> -> memref<32x128xi32, #tpu.memory_space<vmem>>
      %dma_start3A_268 = arith.constant 0 : i32
      %dma_start3A_269 = arith.constant 0 : i32
      %dma_start3A_270 = tpu.memref_slice %arg4[%add3A, %dma_start3A_268, %dma_start3A_269] : memref<32x79x128xi32, #tpu.memory_space<hbm>> -> memref<1x32x128xi32, #tpu.memory_space<hbm>>
      %dma_start3A_271 = tpu.memref_squeeze %dma_start3A_270 : memref<1x32x128xi32, #tpu.memory_space<hbm>> -> memref<32x128xi32, #tpu.memory_space<hbm>>
      %dma_start3A_272 = arith.constant 0 : i32
      %dma_start3A_273 = arith.constant 0 : i32
      %dma_start3A_274 = tpu.memref_slice %arg7[%dma_start3A_272, %dma_start3A_273] : memref<32x128xi32, #tpu.memory_space<vmem>> -> memref<32x128xi32, #tpu.memory_space<vmem>>
      %dma_start3A_275 = arith.constant 0 : i32
      %dma_start3A_276 = arith.constant 0 : i32
      %dma_start3A_277 = tpu.memref_slice %arg4[%add3A, %dma_start3A_275, %dma_start3A_276] : memref<32x79x128xi32, #tpu.memory_space<hbm>> -> memref<1x32x128xi32, #tpu.memory_space<hbm>>
      %dma_start3A_278 = tpu.memref_squeeze %dma_start3A_277 : memref<1x32x128xi32, #tpu.memory_space<hbm>> -> memref<32x128xi32, #tpu.memory_space<hbm>>
      tpu.enqueue_dma source(%dma_start3A_278 : memref<32x128xi32, #tpu.memory_space<hbm>>) target(%dma_start3A_274 : memref<32x128xi32, #tpu.memory_space<vmem>>) target_semaphore(%run_scoped3A_264 : memref<!tpu.dma_semaphore, #tpu.memory_space<semaphore_mem>>)
      %dma_wait3A_279 = arith.constant 0 : i32
      %dma_wait3A_280 = arith.constant 0 : i32
      %dma_wait3A_281 = tpu.memref_slice %arg7[%dma_wait3A_279, %dma_wait3A_280] : memref<32x128xi32, #tpu.memory_space<vmem>> -> memref<32x128xi32, #tpu.memory_space<vmem>>
      %dma_wait3A_282 = arith.constant 0 : i32
      %dma_wait3A_283 = arith.constant 0 : i32
      %dma_wait3A_284 = tpu.memref_slice %arg4[%add3A, %dma_wait3A_282, %dma_wait3A_283] : memref<32x79x128xi32, #tpu.memory_space<hbm>> -> memref<1x32x128xi32, #tpu.memory_space<hbm>>
      %dma_wait3A_285 = tpu.memref_squeeze %dma_wait3A_284 : memref<1x32x128xi32, #tpu.memory_space<hbm>> -> memref<32x128xi32, #tpu.memory_space<hbm>>
      %dma_wait3A_286 = arith.constant 0 : i32
      %dma_wait3A_287 = arith.constant 0 : i32
      %dma_wait3A_288 = tpu.memref_slice %arg7[%dma_wait3A_286, %dma_wait3A_287] : memref<32x128xi32, #tpu.memory_space<vmem>> -> memref<32x128xi32, #tpu.memory_space<vmem>>
      %dma_wait3A_289 = arith.constant 0 : i32
      %dma_wait3A_290 = arith.constant 0 : i32
      %dma_wait3A_291 = tpu.memref_slice %arg4[%add3A, %dma_wait3A_289, %dma_wait3A_290] : memref<32x79x128xi32, #tpu.memory_space<hbm>> -> memref<1x32x128xi32, #tpu.memory_space<hbm>>
      %dma_wait3A_292 = tpu.memref_squeeze %dma_wait3A_291 : memref<1x32x128xi32, #tpu.memory_space<hbm>> -> memref<32x128xi32, #tpu.memory_space<hbm>>
      tpu.wait_dma2 semaphore(%run_scoped3A_264 : memref<!tpu.dma_semaphore, #tpu.memory_space<semaphore_mem>>) src(%dma_wait3A_292 : memref<32x128xi32, #tpu.memory_space<hbm>>) dst(%dma_wait3A_288 : memref<32x128xi32, #tpu.memory_space<vmem>>)
      tpu.yield
    }) : () -> ()
    %dma_start3A = arith.constant 0 : i32
    %dma_start3A_20 = arith.constant 0 : i32
    %dma_start3A_21 = tpu.memref_slice %arg6[%dma_start3A, %dma_start3A_20] : memref<32x128xi32, #tpu.memory_space<vmem>> -> memref<1x128xi32, #tpu.memory_space<vmem>>
    %dma_start3A_22 = tpu.memref_squeeze %dma_start3A_21 : memref<1x128xi32, #tpu.memory_space<vmem>> -> memref<128xi32, #tpu.memory_space<vmem>>
    %dma_start3A_23 = arith.constant 0 : i32
    %dma_start3A_24 = arith.constant 0 : i32
    %dma_start3A_25 = tpu.memref_slice %arg2[%dma_start3A_23, %dma_start3A_24] : memref<10000x128xbf16, #tpu.memory_space<hbm>> -> memref<10000x128xbf16, #tpu.memory_space<hbm>>
    tpu.enqueue_indirect_dma source(%dma_start3A_25 : memref<10000x128xbf16, #tpu.memory_space<hbm>>) target(%arg8 : memref<128x128xbf16, #tpu.memory_space<vmem>>) offsets(%dma_start3A_22 : memref<128xi32, #tpu.memory_space<vmem>>) semaphore(%arg13 : memref<!tpu.dma_semaphore, #tpu.memory_space<semaphore_mem>>)
    %dma_start3A_26 = arith.constant 1 : i32
    %dma_start3A_27 = arith.constant 0 : i32
    %dma_start3A_28 = tpu.memref_slice %arg6[%dma_start3A_26, %dma_start3A_27] : memref<32x128xi32, #tpu.memory_space<vmem>> -> memref<1x128xi32, #tpu.memory_space<vmem>>
    %dma_start3A_29 = tpu.memref_squeeze %dma_start3A_28 : memref<1x128xi32, #tpu.memory_space<vmem>> -> memref<128xi32, #tpu.memory_space<vmem>>
    %dma_start3A_30 = arith.constant 0 : i32
    %dma_start3A_31 = arith.constant 0 : i32
    %dma_start3A_32 = tpu.memref_slice %arg2[%dma_start3A_30, %dma_start3A_31] : memref<10000x128xbf16, #tpu.memory_space<hbm>> -> memref<10000x128xbf16, #tpu.memory_space<hbm>>
    tpu.enqueue_indirect_dma source(%dma_start3A_32 : memref<10000x128xbf16, #tpu.memory_space<hbm>>) target(%arg9 : memref<128x128xbf16, #tpu.memory_space<vmem>>) offsets(%dma_start3A_29 : memref<128xi32, #tpu.memory_space<vmem>>) semaphore(%arg14 : memref<!tpu.dma_semaphore, #tpu.memory_space<semaphore_mem>>)
    %dma_start3A_33 = arith.constant 2 : i32
    %dma_start3A_34 = arith.constant 0 : i32
    %dma_start3A_35 = tpu.memref_slice %arg6[%dma_start3A_33, %dma_start3A_34] : memref<32x128xi32, #tpu.memory_space<vmem>> -> memref<1x128xi32, #tpu.memory_space<vmem>>
    %dma_start3A_36 = tpu.memref_squeeze %dma_start3A_35 : memref<1x128xi32, #tpu.memory_space<vmem>> -> memref<128xi32, #tpu.memory_space<vmem>>
    %dma_start3A_37 = arith.constant 0 : i32
    %dma_start3A_38 = arith.constant 0 : i32
    %dma_start3A_39 = tpu.memref_slice %arg2[%dma_start3A_37, %dma_start3A_38] : memref<10000x128xbf16, #tpu.memory_space<hbm>> -> memref<10000x128xbf16, #tpu.memory_space<hbm>>
    tpu.enqueue_indirect_dma source(%dma_start3A_39 : memref<10000x128xbf16, #tpu.memory_space<hbm>>) target(%arg10 : memref<128x128xbf16, #tpu.memory_space<vmem>>) offsets(%dma_start3A_36 : memref<128xi32, #tpu.memory_space<vmem>>) semaphore(%arg15 : memref<!tpu.dma_semaphore, #tpu.memory_space<semaphore_mem>>)
    %scan3A_40 = arith.constant 0 : i32
    %scan3A_41 = arith.constant 0 : i32
    %scan3A_42 = arith.constant 7 : i32
    %scan3A_43 = arith.addi %scan3A_41, %scan3A_42 : i32
    %scan3A_44 = arith.constant 1 : i32
    %scan3A_45 = scf.for %scan3A_264 = %scan3A_41 to %scan3A_43 step %scan3A_44 iter_args(%scan3A_265 = %scan3A_40) -> (i32)  : i32 {
      %mul3A_266 = arith.constant 4 : i32
      %mul3A_267 = arith.muli %mul3A_266, %scan3A_264 : i32
      %add3A_268 = arith.constant 0 : i32
      %add3A_269 = arith.addi %mul3A_267, %add3A_268 : i32
      %dma_wait3A_270 = arith.constant 0 : i32
      %dma_wait3A_271 = tpu.memref_slice %arg6[%add3A_269, %dma_wait3A_270] : memref<32x128xi32, #tpu.memory_space<vmem>> -> memref<1x128xi32, #tpu.memory_space<vmem>>
      %dma_wait3A_272 = tpu.memref_squeeze %dma_wait3A_271 : memref<1x128xi32, #tpu.memory_space<vmem>> -> memref<128xi32, #tpu.memory_space<vmem>>
      %dma_wait3A_273 = arith.constant 0 : i32
      %dma_wait3A_274 = arith.constant 0 : i32
      %dma_wait3A_275 = tpu.memref_slice %arg2[%dma_wait3A_273, %dma_wait3A_274] : memref<10000x128xbf16, #tpu.memory_space<hbm>> -> memref<10000x128xbf16, #tpu.memory_space<hbm>>
      tpu.wait_indirect_dma semaphore(%arg13 : memref<!tpu.dma_semaphore, #tpu.memory_space<semaphore_mem>>) src(%dma_wait3A_275 : memref<10000x128xbf16, #tpu.memory_space<hbm>>) dst(%arg8 : memref<128x128xbf16, #tpu.memory_space<vmem>>)
      %add3A_276 = arith.constant 4 : i32
      %add3A_277 = arith.addi %add3A_269, %add3A_276 : i32
      %sub3A = arith.constant 1 : i32
      %sub3A_278 = arith.subi %add3A_277, %sub3A : i32
      %dma_start3A_279 = arith.constant 0 : i32
      %dma_start3A_280 = tpu.memref_slice %arg6[%sub3A_278, %dma_start3A_279] : memref<32x128xi32, #tpu.memory_space<vmem>> -> memref<1x128xi32, #tpu.memory_space<vmem>>
      %dma_start3A_281 = tpu.memref_squeeze %dma_start3A_280 : memref<1x128xi32, #tpu.memory_space<vmem>> -> memref<128xi32, #tpu.memory_space<vmem>>
      %dma_start3A_282 = arith.constant 0 : i32
      %dma_start3A_283 = arith.constant 0 : i32
      %dma_start3A_284 = tpu.memref_slice %arg2[%dma_start3A_282, %dma_start3A_283] : memref<10000x128xbf16, #tpu.memory_space<hbm>> -> memref<10000x128xbf16, #tpu.memory_space<hbm>>
      tpu.enqueue_indirect_dma source(%dma_start3A_284 : memref<10000x128xbf16, #tpu.memory_space<hbm>>) target(%arg11 : memref<128x128xbf16, #tpu.memory_space<vmem>>) offsets(%dma_start3A_281 : memref<128xi32, #tpu.memory_space<vmem>>) semaphore(%arg16 : memref<!tpu.dma_semaphore, #tpu.memory_space<semaphore_mem>>)
      "tpu.region"() ({
        %run_scoped3A_346 = tpu.sem_alloc : memref<!tpu.dma_semaphore, #tpu.memory_space<semaphore_mem>>
        %dma_start3A_347 = arith.constant 0 : i32
        %dma_start3A_348 = tpu.memref_slice %arg7[%add3A_269, %dma_start3A_347] : memref<32x128xi32, #tpu.memory_space<vmem>> -> memref<1x128xi32, #tpu.memory_space<vmem>>
        %dma_start3A_349 = tpu.memref_squeeze %dma_start3A_348 : memref<1x128xi32, #tpu.memory_space<vmem>> -> memref<128xi32, #tpu.memory_space<vmem>>
        %dma_start3A_350 = arith.constant 0 : i32
        %dma_start3A_351 = arith.constant 0 : i32
        %dma_start3A_352 = tpu.memref_slice %arg12[%dma_start3A_350, %dma_start3A_351] : memref<10112x128xbf16, #tpu.memory_space<vmem_shared>> -> memref<10112x128xbf16, #tpu.memory_space<vmem_shared>>
        tpu.enqueue_indirect_dma source(%arg8 : memref<128x128xbf16, #tpu.memory_space<vmem>>) target(%dma_start3A_352 : memref<10112x128xbf16, #tpu.memory_space<vmem_shared>>) offsets(%dma_start3A_349 : memref<128xi32, #tpu.memory_space<vmem>>) semaphore(%run_scoped3A_346 : memref<!tpu.dma_semaphore, #tpu.memory_space<semaphore_mem>>) {add = true}
        %dma_wait3A_353 = arith.constant 0 : i32
        %dma_wait3A_354 = tpu.memref_slice %arg7[%add3A_269, %dma_wait3A_353] : memref<32x128xi32, #tpu.memory_space<vmem>> -> memref<1x128xi32, #tpu.memory_space<vmem>>
        %dma_wait3A_355 = tpu.memref_squeeze %dma_wait3A_354 : memref<1x128xi32, #tpu.memory_space<vmem>> -> memref<128xi32, #tpu.memory_space<vmem>>
        %dma_wait3A_356 = arith.constant 0 : i32
        %dma_wait3A_357 = arith.constant 0 : i32
        %dma_wait3A_358 = tpu.memref_slice %arg12[%dma_wait3A_356, %dma_wait3A_357] : memref<10112x128xbf16, #tpu.memory_space<vmem_shared>> -> memref<10112x128xbf16, #tpu.memory_space<vmem_shared>>
        tpu.wait_indirect_dma semaphore(%run_scoped3A_346 : memref<!tpu.dma_semaphore, #tpu.memory_space<semaphore_mem>>) src(%arg8 : memref<128x128xbf16, #tpu.memory_space<vmem>>) dst(%dma_wait3A_358 : memref<10112x128xbf16, #tpu.memory_space<vmem_shared>>)
        tpu.yield
      }) : () -> ()
      %mul3A_285 = arith.constant 4 : i32
      %mul3A_286 = arith.muli %mul3A_285, %scan3A_264 : i32
      %add3A_287 = arith.constant 1 : i32
      %add3A_288 = arith.addi %mul3A_286, %add3A_287 : i32
      %dma_wait3A_289 = arith.constant 0 : i32
      %dma_wait3A_290 = tpu.memref_slice %arg6[%add3A_288, %dma_wait3A_289] : memref<32x128xi32, #tpu.memory_space<vmem>> -> memref<1x128xi32, #tpu.memory_space<vmem>>
      %dma_wait3A_291 = tpu.memref_squeeze %dma_wait3A_290 : memref<1x128xi32, #tpu.memory_space<vmem>> -> memref<128xi32, #tpu.memory_space<vmem>>
      %dma_wait3A_292 = arith.constant 0 : i32
      %dma_wait3A_293 = arith.constant 0 : i32
      %dma_wait3A_294 = tpu.memref_slice %arg2[%dma_wait3A_292, %dma_wait3A_293] : memref<10000x128xbf16, #tpu.memory_space<hbm>> -> memref<10000x128xbf16, #tpu.memory_space<hbm>>
      tpu.wait_indirect_dma semaphore(%arg14 : memref<!tpu.dma_semaphore, #tpu.memory_space<semaphore_mem>>) src(%dma_wait3A_294 : memref<10000x128xbf16, #tpu.memory_space<hbm>>) dst(%arg9 : memref<128x128xbf16, #tpu.memory_space<vmem>>)
      %add3A_295 = arith.constant 4 : i32
      %add3A_296 = arith.addi %add3A_288, %add3A_295 : i32
      %sub3A_297 = arith.constant 1 : i32
      %sub3A_298 = arith.subi %add3A_296, %sub3A_297 : i32
      %dma_start3A_299 = arith.constant 0 : i32
      %dma_start3A_300 = tpu.memref_slice %arg6[%sub3A_298, %dma_start3A_299] : memref<32x128xi32, #tpu.memory_space<vmem>> -> memref<1x128xi32, #tpu.memory_space<vmem>>
      %dma_start3A_301 = tpu.memref_squeeze %dma_start3A_300 : memref<1x128xi32, #tpu.memory_space<vmem>> -> memref<128xi32, #tpu.memory_space<vmem>>
      %dma_start3A_302 = arith.constant 0 : i32
      %dma_start3A_303 = arith.constant 0 : i32
      %dma_start3A_304 = tpu.memref_slice %arg2[%dma_start3A_302, %dma_start3A_303] : memref<10000x128xbf16, #tpu.memory_space<hbm>> -> memref<10000x128xbf16, #tpu.memory_space<hbm>>
      tpu.enqueue_indirect_dma source(%dma_start3A_304 : memref<10000x128xbf16, #tpu.memory_space<hbm>>) target(%arg8 : memref<128x128xbf16, #tpu.memory_space<vmem>>) offsets(%dma_start3A_301 : memref<128xi32, #tpu.memory_space<vmem>>) semaphore(%arg13 : memref<!tpu.dma_semaphore, #tpu.memory_space<semaphore_mem>>)
      "tpu.region"() ({
        %run_scoped3A_346 = tpu.sem_alloc : memref<!tpu.dma_semaphore, #tpu.memory_space<semaphore_mem>>
        %dma_start3A_347 = arith.constant 0 : i32
        %dma_start3A_348 = tpu.memref_slice %arg7[%add3A_288, %dma_start3A_347] : memref<32x128xi32, #tpu.memory_space<vmem>> -> memref<1x128xi32, #tpu.memory_space<vmem>>
        %dma_start3A_349 = tpu.memref_squeeze %dma_start3A_348 : memref<1x128xi32, #tpu.memory_space<vmem>> -> memref<128xi32, #tpu.memory_space<vmem>>
        %dma_start3A_350 = arith.constant 0 : i32
        %dma_start3A_351 = arith.constant 0 : i32
        %dma_start3A_352 = tpu.memref_slice %arg12[%dma_start3A_350, %dma_start3A_351] : memref<10112x128xbf16, #tpu.memory_space<vmem_shared>> -> memref<10112x128xbf16, #tpu.memory_space<vmem_shared>>
        tpu.enqueue_indirect_dma source(%arg9 : memref<128x128xbf16, #tpu.memory_space<vmem>>) target(%dma_start3A_352 : memref<10112x128xbf16, #tpu.memory_space<vmem_shared>>) offsets(%dma_start3A_349 : memref<128xi32, #tpu.memory_space<vmem>>) semaphore(%run_scoped3A_346 : memref<!tpu.dma_semaphore, #tpu.memory_space<semaphore_mem>>) {add = true}
        %dma_wait3A_353 = arith.constant 0 : i32
        %dma_wait3A_354 = tpu.memref_slice %arg7[%add3A_288, %dma_wait3A_353] : memref<32x128xi32, #tpu.memory_space<vmem>> -> memref<1x128xi32, #tpu.memory_space<vmem>>
        %dma_wait3A_355 = tpu.memref_squeeze %dma_wait3A_354 : memref<1x128xi32, #tpu.memory_space<vmem>> -> memref<128xi32, #tpu.memory_space<vmem>>
        %dma_wait3A_356 = arith.constant 0 : i32
        %dma_wait3A_357 = arith.constant 0 : i32
        %dma_wait3A_358 = tpu.memref_slice %arg12[%dma_wait3A_356, %dma_wait3A_357] : memref<10112x128xbf16, #tpu.memory_space<vmem_shared>> -> memref<10112x128xbf16, #tpu.memory_space<vmem_shared>>
        tpu.wait_indirect_dma semaphore(%run_scoped3A_346 : memref<!tpu.dma_semaphore, #tpu.memory_space<semaphore_mem>>) src(%arg9 : memref<128x128xbf16, #tpu.memory_space<vmem>>) dst(%dma_wait3A_358 : memref<10112x128xbf16, #tpu.memory_space<vmem_shared>>)
        tpu.yield
      }) : () -> ()
      %mul3A_305 = arith.constant 4 : i32
      %mul3A_306 = arith.muli %mul3A_305, %scan3A_264 : i32
      %add3A_307 = arith.constant 2 : i32
      %add3A_308 = arith.addi %mul3A_306, %add3A_307 : i32
      %dma_wait3A_309 = arith.constant 0 : i32
      %dma_wait3A_310 = tpu.memref_slice %arg6[%add3A_308, %dma_wait3A_309] : memref<32x128xi32, #tpu.memory_space<vmem>> -> memref<1x128xi32, #tpu.memory_space<vmem>>
      %dma_wait3A_311 = tpu.memref_squeeze %dma_wait3A_310 : memref<1x128xi32, #tpu.memory_space<vmem>> -> memref<128xi32, #tpu.memory_space<vmem>>
      %dma_wait3A_312 = arith.constant 0 : i32
      %dma_wait3A_313 = arith.constant 0 : i32
      %dma_wait3A_314 = tpu.memref_slice %arg2[%dma_wait3A_312, %dma_wait3A_313] : memref<10000x128xbf16, #tpu.memory_space<hbm>> -> memref<10000x128xbf16, #tpu.memory_space<hbm>>
      tpu.wait_indirect_dma semaphore(%arg15 : memref<!tpu.dma_semaphore, #tpu.memory_space<semaphore_mem>>) src(%dma_wait3A_314 : memref<10000x128xbf16, #tpu.memory_space<hbm>>) dst(%arg10 : memref<128x128xbf16, #tpu.memory_space<vmem>>)
      %add3A_315 = arith.constant 4 : i32
      %add3A_316 = arith.addi %add3A_308, %add3A_315 : i32
      %sub3A_317 = arith.constant 1 : i32
      %sub3A_318 = arith.subi %add3A_316, %sub3A_317 : i32
      %dma_start3A_319 = arith.constant 0 : i32
      %dma_start3A_320 = tpu.memref_slice %arg6[%sub3A_318, %dma_start3A_319] : memref<32x128xi32, #tpu.memory_space<vmem>> -> memref<1x128xi32, #tpu.memory_space<vmem>>
      %dma_start3A_321 = tpu.memref_squeeze %dma_start3A_320 : memref<1x128xi32, #tpu.memory_space<vmem>> -> memref<128xi32, #tpu.memory_space<vmem>>
      %dma_start3A_322 = arith.constant 0 : i32
      %dma_start3A_323 = arith.constant 0 : i32
      %dma_start3A_324 = tpu.memref_slice %arg2[%dma_start3A_322, %dma_start3A_323] : memref<10000x128xbf16, #tpu.memory_space<hbm>> -> memref<10000x128xbf16, #tpu.memory_space<hbm>>
      tpu.enqueue_indirect_dma source(%dma_start3A_324 : memref<10000x128xbf16, #tpu.memory_space<hbm>>) target(%arg9 : memref<128x128xbf16, #tpu.memory_space<vmem>>) offsets(%dma_start3A_321 : memref<128xi32, #tpu.memory_space<vmem>>) semaphore(%arg14 : memref<!tpu.dma_semaphore, #tpu.memory_space<semaphore_mem>>)
      "tpu.region"() ({
        %run_scoped3A_346 = tpu.sem_alloc : memref<!tpu.dma_semaphore, #tpu.memory_space<semaphore_mem>>
        %dma_start3A_347 = arith.constant 0 : i32
        %dma_start3A_348 = tpu.memref_slice %arg7[%add3A_308, %dma_start3A_347] : memref<32x128xi32, #tpu.memory_space<vmem>> -> memref<1x128xi32, #tpu.memory_space<vmem>>
        %dma_start3A_349 = tpu.memref_squeeze %dma_start3A_348 : memref<1x128xi32, #tpu.memory_space<vmem>> -> memref<128xi32, #tpu.memory_space<vmem>>
        %dma_start3A_350 = arith.constant 0 : i32
        %dma_start3A_351 = arith.constant 0 : i32
        %dma_start3A_352 = tpu.memref_slice %arg12[%dma_start3A_350, %dma_start3A_351] : memref<10112x128xbf16, #tpu.memory_space<vmem_shared>> -> memref<10112x128xbf16, #tpu.memory_space<vmem_shared>>
        tpu.enqueue_indirect_dma source(%arg10 : memref<128x128xbf16, #tpu.memory_space<vmem>>) target(%dma_start3A_352 : memref<10112x128xbf16, #tpu.memory_space<vmem_shared>>) offsets(%dma_start3A_349 : memref<128xi32, #tpu.memory_space<vmem>>) semaphore(%run_scoped3A_346 : memref<!tpu.dma_semaphore, #tpu.memory_space<semaphore_mem>>) {add = true}
        %dma_wait3A_353 = arith.constant 0 : i32
        %dma_wait3A_354 = tpu.memref_slice %arg7[%add3A_308, %dma_wait3A_353] : memref<32x128xi32, #tpu.memory_space<vmem>> -> memref<1x128xi32, #tpu.memory_space<vmem>>
        %dma_wait3A_355 = tpu.memref_squeeze %dma_wait3A_354 : memref<1x128xi32, #tpu.memory_space<vmem>> -> memref<128xi32, #tpu.memory_space<vmem>>
        %dma_wait3A_356 = arith.constant 0 : i32
        %dma_wait3A_357 = arith.constant 0 : i32
        %dma_wait3A_358 = tpu.memref_slice %arg12[%dma_wait3A_356, %dma_wait3A_357] : memref<10112x128xbf16, #tpu.memory_space<vmem_shared>> -> memref<10112x128xbf16, #tpu.memory_space<vmem_shared>>
        tpu.wait_indirect_dma semaphore(%run_scoped3A_346 : memref<!tpu.dma_semaphore, #tpu.memory_space<semaphore_mem>>) src(%arg10 : memref<128x128xbf16, #tpu.memory_space<vmem>>) dst(%dma_wait3A_358 : memref<10112x128xbf16, #tpu.memory_space<vmem_shared>>)
        tpu.yield
      }) : () -> ()
      %mul3A_325 = arith.constant 4 : i32
      %mul3A_326 = arith.muli %mul3A_325, %scan3A_264 : i32
      %add3A_327 = arith.constant 3 : i32
      %add3A_328 = arith.addi %mul3A_326, %add3A_327 : i32
      %dma_wait3A_329 = arith.constant 0 : i32
      %dma_wait3A_330 = tpu.memref_slice %arg6[%add3A_328, %dma_wait3A_329] : memref<32x128xi32, #tpu.memory_space<vmem>> -> memref<1x128xi32, #tpu.memory_space<vmem>>
      %dma_wait3A_331 = tpu.memref_squeeze %dma_wait3A_330 : memref<1x128xi32, #tpu.memory_space<vmem>> -> memref<128xi32, #tpu.memory_space<vmem>>
      %dma_wait3A_332 = arith.constant 0 : i32
      %dma_wait3A_333 = arith.constant 0 : i32
      %dma_wait3A_334 = tpu.memref_slice %arg2[%dma_wait3A_332, %dma_wait3A_333] : memref<10000x128xbf16, #tpu.memory_space<hbm>> -> memref<10000x128xbf16, #tpu.memory_space<hbm>>
      tpu.wait_indirect_dma semaphore(%arg16 : memref<!tpu.dma_semaphore, #tpu.memory_space<semaphore_mem>>) src(%dma_wait3A_334 : memref<10000x128xbf16, #tpu.memory_space<hbm>>) dst(%arg11 : memref<128x128xbf16, #tpu.memory_space<vmem>>)
      %add3A_335 = arith.constant 4 : i32
      %add3A_336 = arith.addi %add3A_328, %add3A_335 : i32
      %sub3A_337 = arith.constant 1 : i32
      %sub3A_338 = arith.subi %add3A_336, %sub3A_337 : i32
      %dma_start3A_339 = arith.constant 0 : i32
      %dma_start3A_340 = tpu.memref_slice %arg6[%sub3A_338, %dma_start3A_339] : memref<32x128xi32, #tpu.memory_space<vmem>> -> memref<1x128xi32, #tpu.memory_space<vmem>>
      %dma_start3A_341 = tpu.memref_squeeze %dma_start3A_340 : memref<1x128xi32, #tpu.memory_space<vmem>> -> memref<128xi32, #tpu.memory_space<vmem>>
      %dma_start3A_342 = arith.constant 0 : i32
      %dma_start3A_343 = arith.constant 0 : i32
      %dma_start3A_344 = tpu.memref_slice %arg2[%dma_start3A_342, %dma_start3A_343] : memref<10000x128xbf16, #tpu.memory_space<hbm>> -> memref<10000x128xbf16, #tpu.memory_space<hbm>>
      tpu.enqueue_indirect_dma source(%dma_start3A_344 : memref<10000x128xbf16, #tpu.memory_space<hbm>>) target(%arg10 : memref<128x128xbf16, #tpu.memory_space<vmem>>) offsets(%dma_start3A_341 : memref<128xi32, #tpu.memory_space<vmem>>) semaphore(%arg15 : memref<!tpu.dma_semaphore, #tpu.memory_space<semaphore_mem>>)
      "tpu.region"() ({
        %run_scoped3A_346 = tpu.sem_alloc : memref<!tpu.dma_semaphore, #tpu.memory_space<semaphore_mem>>
        %dma_start3A_347 = arith.constant 0 : i32
        %dma_start3A_348 = tpu.memref_slice %arg7[%add3A_328, %dma_start3A_347] : memref<32x128xi32, #tpu.memory_space<vmem>> -> memref<1x128xi32, #tpu.memory_space<vmem>>
        %dma_start3A_349 = tpu.memref_squeeze %dma_start3A_348 : memref<1x128xi32, #tpu.memory_space<vmem>> -> memref<128xi32, #tpu.memory_space<vmem>>
        %dma_start3A_350 = arith.constant 0 : i32
        %dma_start3A_351 = arith.constant 0 : i32
        %dma_start3A_352 = tpu.memref_slice %arg12[%dma_start3A_350, %dma_start3A_351] : memref<10112x128xbf16, #tpu.memory_space<vmem_shared>> -> memref<10112x128xbf16, #tpu.memory_space<vmem_shared>>
        tpu.enqueue_indirect_dma source(%arg11 : memref<128x128xbf16, #tpu.memory_space<vmem>>) target(%dma_start3A_352 : memref<10112x128xbf16, #tpu.memory_space<vmem_shared>>) offsets(%dma_start3A_349 : memref<128xi32, #tpu.memory_space<vmem>>) semaphore(%run_scoped3A_346 : memref<!tpu.dma_semaphore, #tpu.memory_space<semaphore_mem>>) {add = true}
        %dma_wait3A_353 = arith.constant 0 : i32
        %dma_wait3A_354 = tpu.memref_slice %arg7[%add3A_328, %dma_wait3A_353] : memref<32x128xi32, #tpu.memory_space<vmem>> -> memref<1x128xi32, #tpu.memory_space<vmem>>
        %dma_wait3A_355 = tpu.memref_squeeze %dma_wait3A_354 : memref<1x128xi32, #tpu.memory_space<vmem>> -> memref<128xi32, #tpu.memory_space<vmem>>
        %dma_wait3A_356 = arith.constant 0 : i32
        %dma_wait3A_357 = arith.constant 0 : i32
        %dma_wait3A_358 = tpu.memref_slice %arg12[%dma_wait3A_356, %dma_wait3A_357] : memref<10112x128xbf16, #tpu.memory_space<vmem_shared>> -> memref<10112x128xbf16, #tpu.memory_space<vmem_shared>>
        tpu.wait_indirect_dma semaphore(%run_scoped3A_346 : memref<!tpu.dma_semaphore, #tpu.memory_space<semaphore_mem>>) src(%arg11 : memref<128x128xbf16, #tpu.memory_space<vmem>>) dst(%dma_wait3A_358 : memref<10112x128xbf16, #tpu.memory_space<vmem_shared>>)
        tpu.yield
      }) : () -> ()
      %scan3A_345 = arith.constant 0 : i32
      scf.yield %scan3A_345 : i32
    }
    %scan3A_46 = arith.constant 7 : i32
    %dma_wait3A = arith.constant 28 : i32
    %dma_wait3A_47 = arith.constant 0 : i32
    %dma_wait3A_48 = tpu.memref_slice %arg6[%dma_wait3A, %dma_wait3A_47] : memref<32x128xi32, #tpu.memory_space<vmem>> -> memref<1x128xi32, #tpu.memory_space<vmem>>
    %dma_wait3A_49 = tpu.memref_squeeze %dma_wait3A_48 : memref<1x128xi32, #tpu.memory_space<vmem>> -> memref<128xi32, #tpu.memory_space<vmem>>
    %dma_wait3A_50 = arith.constant 0 : i32
    %dma_wait3A_51 = arith.constant 0 : i32
    %dma_wait3A_52 = tpu.memref_slice %arg2[%dma_wait3A_50, %dma_wait3A_51] : memref<10000x128xbf16, #tpu.memory_space<hbm>> -> memref<10000x128xbf16, #tpu.memory_space<hbm>>
    tpu.wait_indirect_dma semaphore(%arg13 : memref<!tpu.dma_semaphore, #tpu.memory_space<semaphore_mem>>) src(%dma_wait3A_52 : memref<10000x128xbf16, #tpu.memory_space<hbm>>) dst(%arg8 : memref<128x128xbf16, #tpu.memory_space<vmem>>)
    %dma_start3A_53 = arith.constant 31 : i32
    %dma_start3A_54 = arith.constant 0 : i32
    %dma_start3A_55 = tpu.memref_slice %arg6[%dma_start3A_53, %dma_start3A_54] : memref<32x128xi32, #tpu.memory_space<vmem>> -> memref<1x128xi32, #tpu.memory_space<vmem>>
    %dma_start3A_56 = tpu.memref_squeeze %dma_start3A_55 : memref<1x128xi32, #tpu.memory_space<vmem>> -> memref<128xi32, #tpu.memory_space<vmem>>
    %dma_start3A_57 = arith.constant 0 : i32
    %dma_start3A_58 = arith.constant 0 : i32
    %dma_start3A_59 = tpu.memref_slice %arg2[%dma_start3A_57, %dma_start3A_58] : memref<10000x128xbf16, #tpu.memory_space<hbm>> -> memref<10000x128xbf16, #tpu.memory_space<hbm>>
    tpu.enqueue_indirect_dma source(%dma_start3A_59 : memref<10000x128xbf16, #tpu.memory_space<hbm>>) target(%arg11 : memref<128x128xbf16, #tpu.memory_space<vmem>>) offsets(%dma_start3A_56 : memref<128xi32, #tpu.memory_space<vmem>>) semaphore(%arg16 : memref<!tpu.dma_semaphore, #tpu.memory_space<semaphore_mem>>)
    %run_scoped3A = arith.constant 28 : i32
    "tpu.region"() ({
      %run_scoped3A_264 = tpu.sem_alloc : memref<!tpu.dma_semaphore, #tpu.memory_space<semaphore_mem>>
      %dma_start3A_265 = arith.constant 0 : i32
      %dma_start3A_266 = tpu.memref_slice %arg7[%run_scoped3A, %dma_start3A_265] : memref<32x128xi32, #tpu.memory_space<vmem>> -> memref<1x128xi32, #tpu.memory_space<vmem>>
      %dma_start3A_267 = tpu.memref_squeeze %dma_start3A_266 : memref<1x128xi32, #tpu.memory_space<vmem>> -> memref<128xi32, #tpu.memory_space<vmem>>
      %dma_start3A_268 = arith.constant 0 : i32
      %dma_start3A_269 = arith.constant 0 : i32
      %dma_start3A_270 = tpu.memref_slice %arg12[%dma_start3A_268, %dma_start3A_269] : memref<10112x128xbf16, #tpu.memory_space<vmem_shared>> -> memref<10112x128xbf16, #tpu.memory_space<vmem_shared>>
      tpu.enqueue_indirect_dma source(%arg8 : memref<128x128xbf16, #tpu.memory_space<vmem>>) target(%dma_start3A_270 : memref<10112x128xbf16, #tpu.memory_space<vmem_shared>>) offsets(%dma_start3A_267 : memref<128xi32, #tpu.memory_space<vmem>>) semaphore(%run_scoped3A_264 : memref<!tpu.dma_semaphore, #tpu.memory_space<semaphore_mem>>) {add = true}
      %dma_wait3A_271 = arith.constant 0 : i32
      %dma_wait3A_272 = tpu.memref_slice %arg7[%run_scoped3A, %dma_wait3A_271] : memref<32x128xi32, #tpu.memory_space<vmem>> -> memref<1x128xi32, #tpu.memory_space<vmem>>
      %dma_wait3A_273 = tpu.memref_squeeze %dma_wait3A_272 : memref<1x128xi32, #tpu.memory_space<vmem>> -> memref<128xi32, #tpu.memory_space<vmem>>
      %dma_wait3A_274 = arith.constant 0 : i32
      %dma_wait3A_275 = arith.constant 0 : i32
      %dma_wait3A_276 = tpu.memref_slice %arg12[%dma_wait3A_274, %dma_wait3A_275] : memref<10112x128xbf16, #tpu.memory_space<vmem_shared>> -> memref<10112x128xbf16, #tpu.memory_space<vmem_shared>>
      tpu.wait_indirect_dma semaphore(%run_scoped3A_264 : memref<!tpu.dma_semaphore, #tpu.memory_space<semaphore_mem>>) src(%arg8 : memref<128x128xbf16, #tpu.memory_space<vmem>>) dst(%dma_wait3A_276 : memref<10112x128xbf16, #tpu.memory_space<vmem_shared>>)
      tpu.yield
    }) : () -> ()
    %dma_wait3A_60 = arith.constant 29 : i32
    %dma_wait3A_61 = arith.constant 0 : i32
    %dma_wait3A_62 = tpu.memref_slice %arg6[%dma_wait3A_60, %dma_wait3A_61] : memref<32x128xi32, #tpu.memory_space<vmem>> -> memref<1x128xi32, #tpu.memory_space<vmem>>
    %dma_wait3A_63 = tpu.memref_squeeze %dma_wait3A_62 : memref<1x128xi32, #tpu.memory_space<vmem>> -> memref<128xi32, #tpu.memory_space<vmem>>
    %dma_wait3A_64 = arith.constant 0 : i32
    %dma_wait3A_65 = arith.constant 0 : i32
    %dma_wait3A_66 = tpu.memref_slice %arg2[%dma_wait3A_64, %dma_wait3A_65] : memref<10000x128xbf16, #tpu.memory_space<hbm>> -> memref<10000x128xbf16, #tpu.memory_space<hbm>>
    tpu.wait_indirect_dma semaphore(%arg14 : memref<!tpu.dma_semaphore, #tpu.memory_space<semaphore_mem>>) src(%dma_wait3A_66 : memref<10000x128xbf16, #tpu.memory_space<hbm>>) dst(%arg9 : memref<128x128xbf16, #tpu.memory_space<vmem>>)
    %run_scoped3A_67 = arith.constant 29 : i32
    "tpu.region"() ({
      %run_scoped3A_264 = tpu.sem_alloc : memref<!tpu.dma_semaphore, #tpu.memory_space<semaphore_mem>>
      %dma_start3A_265 = arith.constant 0 : i32
      %dma_start3A_266 = tpu.memref_slice %arg7[%run_scoped3A_67, %dma_start3A_265] : memref<32x128xi32, #tpu.memory_space<vmem>> -> memref<1x128xi32, #tpu.memory_space<vmem>>
      %dma_start3A_267 = tpu.memref_squeeze %dma_start3A_266 : memref<1x128xi32, #tpu.memory_space<vmem>> -> memref<128xi32, #tpu.memory_space<vmem>>
      %dma_start3A_268 = arith.constant 0 : i32
      %dma_start3A_269 = arith.constant 0 : i32
      %dma_start3A_270 = tpu.memref_slice %arg12[%dma_start3A_268, %dma_start3A_269] : memref<10112x128xbf16, #tpu.memory_space<vmem_shared>> -> memref<10112x128xbf16, #tpu.memory_space<vmem_shared>>
      tpu.enqueue_indirect_dma source(%arg9 : memref<128x128xbf16, #tpu.memory_space<vmem>>) target(%dma_start3A_270 : memref<10112x128xbf16, #tpu.memory_space<vmem_shared>>) offsets(%dma_start3A_267 : memref<128xi32, #tpu.memory_space<vmem>>) semaphore(%run_scoped3A_264 : memref<!tpu.dma_semaphore, #tpu.memory_space<semaphore_mem>>) {add = true}
      %dma_wait3A_271 = arith.constant 0 : i32
      %dma_wait3A_272 = tpu.memref_slice %arg7[%run_scoped3A_67, %dma_wait3A_271] : memref<32x128xi32, #tpu.memory_space<vmem>> -> memref<1x128xi32, #tpu.memory_space<vmem>>
      %dma_wait3A_273 = tpu.memref_squeeze %dma_wait3A_272 : memref<1x128xi32, #tpu.memory_space<vmem>> -> memref<128xi32, #tpu.memory_space<vmem>>
      %dma_wait3A_274 = arith.constant 0 : i32
      %dma_wait3A_275 = arith.constant 0 : i32
      %dma_wait3A_276 = tpu.memref_slice %arg12[%dma_wait3A_274, %dma_wait3A_275] : memref<10112x128xbf16, #tpu.memory_space<vmem_shared>> -> memref<10112x128xbf16, #tpu.memory_space<vmem_shared>>
      tpu.wait_indirect_dma semaphore(%run_scoped3A_264 : memref<!tpu.dma_semaphore, #tpu.memory_space<semaphore_mem>>) src(%arg9 : memref<128x128xbf16, #tpu.memory_space<vmem>>) dst(%dma_wait3A_276 : memref<10112x128xbf16, #tpu.memory_space<vmem_shared>>)
      tpu.yield
    }) : () -> ()
    %dma_wait3A_68 = arith.constant 30 : i32
    %dma_wait3A_69 = arith.constant 0 : i32
    %dma_wait3A_70 = tpu.memref_slice %arg6[%dma_wait3A_68, %dma_wait3A_69] : memref<32x128xi32, #tpu.memory_space<vmem>> -> memref<1x128xi32, #tpu.memory_space<vmem>>
    %dma_wait3A_71 = tpu.memref_squeeze %dma_wait3A_70 : memref<1x128xi32, #tpu.memory_space<vmem>> -> memref<128xi32, #tpu.memory_space<vmem>>
    %dma_wait3A_72 = arith.constant 0 : i32
    %dma_wait3A_73 = arith.constant 0 : i32
    %dma_wait3A_74 = tpu.memref_slice %arg2[%dma_wait3A_72, %dma_wait3A_73] : memref<10000x128xbf16, #tpu.memory_space<hbm>> -> memref<10000x128xbf16, #tpu.memory_space<hbm>>
    tpu.wait_indirect_dma semaphore(%arg15 : memref<!tpu.dma_semaphore, #tpu.memory_space<semaphore_mem>>) src(%dma_wait3A_74 : memref<10000x128xbf16, #tpu.memory_space<hbm>>) dst(%arg10 : memref<128x128xbf16, #tpu.memory_space<vmem>>)
    %run_scoped3A_75 = arith.constant 30 : i32
    "tpu.region"() ({
      %run_scoped3A_264 = tpu.sem_alloc : memref<!tpu.dma_semaphore, #tpu.memory_space<semaphore_mem>>
      %dma_start3A_265 = arith.constant 0 : i32
      %dma_start3A_266 = tpu.memref_slice %arg7[%run_scoped3A_75, %dma_start3A_265] : memref<32x128xi32, #tpu.memory_space<vmem>> -> memref<1x128xi32, #tpu.memory_space<vmem>>
      %dma_start3A_267 = tpu.memref_squeeze %dma_start3A_266 : memref<1x128xi32, #tpu.memory_space<vmem>> -> memref<128xi32, #tpu.memory_space<vmem>>
      %dma_start3A_268 = arith.constant 0 : i32
      %dma_start3A_269 = arith.constant 0 : i32
      %dma_start3A_270 = tpu.memref_slice %arg12[%dma_start3A_268, %dma_start3A_269] : memref<10112x128xbf16, #tpu.memory_space<vmem_shared>> -> memref<10112x128xbf16, #tpu.memory_space<vmem_shared>>
      tpu.enqueue_indirect_dma source(%arg10 : memref<128x128xbf16, #tpu.memory_space<vmem>>) target(%dma_start3A_270 : memref<10112x128xbf16, #tpu.memory_space<vmem_shared>>) offsets(%dma_start3A_267 : memref<128xi32, #tpu.memory_space<vmem>>) semaphore(%run_scoped3A_264 : memref<!tpu.dma_semaphore, #tpu.memory_space<semaphore_mem>>) {add = true}
      %dma_wait3A_271 = arith.constant 0 : i32
      %dma_wait3A_272 = tpu.memref_slice %arg7[%run_scoped3A_75, %dma_wait3A_271] : memref<32x128xi32, #tpu.memory_space<vmem>> -> memref<1x128xi32, #tpu.memory_space<vmem>>
      %dma_wait3A_273 = tpu.memref_squeeze %dma_wait3A_272 : memref<1x128xi32, #tpu.memory_space<vmem>> -> memref<128xi32, #tpu.memory_space<vmem>>
      %dma_wait3A_274 = arith.constant 0 : i32
      %dma_wait3A_275 = arith.constant 0 : i32
      %dma_wait3A_276 = tpu.memref_slice %arg12[%dma_wait3A_274, %dma_wait3A_275] : memref<10112x128xbf16, #tpu.memory_space<vmem_shared>> -> memref<10112x128xbf16, #tpu.memory_space<vmem_shared>>
      tpu.wait_indirect_dma semaphore(%run_scoped3A_264 : memref<!tpu.dma_semaphore, #tpu.memory_space<semaphore_mem>>) src(%arg10 : memref<128x128xbf16, #tpu.memory_space<vmem>>) dst(%dma_wait3A_276 : memref<10112x128xbf16, #tpu.memory_space<vmem_shared>>)
      tpu.yield
    }) : () -> ()
    %dma_wait3A_76 = arith.constant 31 : i32
    %dma_wait3A_77 = arith.constant 0 : i32
    %dma_wait3A_78 = tpu.memref_slice %arg6[%dma_wait3A_76, %dma_wait3A_77] : memref<32x128xi32, #tpu.memory_space<vmem>> -> memref<1x128xi32, #tpu.memory_space<vmem>>
    %dma_wait3A_79 = tpu.memref_squeeze %dma_wait3A_78 : memref<1x128xi32, #tpu.memory_space<vmem>> -> memref<128xi32, #tpu.memory_space<vmem>>
    %dma_wait3A_80 = arith.constant 0 : i32
    %dma_wait3A_81 = arith.constant 0 : i32
    %dma_wait3A_82 = tpu.memref_slice %arg2[%dma_wait3A_80, %dma_wait3A_81] : memref<10000x128xbf16, #tpu.memory_space<hbm>> -> memref<10000x128xbf16, #tpu.memory_space<hbm>>
    tpu.wait_indirect_dma semaphore(%arg16 : memref<!tpu.dma_semaphore, #tpu.memory_space<semaphore_mem>>) src(%dma_wait3A_82 : memref<10000x128xbf16, #tpu.memory_space<hbm>>) dst(%arg11 : memref<128x128xbf16, #tpu.memory_space<vmem>>)
    %run_scoped3A_83 = arith.constant 31 : i32
    "tpu.region"() ({
      %run_scoped3A_264 = tpu.sem_alloc : memref<!tpu.dma_semaphore, #tpu.memory_space<semaphore_mem>>
      %dma_start3A_265 = arith.constant 0 : i32
      %dma_start3A_266 = tpu.memref_slice %arg7[%run_scoped3A_83, %dma_start3A_265] : memref<32x128xi32, #tpu.memory_space<vmem>> -> memref<1x128xi32, #tpu.memory_space<vmem>>
      %dma_start3A_267 = tpu.memref_squeeze %dma_start3A_266 : memref<1x128xi32, #tpu.memory_space<vmem>> -> memref<128xi32, #tpu.memory_space<vmem>>
      %dma_start3A_268 = arith.constant 0 : i32
      %dma_start3A_269 = arith.constant 0 : i32
      %dma_start3A_270 = tpu.memref_slice %arg12[%dma_start3A_268, %dma_start3A_269] : memref<10112x128xbf16, #tpu.memory_space<vmem_shared>> -> memref<10112x128xbf16, #tpu.memory_space<vmem_shared>>
      tpu.enqueue_indirect_dma source(%arg11 : memref<128x128xbf16, #tpu.memory_space<vmem>>) target(%dma_start3A_270 : memref<10112x128xbf16, #tpu.memory_space<vmem_shared>>) offsets(%dma_start3A_267 : memref<128xi32, #tpu.memory_space<vmem>>) semaphore(%run_scoped3A_264 : memref<!tpu.dma_semaphore, #tpu.memory_space<semaphore_mem>>) {add = true}
      %dma_wait3A_271 = arith.constant 0 : i32
      %dma_wait3A_272 = tpu.memref_slice %arg7[%run_scoped3A_83, %dma_wait3A_271] : memref<32x128xi32, #tpu.memory_space<vmem>> -> memref<1x128xi32, #tpu.memory_space<vmem>>
      %dma_wait3A_273 = tpu.memref_squeeze %dma_wait3A_272 : memref<1x128xi32, #tpu.memory_space<vmem>> -> memref<128xi32, #tpu.memory_space<vmem>>
      %dma_wait3A_274 = arith.constant 0 : i32
      %dma_wait3A_275 = arith.constant 0 : i32
      %dma_wait3A_276 = tpu.memref_slice %arg12[%dma_wait3A_274, %dma_wait3A_275] : memref<10112x128xbf16, #tpu.memory_space<vmem_shared>> -> memref<10112x128xbf16, #tpu.memory_space<vmem_shared>>
      tpu.wait_indirect_dma semaphore(%run_scoped3A_264 : memref<!tpu.dma_semaphore, #tpu.memory_space<semaphore_mem>>) src(%arg11 : memref<128x128xbf16, #tpu.memory_space<vmem>>) dst(%dma_wait3A_276 : memref<10112x128xbf16, #tpu.memory_space<vmem_shared>>)
      tpu.yield
    }) : () -> ()
    "tpu.region"() ({
      %run_scoped3A_264 = tpu.sem_alloc : memref<!tpu.dma_semaphore, #tpu.memory_space<semaphore_mem>>
      %dma_start3A_265 = arith.constant 0 : i32
      %dma_start3A_266 = arith.constant 0 : i32
      %dma_start3A_267 = tpu.memref_slice %arg6[%dma_start3A_265, %dma_start3A_266] : memref<32x128xi32, #tpu.memory_space<vmem>> -> memref<32x128xi32, #tpu.memory_space<vmem>>
      %dma_start3A_268 = arith.constant 32 : i32
      %dma_start3A_269 = arith.constant 0 : i32
      %dma_start3A_270 = tpu.memref_slice %arg3[%add3A, %dma_start3A_268, %dma_start3A_269] : memref<32x79x128xi32, #tpu.memory_space<hbm>> -> memref<1x32x128xi32, #tpu.memory_space<hbm>>
      %dma_start3A_271 = tpu.memref_squeeze %dma_start3A_270 : memref<1x32x128xi32, #tpu.memory_space<hbm>> -> memref<32x128xi32, #tpu.memory_space<hbm>>
      %dma_start3A_272 = arith.constant 0 : i32
      %dma_start3A_273 = arith.constant 0 : i32
      %dma_start3A_274 = tpu.memref_slice %arg6[%dma_start3A_272, %dma_start3A_273] : memref<32x128xi32, #tpu.memory_space<vmem>> -> memref<32x128xi32, #tpu.memory_space<vmem>>
      %dma_start3A_275 = arith.constant 32 : i32
      %dma_start3A_276 = arith.constant 0 : i32
      %dma_start3A_277 = tpu.memref_slice %arg3[%add3A, %dma_start3A_275, %dma_start3A_276] : memref<32x79x128xi32, #tpu.memory_space<hbm>> -> memref<1x32x128xi32, #tpu.memory_space<hbm>>
      %dma_start3A_278 = tpu.memref_squeeze %dma_start3A_277 : memref<1x32x128xi32, #tpu.memory_space<hbm>> -> memref<32x128xi32, #tpu.memory_space<hbm>>
      tpu.enqueue_dma source(%dma_start3A_278 : memref<32x128xi32, #tpu.memory_space<hbm>>) target(%dma_start3A_274 : memref<32x128xi32, #tpu.memory_space<vmem>>) target_semaphore(%run_scoped3A_264 : memref<!tpu.dma_semaphore, #tpu.memory_space<semaphore_mem>>)
      %dma_wait3A_279 = arith.constant 0 : i32
      %dma_wait3A_280 = arith.constant 0 : i32
      %dma_wait3A_281 = tpu.memref_slice %arg6[%dma_wait3A_279, %dma_wait3A_280] : memref<32x128xi32, #tpu.memory_space<vmem>> -> memref<32x128xi32, #tpu.memory_space<vmem>>
      %dma_wait3A_282 = arith.constant 32 : i32
      %dma_wait3A_283 = arith.constant 0 : i32
      %dma_wait3A_284 = tpu.memref_slice %arg3[%add3A, %dma_wait3A_282, %dma_wait3A_283] : memref<32x79x128xi32, #tpu.memory_space<hbm>> -> memref<1x32x128xi32, #tpu.memory_space<hbm>>
      %dma_wait3A_285 = tpu.memref_squeeze %dma_wait3A_284 : memref<1x32x128xi32, #tpu.memory_space<hbm>> -> memref<32x128xi32, #tpu.memory_space<hbm>>
      %dma_wait3A_286 = arith.constant 0 : i32
      %dma_wait3A_287 = arith.constant 0 : i32
      %dma_wait3A_288 = tpu.memref_slice %arg6[%dma_wait3A_286, %dma_wait3A_287] : memref<32x128xi32, #tpu.memory_space<vmem>> -> memref<32x128xi32, #tpu.memory_space<vmem>>
      %dma_wait3A_289 = arith.constant 32 : i32
      %dma_wait3A_290 = arith.constant 0 : i32
      %dma_wait3A_291 = tpu.memref_slice %arg3[%add3A, %dma_wait3A_289, %dma_wait3A_290] : memref<32x79x128xi32, #tpu.memory_space<hbm>> -> memref<1x32x128xi32, #tpu.memory_space<hbm>>
      %dma_wait3A_292 = tpu.memref_squeeze %dma_wait3A_291 : memref<1x32x128xi32, #tpu.memory_space<hbm>> -> memref<32x128xi32, #tpu.memory_space<hbm>>
      tpu.wait_dma2 semaphore(%run_scoped3A_264 : memref<!tpu.dma_semaphore, #tpu.memory_space<semaphore_mem>>) src(%dma_wait3A_292 : memref<32x128xi32, #tpu.memory_space<hbm>>) dst(%dma_wait3A_288 : memref<32x128xi32, #tpu.memory_space<vmem>>)
      tpu.yield
    }) : () -> ()
    "tpu.region"() ({
      %run_scoped3A_264 = tpu.sem_alloc : memref<!tpu.dma_semaphore, #tpu.memory_space<semaphore_mem>>
      %dma_start3A_265 = arith.constant 0 : i32
      %dma_start3A_266 = arith.constant 0 : i32
      %dma_start3A_267 = tpu.memref_slice %arg7[%dma_start3A_265, %dma_start3A_266] : memref<32x128xi32, #tpu.memory_space<vmem>> -> memref<32x128xi32, #tpu.memory_space<vmem>>
      %dma_start3A_268 = arith.constant 32 : i32
      %dma_start3A_269 = arith.constant 0 : i32
      %dma_start3A_270 = tpu.memref_slice %arg4[%add3A, %dma_start3A_268, %dma_start3A_269] : memref<32x79x128xi32, #tpu.memory_space<hbm>> -> memref<1x32x128xi32, #tpu.memory_space<hbm>>
      %dma_start3A_271 = tpu.memref_squeeze %dma_start3A_270 : memref<1x32x128xi32, #tpu.memory_space<hbm>> -> memref<32x128xi32, #tpu.memory_space<hbm>>
      %dma_start3A_272 = arith.constant 0 : i32
      %dma_start3A_273 = arith.constant 0 : i32
      %dma_start3A_274 = tpu.memref_slice %arg7[%dma_start3A_272, %dma_start3A_273] : memref<32x128xi32, #tpu.memory_space<vmem>> -> memref<32x128xi32, #tpu.memory_space<vmem>>
      %dma_start3A_275 = arith.constant 32 : i32
      %dma_start3A_276 = arith.constant 0 : i32
      %dma_start3A_277 = tpu.memref_slice %arg4[%add3A, %dma_start3A_275, %dma_start3A_276] : memref<32x79x128xi32, #tpu.memory_space<hbm>> -> memref<1x32x128xi32, #tpu.memory_space<hbm>>
      %dma_start3A_278 = tpu.memref_squeeze %dma_start3A_277 : memref<1x32x128xi32, #tpu.memory_space<hbm>> -> memref<32x128xi32, #tpu.memory_space<hbm>>
      tpu.enqueue_dma source(%dma_start3A_278 : memref<32x128xi32, #tpu.memory_space<hbm>>) target(%dma_start3A_274 : memref<32x128xi32, #tpu.memory_space<vmem>>) target_semaphore(%run_scoped3A_264 : memref<!tpu.dma_semaphore, #tpu.memory_space<semaphore_mem>>)
      %dma_wait3A_279 = arith.constant 0 : i32
      %dma_wait3A_280 = arith.constant 0 : i32
      %dma_wait3A_281 = tpu.memref_slice %arg7[%dma_wait3A_279, %dma_wait3A_280] : memref<32x128xi32, #tpu.memory_space<vmem>> -> memref<32x128xi32, #tpu.memory_space<vmem>>
      %dma_wait3A_282 = arith.constant 32 : i32
      %dma_wait3A_283 = arith.constant 0 : i32
      %dma_wait3A_284 = tpu.memref_slice %arg4[%add3A, %dma_wait3A_282, %dma_wait3A_283] : memref<32x79x128xi32, #tpu.memory_space<hbm>> -> memref<1x32x128xi32, #tpu.memory_space<hbm>>
      %dma_wait3A_285 = tpu.memref_squeeze %dma_wait3A_284 : memref<1x32x128xi32, #tpu.memory_space<hbm>> -> memref<32x128xi32, #tpu.memory_space<hbm>>
      %dma_wait3A_286 = arith.constant 0 : i32
      %dma_wait3A_287 = arith.constant 0 : i32
      %dma_wait3A_288 = tpu.memref_slice %arg7[%dma_wait3A_286, %dma_wait3A_287] : memref<32x128xi32, #tpu.memory_space<vmem>> -> memref<32x128xi32, #tpu.memory_space<vmem>>
      %dma_wait3A_289 = arith.constant 32 : i32
      %dma_wait3A_290 = arith.constant 0 : i32
      %dma_wait3A_291 = tpu.memref_slice %arg4[%add3A, %dma_wait3A_289, %dma_wait3A_290] : memref<32x79x128xi32, #tpu.memory_space<hbm>> -> memref<1x32x128xi32, #tpu.memory_space<hbm>>
      %dma_wait3A_292 = tpu.memref_squeeze %dma_wait3A_291 : memref<1x32x128xi32, #tpu.memory_space<hbm>> -> memref<32x128xi32, #tpu.memory_space<hbm>>
      tpu.wait_dma2 semaphore(%run_scoped3A_264 : memref<!tpu.dma_semaphore, #tpu.memory_space<semaphore_mem>>) src(%dma_wait3A_292 : memref<32x128xi32, #tpu.memory_space<hbm>>) dst(%dma_wait3A_288 : memref<32x128xi32, #tpu.memory_space<vmem>>)
      tpu.yield
    }) : () -> ()
    %dma_start3A_84 = arith.constant 0 : i32
    %dma_start3A_85 = arith.constant 0 : i32
    %dma_start3A_86 = tpu.memref_slice %arg6[%dma_start3A_84, %dma_start3A_85] : memref<32x128xi32, #tpu.memory_space<vmem>> -> memref<1x128xi32, #tpu.memory_space<vmem>>
    %dma_start3A_87 = tpu.memref_squeeze %dma_start3A_86 : memref<1x128xi32, #tpu.memory_space<vmem>> -> memref<128xi32, #tpu.memory_space<vmem>>
    %dma_start3A_88 = arith.constant 0 : i32
    %dma_start3A_89 = arith.constant 0 : i32
    %dma_start3A_90 = tpu.memref_slice %arg2[%dma_start3A_88, %dma_start3A_89] : memref<10000x128xbf16, #tpu.memory_space<hbm>> -> memref<10000x128xbf16, #tpu.memory_space<hbm>>
    tpu.enqueue_indirect_dma source(%dma_start3A_90 : memref<10000x128xbf16, #tpu.memory_space<hbm>>) target(%arg8 : memref<128x128xbf16, #tpu.memory_space<vmem>>) offsets(%dma_start3A_87 : memref<128xi32, #tpu.memory_space<vmem>>) semaphore(%arg13 : memref<!tpu.dma_semaphore, #tpu.memory_space<semaphore_mem>>)
    %dma_start3A_91 = arith.constant 1 : i32
    %dma_start3A_92 = arith.constant 0 : i32
    %dma_start3A_93 = tpu.memref_slice %arg6[%dma_start3A_91, %dma_start3A_92] : memref<32x128xi32, #tpu.memory_space<vmem>> -> memref<1x128xi32, #tpu.memory_space<vmem>>
    %dma_start3A_94 = tpu.memref_squeeze %dma_start3A_93 : memref<1x128xi32, #tpu.memory_space<vmem>> -> memref<128xi32, #tpu.memory_space<vmem>>
    %dma_start3A_95 = arith.constant 0 : i32
    %dma_start3A_96 = arith.constant 0 : i32
    %dma_start3A_97 = tpu.memref_slice %arg2[%dma_start3A_95, %dma_start3A_96] : memref<10000x128xbf16, #tpu.memory_space<hbm>> -> memref<10000x128xbf16, #tpu.memory_space<hbm>>
    tpu.enqueue_indirect_dma source(%dma_start3A_97 : memref<10000x128xbf16, #tpu.memory_space<hbm>>) target(%arg9 : memref<128x128xbf16, #tpu.memory_space<vmem>>) offsets(%dma_start3A_94 : memref<128xi32, #tpu.memory_space<vmem>>) semaphore(%arg14 : memref<!tpu.dma_semaphore, #tpu.memory_space<semaphore_mem>>)
    %dma_start3A_98 = arith.constant 2 : i32
    %dma_start3A_99 = arith.constant 0 : i32
    %dma_start3A_100 = tpu.memref_slice %arg6[%dma_start3A_98, %dma_start3A_99] : memref<32x128xi32, #tpu.memory_space<vmem>> -> memref<1x128xi32, #tpu.memory_space<vmem>>
    %dma_start3A_101 = tpu.memref_squeeze %dma_start3A_100 : memref<1x128xi32, #tpu.memory_space<vmem>> -> memref<128xi32, #tpu.memory_space<vmem>>
    %dma_start3A_102 = arith.constant 0 : i32
    %dma_start3A_103 = arith.constant 0 : i32
    %dma_start3A_104 = tpu.memref_slice %arg2[%dma_start3A_102, %dma_start3A_103] : memref<10000x128xbf16, #tpu.memory_space<hbm>> -> memref<10000x128xbf16, #tpu.memory_space<hbm>>
    tpu.enqueue_indirect_dma source(%dma_start3A_104 : memref<10000x128xbf16, #tpu.memory_space<hbm>>) target(%arg10 : memref<128x128xbf16, #tpu.memory_space<vmem>>) offsets(%dma_start3A_101 : memref<128xi32, #tpu.memory_space<vmem>>) semaphore(%arg15 : memref<!tpu.dma_semaphore, #tpu.memory_space<semaphore_mem>>)
    %scan3A_105 = arith.constant 0 : i32
    %scan3A_106 = arith.constant 0 : i32
    %scan3A_107 = arith.constant 7 : i32
    %scan3A_108 = arith.addi %scan3A_106, %scan3A_107 : i32
    %scan3A_109 = arith.constant 1 : i32
    %scan3A_110 = scf.for %scan3A_264 = %scan3A_106 to %scan3A_108 step %scan3A_109 iter_args(%scan3A_265 = %scan3A_105) -> (i32)  : i32 {
      %mul3A_266 = arith.constant 4 : i32
      %mul3A_267 = arith.muli %mul3A_266, %scan3A_264 : i32
      %add3A_268 = arith.constant 0 : i32
      %add3A_269 = arith.addi %mul3A_267, %add3A_268 : i32
      %dma_wait3A_270 = arith.constant 0 : i32
      %dma_wait3A_271 = tpu.memref_slice %arg6[%add3A_269, %dma_wait3A_270] : memref<32x128xi32, #tpu.memory_space<vmem>> -> memref<1x128xi32, #tpu.memory_space<vmem>>
      %dma_wait3A_272 = tpu.memref_squeeze %dma_wait3A_271 : memref<1x128xi32, #tpu.memory_space<vmem>> -> memref<128xi32, #tpu.memory_space<vmem>>
      %dma_wait3A_273 = arith.constant 0 : i32
      %dma_wait3A_274 = arith.constant 0 : i32
      %dma_wait3A_275 = tpu.memref_slice %arg2[%dma_wait3A_273, %dma_wait3A_274] : memref<10000x128xbf16, #tpu.memory_space<hbm>> -> memref<10000x128xbf16, #tpu.memory_space<hbm>>
      tpu.wait_indirect_dma semaphore(%arg13 : memref<!tpu.dma_semaphore, #tpu.memory_space<semaphore_mem>>) src(%dma_wait3A_275 : memref<10000x128xbf16, #tpu.memory_space<hbm>>) dst(%arg8 : memref<128x128xbf16, #tpu.memory_space<vmem>>)
      %add3A_276 = arith.constant 4 : i32
      %add3A_277 = arith.addi %add3A_269, %add3A_276 : i32
      %sub3A = arith.constant 1 : i32
      %sub3A_278 = arith.subi %add3A_277, %sub3A : i32
      %dma_start3A_279 = arith.constant 0 : i32
      %dma_start3A_280 = tpu.memref_slice %arg6[%sub3A_278, %dma_start3A_279] : memref<32x128xi32, #tpu.memory_space<vmem>> -> memref<1x128xi32, #tpu.memory_space<vmem>>
      %dma_start3A_281 = tpu.memref_squeeze %dma_start3A_280 : memref<1x128xi32, #tpu.memory_space<vmem>> -> memref<128xi32, #tpu.memory_space<vmem>>
      %dma_start3A_282 = arith.constant 0 : i32
      %dma_start3A_283 = arith.constant 0 : i32
      %dma_start3A_284 = tpu.memref_slice %arg2[%dma_start3A_282, %dma_start3A_283] : memref<10000x128xbf16, #tpu.memory_space<hbm>> -> memref<10000x128xbf16, #tpu.memory_space<hbm>>
      tpu.enqueue_indirect_dma source(%dma_start3A_284 : memref<10000x128xbf16, #tpu.memory_space<hbm>>) target(%arg11 : memref<128x128xbf16, #tpu.memory_space<vmem>>) offsets(%dma_start3A_281 : memref<128xi32, #tpu.memory_space<vmem>>) semaphore(%arg16 : memref<!tpu.dma_semaphore, #tpu.memory_space<semaphore_mem>>)
      "tpu.region"() ({
        %run_scoped3A_346 = tpu.sem_alloc : memref<!tpu.dma_semaphore, #tpu.memory_space<semaphore_mem>>
        %dma_start3A_347 = arith.constant 0 : i32
        %dma_start3A_348 = tpu.memref_slice %arg7[%add3A_269, %dma_start3A_347] : memref<32x128xi32, #tpu.memory_space<vmem>> -> memref<1x128xi32, #tpu.memory_space<vmem>>
        %dma_start3A_349 = tpu.memref_squeeze %dma_start3A_348 : memref<1x128xi32, #tpu.memory_space<vmem>> -> memref<128xi32, #tpu.memory_space<vmem>>
        %dma_start3A_350 = arith.constant 0 : i32
        %dma_start3A_351 = arith.constant 0 : i32
        %dma_start3A_352 = tpu.memref_slice %arg12[%dma_start3A_350, %dma_start3A_351] : memref<10112x128xbf16, #tpu.memory_space<vmem_shared>> -> memref<10112x128xbf16, #tpu.memory_space<vmem_shared>>
        tpu.enqueue_indirect_dma source(%arg8 : memref<128x128xbf16, #tpu.memory_space<vmem>>) target(%dma_start3A_352 : memref<10112x128xbf16, #tpu.memory_space<vmem_shared>>) offsets(%dma_start3A_349 : memref<128xi32, #tpu.memory_space<vmem>>) semaphore(%run_scoped3A_346 : memref<!tpu.dma_semaphore, #tpu.memory_space<semaphore_mem>>) {add = true}
        %dma_wait3A_353 = arith.constant 0 : i32
        %dma_wait3A_354 = tpu.memref_slice %arg7[%add3A_269, %dma_wait3A_353] : memref<32x128xi32, #tpu.memory_space<vmem>> -> memref<1x128xi32, #tpu.memory_space<vmem>>
        %dma_wait3A_355 = tpu.memref_squeeze %dma_wait3A_354 : memref<1x128xi32, #tpu.memory_space<vmem>> -> memref<128xi32, #tpu.memory_space<vmem>>
        %dma_wait3A_356 = arith.constant 0 : i32
        %dma_wait3A_357 = arith.constant 0 : i32
        %dma_wait3A_358 = tpu.memref_slice %arg12[%dma_wait3A_356, %dma_wait3A_357] : memref<10112x128xbf16, #tpu.memory_space<vmem_shared>> -> memref<10112x128xbf16, #tpu.memory_space<vmem_shared>>
        tpu.wait_indirect_dma semaphore(%run_scoped3A_346 : memref<!tpu.dma_semaphore, #tpu.memory_space<semaphore_mem>>) src(%arg8 : memref<128x128xbf16, #tpu.memory_space<vmem>>) dst(%dma_wait3A_358 : memref<10112x128xbf16, #tpu.memory_space<vmem_shared>>)
        tpu.yield
      }) : () -> ()
      %mul3A_285 = arith.constant 4 : i32
      %mul3A_286 = arith.muli %mul3A_285, %scan3A_264 : i32
      %add3A_287 = arith.constant 1 : i32
      %add3A_288 = arith.addi %mul3A_286, %add3A_287 : i32
      %dma_wait3A_289 = arith.constant 0 : i32
      %dma_wait3A_290 = tpu.memref_slice %arg6[%add3A_288, %dma_wait3A_289] : memref<32x128xi32, #tpu.memory_space<vmem>> -> memref<1x128xi32, #tpu.memory_space<vmem>>
      %dma_wait3A_291 = tpu.memref_squeeze %dma_wait3A_290 : memref<1x128xi32, #tpu.memory_space<vmem>> -> memref<128xi32, #tpu.memory_space<vmem>>
      %dma_wait3A_292 = arith.constant 0 : i32
      %dma_wait3A_293 = arith.constant 0 : i32
      %dma_wait3A_294 = tpu.memref_slice %arg2[%dma_wait3A_292, %dma_wait3A_293] : memref<10000x128xbf16, #tpu.memory_space<hbm>> -> memref<10000x128xbf16, #tpu.memory_space<hbm>>
      tpu.wait_indirect_dma semaphore(%arg14 : memref<!tpu.dma_semaphore, #tpu.memory_space<semaphore_mem>>) src(%dma_wait3A_294 : memref<10000x128xbf16, #tpu.memory_space<hbm>>) dst(%arg9 : memref<128x128xbf16, #tpu.memory_space<vmem>>)
      %add3A_295 = arith.constant 4 : i32
      %add3A_296 = arith.addi %add3A_288, %add3A_295 : i32
      %sub3A_297 = arith.constant 1 : i32
      %sub3A_298 = arith.subi %add3A_296, %sub3A_297 : i32
      %dma_start3A_299 = arith.constant 0 : i32
      %dma_start3A_300 = tpu.memref_slice %arg6[%sub3A_298, %dma_start3A_299] : memref<32x128xi32, #tpu.memory_space<vmem>> -> memref<1x128xi32, #tpu.memory_space<vmem>>
      %dma_start3A_301 = tpu.memref_squeeze %dma_start3A_300 : memref<1x128xi32, #tpu.memory_space<vmem>> -> memref<128xi32, #tpu.memory_space<vmem>>
      %dma_start3A_302 = arith.constant 0 : i32
      %dma_start3A_303 = arith.constant 0 : i32
      %dma_start3A_304 = tpu.memref_slice %arg2[%dma_start3A_302, %dma_start3A_303] : memref<10000x128xbf16, #tpu.memory_space<hbm>> -> memref<10000x128xbf16, #tpu.memory_space<hbm>>
      tpu.enqueue_indirect_dma source(%dma_start3A_304 : memref<10000x128xbf16, #tpu.memory_space<hbm>>) target(%arg8 : memref<128x128xbf16, #tpu.memory_space<vmem>>) offsets(%dma_start3A_301 : memref<128xi32, #tpu.memory_space<vmem>>) semaphore(%arg13 : memref<!tpu.dma_semaphore, #tpu.memory_space<semaphore_mem>>)
      "tpu.region"() ({
        %run_scoped3A_346 = tpu.sem_alloc : memref<!tpu.dma_semaphore, #tpu.memory_space<semaphore_mem>>
        %dma_start3A_347 = arith.constant 0 : i32
        %dma_start3A_348 = tpu.memref_slice %arg7[%add3A_288, %dma_start3A_347] : memref<32x128xi32, #tpu.memory_space<vmem>> -> memref<1x128xi32, #tpu.memory_space<vmem>>
        %dma_start3A_349 = tpu.memref_squeeze %dma_start3A_348 : memref<1x128xi32, #tpu.memory_space<vmem>> -> memref<128xi32, #tpu.memory_space<vmem>>
        %dma_start3A_350 = arith.constant 0 : i32
        %dma_start3A_351 = arith.constant 0 : i32
        %dma_start3A_352 = tpu.memref_slice %arg12[%dma_start3A_350, %dma_start3A_351] : memref<10112x128xbf16, #tpu.memory_space<vmem_shared>> -> memref<10112x128xbf16, #tpu.memory_space<vmem_shared>>
        tpu.enqueue_indirect_dma source(%arg9 : memref<128x128xbf16, #tpu.memory_space<vmem>>) target(%dma_start3A_352 : memref<10112x128xbf16, #tpu.memory_space<vmem_shared>>) offsets(%dma_start3A_349 : memref<128xi32, #tpu.memory_space<vmem>>) semaphore(%run_scoped3A_346 : memref<!tpu.dma_semaphore, #tpu.memory_space<semaphore_mem>>) {add = true}
        %dma_wait3A_353 = arith.constant 0 : i32
        %dma_wait3A_354 = tpu.memref_slice %arg7[%add3A_288, %dma_wait3A_353] : memref<32x128xi32, #tpu.memory_space<vmem>> -> memref<1x128xi32, #tpu.memory_space<vmem>>
        %dma_wait3A_355 = tpu.memref_squeeze %dma_wait3A_354 : memref<1x128xi32, #tpu.memory_space<vmem>> -> memref<128xi32, #tpu.memory_space<vmem>>
        %dma_wait3A_356 = arith.constant 0 : i32
        %dma_wait3A_357 = arith.constant 0 : i32
        %dma_wait3A_358 = tpu.memref_slice %arg12[%dma_wait3A_356, %dma_wait3A_357] : memref<10112x128xbf16, #tpu.memory_space<vmem_shared>> -> memref<10112x128xbf16, #tpu.memory_space<vmem_shared>>
        tpu.wait_indirect_dma semaphore(%run_scoped3A_346 : memref<!tpu.dma_semaphore, #tpu.memory_space<semaphore_mem>>) src(%arg9 : memref<128x128xbf16, #tpu.memory_space<vmem>>) dst(%dma_wait3A_358 : memref<10112x128xbf16, #tpu.memory_space<vmem_shared>>)
        tpu.yield
      }) : () -> ()
      %mul3A_305 = arith.constant 4 : i32
      %mul3A_306 = arith.muli %mul3A_305, %scan3A_264 : i32
      %add3A_307 = arith.constant 2 : i32
      %add3A_308 = arith.addi %mul3A_306, %add3A_307 : i32
      %dma_wait3A_309 = arith.constant 0 : i32
      %dma_wait3A_310 = tpu.memref_slice %arg6[%add3A_308, %dma_wait3A_309] : memref<32x128xi32, #tpu.memory_space<vmem>> -> memref<1x128xi32, #tpu.memory_space<vmem>>
      %dma_wait3A_311 = tpu.memref_squeeze %dma_wait3A_310 : memref<1x128xi32, #tpu.memory_space<vmem>> -> memref<128xi32, #tpu.memory_space<vmem>>
      %dma_wait3A_312 = arith.constant 0 : i32
      %dma_wait3A_313 = arith.constant 0 : i32
      %dma_wait3A_314 = tpu.memref_slice %arg2[%dma_wait3A_312, %dma_wait3A_313] : memref<10000x128xbf16, #tpu.memory_space<hbm>> -> memref<10000x128xbf16, #tpu.memory_space<hbm>>
      tpu.wait_indirect_dma semaphore(%arg15 : memref<!tpu.dma_semaphore, #tpu.memory_space<semaphore_mem>>) src(%dma_wait3A_314 : memref<10000x128xbf16, #tpu.memory_space<hbm>>) dst(%arg10 : memref<128x128xbf16, #tpu.memory_space<vmem>>)
      %add3A_315 = arith.constant 4 : i32
      %add3A_316 = arith.addi %add3A_308, %add3A_315 : i32
      %sub3A_317 = arith.constant 1 : i32
      %sub3A_318 = arith.subi %add3A_316, %sub3A_317 : i32
      %dma_start3A_319 = arith.constant 0 : i32
      %dma_start3A_320 = tpu.memref_slice %arg6[%sub3A_318, %dma_start3A_319] : memref<32x128xi32, #tpu.memory_space<vmem>> -> memref<1x128xi32, #tpu.memory_space<vmem>>
      %dma_start3A_321 = tpu.memref_squeeze %dma_start3A_320 : memref<1x128xi32, #tpu.memory_space<vmem>> -> memref<128xi32, #tpu.memory_space<vmem>>
      %dma_start3A_322 = arith.constant 0 : i32
      %dma_start3A_323 = arith.constant 0 : i32
      %dma_start3A_324 = tpu.memref_slice %arg2[%dma_start3A_322, %dma_start3A_323] : memref<10000x128xbf16, #tpu.memory_space<hbm>> -> memref<10000x128xbf16, #tpu.memory_space<hbm>>
      tpu.enqueue_indirect_dma source(%dma_start3A_324 : memref<10000x128xbf16, #tpu.memory_space<hbm>>) target(%arg9 : memref<128x128xbf16, #tpu.memory_space<vmem>>) offsets(%dma_start3A_321 : memref<128xi32, #tpu.memory_space<vmem>>) semaphore(%arg14 : memref<!tpu.dma_semaphore, #tpu.memory_space<semaphore_mem>>)
      "tpu.region"() ({
        %run_scoped3A_346 = tpu.sem_alloc : memref<!tpu.dma_semaphore, #tpu.memory_space<semaphore_mem>>
        %dma_start3A_347 = arith.constant 0 : i32
        %dma_start3A_348 = tpu.memref_slice %arg7[%add3A_308, %dma_start3A_347] : memref<32x128xi32, #tpu.memory_space<vmem>> -> memref<1x128xi32, #tpu.memory_space<vmem>>
        %dma_start3A_349 = tpu.memref_squeeze %dma_start3A_348 : memref<1x128xi32, #tpu.memory_space<vmem>> -> memref<128xi32, #tpu.memory_space<vmem>>
        %dma_start3A_350 = arith.constant 0 : i32
        %dma_start3A_351 = arith.constant 0 : i32
        %dma_start3A_352 = tpu.memref_slice %arg12[%dma_start3A_350, %dma_start3A_351] : memref<10112x128xbf16, #tpu.memory_space<vmem_shared>> -> memref<10112x128xbf16, #tpu.memory_space<vmem_shared>>
        tpu.enqueue_indirect_dma source(%arg10 : memref<128x128xbf16, #tpu.memory_space<vmem>>) target(%dma_start3A_352 : memref<10112x128xbf16, #tpu.memory_space<vmem_shared>>) offsets(%dma_start3A_349 : memref<128xi32, #tpu.memory_space<vmem>>) semaphore(%run_scoped3A_346 : memref<!tpu.dma_semaphore, #tpu.memory_space<semaphore_mem>>) {add = true}
        %dma_wait3A_353 = arith.constant 0 : i32
        %dma_wait3A_354 = tpu.memref_slice %arg7[%add3A_308, %dma_wait3A_353] : memref<32x128xi32, #tpu.memory_space<vmem>> -> memref<1x128xi32, #tpu.memory_space<vmem>>
        %dma_wait3A_355 = tpu.memref_squeeze %dma_wait3A_354 : memref<1x128xi32, #tpu.memory_space<vmem>> -> memref<128xi32, #tpu.memory_space<vmem>>
        %dma_wait3A_356 = arith.constant 0 : i32
        %dma_wait3A_357 = arith.constant 0 : i32
        %dma_wait3A_358 = tpu.memref_slice %arg12[%dma_wait3A_356, %dma_wait3A_357] : memref<10112x128xbf16, #tpu.memory_space<vmem_shared>> -> memref<10112x128xbf16, #tpu.memory_space<vmem_shared>>
        tpu.wait_indirect_dma semaphore(%run_scoped3A_346 : memref<!tpu.dma_semaphore, #tpu.memory_space<semaphore_mem>>) src(%arg10 : memref<128x128xbf16, #tpu.memory_space<vmem>>) dst(%dma_wait3A_358 : memref<10112x128xbf16, #tpu.memory_space<vmem_shared>>)
        tpu.yield
      }) : () -> ()
      %mul3A_325 = arith.constant 4 : i32
      %mul3A_326 = arith.muli %mul3A_325, %scan3A_264 : i32
      %add3A_327 = arith.constant 3 : i32
      %add3A_328 = arith.addi %mul3A_326, %add3A_327 : i32
      %dma_wait3A_329 = arith.constant 0 : i32
      %dma_wait3A_330 = tpu.memref_slice %arg6[%add3A_328, %dma_wait3A_329] : memref<32x128xi32, #tpu.memory_space<vmem>> -> memref<1x128xi32, #tpu.memory_space<vmem>>
      %dma_wait3A_331 = tpu.memref_squeeze %dma_wait3A_330 : memref<1x128xi32, #tpu.memory_space<vmem>> -> memref<128xi32, #tpu.memory_space<vmem>>
      %dma_wait3A_332 = arith.constant 0 : i32
      %dma_wait3A_333 = arith.constant 0 : i32
      %dma_wait3A_334 = tpu.memref_slice %arg2[%dma_wait3A_332, %dma_wait3A_333] : memref<10000x128xbf16, #tpu.memory_space<hbm>> -> memref<10000x128xbf16, #tpu.memory_space<hbm>>
      tpu.wait_indirect_dma semaphore(%arg16 : memref<!tpu.dma_semaphore, #tpu.memory_space<semaphore_mem>>) src(%dma_wait3A_334 : memref<10000x128xbf16, #tpu.memory_space<hbm>>) dst(%arg11 : memref<128x128xbf16, #tpu.memory_space<vmem>>)
      %add3A_335 = arith.constant 4 : i32
      %add3A_336 = arith.addi %add3A_328, %add3A_335 : i32
      %sub3A_337 = arith.constant 1 : i32
      %sub3A_338 = arith.subi %add3A_336, %sub3A_337 : i32
      %dma_start3A_339 = arith.constant 0 : i32
      %dma_start3A_340 = tpu.memref_slice %arg6[%sub3A_338, %dma_start3A_339] : memref<32x128xi32, #tpu.memory_space<vmem>> -> memref<1x128xi32, #tpu.memory_space<vmem>>
      %dma_start3A_341 = tpu.memref_squeeze %dma_start3A_340 : memref<1x128xi32, #tpu.memory_space<vmem>> -> memref<128xi32, #tpu.memory_space<vmem>>
      %dma_start3A_342 = arith.constant 0 : i32
      %dma_start3A_343 = arith.constant 0 : i32
      %dma_start3A_344 = tpu.memref_slice %arg2[%dma_start3A_342, %dma_start3A_343] : memref<10000x128xbf16, #tpu.memory_space<hbm>> -> memref<10000x128xbf16, #tpu.memory_space<hbm>>
      tpu.enqueue_indirect_dma source(%dma_start3A_344 : memref<10000x128xbf16, #tpu.memory_space<hbm>>) target(%arg10 : memref<128x128xbf16, #tpu.memory_space<vmem>>) offsets(%dma_start3A_341 : memref<128xi32, #tpu.memory_space<vmem>>) semaphore(%arg15 : memref<!tpu.dma_semaphore, #tpu.memory_space<semaphore_mem>>)
      "tpu.region"() ({
        %run_scoped3A_346 = tpu.sem_alloc : memref<!tpu.dma_semaphore, #tpu.memory_space<semaphore_mem>>
        %dma_start3A_347 = arith.constant 0 : i32
        %dma_start3A_348 = tpu.memref_slice %arg7[%add3A_328, %dma_start3A_347] : memref<32x128xi32, #tpu.memory_space<vmem>> -> memref<1x128xi32, #tpu.memory_space<vmem>>
        %dma_start3A_349 = tpu.memref_squeeze %dma_start3A_348 : memref<1x128xi32, #tpu.memory_space<vmem>> -> memref<128xi32, #tpu.memory_space<vmem>>
        %dma_start3A_350 = arith.constant 0 : i32
        %dma_start3A_351 = arith.constant 0 : i32
        %dma_start3A_352 = tpu.memref_slice %arg12[%dma_start3A_350, %dma_start3A_351] : memref<10112x128xbf16, #tpu.memory_space<vmem_shared>> -> memref<10112x128xbf16, #tpu.memory_space<vmem_shared>>
        tpu.enqueue_indirect_dma source(%arg11 : memref<128x128xbf16, #tpu.memory_space<vmem>>) target(%dma_start3A_352 : memref<10112x128xbf16, #tpu.memory_space<vmem_shared>>) offsets(%dma_start3A_349 : memref<128xi32, #tpu.memory_space<vmem>>) semaphore(%run_scoped3A_346 : memref<!tpu.dma_semaphore, #tpu.memory_space<semaphore_mem>>) {add = true}
        %dma_wait3A_353 = arith.constant 0 : i32
        %dma_wait3A_354 = tpu.memref_slice %arg7[%add3A_328, %dma_wait3A_353] : memref<32x128xi32, #tpu.memory_space<vmem>> -> memref<1x128xi32, #tpu.memory_space<vmem>>
        %dma_wait3A_355 = tpu.memref_squeeze %dma_wait3A_354 : memref<1x128xi32, #tpu.memory_space<vmem>> -> memref<128xi32, #tpu.memory_space<vmem>>
        %dma_wait3A_356 = arith.constant 0 : i32
        %dma_wait3A_357 = arith.constant 0 : i32
        %dma_wait3A_358 = tpu.memref_slice %arg12[%dma_wait3A_356, %dma_wait3A_357] : memref<10112x128xbf16, #tpu.memory_space<vmem_shared>> -> memref<10112x128xbf16, #tpu.memory_space<vmem_shared>>
        tpu.wait_indirect_dma semaphore(%run_scoped3A_346 : memref<!tpu.dma_semaphore, #tpu.memory_space<semaphore_mem>>) src(%arg11 : memref<128x128xbf16, #tpu.memory_space<vmem>>) dst(%dma_wait3A_358 : memref<10112x128xbf16, #tpu.memory_space<vmem_shared>>)
        tpu.yield
      }) : () -> ()
      %scan3A_345 = arith.constant 0 : i32
      scf.yield %scan3A_345 : i32
    }
    %scan3A_111 = arith.constant 7 : i32
    %dma_wait3A_112 = arith.constant 28 : i32
    %dma_wait3A_113 = arith.constant 0 : i32
    %dma_wait3A_114 = tpu.memref_slice %arg6[%dma_wait3A_112, %dma_wait3A_113] : memref<32x128xi32, #tpu.memory_space<vmem>> -> memref<1x128xi32, #tpu.memory_space<vmem>>
    %dma_wait3A_115 = tpu.memref_squeeze %dma_wait3A_114 : memref<1x128xi32, #tpu.memory_space<vmem>> -> memref<128xi32, #tpu.memory_space<vmem>>
    %dma_wait3A_116 = arith.constant 0 : i32
    %dma_wait3A_117 = arith.constant 0 : i32
    %dma_wait3A_118 = tpu.memref_slice %arg2[%dma_wait3A_116, %dma_wait3A_117] : memref<10000x128xbf16, #tpu.memory_space<hbm>> -> memref<10000x128xbf16, #tpu.memory_space<hbm>>
    tpu.wait_indirect_dma semaphore(%arg13 : memref<!tpu.dma_semaphore, #tpu.memory_space<semaphore_mem>>) src(%dma_wait3A_118 : memref<10000x128xbf16, #tpu.memory_space<hbm>>) dst(%arg8 : memref<128x128xbf16, #tpu.memory_space<vmem>>)
    %dma_start3A_119 = arith.constant 31 : i32
    %dma_start3A_120 = arith.constant 0 : i32
    %dma_start3A_121 = tpu.memref_slice %arg6[%dma_start3A_119, %dma_start3A_120] : memref<32x128xi32, #tpu.memory_space<vmem>> -> memref<1x128xi32, #tpu.memory_space<vmem>>
    %dma_start3A_122 = tpu.memref_squeeze %dma_start3A_121 : memref<1x128xi32, #tpu.memory_space<vmem>> -> memref<128xi32, #tpu.memory_space<vmem>>
    %dma_start3A_123 = arith.constant 0 : i32
    %dma_start3A_124 = arith.constant 0 : i32
    %dma_start3A_125 = tpu.memref_slice %arg2[%dma_start3A_123, %dma_start3A_124] : memref<10000x128xbf16, #tpu.memory_space<hbm>> -> memref<10000x128xbf16, #tpu.memory_space<hbm>>
    tpu.enqueue_indirect_dma source(%dma_start3A_125 : memref<10000x128xbf16, #tpu.memory_space<hbm>>) target(%arg11 : memref<128x128xbf16, #tpu.memory_space<vmem>>) offsets(%dma_start3A_122 : memref<128xi32, #tpu.memory_space<vmem>>) semaphore(%arg16 : memref<!tpu.dma_semaphore, #tpu.memory_space<semaphore_mem>>)
    %run_scoped3A_126 = arith.constant 28 : i32
    "tpu.region"() ({
      %run_scoped3A_264 = tpu.sem_alloc : memref<!tpu.dma_semaphore, #tpu.memory_space<semaphore_mem>>
      %dma_start3A_265 = arith.constant 0 : i32
      %dma_start3A_266 = tpu.memref_slice %arg7[%run_scoped3A_126, %dma_start3A_265] : memref<32x128xi32, #tpu.memory_space<vmem>> -> memref<1x128xi32, #tpu.memory_space<vmem>>
      %dma_start3A_267 = tpu.memref_squeeze %dma_start3A_266 : memref<1x128xi32, #tpu.memory_space<vmem>> -> memref<128xi32, #tpu.memory_space<vmem>>
      %dma_start3A_268 = arith.constant 0 : i32
      %dma_start3A_269 = arith.constant 0 : i32
      %dma_start3A_270 = tpu.memref_slice %arg12[%dma_start3A_268, %dma_start3A_269] : memref<10112x128xbf16, #tpu.memory_space<vmem_shared>> -> memref<10112x128xbf16, #tpu.memory_space<vmem_shared>>
      tpu.enqueue_indirect_dma source(%arg8 : memref<128x128xbf16, #tpu.memory_space<vmem>>) target(%dma_start3A_270 : memref<10112x128xbf16, #tpu.memory_space<vmem_shared>>) offsets(%dma_start3A_267 : memref<128xi32, #tpu.memory_space<vmem>>) semaphore(%run_scoped3A_264 : memref<!tpu.dma_semaphore, #tpu.memory_space<semaphore_mem>>) {add = true}
      %dma_wait3A_271 = arith.constant 0 : i32
      %dma_wait3A_272 = tpu.memref_slice %arg7[%run_scoped3A_126, %dma_wait3A_271] : memref<32x128xi32, #tpu.memory_space<vmem>> -> memref<1x128xi32, #tpu.memory_space<vmem>>
      %dma_wait3A_273 = tpu.memref_squeeze %dma_wait3A_272 : memref<1x128xi32, #tpu.memory_space<vmem>> -> memref<128xi32, #tpu.memory_space<vmem>>
      %dma_wait3A_274 = arith.constant 0 : i32
      %dma_wait3A_275 = arith.constant 0 : i32
      %dma_wait3A_276 = tpu.memref_slice %arg12[%dma_wait3A_274, %dma_wait3A_275] : memref<10112x128xbf16, #tpu.memory_space<vmem_shared>> -> memref<10112x128xbf16, #tpu.memory_space<vmem_shared>>
      tpu.wait_indirect_dma semaphore(%run_scoped3A_264 : memref<!tpu.dma_semaphore, #tpu.memory_space<semaphore_mem>>) src(%arg8 : memref<128x128xbf16, #tpu.memory_space<vmem>>) dst(%dma_wait3A_276 : memref<10112x128xbf16, #tpu.memory_space<vmem_shared>>)
      tpu.yield
    }) : () -> ()
    %dma_wait3A_127 = arith.constant 29 : i32
    %dma_wait3A_128 = arith.constant 0 : i32
    %dma_wait3A_129 = tpu.memref_slice %arg6[%dma_wait3A_127, %dma_wait3A_128] : memref<32x128xi32, #tpu.memory_space<vmem>> -> memref<1x128xi32, #tpu.memory_space<vmem>>
    %dma_wait3A_130 = tpu.memref_squeeze %dma_wait3A_129 : memref<1x128xi32, #tpu.memory_space<vmem>> -> memref<128xi32, #tpu.memory_space<vmem>>
    %dma_wait3A_131 = arith.constant 0 : i32
    %dma_wait3A_132 = arith.constant 0 : i32
    %dma_wait3A_133 = tpu.memref_slice %arg2[%dma_wait3A_131, %dma_wait3A_132] : memref<10000x128xbf16, #tpu.memory_space<hbm>> -> memref<10000x128xbf16, #tpu.memory_space<hbm>>
    tpu.wait_indirect_dma semaphore(%arg14 : memref<!tpu.dma_semaphore, #tpu.memory_space<semaphore_mem>>) src(%dma_wait3A_133 : memref<10000x128xbf16, #tpu.memory_space<hbm>>) dst(%arg9 : memref<128x128xbf16, #tpu.memory_space<vmem>>)
    %run_scoped3A_134 = arith.constant 29 : i32
    "tpu.region"() ({
      %run_scoped3A_264 = tpu.sem_alloc : memref<!tpu.dma_semaphore, #tpu.memory_space<semaphore_mem>>
      %dma_start3A_265 = arith.constant 0 : i32
      %dma_start3A_266 = tpu.memref_slice %arg7[%run_scoped3A_134, %dma_start3A_265] : memref<32x128xi32, #tpu.memory_space<vmem>> -> memref<1x128xi32, #tpu.memory_space<vmem>>
      %dma_start3A_267 = tpu.memref_squeeze %dma_start3A_266 : memref<1x128xi32, #tpu.memory_space<vmem>> -> memref<128xi32, #tpu.memory_space<vmem>>
      %dma_start3A_268 = arith.constant 0 : i32
      %dma_start3A_269 = arith.constant 0 : i32
      %dma_start3A_270 = tpu.memref_slice %arg12[%dma_start3A_268, %dma_start3A_269] : memref<10112x128xbf16, #tpu.memory_space<vmem_shared>> -> memref<10112x128xbf16, #tpu.memory_space<vmem_shared>>
      tpu.enqueue_indirect_dma source(%arg9 : memref<128x128xbf16, #tpu.memory_space<vmem>>) target(%dma_start3A_270 : memref<10112x128xbf16, #tpu.memory_space<vmem_shared>>) offsets(%dma_start3A_267 : memref<128xi32, #tpu.memory_space<vmem>>) semaphore(%run_scoped3A_264 : memref<!tpu.dma_semaphore, #tpu.memory_space<semaphore_mem>>) {add = true}
      %dma_wait3A_271 = arith.constant 0 : i32
      %dma_wait3A_272 = tpu.memref_slice %arg7[%run_scoped3A_134, %dma_wait3A_271] : memref<32x128xi32, #tpu.memory_space<vmem>> -> memref<1x128xi32, #tpu.memory_space<vmem>>
      %dma_wait3A_273 = tpu.memref_squeeze %dma_wait3A_272 : memref<1x128xi32, #tpu.memory_space<vmem>> -> memref<128xi32, #tpu.memory_space<vmem>>
      %dma_wait3A_274 = arith.constant 0 : i32
      %dma_wait3A_275 = arith.constant 0 : i32
      %dma_wait3A_276 = tpu.memref_slice %arg12[%dma_wait3A_274, %dma_wait3A_275] : memref<10112x128xbf16, #tpu.memory_space<vmem_shared>> -> memref<10112x128xbf16, #tpu.memory_space<vmem_shared>>
      tpu.wait_indirect_dma semaphore(%run_scoped3A_264 : memref<!tpu.dma_semaphore, #tpu.memory_space<semaphore_mem>>) src(%arg9 : memref<128x128xbf16, #tpu.memory_space<vmem>>) dst(%dma_wait3A_276 : memref<10112x128xbf16, #tpu.memory_space<vmem_shared>>)
      tpu.yield
    }) : () -> ()
    %dma_wait3A_135 = arith.constant 30 : i32
    %dma_wait3A_136 = arith.constant 0 : i32
    %dma_wait3A_137 = tpu.memref_slice %arg6[%dma_wait3A_135, %dma_wait3A_136] : memref<32x128xi32, #tpu.memory_space<vmem>> -> memref<1x128xi32, #tpu.memory_space<vmem>>
    %dma_wait3A_138 = tpu.memref_squeeze %dma_wait3A_137 : memref<1x128xi32, #tpu.memory_space<vmem>> -> memref<128xi32, #tpu.memory_space<vmem>>
    %dma_wait3A_139 = arith.constant 0 : i32
    %dma_wait3A_140 = arith.constant 0 : i32
    %dma_wait3A_141 = tpu.memref_slice %arg2[%dma_wait3A_139, %dma_wait3A_140] : memref<10000x128xbf16, #tpu.memory_space<hbm>> -> memref<10000x128xbf16, #tpu.memory_space<hbm>>
    tpu.wait_indirect_dma semaphore(%arg15 : memref<!tpu.dma_semaphore, #tpu.memory_space<semaphore_mem>>) src(%dma_wait3A_141 : memref<10000x128xbf16, #tpu.memory_space<hbm>>) dst(%arg10 : memref<128x128xbf16, #tpu.memory_space<vmem>>)
    %run_scoped3A_142 = arith.constant 30 : i32
    "tpu.region"() ({
      %run_scoped3A_264 = tpu.sem_alloc : memref<!tpu.dma_semaphore, #tpu.memory_space<semaphore_mem>>
      %dma_start3A_265 = arith.constant 0 : i32
      %dma_start3A_266 = tpu.memref_slice %arg7[%run_scoped3A_142, %dma_start3A_265] : memref<32x128xi32, #tpu.memory_space<vmem>> -> memref<1x128xi32, #tpu.memory_space<vmem>>
      %dma_start3A_267 = tpu.memref_squeeze %dma_start3A_266 : memref<1x128xi32, #tpu.memory_space<vmem>> -> memref<128xi32, #tpu.memory_space<vmem>>
      %dma_start3A_268 = arith.constant 0 : i32
      %dma_start3A_269 = arith.constant 0 : i32
      %dma_start3A_270 = tpu.memref_slice %arg12[%dma_start3A_268, %dma_start3A_269] : memref<10112x128xbf16, #tpu.memory_space<vmem_shared>> -> memref<10112x128xbf16, #tpu.memory_space<vmem_shared>>
      tpu.enqueue_indirect_dma source(%arg10 : memref<128x128xbf16, #tpu.memory_space<vmem>>) target(%dma_start3A_270 : memref<10112x128xbf16, #tpu.memory_space<vmem_shared>>) offsets(%dma_start3A_267 : memref<128xi32, #tpu.memory_space<vmem>>) semaphore(%run_scoped3A_264 : memref<!tpu.dma_semaphore, #tpu.memory_space<semaphore_mem>>) {add = true}
      %dma_wait3A_271 = arith.constant 0 : i32
      %dma_wait3A_272 = tpu.memref_slice %arg7[%run_scoped3A_142, %dma_wait3A_271] : memref<32x128xi32, #tpu.memory_space<vmem>> -> memref<1x128xi32, #tpu.memory_space<vmem>>
      %dma_wait3A_273 = tpu.memref_squeeze %dma_wait3A_272 : memref<1x128xi32, #tpu.memory_space<vmem>> -> memref<128xi32, #tpu.memory_space<vmem>>
      %dma_wait3A_274 = arith.constant 0 : i32
      %dma_wait3A_275 = arith.constant 0 : i32
      %dma_wait3A_276 = tpu.memref_slice %arg12[%dma_wait3A_274, %dma_wait3A_275] : memref<10112x128xbf16, #tpu.memory_space<vmem_shared>> -> memref<10112x128xbf16, #tpu.memory_space<vmem_shared>>
      tpu.wait_indirect_dma semaphore(%run_scoped3A_264 : memref<!tpu.dma_semaphore, #tpu.memory_space<semaphore_mem>>) src(%arg10 : memref<128x128xbf16, #tpu.memory_space<vmem>>) dst(%dma_wait3A_276 : memref<10112x128xbf16, #tpu.memory_space<vmem_shared>>)
      tpu.yield
    }) : () -> ()
    %dma_wait3A_143 = arith.constant 31 : i32
    %dma_wait3A_144 = arith.constant 0 : i32
    %dma_wait3A_145 = tpu.memref_slice %arg6[%dma_wait3A_143, %dma_wait3A_144] : memref<32x128xi32, #tpu.memory_space<vmem>> -> memref<1x128xi32, #tpu.memory_space<vmem>>
    %dma_wait3A_146 = tpu.memref_squeeze %dma_wait3A_145 : memref<1x128xi32, #tpu.memory_space<vmem>> -> memref<128xi32, #tpu.memory_space<vmem>>
    %dma_wait3A_147 = arith.constant 0 : i32
    %dma_wait3A_148 = arith.constant 0 : i32
    %dma_wait3A_149 = tpu.memref_slice %arg2[%dma_wait3A_147, %dma_wait3A_148] : memref<10000x128xbf16, #tpu.memory_space<hbm>> -> memref<10000x128xbf16, #tpu.memory_space<hbm>>
    tpu.wait_indirect_dma semaphore(%arg16 : memref<!tpu.dma_semaphore, #tpu.memory_space<semaphore_mem>>) src(%dma_wait3A_149 : memref<10000x128xbf16, #tpu.memory_space<hbm>>) dst(%arg11 : memref<128x128xbf16, #tpu.memory_space<vmem>>)
    %run_scoped3A_150 = arith.constant 31 : i32
    "tpu.region"() ({
      %run_scoped3A_264 = tpu.sem_alloc : memref<!tpu.dma_semaphore, #tpu.memory_space<semaphore_mem>>
      %dma_start3A_265 = arith.constant 0 : i32
      %dma_start3A_266 = tpu.memref_slice %arg7[%run_scoped3A_150, %dma_start3A_265] : memref<32x128xi32, #tpu.memory_space<vmem>> -> memref<1x128xi32, #tpu.memory_space<vmem>>
      %dma_start3A_267 = tpu.memref_squeeze %dma_start3A_266 : memref<1x128xi32, #tpu.memory_space<vmem>> -> memref<128xi32, #tpu.memory_space<vmem>>
      %dma_start3A_268 = arith.constant 0 : i32
      %dma_start3A_269 = arith.constant 0 : i32
      %dma_start3A_270 = tpu.memref_slice %arg12[%dma_start3A_268, %dma_start3A_269] : memref<10112x128xbf16, #tpu.memory_space<vmem_shared>> -> memref<10112x128xbf16, #tpu.memory_space<vmem_shared>>
      tpu.enqueue_indirect_dma source(%arg11 : memref<128x128xbf16, #tpu.memory_space<vmem>>) target(%dma_start3A_270 : memref<10112x128xbf16, #tpu.memory_space<vmem_shared>>) offsets(%dma_start3A_267 : memref<128xi32, #tpu.memory_space<vmem>>) semaphore(%run_scoped3A_264 : memref<!tpu.dma_semaphore, #tpu.memory_space<semaphore_mem>>) {add = true}
      %dma_wait3A_271 = arith.constant 0 : i32
      %dma_wait3A_272 = tpu.memref_slice %arg7[%run_scoped3A_150, %dma_wait3A_271] : memref<32x128xi32, #tpu.memory_space<vmem>> -> memref<1x128xi32, #tpu.memory_space<vmem>>
      %dma_wait3A_273 = tpu.memref_squeeze %dma_wait3A_272 : memref<1x128xi32, #tpu.memory_space<vmem>> -> memref<128xi32, #tpu.memory_space<vmem>>
      %dma_wait3A_274 = arith.constant 0 : i32
      %dma_wait3A_275 = arith.constant 0 : i32
      %dma_wait3A_276 = tpu.memref_slice %arg12[%dma_wait3A_274, %dma_wait3A_275] : memref<10112x128xbf16, #tpu.memory_space<vmem_shared>> -> memref<10112x128xbf16, #tpu.memory_space<vmem_shared>>
      tpu.wait_indirect_dma semaphore(%run_scoped3A_264 : memref<!tpu.dma_semaphore, #tpu.memory_space<semaphore_mem>>) src(%arg11 : memref<128x128xbf16, #tpu.memory_space<vmem>>) dst(%dma_wait3A_276 : memref<10112x128xbf16, #tpu.memory_space<vmem_shared>>)
      tpu.yield
    }) : () -> ()
    "tpu.region"() ({
      %run_scoped3A_264 = tpu.sem_alloc : memref<!tpu.dma_semaphore, #tpu.memory_space<semaphore_mem>>
      %dma_start3A_265 = arith.constant 0 : i32
      %dma_start3A_266 = arith.constant 0 : i32
      %dma_start3A_267 = tpu.memref_slice %arg6[%dma_start3A_265, %dma_start3A_266] : memref<32x128xi32, #tpu.memory_space<vmem>> -> memref<15x128xi32, #tpu.memory_space<vmem>>
      %dma_start3A_268 = arith.constant 64 : i32
      %dma_start3A_269 = arith.constant 0 : i32
      %dma_start3A_270 = tpu.memref_slice %arg3[%add3A, %dma_start3A_268, %dma_start3A_269] : memref<32x79x128xi32, #tpu.memory_space<hbm>> -> memref<1x15x128xi32, #tpu.memory_space<hbm>>
      %dma_start3A_271 = tpu.memref_squeeze %dma_start3A_270 : memref<1x15x128xi32, #tpu.memory_space<hbm>> -> memref<15x128xi32, #tpu.memory_space<hbm>>
      %dma_start3A_272 = arith.constant 0 : i32
      %dma_start3A_273 = arith.constant 0 : i32
      %dma_start3A_274 = tpu.memref_slice %arg6[%dma_start3A_272, %dma_start3A_273] : memref<32x128xi32, #tpu.memory_space<vmem>> -> memref<15x128xi32, #tpu.memory_space<vmem>>
      %dma_start3A_275 = arith.constant 64 : i32
      %dma_start3A_276 = arith.constant 0 : i32
      %dma_start3A_277 = tpu.memref_slice %arg3[%add3A, %dma_start3A_275, %dma_start3A_276] : memref<32x79x128xi32, #tpu.memory_space<hbm>> -> memref<1x15x128xi32, #tpu.memory_space<hbm>>
      %dma_start3A_278 = tpu.memref_squeeze %dma_start3A_277 : memref<1x15x128xi32, #tpu.memory_space<hbm>> -> memref<15x128xi32, #tpu.memory_space<hbm>>
      tpu.enqueue_dma source(%dma_start3A_278 : memref<15x128xi32, #tpu.memory_space<hbm>>) target(%dma_start3A_274 : memref<15x128xi32, #tpu.memory_space<vmem>>) target_semaphore(%run_scoped3A_264 : memref<!tpu.dma_semaphore, #tpu.memory_space<semaphore_mem>>)
      %dma_wait3A_279 = arith.constant 0 : i32
      %dma_wait3A_280 = arith.constant 0 : i32
      %dma_wait3A_281 = tpu.memref_slice %arg6[%dma_wait3A_279, %dma_wait3A_280] : memref<32x128xi32, #tpu.memory_space<vmem>> -> memref<15x128xi32, #tpu.memory_space<vmem>>
      %dma_wait3A_282 = arith.constant 64 : i32
      %dma_wait3A_283 = arith.constant 0 : i32
      %dma_wait3A_284 = tpu.memref_slice %arg3[%add3A, %dma_wait3A_282, %dma_wait3A_283] : memref<32x79x128xi32, #tpu.memory_space<hbm>> -> memref<1x15x128xi32, #tpu.memory_space<hbm>>
      %dma_wait3A_285 = tpu.memref_squeeze %dma_wait3A_284 : memref<1x15x128xi32, #tpu.memory_space<hbm>> -> memref<15x128xi32, #tpu.memory_space<hbm>>
      %dma_wait3A_286 = arith.constant 0 : i32
      %dma_wait3A_287 = arith.constant 0 : i32
      %dma_wait3A_288 = tpu.memref_slice %arg6[%dma_wait3A_286, %dma_wait3A_287] : memref<32x128xi32, #tpu.memory_space<vmem>> -> memref<15x128xi32, #tpu.memory_space<vmem>>
      %dma_wait3A_289 = arith.constant 64 : i32
      %dma_wait3A_290 = arith.constant 0 : i32
      %dma_wait3A_291 = tpu.memref_slice %arg3[%add3A, %dma_wait3A_289, %dma_wait3A_290] : memref<32x79x128xi32, #tpu.memory_space<hbm>> -> memref<1x15x128xi32, #tpu.memory_space<hbm>>
      %dma_wait3A_292 = tpu.memref_squeeze %dma_wait3A_291 : memref<1x15x128xi32, #tpu.memory_space<hbm>> -> memref<15x128xi32, #tpu.memory_space<hbm>>
      tpu.wait_dma2 semaphore(%run_scoped3A_264 : memref<!tpu.dma_semaphore, #tpu.memory_space<semaphore_mem>>) src(%dma_wait3A_292 : memref<15x128xi32, #tpu.memory_space<hbm>>) dst(%dma_wait3A_288 : memref<15x128xi32, #tpu.memory_space<vmem>>)
      tpu.yield
    }) : () -> ()
    "tpu.region"() ({
      %run_scoped3A_264 = tpu.sem_alloc : memref<!tpu.dma_semaphore, #tpu.memory_space<semaphore_mem>>
      %dma_start3A_265 = arith.constant 0 : i32
      %dma_start3A_266 = arith.constant 0 : i32
      %dma_start3A_267 = tpu.memref_slice %arg7[%dma_start3A_265, %dma_start3A_266] : memref<32x128xi32, #tpu.memory_space<vmem>> -> memref<15x128xi32, #tpu.memory_space<vmem>>
      %dma_start3A_268 = arith.constant 64 : i32
      %dma_start3A_269 = arith.constant 0 : i32
      %dma_start3A_270 = tpu.memref_slice %arg4[%add3A, %dma_start3A_268, %dma_start3A_269] : memref<32x79x128xi32, #tpu.memory_space<hbm>> -> memref<1x15x128xi32, #tpu.memory_space<hbm>>
      %dma_start3A_271 = tpu.memref_squeeze %dma_start3A_270 : memref<1x15x128xi32, #tpu.memory_space<hbm>> -> memref<15x128xi32, #tpu.memory_space<hbm>>
      %dma_start3A_272 = arith.constant 0 : i32
      %dma_start3A_273 = arith.constant 0 : i32
      %dma_start3A_274 = tpu.memref_slice %arg7[%dma_start3A_272, %dma_start3A_273] : memref<32x128xi32, #tpu.memory_space<vmem>> -> memref<15x128xi32, #tpu.memory_space<vmem>>
      %dma_start3A_275 = arith.constant 64 : i32
      %dma_start3A_276 = arith.constant 0 : i32
      %dma_start3A_277 = tpu.memref_slice %arg4[%add3A, %dma_start3A_275, %dma_start3A_276] : memref<32x79x128xi32, #tpu.memory_space<hbm>> -> memref<1x15x128xi32, #tpu.memory_space<hbm>>
      %dma_start3A_278 = tpu.memref_squeeze %dma_start3A_277 : memref<1x15x128xi32, #tpu.memory_space<hbm>> -> memref<15x128xi32, #tpu.memory_space<hbm>>
      tpu.enqueue_dma source(%dma_start3A_278 : memref<15x128xi32, #tpu.memory_space<hbm>>) target(%dma_start3A_274 : memref<15x128xi32, #tpu.memory_space<vmem>>) target_semaphore(%run_scoped3A_264 : memref<!tpu.dma_semaphore, #tpu.memory_space<semaphore_mem>>)
      %dma_wait3A_279 = arith.constant 0 : i32
      %dma_wait3A_280 = arith.constant 0 : i32
      %dma_wait3A_281 = tpu.memref_slice %arg7[%dma_wait3A_279, %dma_wait3A_280] : memref<32x128xi32, #tpu.memory_space<vmem>> -> memref<15x128xi32, #tpu.memory_space<vmem>>
      %dma_wait3A_282 = arith.constant 64 : i32
      %dma_wait3A_283 = arith.constant 0 : i32
      %dma_wait3A_284 = tpu.memref_slice %arg4[%add3A, %dma_wait3A_282, %dma_wait3A_283] : memref<32x79x128xi32, #tpu.memory_space<hbm>> -> memref<1x15x128xi32, #tpu.memory_space<hbm>>
      %dma_wait3A_285 = tpu.memref_squeeze %dma_wait3A_284 : memref<1x15x128xi32, #tpu.memory_space<hbm>> -> memref<15x128xi32, #tpu.memory_space<hbm>>
      %dma_wait3A_286 = arith.constant 0 : i32
      %dma_wait3A_287 = arith.constant 0 : i32
      %dma_wait3A_288 = tpu.memref_slice %arg7[%dma_wait3A_286, %dma_wait3A_287] : memref<32x128xi32, #tpu.memory_space<vmem>> -> memref<15x128xi32, #tpu.memory_space<vmem>>
      %dma_wait3A_289 = arith.constant 64 : i32
      %dma_wait3A_290 = arith.constant 0 : i32
      %dma_wait3A_291 = tpu.memref_slice %arg4[%add3A, %dma_wait3A_289, %dma_wait3A_290] : memref<32x79x128xi32, #tpu.memory_space<hbm>> -> memref<1x15x128xi32, #tpu.memory_space<hbm>>
      %dma_wait3A_292 = tpu.memref_squeeze %dma_wait3A_291 : memref<1x15x128xi32, #tpu.memory_space<hbm>> -> memref<15x128xi32, #tpu.memory_space<hbm>>
      tpu.wait_dma2 semaphore(%run_scoped3A_264 : memref<!tpu.dma_semaphore, #tpu.memory_space<semaphore_mem>>) src(%dma_wait3A_292 : memref<15x128xi32, #tpu.memory_space<hbm>>) dst(%dma_wait3A_288 : memref<15x128xi32, #tpu.memory_space<vmem>>)
      tpu.yield
    }) : () -> ()
    %dma_start3A_151 = arith.constant 0 : i32
    %dma_start3A_152 = arith.constant 0 : i32
    %dma_start3A_153 = tpu.memref_slice %arg6[%dma_start3A_151, %dma_start3A_152] : memref<32x128xi32, #tpu.memory_space<vmem>> -> memref<1x128xi32, #tpu.memory_space<vmem>>
    %dma_start3A_154 = tpu.memref_squeeze %dma_start3A_153 : memref<1x128xi32, #tpu.memory_space<vmem>> -> memref<128xi32, #tpu.memory_space<vmem>>
    %dma_start3A_155 = arith.constant 0 : i32
    %dma_start3A_156 = arith.constant 0 : i32
    %dma_start3A_157 = tpu.memref_slice %arg2[%dma_start3A_155, %dma_start3A_156] : memref<10000x128xbf16, #tpu.memory_space<hbm>> -> memref<10000x128xbf16, #tpu.memory_space<hbm>>
    tpu.enqueue_indirect_dma source(%dma_start3A_157 : memref<10000x128xbf16, #tpu.memory_space<hbm>>) target(%arg8 : memref<128x128xbf16, #tpu.memory_space<vmem>>) offsets(%dma_start3A_154 : memref<128xi32, #tpu.memory_space<vmem>>) semaphore(%arg13 : memref<!tpu.dma_semaphore, #tpu.memory_space<semaphore_mem>>)
    %dma_start3A_158 = arith.constant 1 : i32
    %dma_start3A_159 = arith.constant 0 : i32
    %dma_start3A_160 = tpu.memref_slice %arg6[%dma_start3A_158, %dma_start3A_159] : memref<32x128xi32, #tpu.memory_space<vmem>> -> memref<1x128xi32, #tpu.memory_space<vmem>>
    %dma_start3A_161 = tpu.memref_squeeze %dma_start3A_160 : memref<1x128xi32, #tpu.memory_space<vmem>> -> memref<128xi32, #tpu.memory_space<vmem>>
    %dma_start3A_162 = arith.constant 0 : i32
    %dma_start3A_163 = arith.constant 0 : i32
    %dma_start3A_164 = tpu.memref_slice %arg2[%dma_start3A_162, %dma_start3A_163] : memref<10000x128xbf16, #tpu.memory_space<hbm>> -> memref<10000x128xbf16, #tpu.memory_space<hbm>>
    tpu.enqueue_indirect_dma source(%dma_start3A_164 : memref<10000x128xbf16, #tpu.memory_space<hbm>>) target(%arg9 : memref<128x128xbf16, #tpu.memory_space<vmem>>) offsets(%dma_start3A_161 : memref<128xi32, #tpu.memory_space<vmem>>) semaphore(%arg14 : memref<!tpu.dma_semaphore, #tpu.memory_space<semaphore_mem>>)
    %dma_start3A_165 = arith.constant 2 : i32
    %dma_start3A_166 = arith.constant 0 : i32
    %dma_start3A_167 = tpu.memref_slice %arg6[%dma_start3A_165, %dma_start3A_166] : memref<32x128xi32, #tpu.memory_space<vmem>> -> memref<1x128xi32, #tpu.memory_space<vmem>>
    %dma_start3A_168 = tpu.memref_squeeze %dma_start3A_167 : memref<1x128xi32, #tpu.memory_space<vmem>> -> memref<128xi32, #tpu.memory_space<vmem>>
    %dma_start3A_169 = arith.constant 0 : i32
    %dma_start3A_170 = arith.constant 0 : i32
    %dma_start3A_171 = tpu.memref_slice %arg2[%dma_start3A_169, %dma_start3A_170] : memref<10000x128xbf16, #tpu.memory_space<hbm>> -> memref<10000x128xbf16, #tpu.memory_space<hbm>>
    tpu.enqueue_indirect_dma source(%dma_start3A_171 : memref<10000x128xbf16, #tpu.memory_space<hbm>>) target(%arg10 : memref<128x128xbf16, #tpu.memory_space<vmem>>) offsets(%dma_start3A_168 : memref<128xi32, #tpu.memory_space<vmem>>) semaphore(%arg15 : memref<!tpu.dma_semaphore, #tpu.memory_space<semaphore_mem>>)
    %scan3A_172 = arith.constant 0 : i32
    %scan3A_173 = arith.constant 0 : i32
    %scan3A_174 = arith.constant 2 : i32
    %scan3A_175 = arith.addi %scan3A_173, %scan3A_174 : i32
    %scan3A_176 = arith.constant 1 : i32
    %scan3A_177 = scf.for %scan3A_264 = %scan3A_173 to %scan3A_175 step %scan3A_176 iter_args(%scan3A_265 = %scan3A_172) -> (i32)  : i32 {
      %mul3A_266 = arith.constant 4 : i32
      %mul3A_267 = arith.muli %mul3A_266, %scan3A_264 : i32
      %add3A_268 = arith.constant 0 : i32
      %add3A_269 = arith.addi %mul3A_267, %add3A_268 : i32
      %dma_wait3A_270 = arith.constant 0 : i32
      %dma_wait3A_271 = tpu.memref_slice %arg6[%add3A_269, %dma_wait3A_270] : memref<32x128xi32, #tpu.memory_space<vmem>> -> memref<1x128xi32, #tpu.memory_space<vmem>>
      %dma_wait3A_272 = tpu.memref_squeeze %dma_wait3A_271 : memref<1x128xi32, #tpu.memory_space<vmem>> -> memref<128xi32, #tpu.memory_space<vmem>>
      %dma_wait3A_273 = arith.constant 0 : i32
      %dma_wait3A_274 = arith.constant 0 : i32
      %dma_wait3A_275 = tpu.memref_slice %arg2[%dma_wait3A_273, %dma_wait3A_274] : memref<10000x128xbf16, #tpu.memory_space<hbm>> -> memref<10000x128xbf16, #tpu.memory_space<hbm>>
      tpu.wait_indirect_dma semaphore(%arg13 : memref<!tpu.dma_semaphore, #tpu.memory_space<semaphore_mem>>) src(%dma_wait3A_275 : memref<10000x128xbf16, #tpu.memory_space<hbm>>) dst(%arg8 : memref<128x128xbf16, #tpu.memory_space<vmem>>)
      %add3A_276 = arith.constant 4 : i32
      %add3A_277 = arith.addi %add3A_269, %add3A_276 : i32
      %sub3A = arith.constant 1 : i32
      %sub3A_278 = arith.subi %add3A_277, %sub3A : i32
      %dma_start3A_279 = arith.constant 0 : i32
      %dma_start3A_280 = tpu.memref_slice %arg6[%sub3A_278, %dma_start3A_279] : memref<32x128xi32, #tpu.memory_space<vmem>> -> memref<1x128xi32, #tpu.memory_space<vmem>>
      %dma_start3A_281 = tpu.memref_squeeze %dma_start3A_280 : memref<1x128xi32, #tpu.memory_space<vmem>> -> memref<128xi32, #tpu.memory_space<vmem>>
      %dma_start3A_282 = arith.constant 0 : i32
      %dma_start3A_283 = arith.constant 0 : i32
      %dma_start3A_284 = tpu.memref_slice %arg2[%dma_start3A_282, %dma_start3A_283] : memref<10000x128xbf16, #tpu.memory_space<hbm>> -> memref<10000x128xbf16, #tpu.memory_space<hbm>>
      tpu.enqueue_indirect_dma source(%dma_start3A_284 : memref<10000x128xbf16, #tpu.memory_space<hbm>>) target(%arg11 : memref<128x128xbf16, #tpu.memory_space<vmem>>) offsets(%dma_start3A_281 : memref<128xi32, #tpu.memory_space<vmem>>) semaphore(%arg16 : memref<!tpu.dma_semaphore, #tpu.memory_space<semaphore_mem>>)
      "tpu.region"() ({
        %run_scoped3A_346 = tpu.sem_alloc : memref<!tpu.dma_semaphore, #tpu.memory_space<semaphore_mem>>
        %dma_start3A_347 = arith.constant 0 : i32
        %dma_start3A_348 = tpu.memref_slice %arg7[%add3A_269, %dma_start3A_347] : memref<32x128xi32, #tpu.memory_space<vmem>> -> memref<1x128xi32, #tpu.memory_space<vmem>>
        %dma_start3A_349 = tpu.memref_squeeze %dma_start3A_348 : memref<1x128xi32, #tpu.memory_space<vmem>> -> memref<128xi32, #tpu.memory_space<vmem>>
        %dma_start3A_350 = arith.constant 0 : i32
        %dma_start3A_351 = arith.constant 0 : i32
        %dma_start3A_352 = tpu.memref_slice %arg12[%dma_start3A_350, %dma_start3A_351] : memref<10112x128xbf16, #tpu.memory_space<vmem_shared>> -> memref<10112x128xbf16, #tpu.memory_space<vmem_shared>>
        tpu.enqueue_indirect_dma source(%arg8 : memref<128x128xbf16, #tpu.memory_space<vmem>>) target(%dma_start3A_352 : memref<10112x128xbf16, #tpu.memory_space<vmem_shared>>) offsets(%dma_start3A_349 : memref<128xi32, #tpu.memory_space<vmem>>) semaphore(%run_scoped3A_346 : memref<!tpu.dma_semaphore, #tpu.memory_space<semaphore_mem>>) {add = true}
        %dma_wait3A_353 = arith.constant 0 : i32
        %dma_wait3A_354 = tpu.memref_slice %arg7[%add3A_269, %dma_wait3A_353] : memref<32x128xi32, #tpu.memory_space<vmem>> -> memref<1x128xi32, #tpu.memory_space<vmem>>
        %dma_wait3A_355 = tpu.memref_squeeze %dma_wait3A_354 : memref<1x128xi32, #tpu.memory_space<vmem>> -> memref<128xi32, #tpu.memory_space<vmem>>
        %dma_wait3A_356 = arith.constant 0 : i32
        %dma_wait3A_357 = arith.constant 0 : i32
        %dma_wait3A_358 = tpu.memref_slice %arg12[%dma_wait3A_356, %dma_wait3A_357] : memref<10112x128xbf16, #tpu.memory_space<vmem_shared>> -> memref<10112x128xbf16, #tpu.memory_space<vmem_shared>>
        tpu.wait_indirect_dma semaphore(%run_scoped3A_346 : memref<!tpu.dma_semaphore, #tpu.memory_space<semaphore_mem>>) src(%arg8 : memref<128x128xbf16, #tpu.memory_space<vmem>>) dst(%dma_wait3A_358 : memref<10112x128xbf16, #tpu.memory_space<vmem_shared>>)
        tpu.yield
      }) : () -> ()
      %mul3A_285 = arith.constant 4 : i32
      %mul3A_286 = arith.muli %mul3A_285, %scan3A_264 : i32
      %add3A_287 = arith.constant 1 : i32
      %add3A_288 = arith.addi %mul3A_286, %add3A_287 : i32
      %dma_wait3A_289 = arith.constant 0 : i32
      %dma_wait3A_290 = tpu.memref_slice %arg6[%add3A_288, %dma_wait3A_289] : memref<32x128xi32, #tpu.memory_space<vmem>> -> memref<1x128xi32, #tpu.memory_space<vmem>>
      %dma_wait3A_291 = tpu.memref_squeeze %dma_wait3A_290 : memref<1x128xi32, #tpu.memory_space<vmem>> -> memref<128xi32, #tpu.memory_space<vmem>>
      %dma_wait3A_292 = arith.constant 0 : i32
      %dma_wait3A_293 = arith.constant 0 : i32
      %dma_wait3A_294 = tpu.memref_slice %arg2[%dma_wait3A_292, %dma_wait3A_293] : memref<10000x128xbf16, #tpu.memory_space<hbm>> -> memref<10000x128xbf16, #tpu.memory_space<hbm>>
      tpu.wait_indirect_dma semaphore(%arg14 : memref<!tpu.dma_semaphore, #tpu.memory_space<semaphore_mem>>) src(%dma_wait3A_294 : memref<10000x128xbf16, #tpu.memory_space<hbm>>) dst(%arg9 : memref<128x128xbf16, #tpu.memory_space<vmem>>)
      %add3A_295 = arith.constant 4 : i32
      %add3A_296 = arith.addi %add3A_288, %add3A_295 : i32
      %sub3A_297 = arith.constant 1 : i32
      %sub3A_298 = arith.subi %add3A_296, %sub3A_297 : i32
      %dma_start3A_299 = arith.constant 0 : i32
      %dma_start3A_300 = tpu.memref_slice %arg6[%sub3A_298, %dma_start3A_299] : memref<32x128xi32, #tpu.memory_space<vmem>> -> memref<1x128xi32, #tpu.memory_space<vmem>>
      %dma_start3A_301 = tpu.memref_squeeze %dma_start3A_300 : memref<1x128xi32, #tpu.memory_space<vmem>> -> memref<128xi32, #tpu.memory_space<vmem>>
      %dma_start3A_302 = arith.constant 0 : i32
      %dma_start3A_303 = arith.constant 0 : i32
      %dma_start3A_304 = tpu.memref_slice %arg2[%dma_start3A_302, %dma_start3A_303] : memref<10000x128xbf16, #tpu.memory_space<hbm>> -> memref<10000x128xbf16, #tpu.memory_space<hbm>>
      tpu.enqueue_indirect_dma source(%dma_start3A_304 : memref<10000x128xbf16, #tpu.memory_space<hbm>>) target(%arg8 : memref<128x128xbf16, #tpu.memory_space<vmem>>) offsets(%dma_start3A_301 : memref<128xi32, #tpu.memory_space<vmem>>) semaphore(%arg13 : memref<!tpu.dma_semaphore, #tpu.memory_space<semaphore_mem>>)
      "tpu.region"() ({
        %run_scoped3A_346 = tpu.sem_alloc : memref<!tpu.dma_semaphore, #tpu.memory_space<semaphore_mem>>
        %dma_start3A_347 = arith.constant 0 : i32
        %dma_start3A_348 = tpu.memref_slice %arg7[%add3A_288, %dma_start3A_347] : memref<32x128xi32, #tpu.memory_space<vmem>> -> memref<1x128xi32, #tpu.memory_space<vmem>>
        %dma_start3A_349 = tpu.memref_squeeze %dma_start3A_348 : memref<1x128xi32, #tpu.memory_space<vmem>> -> memref<128xi32, #tpu.memory_space<vmem>>
        %dma_start3A_350 = arith.constant 0 : i32
        %dma_start3A_351 = arith.constant 0 : i32
        %dma_start3A_352 = tpu.memref_slice %arg12[%dma_start3A_350, %dma_start3A_351] : memref<10112x128xbf16, #tpu.memory_space<vmem_shared>> -> memref<10112x128xbf16, #tpu.memory_space<vmem_shared>>
        tpu.enqueue_indirect_dma source(%arg9 : memref<128x128xbf16, #tpu.memory_space<vmem>>) target(%dma_start3A_352 : memref<10112x128xbf16, #tpu.memory_space<vmem_shared>>) offsets(%dma_start3A_349 : memref<128xi32, #tpu.memory_space<vmem>>) semaphore(%run_scoped3A_346 : memref<!tpu.dma_semaphore, #tpu.memory_space<semaphore_mem>>) {add = true}
        %dma_wait3A_353 = arith.constant 0 : i32
        %dma_wait3A_354 = tpu.memref_slice %arg7[%add3A_288, %dma_wait3A_353] : memref<32x128xi32, #tpu.memory_space<vmem>> -> memref<1x128xi32, #tpu.memory_space<vmem>>
        %dma_wait3A_355 = tpu.memref_squeeze %dma_wait3A_354 : memref<1x128xi32, #tpu.memory_space<vmem>> -> memref<128xi32, #tpu.memory_space<vmem>>
        %dma_wait3A_356 = arith.constant 0 : i32
        %dma_wait3A_357 = arith.constant 0 : i32
        %dma_wait3A_358 = tpu.memref_slice %arg12[%dma_wait3A_356, %dma_wait3A_357] : memref<10112x128xbf16, #tpu.memory_space<vmem_shared>> -> memref<10112x128xbf16, #tpu.memory_space<vmem_shared>>
        tpu.wait_indirect_dma semaphore(%run_scoped3A_346 : memref<!tpu.dma_semaphore, #tpu.memory_space<semaphore_mem>>) src(%arg9 : memref<128x128xbf16, #tpu.memory_space<vmem>>) dst(%dma_wait3A_358 : memref<10112x128xbf16, #tpu.memory_space<vmem_shared>>)
        tpu.yield
      }) : () -> ()
      %mul3A_305 = arith.constant 4 : i32
      %mul3A_306 = arith.muli %mul3A_305, %scan3A_264 : i32
      %add3A_307 = arith.constant 2 : i32
      %add3A_308 = arith.addi %mul3A_306, %add3A_307 : i32
      %dma_wait3A_309 = arith.constant 0 : i32
      %dma_wait3A_310 = tpu.memref_slice %arg6[%add3A_308, %dma_wait3A_309] : memref<32x128xi32, #tpu.memory_space<vmem>> -> memref<1x128xi32, #tpu.memory_space<vmem>>
      %dma_wait3A_311 = tpu.memref_squeeze %dma_wait3A_310 : memref<1x128xi32, #tpu.memory_space<vmem>> -> memref<128xi32, #tpu.memory_space<vmem>>
      %dma_wait3A_312 = arith.constant 0 : i32
      %dma_wait3A_313 = arith.constant 0 : i32
      %dma_wait3A_314 = tpu.memref_slice %arg2[%dma_wait3A_312, %dma_wait3A_313] : memref<10000x128xbf16, #tpu.memory_space<hbm>> -> memref<10000x128xbf16, #tpu.memory_space<hbm>>
      tpu.wait_indirect_dma semaphore(%arg15 : memref<!tpu.dma_semaphore, #tpu.memory_space<semaphore_mem>>) src(%dma_wait3A_314 : memref<10000x128xbf16, #tpu.memory_space<hbm>>) dst(%arg10 : memref<128x128xbf16, #tpu.memory_space<vmem>>)
      %add3A_315 = arith.constant 4 : i32
      %add3A_316 = arith.addi %add3A_308, %add3A_315 : i32
      %sub3A_317 = arith.constant 1 : i32
      %sub3A_318 = arith.subi %add3A_316, %sub3A_317 : i32
      %dma_start3A_319 = arith.constant 0 : i32
      %dma_start3A_320 = tpu.memref_slice %arg6[%sub3A_318, %dma_start3A_319] : memref<32x128xi32, #tpu.memory_space<vmem>> -> memref<1x128xi32, #tpu.memory_space<vmem>>
      %dma_start3A_321 = tpu.memref_squeeze %dma_start3A_320 : memref<1x128xi32, #tpu.memory_space<vmem>> -> memref<128xi32, #tpu.memory_space<vmem>>
      %dma_start3A_322 = arith.constant 0 : i32
      %dma_start3A_323 = arith.constant 0 : i32
      %dma_start3A_324 = tpu.memref_slice %arg2[%dma_start3A_322, %dma_start3A_323] : memref<10000x128xbf16, #tpu.memory_space<hbm>> -> memref<10000x128xbf16, #tpu.memory_space<hbm>>
      tpu.enqueue_indirect_dma source(%dma_start3A_324 : memref<10000x128xbf16, #tpu.memory_space<hbm>>) target(%arg9 : memref<128x128xbf16, #tpu.memory_space<vmem>>) offsets(%dma_start3A_321 : memref<128xi32, #tpu.memory_space<vmem>>) semaphore(%arg14 : memref<!tpu.dma_semaphore, #tpu.memory_space<semaphore_mem>>)
      "tpu.region"() ({
        %run_scoped3A_346 = tpu.sem_alloc : memref<!tpu.dma_semaphore, #tpu.memory_space<semaphore_mem>>
        %dma_start3A_347 = arith.constant 0 : i32
        %dma_start3A_348 = tpu.memref_slice %arg7[%add3A_308, %dma_start3A_347] : memref<32x128xi32, #tpu.memory_space<vmem>> -> memref<1x128xi32, #tpu.memory_space<vmem>>
        %dma_start3A_349 = tpu.memref_squeeze %dma_start3A_348 : memref<1x128xi32, #tpu.memory_space<vmem>> -> memref<128xi32, #tpu.memory_space<vmem>>
        %dma_start3A_350 = arith.constant 0 : i32
        %dma_start3A_351 = arith.constant 0 : i32
        %dma_start3A_352 = tpu.memref_slice %arg12[%dma_start3A_350, %dma_start3A_351] : memref<10112x128xbf16, #tpu.memory_space<vmem_shared>> -> memref<10112x128xbf16, #tpu.memory_space<vmem_shared>>
        tpu.enqueue_indirect_dma source(%arg10 : memref<128x128xbf16, #tpu.memory_space<vmem>>) target(%dma_start3A_352 : memref<10112x128xbf16, #tpu.memory_space<vmem_shared>>) offsets(%dma_start3A_349 : memref<128xi32, #tpu.memory_space<vmem>>) semaphore(%run_scoped3A_346 : memref<!tpu.dma_semaphore, #tpu.memory_space<semaphore_mem>>) {add = true}
        %dma_wait3A_353 = arith.constant 0 : i32
        %dma_wait3A_354 = tpu.memref_slice %arg7[%add3A_308, %dma_wait3A_353] : memref<32x128xi32, #tpu.memory_space<vmem>> -> memref<1x128xi32, #tpu.memory_space<vmem>>
        %dma_wait3A_355 = tpu.memref_squeeze %dma_wait3A_354 : memref<1x128xi32, #tpu.memory_space<vmem>> -> memref<128xi32, #tpu.memory_space<vmem>>
        %dma_wait3A_356 = arith.constant 0 : i32
        %dma_wait3A_357 = arith.constant 0 : i32
        %dma_wait3A_358 = tpu.memref_slice %arg12[%dma_wait3A_356, %dma_wait3A_357] : memref<10112x128xbf16, #tpu.memory_space<vmem_shared>> -> memref<10112x128xbf16, #tpu.memory_space<vmem_shared>>
        tpu.wait_indirect_dma semaphore(%run_scoped3A_346 : memref<!tpu.dma_semaphore, #tpu.memory_space<semaphore_mem>>) src(%arg10 : memref<128x128xbf16, #tpu.memory_space<vmem>>) dst(%dma_wait3A_358 : memref<10112x128xbf16, #tpu.memory_space<vmem_shared>>)
        tpu.yield
      }) : () -> ()
      %mul3A_325 = arith.constant 4 : i32
      %mul3A_326 = arith.muli %mul3A_325, %scan3A_264 : i32
      %add3A_327 = arith.constant 3 : i32
      %add3A_328 = arith.addi %mul3A_326, %add3A_327 : i32
      %dma_wait3A_329 = arith.constant 0 : i32
      %dma_wait3A_330 = tpu.memref_slice %arg6[%add3A_328, %dma_wait3A_329] : memref<32x128xi32, #tpu.memory_space<vmem>> -> memref<1x128xi32, #tpu.memory_space<vmem>>
      %dma_wait3A_331 = tpu.memref_squeeze %dma_wait3A_330 : memref<1x128xi32, #tpu.memory_space<vmem>> -> memref<128xi32, #tpu.memory_space<vmem>>
      %dma_wait3A_332 = arith.constant 0 : i32
      %dma_wait3A_333 = arith.constant 0 : i32
      %dma_wait3A_334 = tpu.memref_slice %arg2[%dma_wait3A_332, %dma_wait3A_333] : memref<10000x128xbf16, #tpu.memory_space<hbm>> -> memref<10000x128xbf16, #tpu.memory_space<hbm>>
      tpu.wait_indirect_dma semaphore(%arg16 : memref<!tpu.dma_semaphore, #tpu.memory_space<semaphore_mem>>) src(%dma_wait3A_334 : memref<10000x128xbf16, #tpu.memory_space<hbm>>) dst(%arg11 : memref<128x128xbf16, #tpu.memory_space<vmem>>)
      %add3A_335 = arith.constant 4 : i32
      %add3A_336 = arith.addi %add3A_328, %add3A_335 : i32
      %sub3A_337 = arith.constant 1 : i32
      %sub3A_338 = arith.subi %add3A_336, %sub3A_337 : i32
      %dma_start3A_339 = arith.constant 0 : i32
      %dma_start3A_340 = tpu.memref_slice %arg6[%sub3A_338, %dma_start3A_339] : memref<32x128xi32, #tpu.memory_space<vmem>> -> memref<1x128xi32, #tpu.memory_space<vmem>>
      %dma_start3A_341 = tpu.memref_squeeze %dma_start3A_340 : memref<1x128xi32, #tpu.memory_space<vmem>> -> memref<128xi32, #tpu.memory_space<vmem>>
      %dma_start3A_342 = arith.constant 0 : i32
      %dma_start3A_343 = arith.constant 0 : i32
      %dma_start3A_344 = tpu.memref_slice %arg2[%dma_start3A_342, %dma_start3A_343] : memref<10000x128xbf16, #tpu.memory_space<hbm>> -> memref<10000x128xbf16, #tpu.memory_space<hbm>>
      tpu.enqueue_indirect_dma source(%dma_start3A_344 : memref<10000x128xbf16, #tpu.memory_space<hbm>>) target(%arg10 : memref<128x128xbf16, #tpu.memory_space<vmem>>) offsets(%dma_start3A_341 : memref<128xi32, #tpu.memory_space<vmem>>) semaphore(%arg15 : memref<!tpu.dma_semaphore, #tpu.memory_space<semaphore_mem>>)
      "tpu.region"() ({
        %run_scoped3A_346 = tpu.sem_alloc : memref<!tpu.dma_semaphore, #tpu.memory_space<semaphore_mem>>
        %dma_start3A_347 = arith.constant 0 : i32
        %dma_start3A_348 = tpu.memref_slice %arg7[%add3A_328, %dma_start3A_347] : memref<32x128xi32, #tpu.memory_space<vmem>> -> memref<1x128xi32, #tpu.memory_space<vmem>>
        %dma_start3A_349 = tpu.memref_squeeze %dma_start3A_348 : memref<1x128xi32, #tpu.memory_space<vmem>> -> memref<128xi32, #tpu.memory_space<vmem>>
        %dma_start3A_350 = arith.constant 0 : i32
        %dma_start3A_351 = arith.constant 0 : i32
        %dma_start3A_352 = tpu.memref_slice %arg12[%dma_start3A_350, %dma_start3A_351] : memref<10112x128xbf16, #tpu.memory_space<vmem_shared>> -> memref<10112x128xbf16, #tpu.memory_space<vmem_shared>>
        tpu.enqueue_indirect_dma source(%arg11 : memref<128x128xbf16, #tpu.memory_space<vmem>>) target(%dma_start3A_352 : memref<10112x128xbf16, #tpu.memory_space<vmem_shared>>) offsets(%dma_start3A_349 : memref<128xi32, #tpu.memory_space<vmem>>) semaphore(%run_scoped3A_346 : memref<!tpu.dma_semaphore, #tpu.memory_space<semaphore_mem>>) {add = true}
        %dma_wait3A_353 = arith.constant 0 : i32
        %dma_wait3A_354 = tpu.memref_slice %arg7[%add3A_328, %dma_wait3A_353] : memref<32x128xi32, #tpu.memory_space<vmem>> -> memref<1x128xi32, #tpu.memory_space<vmem>>
        %dma_wait3A_355 = tpu.memref_squeeze %dma_wait3A_354 : memref<1x128xi32, #tpu.memory_space<vmem>> -> memref<128xi32, #tpu.memory_space<vmem>>
        %dma_wait3A_356 = arith.constant 0 : i32
        %dma_wait3A_357 = arith.constant 0 : i32
        %dma_wait3A_358 = tpu.memref_slice %arg12[%dma_wait3A_356, %dma_wait3A_357] : memref<10112x128xbf16, #tpu.memory_space<vmem_shared>> -> memref<10112x128xbf16, #tpu.memory_space<vmem_shared>>
        tpu.wait_indirect_dma semaphore(%run_scoped3A_346 : memref<!tpu.dma_semaphore, #tpu.memory_space<semaphore_mem>>) src(%arg11 : memref<128x128xbf16, #tpu.memory_space<vmem>>) dst(%dma_wait3A_358 : memref<10112x128xbf16, #tpu.memory_space<vmem_shared>>)
        tpu.yield
      }) : () -> ()
      %scan3A_345 = arith.constant 0 : i32
      scf.yield %scan3A_345 : i32
    }
    %scan3A_178 = arith.constant 2 : i32
    %dma_wait3A_179 = arith.constant 8 : i32
    %dma_wait3A_180 = arith.constant 0 : i32
    %dma_wait3A_181 = tpu.memref_slice %arg6[%dma_wait3A_179, %dma_wait3A_180] : memref<32x128xi32, #tpu.memory_space<vmem>> -> memref<1x128xi32, #tpu.memory_space<vmem>>
    %dma_wait3A_182 = tpu.memref_squeeze %dma_wait3A_181 : memref<1x128xi32, #tpu.memory_space<vmem>> -> memref<128xi32, #tpu.memory_space<vmem>>
    %dma_wait3A_183 = arith.constant 0 : i32
    %dma_wait3A_184 = arith.constant 0 : i32
    %dma_wait3A_185 = tpu.memref_slice %arg2[%dma_wait3A_183, %dma_wait3A_184] : memref<10000x128xbf16, #tpu.memory_space<hbm>> -> memref<10000x128xbf16, #tpu.memory_space<hbm>>
    tpu.wait_indirect_dma semaphore(%arg13 : memref<!tpu.dma_semaphore, #tpu.memory_space<semaphore_mem>>) src(%dma_wait3A_185 : memref<10000x128xbf16, #tpu.memory_space<hbm>>) dst(%arg8 : memref<128x128xbf16, #tpu.memory_space<vmem>>)
    %dma_start3A_186 = arith.constant 11 : i32
    %dma_start3A_187 = arith.constant 0 : i32
    %dma_start3A_188 = tpu.memref_slice %arg6[%dma_start3A_186, %dma_start3A_187] : memref<32x128xi32, #tpu.memory_space<vmem>> -> memref<1x128xi32, #tpu.memory_space<vmem>>
    %dma_start3A_189 = tpu.memref_squeeze %dma_start3A_188 : memref<1x128xi32, #tpu.memory_space<vmem>> -> memref<128xi32, #tpu.memory_space<vmem>>
    %dma_start3A_190 = arith.constant 0 : i32
    %dma_start3A_191 = arith.constant 0 : i32
    %dma_start3A_192 = tpu.memref_slice %arg2[%dma_start3A_190, %dma_start3A_191] : memref<10000x128xbf16, #tpu.memory_space<hbm>> -> memref<10000x128xbf16, #tpu.memory_space<hbm>>
    tpu.enqueue_indirect_dma source(%dma_start3A_192 : memref<10000x128xbf16, #tpu.memory_space<hbm>>) target(%arg11 : memref<128x128xbf16, #tpu.memory_space<vmem>>) offsets(%dma_start3A_189 : memref<128xi32, #tpu.memory_space<vmem>>) semaphore(%arg16 : memref<!tpu.dma_semaphore, #tpu.memory_space<semaphore_mem>>)
    %run_scoped3A_193 = arith.constant 8 : i32
    "tpu.region"() ({
      %run_scoped3A_264 = tpu.sem_alloc : memref<!tpu.dma_semaphore, #tpu.memory_space<semaphore_mem>>
      %dma_start3A_265 = arith.constant 0 : i32
      %dma_start3A_266 = tpu.memref_slice %arg7[%run_scoped3A_193, %dma_start3A_265] : memref<32x128xi32, #tpu.memory_space<vmem>> -> memref<1x128xi32, #tpu.memory_space<vmem>>
      %dma_start3A_267 = tpu.memref_squeeze %dma_start3A_266 : memref<1x128xi32, #tpu.memory_space<vmem>> -> memref<128xi32, #tpu.memory_space<vmem>>
      %dma_start3A_268 = arith.constant 0 : i32
      %dma_start3A_269 = arith.constant 0 : i32
      %dma_start3A_270 = tpu.memref_slice %arg12[%dma_start3A_268, %dma_start3A_269] : memref<10112x128xbf16, #tpu.memory_space<vmem_shared>> -> memref<10112x128xbf16, #tpu.memory_space<vmem_shared>>
      tpu.enqueue_indirect_dma source(%arg8 : memref<128x128xbf16, #tpu.memory_space<vmem>>) target(%dma_start3A_270 : memref<10112x128xbf16, #tpu.memory_space<vmem_shared>>) offsets(%dma_start3A_267 : memref<128xi32, #tpu.memory_space<vmem>>) semaphore(%run_scoped3A_264 : memref<!tpu.dma_semaphore, #tpu.memory_space<semaphore_mem>>) {add = true}
      %dma_wait3A_271 = arith.constant 0 : i32
      %dma_wait3A_272 = tpu.memref_slice %arg7[%run_scoped3A_193, %dma_wait3A_271] : memref<32x128xi32, #tpu.memory_space<vmem>> -> memref<1x128xi32, #tpu.memory_space<vmem>>
      %dma_wait3A_273 = tpu.memref_squeeze %dma_wait3A_272 : memref<1x128xi32, #tpu.memory_space<vmem>> -> memref<128xi32, #tpu.memory_space<vmem>>
      %dma_wait3A_274 = arith.constant 0 : i32
      %dma_wait3A_275 = arith.constant 0 : i32
      %dma_wait3A_276 = tpu.memref_slice %arg12[%dma_wait3A_274, %dma_wait3A_275] : memref<10112x128xbf16, #tpu.memory_space<vmem_shared>> -> memref<10112x128xbf16, #tpu.memory_space<vmem_shared>>
      tpu.wait_indirect_dma semaphore(%run_scoped3A_264 : memref<!tpu.dma_semaphore, #tpu.memory_space<semaphore_mem>>) src(%arg8 : memref<128x128xbf16, #tpu.memory_space<vmem>>) dst(%dma_wait3A_276 : memref<10112x128xbf16, #tpu.memory_space<vmem_shared>>)
      tpu.yield
    }) : () -> ()
    %dma_wait3A_194 = arith.constant 9 : i32
    %dma_wait3A_195 = arith.constant 0 : i32
    %dma_wait3A_196 = tpu.memref_slice %arg6[%dma_wait3A_194, %dma_wait3A_195] : memref<32x128xi32, #tpu.memory_space<vmem>> -> memref<1x128xi32, #tpu.memory_space<vmem>>
    %dma_wait3A_197 = tpu.memref_squeeze %dma_wait3A_196 : memref<1x128xi32, #tpu.memory_space<vmem>> -> memref<128xi32, #tpu.memory_space<vmem>>
    %dma_wait3A_198 = arith.constant 0 : i32
    %dma_wait3A_199 = arith.constant 0 : i32
    %dma_wait3A_200 = tpu.memref_slice %arg2[%dma_wait3A_198, %dma_wait3A_199] : memref<10000x128xbf16, #tpu.memory_space<hbm>> -> memref<10000x128xbf16, #tpu.memory_space<hbm>>
    tpu.wait_indirect_dma semaphore(%arg14 : memref<!tpu.dma_semaphore, #tpu.memory_space<semaphore_mem>>) src(%dma_wait3A_200 : memref<10000x128xbf16, #tpu.memory_space<hbm>>) dst(%arg9 : memref<128x128xbf16, #tpu.memory_space<vmem>>)
    %dma_start3A_201 = arith.constant 12 : i32
    %dma_start3A_202 = arith.constant 0 : i32
    %dma_start3A_203 = tpu.memref_slice %arg6[%dma_start3A_201, %dma_start3A_202] : memref<32x128xi32, #tpu.memory_space<vmem>> -> memref<1x128xi32, #tpu.memory_space<vmem>>
    %dma_start3A_204 = tpu.memref_squeeze %dma_start3A_203 : memref<1x128xi32, #tpu.memory_space<vmem>> -> memref<128xi32, #tpu.memory_space<vmem>>
    %dma_start3A_205 = arith.constant 0 : i32
    %dma_start3A_206 = arith.constant 0 : i32
    %dma_start3A_207 = tpu.memref_slice %arg2[%dma_start3A_205, %dma_start3A_206] : memref<10000x128xbf16, #tpu.memory_space<hbm>> -> memref<10000x128xbf16, #tpu.memory_space<hbm>>
    tpu.enqueue_indirect_dma source(%dma_start3A_207 : memref<10000x128xbf16, #tpu.memory_space<hbm>>) target(%arg8 : memref<128x128xbf16, #tpu.memory_space<vmem>>) offsets(%dma_start3A_204 : memref<128xi32, #tpu.memory_space<vmem>>) semaphore(%arg13 : memref<!tpu.dma_semaphore, #tpu.memory_space<semaphore_mem>>)
    %run_scoped3A_208 = arith.constant 9 : i32
    "tpu.region"() ({
      %run_scoped3A_264 = tpu.sem_alloc : memref<!tpu.dma_semaphore, #tpu.memory_space<semaphore_mem>>
      %dma_start3A_265 = arith.constant 0 : i32
      %dma_start3A_266 = tpu.memref_slice %arg7[%run_scoped3A_208, %dma_start3A_265] : memref<32x128xi32, #tpu.memory_space<vmem>> -> memref<1x128xi32, #tpu.memory_space<vmem>>
      %dma_start3A_267 = tpu.memref_squeeze %dma_start3A_266 : memref<1x128xi32, #tpu.memory_space<vmem>> -> memref<128xi32, #tpu.memory_space<vmem>>
      %dma_start3A_268 = arith.constant 0 : i32
      %dma_start3A_269 = arith.constant 0 : i32
      %dma_start3A_270 = tpu.memref_slice %arg12[%dma_start3A_268, %dma_start3A_269] : memref<10112x128xbf16, #tpu.memory_space<vmem_shared>> -> memref<10112x128xbf16, #tpu.memory_space<vmem_shared>>
      tpu.enqueue_indirect_dma source(%arg9 : memref<128x128xbf16, #tpu.memory_space<vmem>>) target(%dma_start3A_270 : memref<10112x128xbf16, #tpu.memory_space<vmem_shared>>) offsets(%dma_start3A_267 : memref<128xi32, #tpu.memory_space<vmem>>) semaphore(%run_scoped3A_264 : memref<!tpu.dma_semaphore, #tpu.memory_space<semaphore_mem>>) {add = true}
      %dma_wait3A_271 = arith.constant 0 : i32
      %dma_wait3A_272 = tpu.memref_slice %arg7[%run_scoped3A_208, %dma_wait3A_271] : memref<32x128xi32, #tpu.memory_space<vmem>> -> memref<1x128xi32, #tpu.memory_space<vmem>>
      %dma_wait3A_273 = tpu.memref_squeeze %dma_wait3A_272 : memref<1x128xi32, #tpu.memory_space<vmem>> -> memref<128xi32, #tpu.memory_space<vmem>>
      %dma_wait3A_274 = arith.constant 0 : i32
      %dma_wait3A_275 = arith.constant 0 : i32
      %dma_wait3A_276 = tpu.memref_slice %arg12[%dma_wait3A_274, %dma_wait3A_275] : memref<10112x128xbf16, #tpu.memory_space<vmem_shared>> -> memref<10112x128xbf16, #tpu.memory_space<vmem_shared>>
      tpu.wait_indirect_dma semaphore(%run_scoped3A_264 : memref<!tpu.dma_semaphore, #tpu.memory_space<semaphore_mem>>) src(%arg9 : memref<128x128xbf16, #tpu.memory_space<vmem>>) dst(%dma_wait3A_276 : memref<10112x128xbf16, #tpu.memory_space<vmem_shared>>)
      tpu.yield
    }) : () -> ()
    %dma_wait3A_209 = arith.constant 10 : i32
    %dma_wait3A_210 = arith.constant 0 : i32
    %dma_wait3A_211 = tpu.memref_slice %arg6[%dma_wait3A_209, %dma_wait3A_210] : memref<32x128xi32, #tpu.memory_space<vmem>> -> memref<1x128xi32, #tpu.memory_space<vmem>>
    %dma_wait3A_212 = tpu.memref_squeeze %dma_wait3A_211 : memref<1x128xi32, #tpu.memory_space<vmem>> -> memref<128xi32, #tpu.memory_space<vmem>>
    %dma_wait3A_213 = arith.constant 0 : i32
    %dma_wait3A_214 = arith.constant 0 : i32
    %dma_wait3A_215 = tpu.memref_slice %arg2[%dma_wait3A_213, %dma_wait3A_214] : memref<10000x128xbf16, #tpu.memory_space<hbm>> -> memref<10000x128xbf16, #tpu.memory_space<hbm>>
    tpu.wait_indirect_dma semaphore(%arg15 : memref<!tpu.dma_semaphore, #tpu.memory_space<semaphore_mem>>) src(%dma_wait3A_215 : memref<10000x128xbf16, #tpu.memory_space<hbm>>) dst(%arg10 : memref<128x128xbf16, #tpu.memory_space<vmem>>)
    %dma_start3A_216 = arith.constant 13 : i32
    %dma_start3A_217 = arith.constant 0 : i32
    %dma_start3A_218 = tpu.memref_slice %arg6[%dma_start3A_216, %dma_start3A_217] : memref<32x128xi32, #tpu.memory_space<vmem>> -> memref<1x128xi32, #tpu.memory_space<vmem>>
    %dma_start3A_219 = tpu.memref_squeeze %dma_start3A_218 : memref<1x128xi32, #tpu.memory_space<vmem>> -> memref<128xi32, #tpu.memory_space<vmem>>
    %dma_start3A_220 = arith.constant 0 : i32
    %dma_start3A_221 = arith.constant 0 : i32
    %dma_start3A_222 = tpu.memref_slice %arg2[%dma_start3A_220, %dma_start3A_221] : memref<10000x128xbf16, #tpu.memory_space<hbm>> -> memref<10000x128xbf16, #tpu.memory_space<hbm>>
    tpu.enqueue_indirect_dma source(%dma_start3A_222 : memref<10000x128xbf16, #tpu.memory_space<hbm>>) target(%arg9 : memref<128x128xbf16, #tpu.memory_space<vmem>>) offsets(%dma_start3A_219 : memref<128xi32, #tpu.memory_space<vmem>>) semaphore(%arg14 : memref<!tpu.dma_semaphore, #tpu.memory_space<semaphore_mem>>)
    %run_scoped3A_223 = arith.constant 10 : i32
    "tpu.region"() ({
      %run_scoped3A_264 = tpu.sem_alloc : memref<!tpu.dma_semaphore, #tpu.memory_space<semaphore_mem>>
      %dma_start3A_265 = arith.constant 0 : i32
      %dma_start3A_266 = tpu.memref_slice %arg7[%run_scoped3A_223, %dma_start3A_265] : memref<32x128xi32, #tpu.memory_space<vmem>> -> memref<1x128xi32, #tpu.memory_space<vmem>>
      %dma_start3A_267 = tpu.memref_squeeze %dma_start3A_266 : memref<1x128xi32, #tpu.memory_space<vmem>> -> memref<128xi32, #tpu.memory_space<vmem>>
      %dma_start3A_268 = arith.constant 0 : i32
      %dma_start3A_269 = arith.constant 0 : i32
      %dma_start3A_270 = tpu.memref_slice %arg12[%dma_start3A_268, %dma_start3A_269] : memref<10112x128xbf16, #tpu.memory_space<vmem_shared>> -> memref<10112x128xbf16, #tpu.memory_space<vmem_shared>>
      tpu.enqueue_indirect_dma source(%arg10 : memref<128x128xbf16, #tpu.memory_space<vmem>>) target(%dma_start3A_270 : memref<10112x128xbf16, #tpu.memory_space<vmem_shared>>) offsets(%dma_start3A_267 : memref<128xi32, #tpu.memory_space<vmem>>) semaphore(%run_scoped3A_264 : memref<!tpu.dma_semaphore, #tpu.memory_space<semaphore_mem>>) {add = true}
      %dma_wait3A_271 = arith.constant 0 : i32
      %dma_wait3A_272 = tpu.memref_slice %arg7[%run_scoped3A_223, %dma_wait3A_271] : memref<32x128xi32, #tpu.memory_space<vmem>> -> memref<1x128xi32, #tpu.memory_space<vmem>>
      %dma_wait3A_273 = tpu.memref_squeeze %dma_wait3A_272 : memref<1x128xi32, #tpu.memory_space<vmem>> -> memref<128xi32, #tpu.memory_space<vmem>>
      %dma_wait3A_274 = arith.constant 0 : i32
      %dma_wait3A_275 = arith.constant 0 : i32
      %dma_wait3A_276 = tpu.memref_slice %arg12[%dma_wait3A_274, %dma_wait3A_275] : memref<10112x128xbf16, #tpu.memory_space<vmem_shared>> -> memref<10112x128xbf16, #tpu.memory_space<vmem_shared>>
      tpu.wait_indirect_dma semaphore(%run_scoped3A_264 : memref<!tpu.dma_semaphore, #tpu.memory_space<semaphore_mem>>) src(%arg10 : memref<128x128xbf16, #tpu.memory_space<vmem>>) dst(%dma_wait3A_276 : memref<10112x128xbf16, #tpu.memory_space<vmem_shared>>)
      tpu.yield
    }) : () -> ()
    %dma_wait3A_224 = arith.constant 11 : i32
    %dma_wait3A_225 = arith.constant 0 : i32
    %dma_wait3A_226 = tpu.memref_slice %arg6[%dma_wait3A_224, %dma_wait3A_225] : memref<32x128xi32, #tpu.memory_space<vmem>> -> memref<1x128xi32, #tpu.memory_space<vmem>>
    %dma_wait3A_227 = tpu.memref_squeeze %dma_wait3A_226 : memref<1x128xi32, #tpu.memory_space<vmem>> -> memref<128xi32, #tpu.memory_space<vmem>>
    %dma_wait3A_228 = arith.constant 0 : i32
    %dma_wait3A_229 = arith.constant 0 : i32
    %dma_wait3A_230 = tpu.memref_slice %arg2[%dma_wait3A_228, %dma_wait3A_229] : memref<10000x128xbf16, #tpu.memory_space<hbm>> -> memref<10000x128xbf16, #tpu.memory_space<hbm>>
    tpu.wait_indirect_dma semaphore(%arg16 : memref<!tpu.dma_semaphore, #tpu.memory_space<semaphore_mem>>) src(%dma_wait3A_230 : memref<10000x128xbf16, #tpu.memory_space<hbm>>) dst(%arg11 : memref<128x128xbf16, #tpu.memory_space<vmem>>)
    %dma_start3A_231 = arith.constant 14 : i32
    %dma_start3A_232 = arith.constant 0 : i32
    %dma_start3A_233 = tpu.memref_slice %arg6[%dma_start3A_231, %dma_start3A_232] : memref<32x128xi32, #tpu.memory_space<vmem>> -> memref<1x128xi32, #tpu.memory_space<vmem>>
    %dma_start3A_234 = tpu.memref_squeeze %dma_start3A_233 : memref<1x128xi32, #tpu.memory_space<vmem>> -> memref<128xi32, #tpu.memory_space<vmem>>
    %dma_start3A_235 = arith.constant 0 : i32
    %dma_start3A_236 = arith.constant 0 : i32
    %dma_start3A_237 = tpu.memref_slice %arg2[%dma_start3A_235, %dma_start3A_236] : memref<10000x128xbf16, #tpu.memory_space<hbm>> -> memref<10000x128xbf16, #tpu.memory_space<hbm>>
    tpu.enqueue_indirect_dma source(%dma_start3A_237 : memref<10000x128xbf16, #tpu.memory_space<hbm>>) target(%arg10 : memref<128x128xbf16, #tpu.memory_space<vmem>>) offsets(%dma_start3A_234 : memref<128xi32, #tpu.memory_space<vmem>>) semaphore(%arg15 : memref<!tpu.dma_semaphore, #tpu.memory_space<semaphore_mem>>)
    %run_scoped3A_238 = arith.constant 11 : i32
    "tpu.region"() ({
      %run_scoped3A_264 = tpu.sem_alloc : memref<!tpu.dma_semaphore, #tpu.memory_space<semaphore_mem>>
      %dma_start3A_265 = arith.constant 0 : i32
      %dma_start3A_266 = tpu.memref_slice %arg7[%run_scoped3A_238, %dma_start3A_265] : memref<32x128xi32, #tpu.memory_space<vmem>> -> memref<1x128xi32, #tpu.memory_space<vmem>>
      %dma_start3A_267 = tpu.memref_squeeze %dma_start3A_266 : memref<1x128xi32, #tpu.memory_space<vmem>> -> memref<128xi32, #tpu.memory_space<vmem>>
      %dma_start3A_268 = arith.constant 0 : i32
      %dma_start3A_269 = arith.constant 0 : i32
      %dma_start3A_270 = tpu.memref_slice %arg12[%dma_start3A_268, %dma_start3A_269] : memref<10112x128xbf16, #tpu.memory_space<vmem_shared>> -> memref<10112x128xbf16, #tpu.memory_space<vmem_shared>>
      tpu.enqueue_indirect_dma source(%arg11 : memref<128x128xbf16, #tpu.memory_space<vmem>>) target(%dma_start3A_270 : memref<10112x128xbf16, #tpu.memory_space<vmem_shared>>) offsets(%dma_start3A_267 : memref<128xi32, #tpu.memory_space<vmem>>) semaphore(%run_scoped3A_264 : memref<!tpu.dma_semaphore, #tpu.memory_space<semaphore_mem>>) {add = true}
      %dma_wait3A_271 = arith.constant 0 : i32
      %dma_wait3A_272 = tpu.memref_slice %arg7[%run_scoped3A_238, %dma_wait3A_271] : memref<32x128xi32, #tpu.memory_space<vmem>> -> memref<1x128xi32, #tpu.memory_space<vmem>>
      %dma_wait3A_273 = tpu.memref_squeeze %dma_wait3A_272 : memref<1x128xi32, #tpu.memory_space<vmem>> -> memref<128xi32, #tpu.memory_space<vmem>>
      %dma_wait3A_274 = arith.constant 0 : i32
      %dma_wait3A_275 = arith.constant 0 : i32
      %dma_wait3A_276 = tpu.memref_slice %arg12[%dma_wait3A_274, %dma_wait3A_275] : memref<10112x128xbf16, #tpu.memory_space<vmem_shared>> -> memref<10112x128xbf16, #tpu.memory_space<vmem_shared>>
      tpu.wait_indirect_dma semaphore(%run_scoped3A_264 : memref<!tpu.dma_semaphore, #tpu.memory_space<semaphore_mem>>) src(%arg11 : memref<128x128xbf16, #tpu.memory_space<vmem>>) dst(%dma_wait3A_276 : memref<10112x128xbf16, #tpu.memory_space<vmem_shared>>)
      tpu.yield
    }) : () -> ()
    %dma_wait3A_239 = arith.constant 12 : i32
    %dma_wait3A_240 = arith.constant 0 : i32
    %dma_wait3A_241 = tpu.memref_slice %arg6[%dma_wait3A_239, %dma_wait3A_240] : memref<32x128xi32, #tpu.memory_space<vmem>> -> memref<1x128xi32, #tpu.memory_space<vmem>>
    %dma_wait3A_242 = tpu.memref_squeeze %dma_wait3A_241 : memref<1x128xi32, #tpu.memory_space<vmem>> -> memref<128xi32, #tpu.memory_space<vmem>>
    %dma_wait3A_243 = arith.constant 0 : i32
    %dma_wait3A_244 = arith.constant 0 : i32
    %dma_wait3A_245 = tpu.memref_slice %arg2[%dma_wait3A_243, %dma_wait3A_244] : memref<10000x128xbf16, #tpu.memory_space<hbm>> -> memref<10000x128xbf16, #tpu.memory_space<hbm>>
    tpu.wait_indirect_dma semaphore(%arg13 : memref<!tpu.dma_semaphore, #tpu.memory_space<semaphore_mem>>) src(%dma_wait3A_245 : memref<10000x128xbf16, #tpu.memory_space<hbm>>) dst(%arg8 : memref<128x128xbf16, #tpu.memory_space<vmem>>)
    %run_scoped3A_246 = arith.constant 12 : i32
    "tpu.region"() ({
      %run_scoped3A_264 = tpu.sem_alloc : memref<!tpu.dma_semaphore, #tpu.memory_space<semaphore_mem>>
      %dma_start3A_265 = arith.constant 0 : i32
      %dma_start3A_266 = tpu.memref_slice %arg7[%run_scoped3A_246, %dma_start3A_265] : memref<32x128xi32, #tpu.memory_space<vmem>> -> memref<1x128xi32, #tpu.memory_space<vmem>>
      %dma_start3A_267 = tpu.memref_squeeze %dma_start3A_266 : memref<1x128xi32, #tpu.memory_space<vmem>> -> memref<128xi32, #tpu.memory_space<vmem>>
      %dma_start3A_268 = arith.constant 0 : i32
      %dma_start3A_269 = arith.constant 0 : i32
      %dma_start3A_270 = tpu.memref_slice %arg12[%dma_start3A_268, %dma_start3A_269] : memref<10112x128xbf16, #tpu.memory_space<vmem_shared>> -> memref<10112x128xbf16, #tpu.memory_space<vmem_shared>>
      tpu.enqueue_indirect_dma source(%arg8 : memref<128x128xbf16, #tpu.memory_space<vmem>>) target(%dma_start3A_270 : memref<10112x128xbf16, #tpu.memory_space<vmem_shared>>) offsets(%dma_start3A_267 : memref<128xi32, #tpu.memory_space<vmem>>) semaphore(%run_scoped3A_264 : memref<!tpu.dma_semaphore, #tpu.memory_space<semaphore_mem>>) {add = true}
      %dma_wait3A_271 = arith.constant 0 : i32
      %dma_wait3A_272 = tpu.memref_slice %arg7[%run_scoped3A_246, %dma_wait3A_271] : memref<32x128xi32, #tpu.memory_space<vmem>> -> memref<1x128xi32, #tpu.memory_space<vmem>>
      %dma_wait3A_273 = tpu.memref_squeeze %dma_wait3A_272 : memref<1x128xi32, #tpu.memory_space<vmem>> -> memref<128xi32, #tpu.memory_space<vmem>>
      %dma_wait3A_274 = arith.constant 0 : i32
      %dma_wait3A_275 = arith.constant 0 : i32
      %dma_wait3A_276 = tpu.memref_slice %arg12[%dma_wait3A_274, %dma_wait3A_275] : memref<10112x128xbf16, #tpu.memory_space<vmem_shared>> -> memref<10112x128xbf16, #tpu.memory_space<vmem_shared>>
      tpu.wait_indirect_dma semaphore(%run_scoped3A_264 : memref<!tpu.dma_semaphore, #tpu.memory_space<semaphore_mem>>) src(%arg8 : memref<128x128xbf16, #tpu.memory_space<vmem>>) dst(%dma_wait3A_276 : memref<10112x128xbf16, #tpu.memory_space<vmem_shared>>)
      tpu.yield
    }) : () -> ()
    %dma_wait3A_247 = arith.constant 13 : i32
    %dma_wait3A_248 = arith.constant 0 : i32
    %dma_wait3A_249 = tpu.memref_slice %arg6[%dma_wait3A_247, %dma_wait3A_248] : memref<32x128xi32, #tpu.memory_space<vmem>> -> memref<1x128xi32, #tpu.memory_space<vmem>>
    %dma_wait3A_250 = tpu.memref_squeeze %dma_wait3A_249 : memref<1x128xi32, #tpu.memory_space<vmem>> -> memref<128xi32, #tpu.memory_space<vmem>>
    %dma_wait3A_251 = arith.constant 0 : i32
    %dma_wait3A_252 = arith.constant 0 : i32
    %dma_wait3A_253 = tpu.memref_slice %arg2[%dma_wait3A_251, %dma_wait3A_252] : memref<10000x128xbf16, #tpu.memory_space<hbm>> -> memref<10000x128xbf16, #tpu.memory_space<hbm>>
    tpu.wait_indirect_dma semaphore(%arg14 : memref<!tpu.dma_semaphore, #tpu.memory_space<semaphore_mem>>) src(%dma_wait3A_253 : memref<10000x128xbf16, #tpu.memory_space<hbm>>) dst(%arg9 : memref<128x128xbf16, #tpu.memory_space<vmem>>)
    %run_scoped3A_254 = arith.constant 13 : i32
    "tpu.region"() ({
      %run_scoped3A_264 = tpu.sem_alloc : memref<!tpu.dma_semaphore, #tpu.memory_space<semaphore_mem>>
      %dma_start3A_265 = arith.constant 0 : i32
      %dma_start3A_266 = tpu.memref_slice %arg7[%run_scoped3A_254, %dma_start3A_265] : memref<32x128xi32, #tpu.memory_space<vmem>> -> memref<1x128xi32, #tpu.memory_space<vmem>>
      %dma_start3A_267 = tpu.memref_squeeze %dma_start3A_266 : memref<1x128xi32, #tpu.memory_space<vmem>> -> memref<128xi32, #tpu.memory_space<vmem>>
      %dma_start3A_268 = arith.constant 0 : i32
      %dma_start3A_269 = arith.constant 0 : i32
      %dma_start3A_270 = tpu.memref_slice %arg12[%dma_start3A_268, %dma_start3A_269] : memref<10112x128xbf16, #tpu.memory_space<vmem_shared>> -> memref<10112x128xbf16, #tpu.memory_space<vmem_shared>>
      tpu.enqueue_indirect_dma source(%arg9 : memref<128x128xbf16, #tpu.memory_space<vmem>>) target(%dma_start3A_270 : memref<10112x128xbf16, #tpu.memory_space<vmem_shared>>) offsets(%dma_start3A_267 : memref<128xi32, #tpu.memory_space<vmem>>) semaphore(%run_scoped3A_264 : memref<!tpu.dma_semaphore, #tpu.memory_space<semaphore_mem>>) {add = true}
      %dma_wait3A_271 = arith.constant 0 : i32
      %dma_wait3A_272 = tpu.memref_slice %arg7[%run_scoped3A_254, %dma_wait3A_271] : memref<32x128xi32, #tpu.memory_space<vmem>> -> memref<1x128xi32, #tpu.memory_space<vmem>>
      %dma_wait3A_273 = tpu.memref_squeeze %dma_wait3A_272 : memref<1x128xi32, #tpu.memory_space<vmem>> -> memref<128xi32, #tpu.memory_space<vmem>>
      %dma_wait3A_274 = arith.constant 0 : i32
      %dma_wait3A_275 = arith.constant 0 : i32
      %dma_wait3A_276 = tpu.memref_slice %arg12[%dma_wait3A_274, %dma_wait3A_275] : memref<10112x128xbf16, #tpu.memory_space<vmem_shared>> -> memref<10112x128xbf16, #tpu.memory_space<vmem_shared>>
      tpu.wait_indirect_dma semaphore(%run_scoped3A_264 : memref<!tpu.dma_semaphore, #tpu.memory_space<semaphore_mem>>) src(%arg9 : memref<128x128xbf16, #tpu.memory_space<vmem>>) dst(%dma_wait3A_276 : memref<10112x128xbf16, #tpu.memory_space<vmem_shared>>)
      tpu.yield
    }) : () -> ()
    %dma_wait3A_255 = arith.constant 14 : i32
    %dma_wait3A_256 = arith.constant 0 : i32
    %dma_wait3A_257 = tpu.memref_slice %arg6[%dma_wait3A_255, %dma_wait3A_256] : memref<32x128xi32, #tpu.memory_space<vmem>> -> memref<1x128xi32, #tpu.memory_space<vmem>>
    %dma_wait3A_258 = tpu.memref_squeeze %dma_wait3A_257 : memref<1x128xi32, #tpu.memory_space<vmem>> -> memref<128xi32, #tpu.memory_space<vmem>>
    %dma_wait3A_259 = arith.constant 0 : i32
    %dma_wait3A_260 = arith.constant 0 : i32
    %dma_wait3A_261 = tpu.memref_slice %arg2[%dma_wait3A_259, %dma_wait3A_260] : memref<10000x128xbf16, #tpu.memory_space<hbm>> -> memref<10000x128xbf16, #tpu.memory_space<hbm>>
    tpu.wait_indirect_dma semaphore(%arg15 : memref<!tpu.dma_semaphore, #tpu.memory_space<semaphore_mem>>) src(%dma_wait3A_261 : memref<10000x128xbf16, #tpu.memory_space<hbm>>) dst(%arg10 : memref<128x128xbf16, #tpu.memory_space<vmem>>)
    %run_scoped3A_262 = arith.constant 14 : i32
    "tpu.region"() ({
      %run_scoped3A_264 = tpu.sem_alloc : memref<!tpu.dma_semaphore, #tpu.memory_space<semaphore_mem>>
      %dma_start3A_265 = arith.constant 0 : i32
      %dma_start3A_266 = tpu.memref_slice %arg7[%run_scoped3A_262, %dma_start3A_265] : memref<32x128xi32, #tpu.memory_space<vmem>> -> memref<1x128xi32, #tpu.memory_space<vmem>>
      %dma_start3A_267 = tpu.memref_squeeze %dma_start3A_266 : memref<1x128xi32, #tpu.memory_space<vmem>> -> memref<128xi32, #tpu.memory_space<vmem>>
      %dma_start3A_268 = arith.constant 0 : i32
      %dma_start3A_269 = arith.constant 0 : i32
      %dma_start3A_270 = tpu.memref_slice %arg12[%dma_start3A_268, %dma_start3A_269] : memref<10112x128xbf16, #tpu.memory_space<vmem_shared>> -> memref<10112x128xbf16, #tpu.memory_space<vmem_shared>>
      tpu.enqueue_indirect_dma source(%arg10 : memref<128x128xbf16, #tpu.memory_space<vmem>>) target(%dma_start3A_270 : memref<10112x128xbf16, #tpu.memory_space<vmem_shared>>) offsets(%dma_start3A_267 : memref<128xi32, #tpu.memory_space<vmem>>) semaphore(%run_scoped3A_264 : memref<!tpu.dma_semaphore, #tpu.memory_space<semaphore_mem>>) {add = true}
      %dma_wait3A_271 = arith.constant 0 : i32
      %dma_wait3A_272 = tpu.memref_slice %arg7[%run_scoped3A_262, %dma_wait3A_271] : memref<32x128xi32, #tpu.memory_space<vmem>> -> memref<1x128xi32, #tpu.memory_space<vmem>>
      %dma_wait3A_273 = tpu.memref_squeeze %dma_wait3A_272 : memref<1x128xi32, #tpu.memory_space<vmem>> -> memref<128xi32, #tpu.memory_space<vmem>>
      %dma_wait3A_274 = arith.constant 0 : i32
      %dma_wait3A_275 = arith.constant 0 : i32
      %dma_wait3A_276 = tpu.memref_slice %arg12[%dma_wait3A_274, %dma_wait3A_275] : memref<10112x128xbf16, #tpu.memory_space<vmem_shared>> -> memref<10112x128xbf16, #tpu.memory_space<vmem_shared>>
      tpu.wait_indirect_dma semaphore(%run_scoped3A_264 : memref<!tpu.dma_semaphore, #tpu.memory_space<semaphore_mem>>) src(%arg10 : memref<128x128xbf16, #tpu.memory_space<vmem>>) dst(%dma_wait3A_276 : memref<10112x128xbf16, #tpu.memory_space<vmem_shared>>)
      tpu.yield
    }) : () -> ()
    %barrier3A_263 = arith.constant 0 : index
    tpu.barrier barrier_id(%barrier3A_263)
    "tpu.region"() ({
      %run_scoped3A_264 = tpu.sem_alloc : memref<!tpu.dma_semaphore, #tpu.memory_space<semaphore_mem>>
      %dma_start3A_265 = arith.constant 0 : i32
      %dma_start3A_266 = tpu.memref_slice %arg5[%arg0, %mul3A_9, %dma_start3A_265] : memref<2x10112x128xbf16, #tpu.memory_space<hbm>> -> memref<1x632x128xbf16, #tpu.memory_space<hbm>>
      %dma_start3A_267 = tpu.memref_squeeze %dma_start3A_266 : memref<1x632x128xbf16, #tpu.memory_space<hbm>> -> memref<632x128xbf16, #tpu.memory_space<hbm>>
      %dma_start3A_268 = arith.constant 0 : i32
      %dma_start3A_269 = tpu.memref_slice %arg12[%mul3A_9, %dma_start3A_268] : memref<10112x128xbf16, #tpu.memory_space<vmem_shared>> -> memref<632x128xbf16, #tpu.memory_space<vmem_shared>>
      tpu.enqueue_dma source(%dma_start3A_269 : memref<632x128xbf16, #tpu.memory_space<vmem_shared>>) target(%dma_start3A_267 : memref<632x128xbf16, #tpu.memory_space<hbm>>) target_semaphore(%run_scoped3A_264 : memref<!tpu.dma_semaphore, #tpu.memory_space<semaphore_mem>>)
      %dma_wait3A_270 = arith.constant 0 : i32
      %dma_wait3A_271 = tpu.memref_slice %arg5[%arg0, %mul3A_9, %dma_wait3A_270] : memref<2x10112x128xbf16, #tpu.memory_space<hbm>> -> memref<1x632x128xbf16, #tpu.memory_space<hbm>>
      %dma_wait3A_272 = tpu.memref_squeeze %dma_wait3A_271 : memref<1x632x128xbf16, #tpu.memory_space<hbm>> -> memref<632x128xbf16, #tpu.memory_space<hbm>>
      %dma_wait3A_273 = arith.constant 0 : i32
      %dma_wait3A_274 = tpu.memref_slice %arg12[%mul3A_9, %dma_wait3A_273] : memref<10112x128xbf16, #tpu.memory_space<vmem_shared>> -> memref<632x128xbf16, #tpu.memory_space<vmem_shared>>
      tpu.wait_dma2 semaphore(%run_scoped3A_264 : memref<!tpu.dma_semaphore, #tpu.memory_space<semaphore_mem>>) src(%dma_wait3A_274 : memref<632x128xbf16, #tpu.memory_space<vmem_shared>>) dst(%dma_wait3A_272 : memref<632x128xbf16, #tpu.memory_space<hbm>>)
      tpu.yield
    }) : () -> ()
    return
  }
}

#map = affine_map<(d0, d1) -> (0, 0)>
#map1 = affine_map<(d0, d1) -> (0, 0, 0)>
module attributes {stable_mosaic.version = 14 : i64} {
  func.func @body(%arg0: i32, %arg1: i32, %arg2: memref<10000x128xbf16, #tpu.memory_space<hbm>>, %arg3: memref<32x79x128xi32, #tpu.memory_space<hbm>>, %arg4: memref<32x79x128xi32, #tpu.memory_space<hbm>>, %arg5: memref<2x10112x128xbf16, #tpu.memory_space<hbm>>, %arg6: memref<2x10112x16xf32, #tpu.memory_space<hbm>>, %arg7: memref<32x128xi32, #tpu.memory_space<vmem>>, %arg8: memref<32x128xi32, #tpu.memory_space<vmem>>, %arg9: memref<128x128xbf16, #tpu.memory_space<vmem>>, %arg10: memref<128x128xbf16, #tpu.memory_space<vmem>>, %arg11: memref<128x128xbf16, #tpu.memory_space<vmem>>, %arg12: memref<128x128xbf16, #tpu.memory_space<vmem>>, %arg13: memref<10112x128xbf16, #tpu.memory_space<vmem_shared>>, %arg14: memref<!tpu.dma_semaphore, #tpu.memory_space<semaphore_mem>>, %arg15: memref<!tpu.dma_semaphore, #tpu.memory_space<semaphore_mem>>, %arg16: memref<!tpu.dma_semaphore, #tpu.memory_space<semaphore_mem>>, %arg17: memref<!tpu.dma_semaphore, #tpu.memory_space<semaphore_mem>>, %arg18: memref<128x16xf32, #tpu.memory_space<vmem>>, %arg19: memref<128x16xf32, #tpu.memory_space<vmem>>, %arg20: memref<10112x16xf32, #tpu.memory_space<vmem_shared>>) attributes {dimension_semantics = [#tpu.dimension_semantics<core_parallel>, #tpu.dimension_semantics<subcore_parallel>], iteration_bounds = array<i64: 2, 16>, scalar_prefetch = 0 : i64, scratch_operands = 14 : i64, tpu.core_type = #tpu.core_type<sc_vector_subcore>, window_params = [{transform_indices = #map}, {transform_indices = #map1}, {transform_indices = #map1}, {transform_indices = #map1}, {transform_indices = #map1}]} {
    %mul3A = arith.constant 2 : i32
    %mul3A_0 = arith.muli %arg1, %mul3A : i32
    %add3A = arith.addi %mul3A_0, %arg0 : i32
    %broadcast_in_dim3A = arith.constant 0.000000e+00 : bf16
    %broadcast_in_dim3A_1 = vector.broadcast %broadcast_in_dim3A : bf16 to vector<32xbf16>
    %scan3A = arith.constant 0 : i32
    %scan3A_2 = arith.constant 0 : i32
    %scan3A_3 = arith.constant 128 : i32
    %scan3A_4 = arith.addi %scan3A_2, %scan3A_3 : i32
    %scan3A_5 = arith.constant 1 : i32
    %scan3A_6 = scf.for %scan3A_307 = %scan3A_2 to %scan3A_4 step %scan3A_5 iter_args(%scan3A_308 = %scan3A) -> (i32)  : i32 {
      %swap3A = arith.index_cast %scan3A_307 : i32 to index
      %swap3A_309 = arith.constant 0 : index
      %swap3A_310 = tpu.vector_load %arg9[%swap3A, %swap3A_309] {strides = array<i32>} : memref<128x128xbf16, #tpu.memory_space<vmem>>, vector<1x32xbf16>,
      %swap3A_311 = vector.shape_cast %swap3A_310 : vector<1x32xbf16> to vector<32xbf16>
      %swap3A_312 = vector.shape_cast %broadcast_in_dim3A_1 : vector<32xbf16> to vector<1x32xbf16>
      tpu.vector_store %arg9[%swap3A, %swap3A_309], %swap3A_312 {strides = array<i32>} : memref<128x128xbf16, #tpu.memory_space<vmem>>, vector<1x32xbf16>,
      %swap3A_313 = arith.index_cast %scan3A_307 : i32 to index
      %swap3A_314 = arith.constant 32 : index
      %swap3A_315 = tpu.vector_load %arg9[%swap3A_313, %swap3A_314] {strides = array<i32>} : memref<128x128xbf16, #tpu.memory_space<vmem>>, vector<1x32xbf16>,
      %swap3A_316 = vector.shape_cast %swap3A_315 : vector<1x32xbf16> to vector<32xbf16>
      %swap3A_317 = vector.shape_cast %broadcast_in_dim3A_1 : vector<32xbf16> to vector<1x32xbf16>
      tpu.vector_store %arg9[%swap3A_313, %swap3A_314], %swap3A_317 {strides = array<i32>} : memref<128x128xbf16, #tpu.memory_space<vmem>>, vector<1x32xbf16>,
      %swap3A_318 = arith.index_cast %scan3A_307 : i32 to index
      %swap3A_319 = arith.constant 64 : index
      %swap3A_320 = tpu.vector_load %arg9[%swap3A_318, %swap3A_319] {strides = array<i32>} : memref<128x128xbf16, #tpu.memory_space<vmem>>, vector<1x32xbf16>,
      %swap3A_321 = vector.shape_cast %swap3A_320 : vector<1x32xbf16> to vector<32xbf16>
      %swap3A_322 = vector.shape_cast %broadcast_in_dim3A_1 : vector<32xbf16> to vector<1x32xbf16>
      tpu.vector_store %arg9[%swap3A_318, %swap3A_319], %swap3A_322 {strides = array<i32>} : memref<128x128xbf16, #tpu.memory_space<vmem>>, vector<1x32xbf16>,
      %swap3A_323 = arith.index_cast %scan3A_307 : i32 to index
      %swap3A_324 = arith.constant 96 : index
      %swap3A_325 = tpu.vector_load %arg9[%swap3A_323, %swap3A_324] {strides = array<i32>} : memref<128x128xbf16, #tpu.memory_space<vmem>>, vector<1x32xbf16>,
      %swap3A_326 = vector.shape_cast %swap3A_325 : vector<1x32xbf16> to vector<32xbf16>
      %swap3A_327 = vector.shape_cast %broadcast_in_dim3A_1 : vector<32xbf16> to vector<1x32xbf16>
      tpu.vector_store %arg9[%swap3A_323, %swap3A_324], %swap3A_327 {strides = array<i32>} : memref<128x128xbf16, #tpu.memory_space<vmem>>, vector<1x32xbf16>,
      %scan3A_328 = arith.constant 0 : i32
      scf.yield %scan3A_328 : i32
    }
    %scan3A_7 = arith.constant 128 : i32
    %mul3A_8 = arith.constant 632 : i32
    %mul3A_9 = arith.muli %arg1, %mul3A_8 : i32
    %add3A_10 = arith.constant 0 : i32
    %add3A_11 = arith.addi %mul3A_9, %add3A_10 : i32
    "tpu.region"() ({
      %run_scoped3A_307 = tpu.sem_alloc : memref<!tpu.dma_semaphore, #tpu.memory_space<semaphore_mem>>
      %dma_start3A_308 = arith.constant 0 : i32
      %dma_start3A_309 = arith.constant 0 : i32
      %dma_start3A_310 = tpu.memref_slice %arg9[%dma_start3A_308, %dma_start3A_309] : memref<128x128xbf16, #tpu.memory_space<vmem>> -> memref<128x128xbf16, #tpu.memory_space<vmem>>
      %dma_start3A_311 = arith.constant 0 : i32
      %dma_start3A_312 = tpu.memref_slice %arg13[%add3A_11, %dma_start3A_311] : memref<10112x128xbf16, #tpu.memory_space<vmem_shared>> -> memref<128x128xbf16, #tpu.memory_space<vmem_shared>>
      %dma_start3A_313 = arith.constant 0 : i32
      %dma_start3A_314 = tpu.memref_slice %arg13[%add3A_11, %dma_start3A_313] : memref<10112x128xbf16, #tpu.memory_space<vmem_shared>> -> memref<128x128xbf16, #tpu.memory_space<vmem_shared>>
      %dma_start3A_315 = arith.constant 0 : i32
      %dma_start3A_316 = arith.constant 0 : i32
      %dma_start3A_317 = tpu.memref_slice %arg9[%dma_start3A_315, %dma_start3A_316] : memref<128x128xbf16, #tpu.memory_space<vmem>> -> memref<128x128xbf16, #tpu.memory_space<vmem>>
      tpu.enqueue_dma source(%dma_start3A_317 : memref<128x128xbf16, #tpu.memory_space<vmem>>) target(%dma_start3A_314 : memref<128x128xbf16, #tpu.memory_space<vmem_shared>>) target_semaphore(%run_scoped3A_307 : memref<!tpu.dma_semaphore, #tpu.memory_space<semaphore_mem>>)
      %dma_wait3A_318 = arith.constant 0 : i32
      %dma_wait3A_319 = arith.constant 0 : i32
      %dma_wait3A_320 = tpu.memref_slice %arg9[%dma_wait3A_318, %dma_wait3A_319] : memref<128x128xbf16, #tpu.memory_space<vmem>> -> memref<128x128xbf16, #tpu.memory_space<vmem>>
      %dma_wait3A_321 = arith.constant 0 : i32
      %dma_wait3A_322 = tpu.memref_slice %arg13[%add3A_11, %dma_wait3A_321] : memref<10112x128xbf16, #tpu.memory_space<vmem_shared>> -> memref<128x128xbf16, #tpu.memory_space<vmem_shared>>
      %dma_wait3A_323 = arith.constant 0 : i32
      %dma_wait3A_324 = tpu.memref_slice %arg13[%add3A_11, %dma_wait3A_323] : memref<10112x128xbf16, #tpu.memory_space<vmem_shared>> -> memref<128x128xbf16, #tpu.memory_space<vmem_shared>>
      %dma_wait3A_325 = arith.constant 0 : i32
      %dma_wait3A_326 = arith.constant 0 : i32
      %dma_wait3A_327 = tpu.memref_slice %arg9[%dma_wait3A_325, %dma_wait3A_326] : memref<128x128xbf16, #tpu.memory_space<vmem>> -> memref<128x128xbf16, #tpu.memory_space<vmem>>
      tpu.wait_dma2 semaphore(%run_scoped3A_307 : memref<!tpu.dma_semaphore, #tpu.memory_space<semaphore_mem>>) src(%dma_wait3A_327 : memref<128x128xbf16, #tpu.memory_space<vmem>>) dst(%dma_wait3A_324 : memref<128x128xbf16, #tpu.memory_space<vmem_shared>>)
      tpu.yield
    }) : () -> ()
    %add3A_12 = arith.constant 128 : i32
    %add3A_13 = arith.addi %mul3A_9, %add3A_12 : i32
    "tpu.region"() ({
      %run_scoped3A_307 = tpu.sem_alloc : memref<!tpu.dma_semaphore, #tpu.memory_space<semaphore_mem>>
      %dma_start3A_308 = arith.constant 0 : i32
      %dma_start3A_309 = arith.constant 0 : i32
      %dma_start3A_310 = tpu.memref_slice %arg9[%dma_start3A_308, %dma_start3A_309] : memref<128x128xbf16, #tpu.memory_space<vmem>> -> memref<128x128xbf16, #tpu.memory_space<vmem>>
      %dma_start3A_311 = arith.constant 0 : i32
      %dma_start3A_312 = tpu.memref_slice %arg13[%add3A_13, %dma_start3A_311] : memref<10112x128xbf16, #tpu.memory_space<vmem_shared>> -> memref<128x128xbf16, #tpu.memory_space<vmem_shared>>
      %dma_start3A_313 = arith.constant 0 : i32
      %dma_start3A_314 = tpu.memref_slice %arg13[%add3A_13, %dma_start3A_313] : memref<10112x128xbf16, #tpu.memory_space<vmem_shared>> -> memref<128x128xbf16, #tpu.memory_space<vmem_shared>>
      %dma_start3A_315 = arith.constant 0 : i32
      %dma_start3A_316 = arith.constant 0 : i32
      %dma_start3A_317 = tpu.memref_slice %arg9[%dma_start3A_315, %dma_start3A_316] : memref<128x128xbf16, #tpu.memory_space<vmem>> -> memref<128x128xbf16, #tpu.memory_space<vmem>>
      tpu.enqueue_dma source(%dma_start3A_317 : memref<128x128xbf16, #tpu.memory_space<vmem>>) target(%dma_start3A_314 : memref<128x128xbf16, #tpu.memory_space<vmem_shared>>) target_semaphore(%run_scoped3A_307 : memref<!tpu.dma_semaphore, #tpu.memory_space<semaphore_mem>>)
      %dma_wait3A_318 = arith.constant 0 : i32
      %dma_wait3A_319 = arith.constant 0 : i32
      %dma_wait3A_320 = tpu.memref_slice %arg9[%dma_wait3A_318, %dma_wait3A_319] : memref<128x128xbf16, #tpu.memory_space<vmem>> -> memref<128x128xbf16, #tpu.memory_space<vmem>>
      %dma_wait3A_321 = arith.constant 0 : i32
      %dma_wait3A_322 = tpu.memref_slice %arg13[%add3A_13, %dma_wait3A_321] : memref<10112x128xbf16, #tpu.memory_space<vmem_shared>> -> memref<128x128xbf16, #tpu.memory_space<vmem_shared>>
      %dma_wait3A_323 = arith.constant 0 : i32
      %dma_wait3A_324 = tpu.memref_slice %arg13[%add3A_13, %dma_wait3A_323] : memref<10112x128xbf16, #tpu.memory_space<vmem_shared>> -> memref<128x128xbf16, #tpu.memory_space<vmem_shared>>
      %dma_wait3A_325 = arith.constant 0 : i32
      %dma_wait3A_326 = arith.constant 0 : i32
      %dma_wait3A_327 = tpu.memref_slice %arg9[%dma_wait3A_325, %dma_wait3A_326] : memref<128x128xbf16, #tpu.memory_space<vmem>> -> memref<128x128xbf16, #tpu.memory_space<vmem>>
      tpu.wait_dma2 semaphore(%run_scoped3A_307 : memref<!tpu.dma_semaphore, #tpu.memory_space<semaphore_mem>>) src(%dma_wait3A_327 : memref<128x128xbf16, #tpu.memory_space<vmem>>) dst(%dma_wait3A_324 : memref<128x128xbf16, #tpu.memory_space<vmem_shared>>)
      tpu.yield
    }) : () -> ()
    %add3A_14 = arith.constant 256 : i32
    %add3A_15 = arith.addi %mul3A_9, %add3A_14 : i32
    "tpu.region"() ({
      %run_scoped3A_307 = tpu.sem_alloc : memref<!tpu.dma_semaphore, #tpu.memory_space<semaphore_mem>>
      %dma_start3A_308 = arith.constant 0 : i32
      %dma_start3A_309 = arith.constant 0 : i32
      %dma_start3A_310 = tpu.memref_slice %arg9[%dma_start3A_308, %dma_start3A_309] : memref<128x128xbf16, #tpu.memory_space<vmem>> -> memref<128x128xbf16, #tpu.memory_space<vmem>>
      %dma_start3A_311 = arith.constant 0 : i32
      %dma_start3A_312 = tpu.memref_slice %arg13[%add3A_15, %dma_start3A_311] : memref<10112x128xbf16, #tpu.memory_space<vmem_shared>> -> memref<128x128xbf16, #tpu.memory_space<vmem_shared>>
      %dma_start3A_313 = arith.constant 0 : i32
      %dma_start3A_314 = tpu.memref_slice %arg13[%add3A_15, %dma_start3A_313] : memref<10112x128xbf16, #tpu.memory_space<vmem_shared>> -> memref<128x128xbf16, #tpu.memory_space<vmem_shared>>
      %dma_start3A_315 = arith.constant 0 : i32
      %dma_start3A_316 = arith.constant 0 : i32
      %dma_start3A_317 = tpu.memref_slice %arg9[%dma_start3A_315, %dma_start3A_316] : memref<128x128xbf16, #tpu.memory_space<vmem>> -> memref<128x128xbf16, #tpu.memory_space<vmem>>
      tpu.enqueue_dma source(%dma_start3A_317 : memref<128x128xbf16, #tpu.memory_space<vmem>>) target(%dma_start3A_314 : memref<128x128xbf16, #tpu.memory_space<vmem_shared>>) target_semaphore(%run_scoped3A_307 : memref<!tpu.dma_semaphore, #tpu.memory_space<semaphore_mem>>)
      %dma_wait3A_318 = arith.constant 0 : i32
      %dma_wait3A_319 = arith.constant 0 : i32
      %dma_wait3A_320 = tpu.memref_slice %arg9[%dma_wait3A_318, %dma_wait3A_319] : memref<128x128xbf16, #tpu.memory_space<vmem>> -> memref<128x128xbf16, #tpu.memory_space<vmem>>
      %dma_wait3A_321 = arith.constant 0 : i32
      %dma_wait3A_322 = tpu.memref_slice %arg13[%add3A_15, %dma_wait3A_321] : memref<10112x128xbf16, #tpu.memory_space<vmem_shared>> -> memref<128x128xbf16, #tpu.memory_space<vmem_shared>>
      %dma_wait3A_323 = arith.constant 0 : i32
      %dma_wait3A_324 = tpu.memref_slice %arg13[%add3A_15, %dma_wait3A_323] : memref<10112x128xbf16, #tpu.memory_space<vmem_shared>> -> memref<128x128xbf16, #tpu.memory_space<vmem_shared>>
      %dma_wait3A_325 = arith.constant 0 : i32
      %dma_wait3A_326 = arith.constant 0 : i32
      %dma_wait3A_327 = tpu.memref_slice %arg9[%dma_wait3A_325, %dma_wait3A_326] : memref<128x128xbf16, #tpu.memory_space<vmem>> -> memref<128x128xbf16, #tpu.memory_space<vmem>>
      tpu.wait_dma2 semaphore(%run_scoped3A_307 : memref<!tpu.dma_semaphore, #tpu.memory_space<semaphore_mem>>) src(%dma_wait3A_327 : memref<128x128xbf16, #tpu.memory_space<vmem>>) dst(%dma_wait3A_324 : memref<128x128xbf16, #tpu.memory_space<vmem_shared>>)
      tpu.yield
    }) : () -> ()
    %add3A_16 = arith.constant 384 : i32
    %add3A_17 = arith.addi %mul3A_9, %add3A_16 : i32
    "tpu.region"() ({
      %run_scoped3A_307 = tpu.sem_alloc : memref<!tpu.dma_semaphore, #tpu.memory_space<semaphore_mem>>
      %dma_start3A_308 = arith.constant 0 : i32
      %dma_start3A_309 = arith.constant 0 : i32
      %dma_start3A_310 = tpu.memref_slice %arg9[%dma_start3A_308, %dma_start3A_309] : memref<128x128xbf16, #tpu.memory_space<vmem>> -> memref<128x128xbf16, #tpu.memory_space<vmem>>
      %dma_start3A_311 = arith.constant 0 : i32
      %dma_start3A_312 = tpu.memref_slice %arg13[%add3A_17, %dma_start3A_311] : memref<10112x128xbf16, #tpu.memory_space<vmem_shared>> -> memref<128x128xbf16, #tpu.memory_space<vmem_shared>>
      %dma_start3A_313 = arith.constant 0 : i32
      %dma_start3A_314 = tpu.memref_slice %arg13[%add3A_17, %dma_start3A_313] : memref<10112x128xbf16, #tpu.memory_space<vmem_shared>> -> memref<128x128xbf16, #tpu.memory_space<vmem_shared>>
      %dma_start3A_315 = arith.constant 0 : i32
      %dma_start3A_316 = arith.constant 0 : i32
      %dma_start3A_317 = tpu.memref_slice %arg9[%dma_start3A_315, %dma_start3A_316] : memref<128x128xbf16, #tpu.memory_space<vmem>> -> memref<128x128xbf16, #tpu.memory_space<vmem>>
      tpu.enqueue_dma source(%dma_start3A_317 : memref<128x128xbf16, #tpu.memory_space<vmem>>) target(%dma_start3A_314 : memref<128x128xbf16, #tpu.memory_space<vmem_shared>>) target_semaphore(%run_scoped3A_307 : memref<!tpu.dma_semaphore, #tpu.memory_space<semaphore_mem>>)
      %dma_wait3A_318 = arith.constant 0 : i32
      %dma_wait3A_319 = arith.constant 0 : i32
      %dma_wait3A_320 = tpu.memref_slice %arg9[%dma_wait3A_318, %dma_wait3A_319] : memref<128x128xbf16, #tpu.memory_space<vmem>> -> memref<128x128xbf16, #tpu.memory_space<vmem>>
      %dma_wait3A_321 = arith.constant 0 : i32
      %dma_wait3A_322 = tpu.memref_slice %arg13[%add3A_17, %dma_wait3A_321] : memref<10112x128xbf16, #tpu.memory_space<vmem_shared>> -> memref<128x128xbf16, #tpu.memory_space<vmem_shared>>
      %dma_wait3A_323 = arith.constant 0 : i32
      %dma_wait3A_324 = tpu.memref_slice %arg13[%add3A_17, %dma_wait3A_323] : memref<10112x128xbf16, #tpu.memory_space<vmem_shared>> -> memref<128x128xbf16, #tpu.memory_space<vmem_shared>>
      %dma_wait3A_325 = arith.constant 0 : i32
      %dma_wait3A_326 = arith.constant 0 : i32
      %dma_wait3A_327 = tpu.memref_slice %arg9[%dma_wait3A_325, %dma_wait3A_326] : memref<128x128xbf16, #tpu.memory_space<vmem>> -> memref<128x128xbf16, #tpu.memory_space<vmem>>
      tpu.wait_dma2 semaphore(%run_scoped3A_307 : memref<!tpu.dma_semaphore, #tpu.memory_space<semaphore_mem>>) src(%dma_wait3A_327 : memref<128x128xbf16, #tpu.memory_space<vmem>>) dst(%dma_wait3A_324 : memref<128x128xbf16, #tpu.memory_space<vmem_shared>>)
      tpu.yield
    }) : () -> ()
    %add3A_18 = arith.constant 512 : i32
    %add3A_19 = arith.addi %mul3A_9, %add3A_18 : i32
    "tpu.region"() ({
      %run_scoped3A_307 = tpu.sem_alloc : memref<!tpu.dma_semaphore, #tpu.memory_space<semaphore_mem>>
      %dma_start3A_308 = arith.constant 0 : i32
      %dma_start3A_309 = arith.constant 0 : i32
      %dma_start3A_310 = tpu.memref_slice %arg9[%dma_start3A_308, %dma_start3A_309] : memref<128x128xbf16, #tpu.memory_space<vmem>> -> memref<120x128xbf16, #tpu.memory_space<vmem>>
      %dma_start3A_311 = arith.constant 0 : i32
      %dma_start3A_312 = tpu.memref_slice %arg13[%add3A_19, %dma_start3A_311] : memref<10112x128xbf16, #tpu.memory_space<vmem_shared>> -> memref<120x128xbf16, #tpu.memory_space<vmem_shared>>
      %dma_start3A_313 = arith.constant 0 : i32
      %dma_start3A_314 = tpu.memref_slice %arg13[%add3A_19, %dma_start3A_313] : memref<10112x128xbf16, #tpu.memory_space<vmem_shared>> -> memref<120x128xbf16, #tpu.memory_space<vmem_shared>>
      %dma_start3A_315 = arith.constant 0 : i32
      %dma_start3A_316 = arith.constant 0 : i32
      %dma_start3A_317 = tpu.memref_slice %arg9[%dma_start3A_315, %dma_start3A_316] : memref<128x128xbf16, #tpu.memory_space<vmem>> -> memref<120x128xbf16, #tpu.memory_space<vmem>>
      tpu.enqueue_dma source(%dma_start3A_317 : memref<120x128xbf16, #tpu.memory_space<vmem>>) target(%dma_start3A_314 : memref<120x128xbf16, #tpu.memory_space<vmem_shared>>) target_semaphore(%run_scoped3A_307 : memref<!tpu.dma_semaphore, #tpu.memory_space<semaphore_mem>>)
      %dma_wait3A_318 = arith.constant 0 : i32
      %dma_wait3A_319 = arith.constant 0 : i32
      %dma_wait3A_320 = tpu.memref_slice %arg9[%dma_wait3A_318, %dma_wait3A_319] : memref<128x128xbf16, #tpu.memory_space<vmem>> -> memref<120x128xbf16, #tpu.memory_space<vmem>>
      %dma_wait3A_321 = arith.constant 0 : i32
      %dma_wait3A_322 = tpu.memref_slice %arg13[%add3A_19, %dma_wait3A_321] : memref<10112x128xbf16, #tpu.memory_space<vmem_shared>> -> memref<120x128xbf16, #tpu.memory_space<vmem_shared>>
      %dma_wait3A_323 = arith.constant 0 : i32
      %dma_wait3A_324 = tpu.memref_slice %arg13[%add3A_19, %dma_wait3A_323] : memref<10112x128xbf16, #tpu.memory_space<vmem_shared>> -> memref<120x128xbf16, #tpu.memory_space<vmem_shared>>
      %dma_wait3A_325 = arith.constant 0 : i32
      %dma_wait3A_326 = arith.constant 0 : i32
      %dma_wait3A_327 = tpu.memref_slice %arg9[%dma_wait3A_325, %dma_wait3A_326] : memref<128x128xbf16, #tpu.memory_space<vmem>> -> memref<120x128xbf16, #tpu.memory_space<vmem>>
      tpu.wait_dma2 semaphore(%run_scoped3A_307 : memref<!tpu.dma_semaphore, #tpu.memory_space<semaphore_mem>>) src(%dma_wait3A_327 : memref<120x128xbf16, #tpu.memory_space<vmem>>) dst(%dma_wait3A_324 : memref<120x128xbf16, #tpu.memory_space<vmem_shared>>)
      tpu.yield
    }) : () -> ()
    %broadcast_in_dim3A_20 = arith.constant 1.000000e+00 : f32
    %broadcast_in_dim3A_21 = vector.broadcast %broadcast_in_dim3A_20 : f32 to vector<16xf32>
    %scan3A_22 = arith.constant 0 : i32
    %scan3A_23 = arith.constant 0 : i32
    %scan3A_24 = arith.constant 128 : i32
    %scan3A_25 = arith.addi %scan3A_23, %scan3A_24 : i32
    %scan3A_26 = arith.constant 1 : i32
    %scan3A_27 = scf.for %scan3A_307 = %scan3A_23 to %scan3A_25 step %scan3A_26 iter_args(%scan3A_308 = %scan3A_22) -> (i32)  : i32 {
      %swap3A = arith.index_cast %scan3A_307 : i32 to index
      %swap3A_309 = arith.constant 0 : index
      %swap3A_310 = tpu.vector_load %arg18[%swap3A, %swap3A_309] {strides = array<i32>} : memref<128x16xf32, #tpu.memory_space<vmem>>, vector<1x16xf32>,
      %swap3A_311 = vector.shape_cast %swap3A_310 : vector<1x16xf32> to vector<16xf32>
      %swap3A_312 = vector.shape_cast %broadcast_in_dim3A_21 : vector<16xf32> to vector<1x16xf32>
      tpu.vector_store %arg18[%swap3A, %swap3A_309], %swap3A_312 {strides = array<i32>} : memref<128x16xf32, #tpu.memory_space<vmem>>, vector<1x16xf32>,
      %scan3A_313 = arith.constant 0 : i32
      scf.yield %scan3A_313 : i32
    }
    %scan3A_28 = arith.constant 128 : i32
    %broadcast_in_dim3A_29 = arith.constant 0.000000e+00 : f32
    %broadcast_in_dim3A_30 = vector.broadcast %broadcast_in_dim3A_29 : f32 to vector<16xf32>
    %scan3A_31 = arith.constant 0 : i32
    %scan3A_32 = arith.constant 0 : i32
    %scan3A_33 = arith.constant 128 : i32
    %scan3A_34 = arith.addi %scan3A_32, %scan3A_33 : i32
    %scan3A_35 = arith.constant 1 : i32
    %scan3A_36 = scf.for %scan3A_307 = %scan3A_32 to %scan3A_34 step %scan3A_35 iter_args(%scan3A_308 = %scan3A_31) -> (i32)  : i32 {
      %swap3A = arith.index_cast %scan3A_307 : i32 to index
      %swap3A_309 = arith.constant 0 : index
      %swap3A_310 = tpu.vector_load %arg19[%swap3A, %swap3A_309] {strides = array<i32>} : memref<128x16xf32, #tpu.memory_space<vmem>>, vector<1x16xf32>,
      %swap3A_311 = vector.shape_cast %swap3A_310 : vector<1x16xf32> to vector<16xf32>
      %swap3A_312 = vector.shape_cast %broadcast_in_dim3A_30 : vector<16xf32> to vector<1x16xf32>
      tpu.vector_store %arg19[%swap3A, %swap3A_309], %swap3A_312 {strides = array<i32>} : memref<128x16xf32, #tpu.memory_space<vmem>>, vector<1x16xf32>,
      %scan3A_313 = arith.constant 0 : i32
      scf.yield %scan3A_313 : i32
    }
    %scan3A_37 = arith.constant 128 : i32
    %add3A_38 = arith.constant 0 : i32
    %add3A_39 = arith.addi %mul3A_9, %add3A_38 : i32
    "tpu.region"() ({
      %run_scoped3A_307 = tpu.sem_alloc : memref<!tpu.dma_semaphore, #tpu.memory_space<semaphore_mem>>
      %dma_start3A_308 = arith.constant 0 : i32
      %dma_start3A_309 = arith.constant 0 : i32
      %dma_start3A_310 = tpu.memref_slice %arg19[%dma_start3A_308, %dma_start3A_309] : memref<128x16xf32, #tpu.memory_space<vmem>> -> memref<128x16xf32, #tpu.memory_space<vmem>>
      %dma_start3A_311 = arith.constant 0 : i32
      %dma_start3A_312 = tpu.memref_slice %arg20[%add3A_39, %dma_start3A_311] : memref<10112x16xf32, #tpu.memory_space<vmem_shared>> -> memref<128x16xf32, #tpu.memory_space<vmem_shared>>
      %dma_start3A_313 = arith.constant 0 : i32
      %dma_start3A_314 = tpu.memref_slice %arg20[%add3A_39, %dma_start3A_313] : memref<10112x16xf32, #tpu.memory_space<vmem_shared>> -> memref<128x16xf32, #tpu.memory_space<vmem_shared>>
      %dma_start3A_315 = arith.constant 0 : i32
      %dma_start3A_316 = arith.constant 0 : i32
      %dma_start3A_317 = tpu.memref_slice %arg19[%dma_start3A_315, %dma_start3A_316] : memref<128x16xf32, #tpu.memory_space<vmem>> -> memref<128x16xf32, #tpu.memory_space<vmem>>
      tpu.enqueue_dma source(%dma_start3A_317 : memref<128x16xf32, #tpu.memory_space<vmem>>) target(%dma_start3A_314 : memref<128x16xf32, #tpu.memory_space<vmem_shared>>) target_semaphore(%run_scoped3A_307 : memref<!tpu.dma_semaphore, #tpu.memory_space<semaphore_mem>>)
      %dma_wait3A_318 = arith.constant 0 : i32
      %dma_wait3A_319 = arith.constant 0 : i32
      %dma_wait3A_320 = tpu.memref_slice %arg19[%dma_wait3A_318, %dma_wait3A_319] : memref<128x16xf32, #tpu.memory_space<vmem>> -> memref<128x16xf32, #tpu.memory_space<vmem>>
      %dma_wait3A_321 = arith.constant 0 : i32
      %dma_wait3A_322 = tpu.memref_slice %arg20[%add3A_39, %dma_wait3A_321] : memref<10112x16xf32, #tpu.memory_space<vmem_shared>> -> memref<128x16xf32, #tpu.memory_space<vmem_shared>>
      %dma_wait3A_323 = arith.constant 0 : i32
      %dma_wait3A_324 = tpu.memref_slice %arg20[%add3A_39, %dma_wait3A_323] : memref<10112x16xf32, #tpu.memory_space<vmem_shared>> -> memref<128x16xf32, #tpu.memory_space<vmem_shared>>
      %dma_wait3A_325 = arith.constant 0 : i32
      %dma_wait3A_326 = arith.constant 0 : i32
      %dma_wait3A_327 = tpu.memref_slice %arg19[%dma_wait3A_325, %dma_wait3A_326] : memref<128x16xf32, #tpu.memory_space<vmem>> -> memref<128x16xf32, #tpu.memory_space<vmem>>
      tpu.wait_dma2 semaphore(%run_scoped3A_307 : memref<!tpu.dma_semaphore, #tpu.memory_space<semaphore_mem>>) src(%dma_wait3A_327 : memref<128x16xf32, #tpu.memory_space<vmem>>) dst(%dma_wait3A_324 : memref<128x16xf32, #tpu.memory_space<vmem_shared>>)
      tpu.yield
    }) : () -> ()
    %add3A_40 = arith.constant 128 : i32
    %add3A_41 = arith.addi %mul3A_9, %add3A_40 : i32
    "tpu.region"() ({
      %run_scoped3A_307 = tpu.sem_alloc : memref<!tpu.dma_semaphore, #tpu.memory_space<semaphore_mem>>
      %dma_start3A_308 = arith.constant 0 : i32
      %dma_start3A_309 = arith.constant 0 : i32
      %dma_start3A_310 = tpu.memref_slice %arg19[%dma_start3A_308, %dma_start3A_309] : memref<128x16xf32, #tpu.memory_space<vmem>> -> memref<128x16xf32, #tpu.memory_space<vmem>>
      %dma_start3A_311 = arith.constant 0 : i32
      %dma_start3A_312 = tpu.memref_slice %arg20[%add3A_41, %dma_start3A_311] : memref<10112x16xf32, #tpu.memory_space<vmem_shared>> -> memref<128x16xf32, #tpu.memory_space<vmem_shared>>
      %dma_start3A_313 = arith.constant 0 : i32
      %dma_start3A_314 = tpu.memref_slice %arg20[%add3A_41, %dma_start3A_313] : memref<10112x16xf32, #tpu.memory_space<vmem_shared>> -> memref<128x16xf32, #tpu.memory_space<vmem_shared>>
      %dma_start3A_315 = arith.constant 0 : i32
      %dma_start3A_316 = arith.constant 0 : i32
      %dma_start3A_317 = tpu.memref_slice %arg19[%dma_start3A_315, %dma_start3A_316] : memref<128x16xf32, #tpu.memory_space<vmem>> -> memref<128x16xf32, #tpu.memory_space<vmem>>
      tpu.enqueue_dma source(%dma_start3A_317 : memref<128x16xf32, #tpu.memory_space<vmem>>) target(%dma_start3A_314 : memref<128x16xf32, #tpu.memory_space<vmem_shared>>) target_semaphore(%run_scoped3A_307 : memref<!tpu.dma_semaphore, #tpu.memory_space<semaphore_mem>>)
      %dma_wait3A_318 = arith.constant 0 : i32
      %dma_wait3A_319 = arith.constant 0 : i32
      %dma_wait3A_320 = tpu.memref_slice %arg19[%dma_wait3A_318, %dma_wait3A_319] : memref<128x16xf32, #tpu.memory_space<vmem>> -> memref<128x16xf32, #tpu.memory_space<vmem>>
      %dma_wait3A_321 = arith.constant 0 : i32
      %dma_wait3A_322 = tpu.memref_slice %arg20[%add3A_41, %dma_wait3A_321] : memref<10112x16xf32, #tpu.memory_space<vmem_shared>> -> memref<128x16xf32, #tpu.memory_space<vmem_shared>>
      %dma_wait3A_323 = arith.constant 0 : i32
      %dma_wait3A_324 = tpu.memref_slice %arg20[%add3A_41, %dma_wait3A_323] : memref<10112x16xf32, #tpu.memory_space<vmem_shared>> -> memref<128x16xf32, #tpu.memory_space<vmem_shared>>
      %dma_wait3A_325 = arith.constant 0 : i32
      %dma_wait3A_326 = arith.constant 0 : i32
      %dma_wait3A_327 = tpu.memref_slice %arg19[%dma_wait3A_325, %dma_wait3A_326] : memref<128x16xf32, #tpu.memory_space<vmem>> -> memref<128x16xf32, #tpu.memory_space<vmem>>
      tpu.wait_dma2 semaphore(%run_scoped3A_307 : memref<!tpu.dma_semaphore, #tpu.memory_space<semaphore_mem>>) src(%dma_wait3A_327 : memref<128x16xf32, #tpu.memory_space<vmem>>) dst(%dma_wait3A_324 : memref<128x16xf32, #tpu.memory_space<vmem_shared>>)
      tpu.yield
    }) : () -> ()
    %add3A_42 = arith.constant 256 : i32
    %add3A_43 = arith.addi %mul3A_9, %add3A_42 : i32
    "tpu.region"() ({
      %run_scoped3A_307 = tpu.sem_alloc : memref<!tpu.dma_semaphore, #tpu.memory_space<semaphore_mem>>
      %dma_start3A_308 = arith.constant 0 : i32
      %dma_start3A_309 = arith.constant 0 : i32
      %dma_start3A_310 = tpu.memref_slice %arg19[%dma_start3A_308, %dma_start3A_309] : memref<128x16xf32, #tpu.memory_space<vmem>> -> memref<128x16xf32, #tpu.memory_space<vmem>>
      %dma_start3A_311 = arith.constant 0 : i32
      %dma_start3A_312 = tpu.memref_slice %arg20[%add3A_43, %dma_start3A_311] : memref<10112x16xf32, #tpu.memory_space<vmem_shared>> -> memref<128x16xf32, #tpu.memory_space<vmem_shared>>
      %dma_start3A_313 = arith.constant 0 : i32
      %dma_start3A_314 = tpu.memref_slice %arg20[%add3A_43, %dma_start3A_313] : memref<10112x16xf32, #tpu.memory_space<vmem_shared>> -> memref<128x16xf32, #tpu.memory_space<vmem_shared>>
      %dma_start3A_315 = arith.constant 0 : i32
      %dma_start3A_316 = arith.constant 0 : i32
      %dma_start3A_317 = tpu.memref_slice %arg19[%dma_start3A_315, %dma_start3A_316] : memref<128x16xf32, #tpu.memory_space<vmem>> -> memref<128x16xf32, #tpu.memory_space<vmem>>
      tpu.enqueue_dma source(%dma_start3A_317 : memref<128x16xf32, #tpu.memory_space<vmem>>) target(%dma_start3A_314 : memref<128x16xf32, #tpu.memory_space<vmem_shared>>) target_semaphore(%run_scoped3A_307 : memref<!tpu.dma_semaphore, #tpu.memory_space<semaphore_mem>>)
      %dma_wait3A_318 = arith.constant 0 : i32
      %dma_wait3A_319 = arith.constant 0 : i32
      %dma_wait3A_320 = tpu.memref_slice %arg19[%dma_wait3A_318, %dma_wait3A_319] : memref<128x16xf32, #tpu.memory_space<vmem>> -> memref<128x16xf32, #tpu.memory_space<vmem>>
      %dma_wait3A_321 = arith.constant 0 : i32
      %dma_wait3A_322 = tpu.memref_slice %arg20[%add3A_43, %dma_wait3A_321] : memref<10112x16xf32, #tpu.memory_space<vmem_shared>> -> memref<128x16xf32, #tpu.memory_space<vmem_shared>>
      %dma_wait3A_323 = arith.constant 0 : i32
      %dma_wait3A_324 = tpu.memref_slice %arg20[%add3A_43, %dma_wait3A_323] : memref<10112x16xf32, #tpu.memory_space<vmem_shared>> -> memref<128x16xf32, #tpu.memory_space<vmem_shared>>
      %dma_wait3A_325 = arith.constant 0 : i32
      %dma_wait3A_326 = arith.constant 0 : i32
      %dma_wait3A_327 = tpu.memref_slice %arg19[%dma_wait3A_325, %dma_wait3A_326] : memref<128x16xf32, #tpu.memory_space<vmem>> -> memref<128x16xf32, #tpu.memory_space<vmem>>
      tpu.wait_dma2 semaphore(%run_scoped3A_307 : memref<!tpu.dma_semaphore, #tpu.memory_space<semaphore_mem>>) src(%dma_wait3A_327 : memref<128x16xf32, #tpu.memory_space<vmem>>) dst(%dma_wait3A_324 : memref<128x16xf32, #tpu.memory_space<vmem_shared>>)
      tpu.yield
    }) : () -> ()
    %add3A_44 = arith.constant 384 : i32
    %add3A_45 = arith.addi %mul3A_9, %add3A_44 : i32
    "tpu.region"() ({
      %run_scoped3A_307 = tpu.sem_alloc : memref<!tpu.dma_semaphore, #tpu.memory_space<semaphore_mem>>
      %dma_start3A_308 = arith.constant 0 : i32
      %dma_start3A_309 = arith.constant 0 : i32
      %dma_start3A_310 = tpu.memref_slice %arg19[%dma_start3A_308, %dma_start3A_309] : memref<128x16xf32, #tpu.memory_space<vmem>> -> memref<128x16xf32, #tpu.memory_space<vmem>>
      %dma_start3A_311 = arith.constant 0 : i32
      %dma_start3A_312 = tpu.memref_slice %arg20[%add3A_45, %dma_start3A_311] : memref<10112x16xf32, #tpu.memory_space<vmem_shared>> -> memref<128x16xf32, #tpu.memory_space<vmem_shared>>
      %dma_start3A_313 = arith.constant 0 : i32
      %dma_start3A_314 = tpu.memref_slice %arg20[%add3A_45, %dma_start3A_313] : memref<10112x16xf32, #tpu.memory_space<vmem_shared>> -> memref<128x16xf32, #tpu.memory_space<vmem_shared>>
      %dma_start3A_315 = arith.constant 0 : i32
      %dma_start3A_316 = arith.constant 0 : i32
      %dma_start3A_317 = tpu.memref_slice %arg19[%dma_start3A_315, %dma_start3A_316] : memref<128x16xf32, #tpu.memory_space<vmem>> -> memref<128x16xf32, #tpu.memory_space<vmem>>
      tpu.enqueue_dma source(%dma_start3A_317 : memref<128x16xf32, #tpu.memory_space<vmem>>) target(%dma_start3A_314 : memref<128x16xf32, #tpu.memory_space<vmem_shared>>) target_semaphore(%run_scoped3A_307 : memref<!tpu.dma_semaphore, #tpu.memory_space<semaphore_mem>>)
      %dma_wait3A_318 = arith.constant 0 : i32
      %dma_wait3A_319 = arith.constant 0 : i32
      %dma_wait3A_320 = tpu.memref_slice %arg19[%dma_wait3A_318, %dma_wait3A_319] : memref<128x16xf32, #tpu.memory_space<vmem>> -> memref<128x16xf32, #tpu.memory_space<vmem>>
      %dma_wait3A_321 = arith.constant 0 : i32
      %dma_wait3A_322 = tpu.memref_slice %arg20[%add3A_45, %dma_wait3A_321] : memref<10112x16xf32, #tpu.memory_space<vmem_shared>> -> memref<128x16xf32, #tpu.memory_space<vmem_shared>>
      %dma_wait3A_323 = arith.constant 0 : i32
      %dma_wait3A_324 = tpu.memref_slice %arg20[%add3A_45, %dma_wait3A_323] : memref<10112x16xf32, #tpu.memory_space<vmem_shared>> -> memref<128x16xf32, #tpu.memory_space<vmem_shared>>
      %dma_wait3A_325 = arith.constant 0 : i32
      %dma_wait3A_326 = arith.constant 0 : i32
      %dma_wait3A_327 = tpu.memref_slice %arg19[%dma_wait3A_325, %dma_wait3A_326] : memref<128x16xf32, #tpu.memory_space<vmem>> -> memref<128x16xf32, #tpu.memory_space<vmem>>
      tpu.wait_dma2 semaphore(%run_scoped3A_307 : memref<!tpu.dma_semaphore, #tpu.memory_space<semaphore_mem>>) src(%dma_wait3A_327 : memref<128x16xf32, #tpu.memory_space<vmem>>) dst(%dma_wait3A_324 : memref<128x16xf32, #tpu.memory_space<vmem_shared>>)
      tpu.yield
    }) : () -> ()
    %add3A_46 = arith.constant 512 : i32
    %add3A_47 = arith.addi %mul3A_9, %add3A_46 : i32
    "tpu.region"() ({
      %run_scoped3A_307 = tpu.sem_alloc : memref<!tpu.dma_semaphore, #tpu.memory_space<semaphore_mem>>
      %dma_start3A_308 = arith.constant 0 : i32
      %dma_start3A_309 = arith.constant 0 : i32
      %dma_start3A_310 = tpu.memref_slice %arg19[%dma_start3A_308, %dma_start3A_309] : memref<128x16xf32, #tpu.memory_space<vmem>> -> memref<120x16xf32, #tpu.memory_space<vmem>>
      %dma_start3A_311 = arith.constant 0 : i32
      %dma_start3A_312 = tpu.memref_slice %arg20[%add3A_47, %dma_start3A_311] : memref<10112x16xf32, #tpu.memory_space<vmem_shared>> -> memref<120x16xf32, #tpu.memory_space<vmem_shared>>
      %dma_start3A_313 = arith.constant 0 : i32
      %dma_start3A_314 = tpu.memref_slice %arg20[%add3A_47, %dma_start3A_313] : memref<10112x16xf32, #tpu.memory_space<vmem_shared>> -> memref<120x16xf32, #tpu.memory_space<vmem_shared>>
      %dma_start3A_315 = arith.constant 0 : i32
      %dma_start3A_316 = arith.constant 0 : i32
      %dma_start3A_317 = tpu.memref_slice %arg19[%dma_start3A_315, %dma_start3A_316] : memref<128x16xf32, #tpu.memory_space<vmem>> -> memref<120x16xf32, #tpu.memory_space<vmem>>
      tpu.enqueue_dma source(%dma_start3A_317 : memref<120x16xf32, #tpu.memory_space<vmem>>) target(%dma_start3A_314 : memref<120x16xf32, #tpu.memory_space<vmem_shared>>) target_semaphore(%run_scoped3A_307 : memref<!tpu.dma_semaphore, #tpu.memory_space<semaphore_mem>>)
      %dma_wait3A_318 = arith.constant 0 : i32
      %dma_wait3A_319 = arith.constant 0 : i32
      %dma_wait3A_320 = tpu.memref_slice %arg19[%dma_wait3A_318, %dma_wait3A_319] : memref<128x16xf32, #tpu.memory_space<vmem>> -> memref<120x16xf32, #tpu.memory_space<vmem>>
      %dma_wait3A_321 = arith.constant 0 : i32
      %dma_wait3A_322 = tpu.memref_slice %arg20[%add3A_47, %dma_wait3A_321] : memref<10112x16xf32, #tpu.memory_space<vmem_shared>> -> memref<120x16xf32, #tpu.memory_space<vmem_shared>>
      %dma_wait3A_323 = arith.constant 0 : i32
      %dma_wait3A_324 = tpu.memref_slice %arg20[%add3A_47, %dma_wait3A_323] : memref<10112x16xf32, #tpu.memory_space<vmem_shared>> -> memref<120x16xf32, #tpu.memory_space<vmem_shared>>
      %dma_wait3A_325 = arith.constant 0 : i32
      %dma_wait3A_326 = arith.constant 0 : i32
      %dma_wait3A_327 = tpu.memref_slice %arg19[%dma_wait3A_325, %dma_wait3A_326] : memref<128x16xf32, #tpu.memory_space<vmem>> -> memref<120x16xf32, #tpu.memory_space<vmem>>
      tpu.wait_dma2 semaphore(%run_scoped3A_307 : memref<!tpu.dma_semaphore, #tpu.memory_space<semaphore_mem>>) src(%dma_wait3A_327 : memref<120x16xf32, #tpu.memory_space<vmem>>) dst(%dma_wait3A_324 : memref<120x16xf32, #tpu.memory_space<vmem_shared>>)
      tpu.yield
    }) : () -> ()
    %barrier3A = arith.constant 0 : index
    tpu.barrier barrier_id(%barrier3A)
    "tpu.region"() ({
      %run_scoped3A_307 = tpu.sem_alloc : memref<!tpu.dma_semaphore, #tpu.memory_space<semaphore_mem>>
      %dma_start3A_308 = arith.constant 0 : i32
      %dma_start3A_309 = arith.constant 0 : i32
      %dma_start3A_310 = tpu.memref_slice %arg7[%dma_start3A_308, %dma_start3A_309] : memref<32x128xi32, #tpu.memory_space<vmem>> -> memref<32x128xi32, #tpu.memory_space<vmem>>
      %dma_start3A_311 = arith.constant 0 : i32
      %dma_start3A_312 = arith.constant 0 : i32
      %dma_start3A_313 = tpu.memref_slice %arg3[%add3A, %dma_start3A_311, %dma_start3A_312] : memref<32x79x128xi32, #tpu.memory_space<hbm>> -> memref<1x32x128xi32, #tpu.memory_space<hbm>>
      %dma_start3A_314 = tpu.memref_squeeze %dma_start3A_313 : memref<1x32x128xi32, #tpu.memory_space<hbm>> -> memref<32x128xi32, #tpu.memory_space<hbm>>
      %dma_start3A_315 = arith.constant 0 : i32
      %dma_start3A_316 = arith.constant 0 : i32
      %dma_start3A_317 = tpu.memref_slice %arg7[%dma_start3A_315, %dma_start3A_316] : memref<32x128xi32, #tpu.memory_space<vmem>> -> memref<32x128xi32, #tpu.memory_space<vmem>>
      %dma_start3A_318 = arith.constant 0 : i32
      %dma_start3A_319 = arith.constant 0 : i32
      %dma_start3A_320 = tpu.memref_slice %arg3[%add3A, %dma_start3A_318, %dma_start3A_319] : memref<32x79x128xi32, #tpu.memory_space<hbm>> -> memref<1x32x128xi32, #tpu.memory_space<hbm>>
      %dma_start3A_321 = tpu.memref_squeeze %dma_start3A_320 : memref<1x32x128xi32, #tpu.memory_space<hbm>> -> memref<32x128xi32, #tpu.memory_space<hbm>>
      tpu.enqueue_dma source(%dma_start3A_321 : memref<32x128xi32, #tpu.memory_space<hbm>>) target(%dma_start3A_317 : memref<32x128xi32, #tpu.memory_space<vmem>>) target_semaphore(%run_scoped3A_307 : memref<!tpu.dma_semaphore, #tpu.memory_space<semaphore_mem>>)
      %dma_wait3A_322 = arith.constant 0 : i32
      %dma_wait3A_323 = arith.constant 0 : i32
      %dma_wait3A_324 = tpu.memref_slice %arg7[%dma_wait3A_322, %dma_wait3A_323] : memref<32x128xi32, #tpu.memory_space<vmem>> -> memref<32x128xi32, #tpu.memory_space<vmem>>
      %dma_wait3A_325 = arith.constant 0 : i32
      %dma_wait3A_326 = arith.constant 0 : i32
      %dma_wait3A_327 = tpu.memref_slice %arg3[%add3A, %dma_wait3A_325, %dma_wait3A_326] : memref<32x79x128xi32, #tpu.memory_space<hbm>> -> memref<1x32x128xi32, #tpu.memory_space<hbm>>
      %dma_wait3A_328 = tpu.memref_squeeze %dma_wait3A_327 : memref<1x32x128xi32, #tpu.memory_space<hbm>> -> memref<32x128xi32, #tpu.memory_space<hbm>>
      %dma_wait3A_329 = arith.constant 0 : i32
      %dma_wait3A_330 = arith.constant 0 : i32
      %dma_wait3A_331 = tpu.memref_slice %arg7[%dma_wait3A_329, %dma_wait3A_330] : memref<32x128xi32, #tpu.memory_space<vmem>> -> memref<32x128xi32, #tpu.memory_space<vmem>>
      %dma_wait3A_332 = arith.constant 0 : i32
      %dma_wait3A_333 = arith.constant 0 : i32
      %dma_wait3A_334 = tpu.memref_slice %arg3[%add3A, %dma_wait3A_332, %dma_wait3A_333] : memref<32x79x128xi32, #tpu.memory_space<hbm>> -> memref<1x32x128xi32, #tpu.memory_space<hbm>>
      %dma_wait3A_335 = tpu.memref_squeeze %dma_wait3A_334 : memref<1x32x128xi32, #tpu.memory_space<hbm>> -> memref<32x128xi32, #tpu.memory_space<hbm>>
      tpu.wait_dma2 semaphore(%run_scoped3A_307 : memref<!tpu.dma_semaphore, #tpu.memory_space<semaphore_mem>>) src(%dma_wait3A_335 : memref<32x128xi32, #tpu.memory_space<hbm>>) dst(%dma_wait3A_331 : memref<32x128xi32, #tpu.memory_space<vmem>>)
      tpu.yield
    }) : () -> ()
    "tpu.region"() ({
      %run_scoped3A_307 = tpu.sem_alloc : memref<!tpu.dma_semaphore, #tpu.memory_space<semaphore_mem>>
      %dma_start3A_308 = arith.constant 0 : i32
      %dma_start3A_309 = arith.constant 0 : i32
      %dma_start3A_310 = tpu.memref_slice %arg8[%dma_start3A_308, %dma_start3A_309] : memref<32x128xi32, #tpu.memory_space<vmem>> -> memref<32x128xi32, #tpu.memory_space<vmem>>
      %dma_start3A_311 = arith.constant 0 : i32
      %dma_start3A_312 = arith.constant 0 : i32
      %dma_start3A_313 = tpu.memref_slice %arg4[%add3A, %dma_start3A_311, %dma_start3A_312] : memref<32x79x128xi32, #tpu.memory_space<hbm>> -> memref<1x32x128xi32, #tpu.memory_space<hbm>>
      %dma_start3A_314 = tpu.memref_squeeze %dma_start3A_313 : memref<1x32x128xi32, #tpu.memory_space<hbm>> -> memref<32x128xi32, #tpu.memory_space<hbm>>
      %dma_start3A_315 = arith.constant 0 : i32
      %dma_start3A_316 = arith.constant 0 : i32
      %dma_start3A_317 = tpu.memref_slice %arg8[%dma_start3A_315, %dma_start3A_316] : memref<32x128xi32, #tpu.memory_space<vmem>> -> memref<32x128xi32, #tpu.memory_space<vmem>>
      %dma_start3A_318 = arith.constant 0 : i32
      %dma_start3A_319 = arith.constant 0 : i32
      %dma_start3A_320 = tpu.memref_slice %arg4[%add3A, %dma_start3A_318, %dma_start3A_319] : memref<32x79x128xi32, #tpu.memory_space<hbm>> -> memref<1x32x128xi32, #tpu.memory_space<hbm>>
      %dma_start3A_321 = tpu.memref_squeeze %dma_start3A_320 : memref<1x32x128xi32, #tpu.memory_space<hbm>> -> memref<32x128xi32, #tpu.memory_space<hbm>>
      tpu.enqueue_dma source(%dma_start3A_321 : memref<32x128xi32, #tpu.memory_space<hbm>>) target(%dma_start3A_317 : memref<32x128xi32, #tpu.memory_space<vmem>>) target_semaphore(%run_scoped3A_307 : memref<!tpu.dma_semaphore, #tpu.memory_space<semaphore_mem>>)
      %dma_wait3A_322 = arith.constant 0 : i32
      %dma_wait3A_323 = arith.constant 0 : i32
      %dma_wait3A_324 = tpu.memref_slice %arg8[%dma_wait3A_322, %dma_wait3A_323] : memref<32x128xi32, #tpu.memory_space<vmem>> -> memref<32x128xi32, #tpu.memory_space<vmem>>
      %dma_wait3A_325 = arith.constant 0 : i32
      %dma_wait3A_326 = arith.constant 0 : i32
      %dma_wait3A_327 = tpu.memref_slice %arg4[%add3A, %dma_wait3A_325, %dma_wait3A_326] : memref<32x79x128xi32, #tpu.memory_space<hbm>> -> memref<1x32x128xi32, #tpu.memory_space<hbm>>
      %dma_wait3A_328 = tpu.memref_squeeze %dma_wait3A_327 : memref<1x32x128xi32, #tpu.memory_space<hbm>> -> memref<32x128xi32, #tpu.memory_space<hbm>>
      %dma_wait3A_329 = arith.constant 0 : i32
      %dma_wait3A_330 = arith.constant 0 : i32
      %dma_wait3A_331 = tpu.memref_slice %arg8[%dma_wait3A_329, %dma_wait3A_330] : memref<32x128xi32, #tpu.memory_space<vmem>> -> memref<32x128xi32, #tpu.memory_space<vmem>>
      %dma_wait3A_332 = arith.constant 0 : i32
      %dma_wait3A_333 = arith.constant 0 : i32
      %dma_wait3A_334 = tpu.memref_slice %arg4[%add3A, %dma_wait3A_332, %dma_wait3A_333] : memref<32x79x128xi32, #tpu.memory_space<hbm>> -> memref<1x32x128xi32, #tpu.memory_space<hbm>>
      %dma_wait3A_335 = tpu.memref_squeeze %dma_wait3A_334 : memref<1x32x128xi32, #tpu.memory_space<hbm>> -> memref<32x128xi32, #tpu.memory_space<hbm>>
      tpu.wait_dma2 semaphore(%run_scoped3A_307 : memref<!tpu.dma_semaphore, #tpu.memory_space<semaphore_mem>>) src(%dma_wait3A_335 : memref<32x128xi32, #tpu.memory_space<hbm>>) dst(%dma_wait3A_331 : memref<32x128xi32, #tpu.memory_space<vmem>>)
      tpu.yield
    }) : () -> ()
    %dma_start3A = arith.constant 0 : i32
    %dma_start3A_48 = arith.constant 0 : i32
    %dma_start3A_49 = tpu.memref_slice %arg7[%dma_start3A, %dma_start3A_48] : memref<32x128xi32, #tpu.memory_space<vmem>> -> memref<1x128xi32, #tpu.memory_space<vmem>>
    %dma_start3A_50 = tpu.memref_squeeze %dma_start3A_49 : memref<1x128xi32, #tpu.memory_space<vmem>> -> memref<128xi32, #tpu.memory_space<vmem>>
    %dma_start3A_51 = arith.constant 0 : i32
    %dma_start3A_52 = arith.constant 0 : i32
    %dma_start3A_53 = tpu.memref_slice %arg2[%dma_start3A_51, %dma_start3A_52] : memref<10000x128xbf16, #tpu.memory_space<hbm>> -> memref<10000x128xbf16, #tpu.memory_space<hbm>>
    tpu.enqueue_indirect_dma source(%dma_start3A_53 : memref<10000x128xbf16, #tpu.memory_space<hbm>>) target(%arg9 : memref<128x128xbf16, #tpu.memory_space<vmem>>) offsets(%dma_start3A_50 : memref<128xi32, #tpu.memory_space<vmem>>) semaphore(%arg14 : memref<!tpu.dma_semaphore, #tpu.memory_space<semaphore_mem>>)
    %dma_start3A_54 = arith.constant 1 : i32
    %dma_start3A_55 = arith.constant 0 : i32
    %dma_start3A_56 = tpu.memref_slice %arg7[%dma_start3A_54, %dma_start3A_55] : memref<32x128xi32, #tpu.memory_space<vmem>> -> memref<1x128xi32, #tpu.memory_space<vmem>>
    %dma_start3A_57 = tpu.memref_squeeze %dma_start3A_56 : memref<1x128xi32, #tpu.memory_space<vmem>> -> memref<128xi32, #tpu.memory_space<vmem>>
    %dma_start3A_58 = arith.constant 0 : i32
    %dma_start3A_59 = arith.constant 0 : i32
    %dma_start3A_60 = tpu.memref_slice %arg2[%dma_start3A_58, %dma_start3A_59] : memref<10000x128xbf16, #tpu.memory_space<hbm>> -> memref<10000x128xbf16, #tpu.memory_space<hbm>>
    tpu.enqueue_indirect_dma source(%dma_start3A_60 : memref<10000x128xbf16, #tpu.memory_space<hbm>>) target(%arg10 : memref<128x128xbf16, #tpu.memory_space<vmem>>) offsets(%dma_start3A_57 : memref<128xi32, #tpu.memory_space<vmem>>) semaphore(%arg15 : memref<!tpu.dma_semaphore, #tpu.memory_space<semaphore_mem>>)
    %dma_start3A_61 = arith.constant 2 : i32
    %dma_start3A_62 = arith.constant 0 : i32
    %dma_start3A_63 = tpu.memref_slice %arg7[%dma_start3A_61, %dma_start3A_62] : memref<32x128xi32, #tpu.memory_space<vmem>> -> memref<1x128xi32, #tpu.memory_space<vmem>>
    %dma_start3A_64 = tpu.memref_squeeze %dma_start3A_63 : memref<1x128xi32, #tpu.memory_space<vmem>> -> memref<128xi32, #tpu.memory_space<vmem>>
    %dma_start3A_65 = arith.constant 0 : i32
    %dma_start3A_66 = arith.constant 0 : i32
    %dma_start3A_67 = tpu.memref_slice %arg2[%dma_start3A_65, %dma_start3A_66] : memref<10000x128xbf16, #tpu.memory_space<hbm>> -> memref<10000x128xbf16, #tpu.memory_space<hbm>>
    tpu.enqueue_indirect_dma source(%dma_start3A_67 : memref<10000x128xbf16, #tpu.memory_space<hbm>>) target(%arg11 : memref<128x128xbf16, #tpu.memory_space<vmem>>) offsets(%dma_start3A_64 : memref<128xi32, #tpu.memory_space<vmem>>) semaphore(%arg16 : memref<!tpu.dma_semaphore, #tpu.memory_space<semaphore_mem>>)
    %scan3A_68 = arith.constant 0 : i32
    %scan3A_69 = arith.constant 0 : i32
    %scan3A_70 = arith.constant 7 : i32
    %scan3A_71 = arith.addi %scan3A_69, %scan3A_70 : i32
    %scan3A_72 = arith.constant 1 : i32
    %scan3A_73 = scf.for %scan3A_307 = %scan3A_69 to %scan3A_71 step %scan3A_72 iter_args(%scan3A_308 = %scan3A_68) -> (i32)  : i32 {
      %mul3A_309 = arith.constant 4 : i32
      %mul3A_310 = arith.muli %mul3A_309, %scan3A_307 : i32
      %add3A_311 = arith.constant 0 : i32
      %add3A_312 = arith.addi %mul3A_310, %add3A_311 : i32
      %dma_wait3A_313 = arith.constant 0 : i32
      %dma_wait3A_314 = tpu.memref_slice %arg7[%add3A_312, %dma_wait3A_313] : memref<32x128xi32, #tpu.memory_space<vmem>> -> memref<1x128xi32, #tpu.memory_space<vmem>>
      %dma_wait3A_315 = tpu.memref_squeeze %dma_wait3A_314 : memref<1x128xi32, #tpu.memory_space<vmem>> -> memref<128xi32, #tpu.memory_space<vmem>>
      %dma_wait3A_316 = arith.constant 0 : i32
      %dma_wait3A_317 = arith.constant 0 : i32
      %dma_wait3A_318 = tpu.memref_slice %arg2[%dma_wait3A_316, %dma_wait3A_317] : memref<10000x128xbf16, #tpu.memory_space<hbm>> -> memref<10000x128xbf16, #tpu.memory_space<hbm>>
      tpu.wait_indirect_dma semaphore(%arg14 : memref<!tpu.dma_semaphore, #tpu.memory_space<semaphore_mem>>) src(%dma_wait3A_318 : memref<10000x128xbf16, #tpu.memory_space<hbm>>) dst(%arg9 : memref<128x128xbf16, #tpu.memory_space<vmem>>)
      %add3A_319 = arith.constant 4 : i32
      %add3A_320 = arith.addi %add3A_312, %add3A_319 : i32
      %sub3A = arith.constant 1 : i32
      %sub3A_321 = arith.subi %add3A_320, %sub3A : i32
      %dma_start3A_322 = arith.constant 0 : i32
      %dma_start3A_323 = tpu.memref_slice %arg7[%sub3A_321, %dma_start3A_322] : memref<32x128xi32, #tpu.memory_space<vmem>> -> memref<1x128xi32, #tpu.memory_space<vmem>>
      %dma_start3A_324 = tpu.memref_squeeze %dma_start3A_323 : memref<1x128xi32, #tpu.memory_space<vmem>> -> memref<128xi32, #tpu.memory_space<vmem>>
      %dma_start3A_325 = arith.constant 0 : i32
      %dma_start3A_326 = arith.constant 0 : i32
      %dma_start3A_327 = tpu.memref_slice %arg2[%dma_start3A_325, %dma_start3A_326] : memref<10000x128xbf16, #tpu.memory_space<hbm>> -> memref<10000x128xbf16, #tpu.memory_space<hbm>>
      tpu.enqueue_indirect_dma source(%dma_start3A_327 : memref<10000x128xbf16, #tpu.memory_space<hbm>>) target(%arg12 : memref<128x128xbf16, #tpu.memory_space<vmem>>) offsets(%dma_start3A_324 : memref<128xi32, #tpu.memory_space<vmem>>) semaphore(%arg17 : memref<!tpu.dma_semaphore, #tpu.memory_space<semaphore_mem>>)
      "tpu.region"() ({
        %run_scoped3A_389 = tpu.sem_alloc : memref<!tpu.dma_semaphore, #tpu.memory_space<semaphore_mem>>
        %dma_start3A_390 = arith.constant 0 : i32
        %dma_start3A_391 = tpu.memref_slice %arg8[%add3A_312, %dma_start3A_390] : memref<32x128xi32, #tpu.memory_space<vmem>> -> memref<1x128xi32, #tpu.memory_space<vmem>>
        %dma_start3A_392 = tpu.memref_squeeze %dma_start3A_391 : memref<1x128xi32, #tpu.memory_space<vmem>> -> memref<128xi32, #tpu.memory_space<vmem>>
        %dma_start3A_393 = arith.constant 0 : i32
        %dma_start3A_394 = arith.constant 0 : i32
        %dma_start3A_395 = tpu.memref_slice %arg13[%dma_start3A_393, %dma_start3A_394] : memref<10112x128xbf16, #tpu.memory_space<vmem_shared>> -> memref<10112x128xbf16, #tpu.memory_space<vmem_shared>>
        tpu.enqueue_indirect_dma source(%arg9 : memref<128x128xbf16, #tpu.memory_space<vmem>>) target(%dma_start3A_395 : memref<10112x128xbf16, #tpu.memory_space<vmem_shared>>) offsets(%dma_start3A_392 : memref<128xi32, #tpu.memory_space<vmem>>) semaphore(%run_scoped3A_389 : memref<!tpu.dma_semaphore, #tpu.memory_space<semaphore_mem>>) {add = true}
        %dma_wait3A_396 = arith.constant 0 : i32
        %dma_wait3A_397 = tpu.memref_slice %arg8[%add3A_312, %dma_wait3A_396] : memref<32x128xi32, #tpu.memory_space<vmem>> -> memref<1x128xi32, #tpu.memory_space<vmem>>
        %dma_wait3A_398 = tpu.memref_squeeze %dma_wait3A_397 : memref<1x128xi32, #tpu.memory_space<vmem>> -> memref<128xi32, #tpu.memory_space<vmem>>
        %dma_wait3A_399 = arith.constant 0 : i32
        %dma_wait3A_400 = arith.constant 0 : i32
        %dma_wait3A_401 = tpu.memref_slice %arg13[%dma_wait3A_399, %dma_wait3A_400] : memref<10112x128xbf16, #tpu.memory_space<vmem_shared>> -> memref<10112x128xbf16, #tpu.memory_space<vmem_shared>>
        tpu.wait_indirect_dma semaphore(%run_scoped3A_389 : memref<!tpu.dma_semaphore, #tpu.memory_space<semaphore_mem>>) src(%arg9 : memref<128x128xbf16, #tpu.memory_space<vmem>>) dst(%dma_wait3A_401 : memref<10112x128xbf16, #tpu.memory_space<vmem_shared>>)
        tpu.yield
      }) : () -> ()
      "tpu.region"() ({
        %run_scoped3A_389 = tpu.sem_alloc : memref<!tpu.dma_semaphore, #tpu.memory_space<semaphore_mem>>
        %dma_start3A_390 = arith.constant 0 : i32
        %dma_start3A_391 = tpu.memref_slice %arg8[%add3A_312, %dma_start3A_390] : memref<32x128xi32, #tpu.memory_space<vmem>> -> memref<1x128xi32, #tpu.memory_space<vmem>>
        %dma_start3A_392 = tpu.memref_squeeze %dma_start3A_391 : memref<1x128xi32, #tpu.memory_space<vmem>> -> memref<128xi32, #tpu.memory_space<vmem>>
        %dma_start3A_393 = arith.constant 0 : i32
        %dma_start3A_394 = arith.constant 0 : i32
        %dma_start3A_395 = tpu.memref_slice %arg20[%dma_start3A_393, %dma_start3A_394] : memref<10112x16xf32, #tpu.memory_space<vmem_shared>> -> memref<10112x16xf32, #tpu.memory_space<vmem_shared>>
        tpu.enqueue_indirect_dma source(%arg18 : memref<128x16xf32, #tpu.memory_space<vmem>>) target(%dma_start3A_395 : memref<10112x16xf32, #tpu.memory_space<vmem_shared>>) offsets(%dma_start3A_392 : memref<128xi32, #tpu.memory_space<vmem>>) semaphore(%run_scoped3A_389 : memref<!tpu.dma_semaphore, #tpu.memory_space<semaphore_mem>>) {add = true}
        %dma_wait3A_396 = arith.constant 0 : i32
        %dma_wait3A_397 = tpu.memref_slice %arg8[%add3A_312, %dma_wait3A_396] : memref<32x128xi32, #tpu.memory_space<vmem>> -> memref<1x128xi32, #tpu.memory_space<vmem>>
        %dma_wait3A_398 = tpu.memref_squeeze %dma_wait3A_397 : memref<1x128xi32, #tpu.memory_space<vmem>> -> memref<128xi32, #tpu.memory_space<vmem>>
        %dma_wait3A_399 = arith.constant 0 : i32
        %dma_wait3A_400 = arith.constant 0 : i32
        %dma_wait3A_401 = tpu.memref_slice %arg20[%dma_wait3A_399, %dma_wait3A_400] : memref<10112x16xf32, #tpu.memory_space<vmem_shared>> -> memref<10112x16xf32, #tpu.memory_space<vmem_shared>>
        tpu.wait_indirect_dma semaphore(%run_scoped3A_389 : memref<!tpu.dma_semaphore, #tpu.memory_space<semaphore_mem>>) src(%arg18 : memref<128x16xf32, #tpu.memory_space<vmem>>) dst(%dma_wait3A_401 : memref<10112x16xf32, #tpu.memory_space<vmem_shared>>)
        tpu.yield
      }) : () -> ()
      %mul3A_328 = arith.constant 4 : i32
      %mul3A_329 = arith.muli %mul3A_328, %scan3A_307 : i32
      %add3A_330 = arith.constant 1 : i32
      %add3A_331 = arith.addi %mul3A_329, %add3A_330 : i32
      %dma_wait3A_332 = arith.constant 0 : i32
      %dma_wait3A_333 = tpu.memref_slice %arg7[%add3A_331, %dma_wait3A_332] : memref<32x128xi32, #tpu.memory_space<vmem>> -> memref<1x128xi32, #tpu.memory_space<vmem>>
      %dma_wait3A_334 = tpu.memref_squeeze %dma_wait3A_333 : memref<1x128xi32, #tpu.memory_space<vmem>> -> memref<128xi32, #tpu.memory_space<vmem>>
      %dma_wait3A_335 = arith.constant 0 : i32
      %dma_wait3A_336 = arith.constant 0 : i32
      %dma_wait3A_337 = tpu.memref_slice %arg2[%dma_wait3A_335, %dma_wait3A_336] : memref<10000x128xbf16, #tpu.memory_space<hbm>> -> memref<10000x128xbf16, #tpu.memory_space<hbm>>
      tpu.wait_indirect_dma semaphore(%arg15 : memref<!tpu.dma_semaphore, #tpu.memory_space<semaphore_mem>>) src(%dma_wait3A_337 : memref<10000x128xbf16, #tpu.memory_space<hbm>>) dst(%arg10 : memref<128x128xbf16, #tpu.memory_space<vmem>>)
      %add3A_338 = arith.constant 4 : i32
      %add3A_339 = arith.addi %add3A_331, %add3A_338 : i32
      %sub3A_340 = arith.constant 1 : i32
      %sub3A_341 = arith.subi %add3A_339, %sub3A_340 : i32
      %dma_start3A_342 = arith.constant 0 : i32
      %dma_start3A_343 = tpu.memref_slice %arg7[%sub3A_341, %dma_start3A_342] : memref<32x128xi32, #tpu.memory_space<vmem>> -> memref<1x128xi32, #tpu.memory_space<vmem>>
      %dma_start3A_344 = tpu.memref_squeeze %dma_start3A_343 : memref<1x128xi32, #tpu.memory_space<vmem>> -> memref<128xi32, #tpu.memory_space<vmem>>
      %dma_start3A_345 = arith.constant 0 : i32
      %dma_start3A_346 = arith.constant 0 : i32
      %dma_start3A_347 = tpu.memref_slice %arg2[%dma_start3A_345, %dma_start3A_346] : memref<10000x128xbf16, #tpu.memory_space<hbm>> -> memref<10000x128xbf16, #tpu.memory_space<hbm>>
      tpu.enqueue_indirect_dma source(%dma_start3A_347 : memref<10000x128xbf16, #tpu.memory_space<hbm>>) target(%arg9 : memref<128x128xbf16, #tpu.memory_space<vmem>>) offsets(%dma_start3A_344 : memref<128xi32, #tpu.memory_space<vmem>>) semaphore(%arg14 : memref<!tpu.dma_semaphore, #tpu.memory_space<semaphore_mem>>)
      "tpu.region"() ({
        %run_scoped3A_389 = tpu.sem_alloc : memref<!tpu.dma_semaphore, #tpu.memory_space<semaphore_mem>>
        %dma_start3A_390 = arith.constant 0 : i32
        %dma_start3A_391 = tpu.memref_slice %arg8[%add3A_331, %dma_start3A_390] : memref<32x128xi32, #tpu.memory_space<vmem>> -> memref<1x128xi32, #tpu.memory_space<vmem>>
        %dma_start3A_392 = tpu.memref_squeeze %dma_start3A_391 : memref<1x128xi32, #tpu.memory_space<vmem>> -> memref<128xi32, #tpu.memory_space<vmem>>
        %dma_start3A_393 = arith.constant 0 : i32
        %dma_start3A_394 = arith.constant 0 : i32
        %dma_start3A_395 = tpu.memref_slice %arg13[%dma_start3A_393, %dma_start3A_394] : memref<10112x128xbf16, #tpu.memory_space<vmem_shared>> -> memref<10112x128xbf16, #tpu.memory_space<vmem_shared>>
        tpu.enqueue_indirect_dma source(%arg10 : memref<128x128xbf16, #tpu.memory_space<vmem>>) target(%dma_start3A_395 : memref<10112x128xbf16, #tpu.memory_space<vmem_shared>>) offsets(%dma_start3A_392 : memref<128xi32, #tpu.memory_space<vmem>>) semaphore(%run_scoped3A_389 : memref<!tpu.dma_semaphore, #tpu.memory_space<semaphore_mem>>) {add = true}
        %dma_wait3A_396 = arith.constant 0 : i32
        %dma_wait3A_397 = tpu.memref_slice %arg8[%add3A_331, %dma_wait3A_396] : memref<32x128xi32, #tpu.memory_space<vmem>> -> memref<1x128xi32, #tpu.memory_space<vmem>>
        %dma_wait3A_398 = tpu.memref_squeeze %dma_wait3A_397 : memref<1x128xi32, #tpu.memory_space<vmem>> -> memref<128xi32, #tpu.memory_space<vmem>>
        %dma_wait3A_399 = arith.constant 0 : i32
        %dma_wait3A_400 = arith.constant 0 : i32
        %dma_wait3A_401 = tpu.memref_slice %arg13[%dma_wait3A_399, %dma_wait3A_400] : memref<10112x128xbf16, #tpu.memory_space<vmem_shared>> -> memref<10112x128xbf16, #tpu.memory_space<vmem_shared>>
        tpu.wait_indirect_dma semaphore(%run_scoped3A_389 : memref<!tpu.dma_semaphore, #tpu.memory_space<semaphore_mem>>) src(%arg10 : memref<128x128xbf16, #tpu.memory_space<vmem>>) dst(%dma_wait3A_401 : memref<10112x128xbf16, #tpu.memory_space<vmem_shared>>)
        tpu.yield
      }) : () -> ()
      "tpu.region"() ({
        %run_scoped3A_389 = tpu.sem_alloc : memref<!tpu.dma_semaphore, #tpu.memory_space<semaphore_mem>>
        %dma_start3A_390 = arith.constant 0 : i32
        %dma_start3A_391 = tpu.memref_slice %arg8[%add3A_331, %dma_start3A_390] : memref<32x128xi32, #tpu.memory_space<vmem>> -> memref<1x128xi32, #tpu.memory_space<vmem>>
        %dma_start3A_392 = tpu.memref_squeeze %dma_start3A_391 : memref<1x128xi32, #tpu.memory_space<vmem>> -> memref<128xi32, #tpu.memory_space<vmem>>
        %dma_start3A_393 = arith.constant 0 : i32
        %dma_start3A_394 = arith.constant 0 : i32
        %dma_start3A_395 = tpu.memref_slice %arg20[%dma_start3A_393, %dma_start3A_394] : memref<10112x16xf32, #tpu.memory_space<vmem_shared>> -> memref<10112x16xf32, #tpu.memory_space<vmem_shared>>
        tpu.enqueue_indirect_dma source(%arg18 : memref<128x16xf32, #tpu.memory_space<vmem>>) target(%dma_start3A_395 : memref<10112x16xf32, #tpu.memory_space<vmem_shared>>) offsets(%dma_start3A_392 : memref<128xi32, #tpu.memory_space<vmem>>) semaphore(%run_scoped3A_389 : memref<!tpu.dma_semaphore, #tpu.memory_space<semaphore_mem>>) {add = true}
        %dma_wait3A_396 = arith.constant 0 : i32
        %dma_wait3A_397 = tpu.memref_slice %arg8[%add3A_331, %dma_wait3A_396] : memref<32x128xi32, #tpu.memory_space<vmem>> -> memref<1x128xi32, #tpu.memory_space<vmem>>
        %dma_wait3A_398 = tpu.memref_squeeze %dma_wait3A_397 : memref<1x128xi32, #tpu.memory_space<vmem>> -> memref<128xi32, #tpu.memory_space<vmem>>
        %dma_wait3A_399 = arith.constant 0 : i32
        %dma_wait3A_400 = arith.constant 0 : i32
        %dma_wait3A_401 = tpu.memref_slice %arg20[%dma_wait3A_399, %dma_wait3A_400] : memref<10112x16xf32, #tpu.memory_space<vmem_shared>> -> memref<10112x16xf32, #tpu.memory_space<vmem_shared>>
        tpu.wait_indirect_dma semaphore(%run_scoped3A_389 : memref<!tpu.dma_semaphore, #tpu.memory_space<semaphore_mem>>) src(%arg18 : memref<128x16xf32, #tpu.memory_space<vmem>>) dst(%dma_wait3A_401 : memref<10112x16xf32, #tpu.memory_space<vmem_shared>>)
        tpu.yield
      }) : () -> ()
      %mul3A_348 = arith.constant 4 : i32
      %mul3A_349 = arith.muli %mul3A_348, %scan3A_307 : i32
      %add3A_350 = arith.constant 2 : i32
      %add3A_351 = arith.addi %mul3A_349, %add3A_350 : i32
      %dma_wait3A_352 = arith.constant 0 : i32
      %dma_wait3A_353 = tpu.memref_slice %arg7[%add3A_351, %dma_wait3A_352] : memref<32x128xi32, #tpu.memory_space<vmem>> -> memref<1x128xi32, #tpu.memory_space<vmem>>
      %dma_wait3A_354 = tpu.memref_squeeze %dma_wait3A_353 : memref<1x128xi32, #tpu.memory_space<vmem>> -> memref<128xi32, #tpu.memory_space<vmem>>
      %dma_wait3A_355 = arith.constant 0 : i32
      %dma_wait3A_356 = arith.constant 0 : i32
      %dma_wait3A_357 = tpu.memref_slice %arg2[%dma_wait3A_355, %dma_wait3A_356] : memref<10000x128xbf16, #tpu.memory_space<hbm>> -> memref<10000x128xbf16, #tpu.memory_space<hbm>>
      tpu.wait_indirect_dma semaphore(%arg16 : memref<!tpu.dma_semaphore, #tpu.memory_space<semaphore_mem>>) src(%dma_wait3A_357 : memref<10000x128xbf16, #tpu.memory_space<hbm>>) dst(%arg11 : memref<128x128xbf16, #tpu.memory_space<vmem>>)
      %add3A_358 = arith.constant 4 : i32
      %add3A_359 = arith.addi %add3A_351, %add3A_358 : i32
      %sub3A_360 = arith.constant 1 : i32
      %sub3A_361 = arith.subi %add3A_359, %sub3A_360 : i32
      %dma_start3A_362 = arith.constant 0 : i32
      %dma_start3A_363 = tpu.memref_slice %arg7[%sub3A_361, %dma_start3A_362] : memref<32x128xi32, #tpu.memory_space<vmem>> -> memref<1x128xi32, #tpu.memory_space<vmem>>
      %dma_start3A_364 = tpu.memref_squeeze %dma_start3A_363 : memref<1x128xi32, #tpu.memory_space<vmem>> -> memref<128xi32, #tpu.memory_space<vmem>>
      %dma_start3A_365 = arith.constant 0 : i32
      %dma_start3A_366 = arith.constant 0 : i32
      %dma_start3A_367 = tpu.memref_slice %arg2[%dma_start3A_365, %dma_start3A_366] : memref<10000x128xbf16, #tpu.memory_space<hbm>> -> memref<10000x128xbf16, #tpu.memory_space<hbm>>
      tpu.enqueue_indirect_dma source(%dma_start3A_367 : memref<10000x128xbf16, #tpu.memory_space<hbm>>) target(%arg10 : memref<128x128xbf16, #tpu.memory_space<vmem>>) offsets(%dma_start3A_364 : memref<128xi32, #tpu.memory_space<vmem>>) semaphore(%arg15 : memref<!tpu.dma_semaphore, #tpu.memory_space<semaphore_mem>>)
      "tpu.region"() ({
        %run_scoped3A_389 = tpu.sem_alloc : memref<!tpu.dma_semaphore, #tpu.memory_space<semaphore_mem>>
        %dma_start3A_390 = arith.constant 0 : i32
        %dma_start3A_391 = tpu.memref_slice %arg8[%add3A_351, %dma_start3A_390] : memref<32x128xi32, #tpu.memory_space<vmem>> -> memref<1x128xi32, #tpu.memory_space<vmem>>
        %dma_start3A_392 = tpu.memref_squeeze %dma_start3A_391 : memref<1x128xi32, #tpu.memory_space<vmem>> -> memref<128xi32, #tpu.memory_space<vmem>>
        %dma_start3A_393 = arith.constant 0 : i32
        %dma_start3A_394 = arith.constant 0 : i32
        %dma_start3A_395 = tpu.memref_slice %arg13[%dma_start3A_393, %dma_start3A_394] : memref<10112x128xbf16, #tpu.memory_space<vmem_shared>> -> memref<10112x128xbf16, #tpu.memory_space<vmem_shared>>
        tpu.enqueue_indirect_dma source(%arg11 : memref<128x128xbf16, #tpu.memory_space<vmem>>) target(%dma_start3A_395 : memref<10112x128xbf16, #tpu.memory_space<vmem_shared>>) offsets(%dma_start3A_392 : memref<128xi32, #tpu.memory_space<vmem>>) semaphore(%run_scoped3A_389 : memref<!tpu.dma_semaphore, #tpu.memory_space<semaphore_mem>>) {add = true}
        %dma_wait3A_396 = arith.constant 0 : i32
        %dma_wait3A_397 = tpu.memref_slice %arg8[%add3A_351, %dma_wait3A_396] : memref<32x128xi32, #tpu.memory_space<vmem>> -> memref<1x128xi32, #tpu.memory_space<vmem>>
        %dma_wait3A_398 = tpu.memref_squeeze %dma_wait3A_397 : memref<1x128xi32, #tpu.memory_space<vmem>> -> memref<128xi32, #tpu.memory_space<vmem>>
        %dma_wait3A_399 = arith.constant 0 : i32
        %dma_wait3A_400 = arith.constant 0 : i32
        %dma_wait3A_401 = tpu.memref_slice %arg13[%dma_wait3A_399, %dma_wait3A_400] : memref<10112x128xbf16, #tpu.memory_space<vmem_shared>> -> memref<10112x128xbf16, #tpu.memory_space<vmem_shared>>
        tpu.wait_indirect_dma semaphore(%run_scoped3A_389 : memref<!tpu.dma_semaphore, #tpu.memory_space<semaphore_mem>>) src(%arg11 : memref<128x128xbf16, #tpu.memory_space<vmem>>) dst(%dma_wait3A_401 : memref<10112x128xbf16, #tpu.memory_space<vmem_shared>>)
        tpu.yield
      }) : () -> ()
      "tpu.region"() ({
        %run_scoped3A_389 = tpu.sem_alloc : memref<!tpu.dma_semaphore, #tpu.memory_space<semaphore_mem>>
        %dma_start3A_390 = arith.constant 0 : i32
        %dma_start3A_391 = tpu.memref_slice %arg8[%add3A_351, %dma_start3A_390] : memref<32x128xi32, #tpu.memory_space<vmem>> -> memref<1x128xi32, #tpu.memory_space<vmem>>
        %dma_start3A_392 = tpu.memref_squeeze %dma_start3A_391 : memref<1x128xi32, #tpu.memory_space<vmem>> -> memref<128xi32, #tpu.memory_space<vmem>>
        %dma_start3A_393 = arith.constant 0 : i32
        %dma_start3A_394 = arith.constant 0 : i32
        %dma_start3A_395 = tpu.memref_slice %arg20[%dma_start3A_393, %dma_start3A_394] : memref<10112x16xf32, #tpu.memory_space<vmem_shared>> -> memref<10112x16xf32, #tpu.memory_space<vmem_shared>>
        tpu.enqueue_indirect_dma source(%arg18 : memref<128x16xf32, #tpu.memory_space<vmem>>) target(%dma_start3A_395 : memref<10112x16xf32, #tpu.memory_space<vmem_shared>>) offsets(%dma_start3A_392 : memref<128xi32, #tpu.memory_space<vmem>>) semaphore(%run_scoped3A_389 : memref<!tpu.dma_semaphore, #tpu.memory_space<semaphore_mem>>) {add = true}
        %dma_wait3A_396 = arith.constant 0 : i32
        %dma_wait3A_397 = tpu.memref_slice %arg8[%add3A_351, %dma_wait3A_396] : memref<32x128xi32, #tpu.memory_space<vmem>> -> memref<1x128xi32, #tpu.memory_space<vmem>>
        %dma_wait3A_398 = tpu.memref_squeeze %dma_wait3A_397 : memref<1x128xi32, #tpu.memory_space<vmem>> -> memref<128xi32, #tpu.memory_space<vmem>>
        %dma_wait3A_399 = arith.constant 0 : i32
        %dma_wait3A_400 = arith.constant 0 : i32
        %dma_wait3A_401 = tpu.memref_slice %arg20[%dma_wait3A_399, %dma_wait3A_400] : memref<10112x16xf32, #tpu.memory_space<vmem_shared>> -> memref<10112x16xf32, #tpu.memory_space<vmem_shared>>
        tpu.wait_indirect_dma semaphore(%run_scoped3A_389 : memref<!tpu.dma_semaphore, #tpu.memory_space<semaphore_mem>>) src(%arg18 : memref<128x16xf32, #tpu.memory_space<vmem>>) dst(%dma_wait3A_401 : memref<10112x16xf32, #tpu.memory_space<vmem_shared>>)
        tpu.yield
      }) : () -> ()
      %mul3A_368 = arith.constant 4 : i32
      %mul3A_369 = arith.muli %mul3A_368, %scan3A_307 : i32
      %add3A_370 = arith.constant 3 : i32
      %add3A_371 = arith.addi %mul3A_369, %add3A_370 : i32
      %dma_wait3A_372 = arith.constant 0 : i32
      %dma_wait3A_373 = tpu.memref_slice %arg7[%add3A_371, %dma_wait3A_372] : memref<32x128xi32, #tpu.memory_space<vmem>> -> memref<1x128xi32, #tpu.memory_space<vmem>>
      %dma_wait3A_374 = tpu.memref_squeeze %dma_wait3A_373 : memref<1x128xi32, #tpu.memory_space<vmem>> -> memref<128xi32, #tpu.memory_space<vmem>>
      %dma_wait3A_375 = arith.constant 0 : i32
      %dma_wait3A_376 = arith.constant 0 : i32
      %dma_wait3A_377 = tpu.memref_slice %arg2[%dma_wait3A_375, %dma_wait3A_376] : memref<10000x128xbf16, #tpu.memory_space<hbm>> -> memref<10000x128xbf16, #tpu.memory_space<hbm>>
      tpu.wait_indirect_dma semaphore(%arg17 : memref<!tpu.dma_semaphore, #tpu.memory_space<semaphore_mem>>) src(%dma_wait3A_377 : memref<10000x128xbf16, #tpu.memory_space<hbm>>) dst(%arg12 : memref<128x128xbf16, #tpu.memory_space<vmem>>)
      %add3A_378 = arith.constant 4 : i32
      %add3A_379 = arith.addi %add3A_371, %add3A_378 : i32
      %sub3A_380 = arith.constant 1 : i32
      %sub3A_381 = arith.subi %add3A_379, %sub3A_380 : i32
      %dma_start3A_382 = arith.constant 0 : i32
      %dma_start3A_383 = tpu.memref_slice %arg7[%sub3A_381, %dma_start3A_382] : memref<32x128xi32, #tpu.memory_space<vmem>> -> memref<1x128xi32, #tpu.memory_space<vmem>>
      %dma_start3A_384 = tpu.memref_squeeze %dma_start3A_383 : memref<1x128xi32, #tpu.memory_space<vmem>> -> memref<128xi32, #tpu.memory_space<vmem>>
      %dma_start3A_385 = arith.constant 0 : i32
      %dma_start3A_386 = arith.constant 0 : i32
      %dma_start3A_387 = tpu.memref_slice %arg2[%dma_start3A_385, %dma_start3A_386] : memref<10000x128xbf16, #tpu.memory_space<hbm>> -> memref<10000x128xbf16, #tpu.memory_space<hbm>>
      tpu.enqueue_indirect_dma source(%dma_start3A_387 : memref<10000x128xbf16, #tpu.memory_space<hbm>>) target(%arg11 : memref<128x128xbf16, #tpu.memory_space<vmem>>) offsets(%dma_start3A_384 : memref<128xi32, #tpu.memory_space<vmem>>) semaphore(%arg16 : memref<!tpu.dma_semaphore, #tpu.memory_space<semaphore_mem>>)
      "tpu.region"() ({
        %run_scoped3A_389 = tpu.sem_alloc : memref<!tpu.dma_semaphore, #tpu.memory_space<semaphore_mem>>
        %dma_start3A_390 = arith.constant 0 : i32
        %dma_start3A_391 = tpu.memref_slice %arg8[%add3A_371, %dma_start3A_390] : memref<32x128xi32, #tpu.memory_space<vmem>> -> memref<1x128xi32, #tpu.memory_space<vmem>>
        %dma_start3A_392 = tpu.memref_squeeze %dma_start3A_391 : memref<1x128xi32, #tpu.memory_space<vmem>> -> memref<128xi32, #tpu.memory_space<vmem>>
        %dma_start3A_393 = arith.constant 0 : i32
        %dma_start3A_394 = arith.constant 0 : i32
        %dma_start3A_395 = tpu.memref_slice %arg13[%dma_start3A_393, %dma_start3A_394] : memref<10112x128xbf16, #tpu.memory_space<vmem_shared>> -> memref<10112x128xbf16, #tpu.memory_space<vmem_shared>>
        tpu.enqueue_indirect_dma source(%arg12 : memref<128x128xbf16, #tpu.memory_space<vmem>>) target(%dma_start3A_395 : memref<10112x128xbf16, #tpu.memory_space<vmem_shared>>) offsets(%dma_start3A_392 : memref<128xi32, #tpu.memory_space<vmem>>) semaphore(%run_scoped3A_389 : memref<!tpu.dma_semaphore, #tpu.memory_space<semaphore_mem>>) {add = true}
        %dma_wait3A_396 = arith.constant 0 : i32
        %dma_wait3A_397 = tpu.memref_slice %arg8[%add3A_371, %dma_wait3A_396] : memref<32x128xi32, #tpu.memory_space<vmem>> -> memref<1x128xi32, #tpu.memory_space<vmem>>
        %dma_wait3A_398 = tpu.memref_squeeze %dma_wait3A_397 : memref<1x128xi32, #tpu.memory_space<vmem>> -> memref<128xi32, #tpu.memory_space<vmem>>
        %dma_wait3A_399 = arith.constant 0 : i32
        %dma_wait3A_400 = arith.constant 0 : i32
        %dma_wait3A_401 = tpu.memref_slice %arg13[%dma_wait3A_399, %dma_wait3A_400] : memref<10112x128xbf16, #tpu.memory_space<vmem_shared>> -> memref<10112x128xbf16, #tpu.memory_space<vmem_shared>>
        tpu.wait_indirect_dma semaphore(%run_scoped3A_389 : memref<!tpu.dma_semaphore, #tpu.memory_space<semaphore_mem>>) src(%arg12 : memref<128x128xbf16, #tpu.memory_space<vmem>>) dst(%dma_wait3A_401 : memref<10112x128xbf16, #tpu.memory_space<vmem_shared>>)
        tpu.yield
      }) : () -> ()
      "tpu.region"() ({
        %run_scoped3A_389 = tpu.sem_alloc : memref<!tpu.dma_semaphore, #tpu.memory_space<semaphore_mem>>
        %dma_start3A_390 = arith.constant 0 : i32
        %dma_start3A_391 = tpu.memref_slice %arg8[%add3A_371, %dma_start3A_390] : memref<32x128xi32, #tpu.memory_space<vmem>> -> memref<1x128xi32, #tpu.memory_space<vmem>>
        %dma_start3A_392 = tpu.memref_squeeze %dma_start3A_391 : memref<1x128xi32, #tpu.memory_space<vmem>> -> memref<128xi32, #tpu.memory_space<vmem>>
        %dma_start3A_393 = arith.constant 0 : i32
        %dma_start3A_394 = arith.constant 0 : i32
        %dma_start3A_395 = tpu.memref_slice %arg20[%dma_start3A_393, %dma_start3A_394] : memref<10112x16xf32, #tpu.memory_space<vmem_shared>> -> memref<10112x16xf32, #tpu.memory_space<vmem_shared>>
        tpu.enqueue_indirect_dma source(%arg18 : memref<128x16xf32, #tpu.memory_space<vmem>>) target(%dma_start3A_395 : memref<10112x16xf32, #tpu.memory_space<vmem_shared>>) offsets(%dma_start3A_392 : memref<128xi32, #tpu.memory_space<vmem>>) semaphore(%run_scoped3A_389 : memref<!tpu.dma_semaphore, #tpu.memory_space<semaphore_mem>>) {add = true}
        %dma_wait3A_396 = arith.constant 0 : i32
        %dma_wait3A_397 = tpu.memref_slice %arg8[%add3A_371, %dma_wait3A_396] : memref<32x128xi32, #tpu.memory_space<vmem>> -> memref<1x128xi32, #tpu.memory_space<vmem>>
        %dma_wait3A_398 = tpu.memref_squeeze %dma_wait3A_397 : memref<1x128xi32, #tpu.memory_space<vmem>> -> memref<128xi32, #tpu.memory_space<vmem>>
        %dma_wait3A_399 = arith.constant 0 : i32
        %dma_wait3A_400 = arith.constant 0 : i32
        %dma_wait3A_401 = tpu.memref_slice %arg20[%dma_wait3A_399, %dma_wait3A_400] : memref<10112x16xf32, #tpu.memory_space<vmem_shared>> -> memref<10112x16xf32, #tpu.memory_space<vmem_shared>>
        tpu.wait_indirect_dma semaphore(%run_scoped3A_389 : memref<!tpu.dma_semaphore, #tpu.memory_space<semaphore_mem>>) src(%arg18 : memref<128x16xf32, #tpu.memory_space<vmem>>) dst(%dma_wait3A_401 : memref<10112x16xf32, #tpu.memory_space<vmem_shared>>)
        tpu.yield
      }) : () -> ()
      %scan3A_388 = arith.constant 0 : i32
      scf.yield %scan3A_388 : i32
    }
    %scan3A_74 = arith.constant 7 : i32
    %dma_wait3A = arith.constant 28 : i32
    %dma_wait3A_75 = arith.constant 0 : i32
    %dma_wait3A_76 = tpu.memref_slice %arg7[%dma_wait3A, %dma_wait3A_75] : memref<32x128xi32, #tpu.memory_space<vmem>> -> memref<1x128xi32, #tpu.memory_space<vmem>>
    %dma_wait3A_77 = tpu.memref_squeeze %dma_wait3A_76 : memref<1x128xi32, #tpu.memory_space<vmem>> -> memref<128xi32, #tpu.memory_space<vmem>>
    %dma_wait3A_78 = arith.constant 0 : i32
    %dma_wait3A_79 = arith.constant 0 : i32
    %dma_wait3A_80 = tpu.memref_slice %arg2[%dma_wait3A_78, %dma_wait3A_79] : memref<10000x128xbf16, #tpu.memory_space<hbm>> -> memref<10000x128xbf16, #tpu.memory_space<hbm>>
    tpu.wait_indirect_dma semaphore(%arg14 : memref<!tpu.dma_semaphore, #tpu.memory_space<semaphore_mem>>) src(%dma_wait3A_80 : memref<10000x128xbf16, #tpu.memory_space<hbm>>) dst(%arg9 : memref<128x128xbf16, #tpu.memory_space<vmem>>)
    %dma_start3A_81 = arith.constant 31 : i32
    %dma_start3A_82 = arith.constant 0 : i32
    %dma_start3A_83 = tpu.memref_slice %arg7[%dma_start3A_81, %dma_start3A_82] : memref<32x128xi32, #tpu.memory_space<vmem>> -> memref<1x128xi32, #tpu.memory_space<vmem>>
    %dma_start3A_84 = tpu.memref_squeeze %dma_start3A_83 : memref<1x128xi32, #tpu.memory_space<vmem>> -> memref<128xi32, #tpu.memory_space<vmem>>
    %dma_start3A_85 = arith.constant 0 : i32
    %dma_start3A_86 = arith.constant 0 : i32
    %dma_start3A_87 = tpu.memref_slice %arg2[%dma_start3A_85, %dma_start3A_86] : memref<10000x128xbf16, #tpu.memory_space<hbm>> -> memref<10000x128xbf16, #tpu.memory_space<hbm>>
    tpu.enqueue_indirect_dma source(%dma_start3A_87 : memref<10000x128xbf16, #tpu.memory_space<hbm>>) target(%arg12 : memref<128x128xbf16, #tpu.memory_space<vmem>>) offsets(%dma_start3A_84 : memref<128xi32, #tpu.memory_space<vmem>>) semaphore(%arg17 : memref<!tpu.dma_semaphore, #tpu.memory_space<semaphore_mem>>)
    %run_scoped3A = arith.constant 28 : i32
    "tpu.region"() ({
      %run_scoped3A_307 = tpu.sem_alloc : memref<!tpu.dma_semaphore, #tpu.memory_space<semaphore_mem>>
      %dma_start3A_308 = arith.constant 0 : i32
      %dma_start3A_309 = tpu.memref_slice %arg8[%run_scoped3A, %dma_start3A_308] : memref<32x128xi32, #tpu.memory_space<vmem>> -> memref<1x128xi32, #tpu.memory_space<vmem>>
      %dma_start3A_310 = tpu.memref_squeeze %dma_start3A_309 : memref<1x128xi32, #tpu.memory_space<vmem>> -> memref<128xi32, #tpu.memory_space<vmem>>
      %dma_start3A_311 = arith.constant 0 : i32
      %dma_start3A_312 = arith.constant 0 : i32
      %dma_start3A_313 = tpu.memref_slice %arg13[%dma_start3A_311, %dma_start3A_312] : memref<10112x128xbf16, #tpu.memory_space<vmem_shared>> -> memref<10112x128xbf16, #tpu.memory_space<vmem_shared>>
      tpu.enqueue_indirect_dma source(%arg9 : memref<128x128xbf16, #tpu.memory_space<vmem>>) target(%dma_start3A_313 : memref<10112x128xbf16, #tpu.memory_space<vmem_shared>>) offsets(%dma_start3A_310 : memref<128xi32, #tpu.memory_space<vmem>>) semaphore(%run_scoped3A_307 : memref<!tpu.dma_semaphore, #tpu.memory_space<semaphore_mem>>) {add = true}
      %dma_wait3A_314 = arith.constant 0 : i32
      %dma_wait3A_315 = tpu.memref_slice %arg8[%run_scoped3A, %dma_wait3A_314] : memref<32x128xi32, #tpu.memory_space<vmem>> -> memref<1x128xi32, #tpu.memory_space<vmem>>
      %dma_wait3A_316 = tpu.memref_squeeze %dma_wait3A_315 : memref<1x128xi32, #tpu.memory_space<vmem>> -> memref<128xi32, #tpu.memory_space<vmem>>
      %dma_wait3A_317 = arith.constant 0 : i32
      %dma_wait3A_318 = arith.constant 0 : i32
      %dma_wait3A_319 = tpu.memref_slice %arg13[%dma_wait3A_317, %dma_wait3A_318] : memref<10112x128xbf16, #tpu.memory_space<vmem_shared>> -> memref<10112x128xbf16, #tpu.memory_space<vmem_shared>>
      tpu.wait_indirect_dma semaphore(%run_scoped3A_307 : memref<!tpu.dma_semaphore, #tpu.memory_space<semaphore_mem>>) src(%arg9 : memref<128x128xbf16, #tpu.memory_space<vmem>>) dst(%dma_wait3A_319 : memref<10112x128xbf16, #tpu.memory_space<vmem_shared>>)
      tpu.yield
    }) : () -> ()
    %run_scoped3A_88 = arith.constant 28 : i32
    "tpu.region"() ({
      %run_scoped3A_307 = tpu.sem_alloc : memref<!tpu.dma_semaphore, #tpu.memory_space<semaphore_mem>>
      %dma_start3A_308 = arith.constant 0 : i32
      %dma_start3A_309 = tpu.memref_slice %arg8[%run_scoped3A_88, %dma_start3A_308] : memref<32x128xi32, #tpu.memory_space<vmem>> -> memref<1x128xi32, #tpu.memory_space<vmem>>
      %dma_start3A_310 = tpu.memref_squeeze %dma_start3A_309 : memref<1x128xi32, #tpu.memory_space<vmem>> -> memref<128xi32, #tpu.memory_space<vmem>>
      %dma_start3A_311 = arith.constant 0 : i32
      %dma_start3A_312 = arith.constant 0 : i32
      %dma_start3A_313 = tpu.memref_slice %arg20[%dma_start3A_311, %dma_start3A_312] : memref<10112x16xf32, #tpu.memory_space<vmem_shared>> -> memref<10112x16xf32, #tpu.memory_space<vmem_shared>>
      tpu.enqueue_indirect_dma source(%arg18 : memref<128x16xf32, #tpu.memory_space<vmem>>) target(%dma_start3A_313 : memref<10112x16xf32, #tpu.memory_space<vmem_shared>>) offsets(%dma_start3A_310 : memref<128xi32, #tpu.memory_space<vmem>>) semaphore(%run_scoped3A_307 : memref<!tpu.dma_semaphore, #tpu.memory_space<semaphore_mem>>) {add = true}
      %dma_wait3A_314 = arith.constant 0 : i32
      %dma_wait3A_315 = tpu.memref_slice %arg8[%run_scoped3A_88, %dma_wait3A_314] : memref<32x128xi32, #tpu.memory_space<vmem>> -> memref<1x128xi32, #tpu.memory_space<vmem>>
      %dma_wait3A_316 = tpu.memref_squeeze %dma_wait3A_315 : memref<1x128xi32, #tpu.memory_space<vmem>> -> memref<128xi32, #tpu.memory_space<vmem>>
      %dma_wait3A_317 = arith.constant 0 : i32
      %dma_wait3A_318 = arith.constant 0 : i32
      %dma_wait3A_319 = tpu.memref_slice %arg20[%dma_wait3A_317, %dma_wait3A_318] : memref<10112x16xf32, #tpu.memory_space<vmem_shared>> -> memref<10112x16xf32, #tpu.memory_space<vmem_shared>>
      tpu.wait_indirect_dma semaphore(%run_scoped3A_307 : memref<!tpu.dma_semaphore, #tpu.memory_space<semaphore_mem>>) src(%arg18 : memref<128x16xf32, #tpu.memory_space<vmem>>) dst(%dma_wait3A_319 : memref<10112x16xf32, #tpu.memory_space<vmem_shared>>)
      tpu.yield
    }) : () -> ()
    %dma_wait3A_89 = arith.constant 29 : i32
    %dma_wait3A_90 = arith.constant 0 : i32
    %dma_wait3A_91 = tpu.memref_slice %arg7[%dma_wait3A_89, %dma_wait3A_90] : memref<32x128xi32, #tpu.memory_space<vmem>> -> memref<1x128xi32, #tpu.memory_space<vmem>>
    %dma_wait3A_92 = tpu.memref_squeeze %dma_wait3A_91 : memref<1x128xi32, #tpu.memory_space<vmem>> -> memref<128xi32, #tpu.memory_space<vmem>>
    %dma_wait3A_93 = arith.constant 0 : i32
    %dma_wait3A_94 = arith.constant 0 : i32
    %dma_wait3A_95 = tpu.memref_slice %arg2[%dma_wait3A_93, %dma_wait3A_94] : memref<10000x128xbf16, #tpu.memory_space<hbm>> -> memref<10000x128xbf16, #tpu.memory_space<hbm>>
    tpu.wait_indirect_dma semaphore(%arg15 : memref<!tpu.dma_semaphore, #tpu.memory_space<semaphore_mem>>) src(%dma_wait3A_95 : memref<10000x128xbf16, #tpu.memory_space<hbm>>) dst(%arg10 : memref<128x128xbf16, #tpu.memory_space<vmem>>)
    %run_scoped3A_96 = arith.constant 29 : i32
    "tpu.region"() ({
      %run_scoped3A_307 = tpu.sem_alloc : memref<!tpu.dma_semaphore, #tpu.memory_space<semaphore_mem>>
      %dma_start3A_308 = arith.constant 0 : i32
      %dma_start3A_309 = tpu.memref_slice %arg8[%run_scoped3A_96, %dma_start3A_308] : memref<32x128xi32, #tpu.memory_space<vmem>> -> memref<1x128xi32, #tpu.memory_space<vmem>>
      %dma_start3A_310 = tpu.memref_squeeze %dma_start3A_309 : memref<1x128xi32, #tpu.memory_space<vmem>> -> memref<128xi32, #tpu.memory_space<vmem>>
      %dma_start3A_311 = arith.constant 0 : i32
      %dma_start3A_312 = arith.constant 0 : i32
      %dma_start3A_313 = tpu.memref_slice %arg13[%dma_start3A_311, %dma_start3A_312] : memref<10112x128xbf16, #tpu.memory_space<vmem_shared>> -> memref<10112x128xbf16, #tpu.memory_space<vmem_shared>>
      tpu.enqueue_indirect_dma source(%arg10 : memref<128x128xbf16, #tpu.memory_space<vmem>>) target(%dma_start3A_313 : memref<10112x128xbf16, #tpu.memory_space<vmem_shared>>) offsets(%dma_start3A_310 : memref<128xi32, #tpu.memory_space<vmem>>) semaphore(%run_scoped3A_307 : memref<!tpu.dma_semaphore, #tpu.memory_space<semaphore_mem>>) {add = true}
      %dma_wait3A_314 = arith.constant 0 : i32
      %dma_wait3A_315 = tpu.memref_slice %arg8[%run_scoped3A_96, %dma_wait3A_314] : memref<32x128xi32, #tpu.memory_space<vmem>> -> memref<1x128xi32, #tpu.memory_space<vmem>>
      %dma_wait3A_316 = tpu.memref_squeeze %dma_wait3A_315 : memref<1x128xi32, #tpu.memory_space<vmem>> -> memref<128xi32, #tpu.memory_space<vmem>>
      %dma_wait3A_317 = arith.constant 0 : i32
      %dma_wait3A_318 = arith.constant 0 : i32
      %dma_wait3A_319 = tpu.memref_slice %arg13[%dma_wait3A_317, %dma_wait3A_318] : memref<10112x128xbf16, #tpu.memory_space<vmem_shared>> -> memref<10112x128xbf16, #tpu.memory_space<vmem_shared>>
      tpu.wait_indirect_dma semaphore(%run_scoped3A_307 : memref<!tpu.dma_semaphore, #tpu.memory_space<semaphore_mem>>) src(%arg10 : memref<128x128xbf16, #tpu.memory_space<vmem>>) dst(%dma_wait3A_319 : memref<10112x128xbf16, #tpu.memory_space<vmem_shared>>)
      tpu.yield
    }) : () -> ()
    %run_scoped3A_97 = arith.constant 29 : i32
    "tpu.region"() ({
      %run_scoped3A_307 = tpu.sem_alloc : memref<!tpu.dma_semaphore, #tpu.memory_space<semaphore_mem>>
      %dma_start3A_308 = arith.constant 0 : i32
      %dma_start3A_309 = tpu.memref_slice %arg8[%run_scoped3A_97, %dma_start3A_308] : memref<32x128xi32, #tpu.memory_space<vmem>> -> memref<1x128xi32, #tpu.memory_space<vmem>>
      %dma_start3A_310 = tpu.memref_squeeze %dma_start3A_309 : memref<1x128xi32, #tpu.memory_space<vmem>> -> memref<128xi32, #tpu.memory_space<vmem>>
      %dma_start3A_311 = arith.constant 0 : i32
      %dma_start3A_312 = arith.constant 0 : i32
      %dma_start3A_313 = tpu.memref_slice %arg20[%dma_start3A_311, %dma_start3A_312] : memref<10112x16xf32, #tpu.memory_space<vmem_shared>> -> memref<10112x16xf32, #tpu.memory_space<vmem_shared>>
      tpu.enqueue_indirect_dma source(%arg18 : memref<128x16xf32, #tpu.memory_space<vmem>>) target(%dma_start3A_313 : memref<10112x16xf32, #tpu.memory_space<vmem_shared>>) offsets(%dma_start3A_310 : memref<128xi32, #tpu.memory_space<vmem>>) semaphore(%run_scoped3A_307 : memref<!tpu.dma_semaphore, #tpu.memory_space<semaphore_mem>>) {add = true}
      %dma_wait3A_314 = arith.constant 0 : i32
      %dma_wait3A_315 = tpu.memref_slice %arg8[%run_scoped3A_97, %dma_wait3A_314] : memref<32x128xi32, #tpu.memory_space<vmem>> -> memref<1x128xi32, #tpu.memory_space<vmem>>
      %dma_wait3A_316 = tpu.memref_squeeze %dma_wait3A_315 : memref<1x128xi32, #tpu.memory_space<vmem>> -> memref<128xi32, #tpu.memory_space<vmem>>
      %dma_wait3A_317 = arith.constant 0 : i32
      %dma_wait3A_318 = arith.constant 0 : i32
      %dma_wait3A_319 = tpu.memref_slice %arg20[%dma_wait3A_317, %dma_wait3A_318] : memref<10112x16xf32, #tpu.memory_space<vmem_shared>> -> memref<10112x16xf32, #tpu.memory_space<vmem_shared>>
      tpu.wait_indirect_dma semaphore(%run_scoped3A_307 : memref<!tpu.dma_semaphore, #tpu.memory_space<semaphore_mem>>) src(%arg18 : memref<128x16xf32, #tpu.memory_space<vmem>>) dst(%dma_wait3A_319 : memref<10112x16xf32, #tpu.memory_space<vmem_shared>>)
      tpu.yield
    }) : () -> ()
    %dma_wait3A_98 = arith.constant 30 : i32
    %dma_wait3A_99 = arith.constant 0 : i32
    %dma_wait3A_100 = tpu.memref_slice %arg7[%dma_wait3A_98, %dma_wait3A_99] : memref<32x128xi32, #tpu.memory_space<vmem>> -> memref<1x128xi32, #tpu.memory_space<vmem>>
    %dma_wait3A_101 = tpu.memref_squeeze %dma_wait3A_100 : memref<1x128xi32, #tpu.memory_space<vmem>> -> memref<128xi32, #tpu.memory_space<vmem>>
    %dma_wait3A_102 = arith.constant 0 : i32
    %dma_wait3A_103 = arith.constant 0 : i32
    %dma_wait3A_104 = tpu.memref_slice %arg2[%dma_wait3A_102, %dma_wait3A_103] : memref<10000x128xbf16, #tpu.memory_space<hbm>> -> memref<10000x128xbf16, #tpu.memory_space<hbm>>
    tpu.wait_indirect_dma semaphore(%arg16 : memref<!tpu.dma_semaphore, #tpu.memory_space<semaphore_mem>>) src(%dma_wait3A_104 : memref<10000x128xbf16, #tpu.memory_space<hbm>>) dst(%arg11 : memref<128x128xbf16, #tpu.memory_space<vmem>>)
    %run_scoped3A_105 = arith.constant 30 : i32
    "tpu.region"() ({
      %run_scoped3A_307 = tpu.sem_alloc : memref<!tpu.dma_semaphore, #tpu.memory_space<semaphore_mem>>
      %dma_start3A_308 = arith.constant 0 : i32
      %dma_start3A_309 = tpu.memref_slice %arg8[%run_scoped3A_105, %dma_start3A_308] : memref<32x128xi32, #tpu.memory_space<vmem>> -> memref<1x128xi32, #tpu.memory_space<vmem>>
      %dma_start3A_310 = tpu.memref_squeeze %dma_start3A_309 : memref<1x128xi32, #tpu.memory_space<vmem>> -> memref<128xi32, #tpu.memory_space<vmem>>
      %dma_start3A_311 = arith.constant 0 : i32
      %dma_start3A_312 = arith.constant 0 : i32
      %dma_start3A_313 = tpu.memref_slice %arg13[%dma_start3A_311, %dma_start3A_312] : memref<10112x128xbf16, #tpu.memory_space<vmem_shared>> -> memref<10112x128xbf16, #tpu.memory_space<vmem_shared>>
      tpu.enqueue_indirect_dma source(%arg11 : memref<128x128xbf16, #tpu.memory_space<vmem>>) target(%dma_start3A_313 : memref<10112x128xbf16, #tpu.memory_space<vmem_shared>>) offsets(%dma_start3A_310 : memref<128xi32, #tpu.memory_space<vmem>>) semaphore(%run_scoped3A_307 : memref<!tpu.dma_semaphore, #tpu.memory_space<semaphore_mem>>) {add = true}
      %dma_wait3A_314 = arith.constant 0 : i32
      %dma_wait3A_315 = tpu.memref_slice %arg8[%run_scoped3A_105, %dma_wait3A_314] : memref<32x128xi32, #tpu.memory_space<vmem>> -> memref<1x128xi32, #tpu.memory_space<vmem>>
      %dma_wait3A_316 = tpu.memref_squeeze %dma_wait3A_315 : memref<1x128xi32, #tpu.memory_space<vmem>> -> memref<128xi32, #tpu.memory_space<vmem>>
      %dma_wait3A_317 = arith.constant 0 : i32
      %dma_wait3A_318 = arith.constant 0 : i32
      %dma_wait3A_319 = tpu.memref_slice %arg13[%dma_wait3A_317, %dma_wait3A_318] : memref<10112x128xbf16, #tpu.memory_space<vmem_shared>> -> memref<10112x128xbf16, #tpu.memory_space<vmem_shared>>
      tpu.wait_indirect_dma semaphore(%run_scoped3A_307 : memref<!tpu.dma_semaphore, #tpu.memory_space<semaphore_mem>>) src(%arg11 : memref<128x128xbf16, #tpu.memory_space<vmem>>) dst(%dma_wait3A_319 : memref<10112x128xbf16, #tpu.memory_space<vmem_shared>>)
      tpu.yield
    }) : () -> ()
    %run_scoped3A_106 = arith.constant 30 : i32
    "tpu.region"() ({
      %run_scoped3A_307 = tpu.sem_alloc : memref<!tpu.dma_semaphore, #tpu.memory_space<semaphore_mem>>
      %dma_start3A_308 = arith.constant 0 : i32
      %dma_start3A_309 = tpu.memref_slice %arg8[%run_scoped3A_106, %dma_start3A_308] : memref<32x128xi32, #tpu.memory_space<vmem>> -> memref<1x128xi32, #tpu.memory_space<vmem>>
      %dma_start3A_310 = tpu.memref_squeeze %dma_start3A_309 : memref<1x128xi32, #tpu.memory_space<vmem>> -> memref<128xi32, #tpu.memory_space<vmem>>
      %dma_start3A_311 = arith.constant 0 : i32
      %dma_start3A_312 = arith.constant 0 : i32
      %dma_start3A_313 = tpu.memref_slice %arg20[%dma_start3A_311, %dma_start3A_312] : memref<10112x16xf32, #tpu.memory_space<vmem_shared>> -> memref<10112x16xf32, #tpu.memory_space<vmem_shared>>
      tpu.enqueue_indirect_dma source(%arg18 : memref<128x16xf32, #tpu.memory_space<vmem>>) target(%dma_start3A_313 : memref<10112x16xf32, #tpu.memory_space<vmem_shared>>) offsets(%dma_start3A_310 : memref<128xi32, #tpu.memory_space<vmem>>) semaphore(%run_scoped3A_307 : memref<!tpu.dma_semaphore, #tpu.memory_space<semaphore_mem>>) {add = true}
      %dma_wait3A_314 = arith.constant 0 : i32
      %dma_wait3A_315 = tpu.memref_slice %arg8[%run_scoped3A_106, %dma_wait3A_314] : memref<32x128xi32, #tpu.memory_space<vmem>> -> memref<1x128xi32, #tpu.memory_space<vmem>>
      %dma_wait3A_316 = tpu.memref_squeeze %dma_wait3A_315 : memref<1x128xi32, #tpu.memory_space<vmem>> -> memref<128xi32, #tpu.memory_space<vmem>>
      %dma_wait3A_317 = arith.constant 0 : i32
      %dma_wait3A_318 = arith.constant 0 : i32
      %dma_wait3A_319 = tpu.memref_slice %arg20[%dma_wait3A_317, %dma_wait3A_318] : memref<10112x16xf32, #tpu.memory_space<vmem_shared>> -> memref<10112x16xf32, #tpu.memory_space<vmem_shared>>
      tpu.wait_indirect_dma semaphore(%run_scoped3A_307 : memref<!tpu.dma_semaphore, #tpu.memory_space<semaphore_mem>>) src(%arg18 : memref<128x16xf32, #tpu.memory_space<vmem>>) dst(%dma_wait3A_319 : memref<10112x16xf32, #tpu.memory_space<vmem_shared>>)
      tpu.yield
    }) : () -> ()
    %dma_wait3A_107 = arith.constant 31 : i32
    %dma_wait3A_108 = arith.constant 0 : i32
    %dma_wait3A_109 = tpu.memref_slice %arg7[%dma_wait3A_107, %dma_wait3A_108] : memref<32x128xi32, #tpu.memory_space<vmem>> -> memref<1x128xi32, #tpu.memory_space<vmem>>
    %dma_wait3A_110 = tpu.memref_squeeze %dma_wait3A_109 : memref<1x128xi32, #tpu.memory_space<vmem>> -> memref<128xi32, #tpu.memory_space<vmem>>
    %dma_wait3A_111 = arith.constant 0 : i32
    %dma_wait3A_112 = arith.constant 0 : i32
    %dma_wait3A_113 = tpu.memref_slice %arg2[%dma_wait3A_111, %dma_wait3A_112] : memref<10000x128xbf16, #tpu.memory_space<hbm>> -> memref<10000x128xbf16, #tpu.memory_space<hbm>>
    tpu.wait_indirect_dma semaphore(%arg17 : memref<!tpu.dma_semaphore, #tpu.memory_space<semaphore_mem>>) src(%dma_wait3A_113 : memref<10000x128xbf16, #tpu.memory_space<hbm>>) dst(%arg12 : memref<128x128xbf16, #tpu.memory_space<vmem>>)
    %run_scoped3A_114 = arith.constant 31 : i32
    "tpu.region"() ({
      %run_scoped3A_307 = tpu.sem_alloc : memref<!tpu.dma_semaphore, #tpu.memory_space<semaphore_mem>>
      %dma_start3A_308 = arith.constant 0 : i32
      %dma_start3A_309 = tpu.memref_slice %arg8[%run_scoped3A_114, %dma_start3A_308] : memref<32x128xi32, #tpu.memory_space<vmem>> -> memref<1x128xi32, #tpu.memory_space<vmem>>
      %dma_start3A_310 = tpu.memref_squeeze %dma_start3A_309 : memref<1x128xi32, #tpu.memory_space<vmem>> -> memref<128xi32, #tpu.memory_space<vmem>>
      %dma_start3A_311 = arith.constant 0 : i32
      %dma_start3A_312 = arith.constant 0 : i32
      %dma_start3A_313 = tpu.memref_slice %arg13[%dma_start3A_311, %dma_start3A_312] : memref<10112x128xbf16, #tpu.memory_space<vmem_shared>> -> memref<10112x128xbf16, #tpu.memory_space<vmem_shared>>
      tpu.enqueue_indirect_dma source(%arg12 : memref<128x128xbf16, #tpu.memory_space<vmem>>) target(%dma_start3A_313 : memref<10112x128xbf16, #tpu.memory_space<vmem_shared>>) offsets(%dma_start3A_310 : memref<128xi32, #tpu.memory_space<vmem>>) semaphore(%run_scoped3A_307 : memref<!tpu.dma_semaphore, #tpu.memory_space<semaphore_mem>>) {add = true}
      %dma_wait3A_314 = arith.constant 0 : i32
      %dma_wait3A_315 = tpu.memref_slice %arg8[%run_scoped3A_114, %dma_wait3A_314] : memref<32x128xi32, #tpu.memory_space<vmem>> -> memref<1x128xi32, #tpu.memory_space<vmem>>
      %dma_wait3A_316 = tpu.memref_squeeze %dma_wait3A_315 : memref<1x128xi32, #tpu.memory_space<vmem>> -> memref<128xi32, #tpu.memory_space<vmem>>
      %dma_wait3A_317 = arith.constant 0 : i32
      %dma_wait3A_318 = arith.constant 0 : i32
      %dma_wait3A_319 = tpu.memref_slice %arg13[%dma_wait3A_317, %dma_wait3A_318] : memref<10112x128xbf16, #tpu.memory_space<vmem_shared>> -> memref<10112x128xbf16, #tpu.memory_space<vmem_shared>>
      tpu.wait_indirect_dma semaphore(%run_scoped3A_307 : memref<!tpu.dma_semaphore, #tpu.memory_space<semaphore_mem>>) src(%arg12 : memref<128x128xbf16, #tpu.memory_space<vmem>>) dst(%dma_wait3A_319 : memref<10112x128xbf16, #tpu.memory_space<vmem_shared>>)
      tpu.yield
    }) : () -> ()
    %run_scoped3A_115 = arith.constant 31 : i32
    "tpu.region"() ({
      %run_scoped3A_307 = tpu.sem_alloc : memref<!tpu.dma_semaphore, #tpu.memory_space<semaphore_mem>>
      %dma_start3A_308 = arith.constant 0 : i32
      %dma_start3A_309 = tpu.memref_slice %arg8[%run_scoped3A_115, %dma_start3A_308] : memref<32x128xi32, #tpu.memory_space<vmem>> -> memref<1x128xi32, #tpu.memory_space<vmem>>
      %dma_start3A_310 = tpu.memref_squeeze %dma_start3A_309 : memref<1x128xi32, #tpu.memory_space<vmem>> -> memref<128xi32, #tpu.memory_space<vmem>>
      %dma_start3A_311 = arith.constant 0 : i32
      %dma_start3A_312 = arith.constant 0 : i32
      %dma_start3A_313 = tpu.memref_slice %arg20[%dma_start3A_311, %dma_start3A_312] : memref<10112x16xf32, #tpu.memory_space<vmem_shared>> -> memref<10112x16xf32, #tpu.memory_space<vmem_shared>>
      tpu.enqueue_indirect_dma source(%arg18 : memref<128x16xf32, #tpu.memory_space<vmem>>) target(%dma_start3A_313 : memref<10112x16xf32, #tpu.memory_space<vmem_shared>>) offsets(%dma_start3A_310 : memref<128xi32, #tpu.memory_space<vmem>>) semaphore(%run_scoped3A_307 : memref<!tpu.dma_semaphore, #tpu.memory_space<semaphore_mem>>) {add = true}
      %dma_wait3A_314 = arith.constant 0 : i32
      %dma_wait3A_315 = tpu.memref_slice %arg8[%run_scoped3A_115, %dma_wait3A_314] : memref<32x128xi32, #tpu.memory_space<vmem>> -> memref<1x128xi32, #tpu.memory_space<vmem>>
      %dma_wait3A_316 = tpu.memref_squeeze %dma_wait3A_315 : memref<1x128xi32, #tpu.memory_space<vmem>> -> memref<128xi32, #tpu.memory_space<vmem>>
      %dma_wait3A_317 = arith.constant 0 : i32
      %dma_wait3A_318 = arith.constant 0 : i32
      %dma_wait3A_319 = tpu.memref_slice %arg20[%dma_wait3A_317, %dma_wait3A_318] : memref<10112x16xf32, #tpu.memory_space<vmem_shared>> -> memref<10112x16xf32, #tpu.memory_space<vmem_shared>>
      tpu.wait_indirect_dma semaphore(%run_scoped3A_307 : memref<!tpu.dma_semaphore, #tpu.memory_space<semaphore_mem>>) src(%arg18 : memref<128x16xf32, #tpu.memory_space<vmem>>) dst(%dma_wait3A_319 : memref<10112x16xf32, #tpu.memory_space<vmem_shared>>)
      tpu.yield
    }) : () -> ()
    "tpu.region"() ({
      %run_scoped3A_307 = tpu.sem_alloc : memref<!tpu.dma_semaphore, #tpu.memory_space<semaphore_mem>>
      %dma_start3A_308 = arith.constant 0 : i32
      %dma_start3A_309 = arith.constant 0 : i32
      %dma_start3A_310 = tpu.memref_slice %arg7[%dma_start3A_308, %dma_start3A_309] : memref<32x128xi32, #tpu.memory_space<vmem>> -> memref<32x128xi32, #tpu.memory_space<vmem>>
      %dma_start3A_311 = arith.constant 32 : i32
      %dma_start3A_312 = arith.constant 0 : i32
      %dma_start3A_313 = tpu.memref_slice %arg3[%add3A, %dma_start3A_311, %dma_start3A_312] : memref<32x79x128xi32, #tpu.memory_space<hbm>> -> memref<1x32x128xi32, #tpu.memory_space<hbm>>
      %dma_start3A_314 = tpu.memref_squeeze %dma_start3A_313 : memref<1x32x128xi32, #tpu.memory_space<hbm>> -> memref<32x128xi32, #tpu.memory_space<hbm>>
      %dma_start3A_315 = arith.constant 0 : i32
      %dma_start3A_316 = arith.constant 0 : i32
      %dma_start3A_317 = tpu.memref_slice %arg7[%dma_start3A_315, %dma_start3A_316] : memref<32x128xi32, #tpu.memory_space<vmem>> -> memref<32x128xi32, #tpu.memory_space<vmem>>
      %dma_start3A_318 = arith.constant 32 : i32
      %dma_start3A_319 = arith.constant 0 : i32
      %dma_start3A_320 = tpu.memref_slice %arg3[%add3A, %dma_start3A_318, %dma_start3A_319] : memref<32x79x128xi32, #tpu.memory_space<hbm>> -> memref<1x32x128xi32, #tpu.memory_space<hbm>>
      %dma_start3A_321 = tpu.memref_squeeze %dma_start3A_320 : memref<1x32x128xi32, #tpu.memory_space<hbm>> -> memref<32x128xi32, #tpu.memory_space<hbm>>
      tpu.enqueue_dma source(%dma_start3A_321 : memref<32x128xi32, #tpu.memory_space<hbm>>) target(%dma_start3A_317 : memref<32x128xi32, #tpu.memory_space<vmem>>) target_semaphore(%run_scoped3A_307 : memref<!tpu.dma_semaphore, #tpu.memory_space<semaphore_mem>>)
      %dma_wait3A_322 = arith.constant 0 : i32
      %dma_wait3A_323 = arith.constant 0 : i32
      %dma_wait3A_324 = tpu.memref_slice %arg7[%dma_wait3A_322, %dma_wait3A_323] : memref<32x128xi32, #tpu.memory_space<vmem>> -> memref<32x128xi32, #tpu.memory_space<vmem>>
      %dma_wait3A_325 = arith.constant 32 : i32
      %dma_wait3A_326 = arith.constant 0 : i32
      %dma_wait3A_327 = tpu.memref_slice %arg3[%add3A, %dma_wait3A_325, %dma_wait3A_326] : memref<32x79x128xi32, #tpu.memory_space<hbm>> -> memref<1x32x128xi32, #tpu.memory_space<hbm>>
      %dma_wait3A_328 = tpu.memref_squeeze %dma_wait3A_327 : memref<1x32x128xi32, #tpu.memory_space<hbm>> -> memref<32x128xi32, #tpu.memory_space<hbm>>
      %dma_wait3A_329 = arith.constant 0 : i32
      %dma_wait3A_330 = arith.constant 0 : i32
      %dma_wait3A_331 = tpu.memref_slice %arg7[%dma_wait3A_329, %dma_wait3A_330] : memref<32x128xi32, #tpu.memory_space<vmem>> -> memref<32x128xi32, #tpu.memory_space<vmem>>
      %dma_wait3A_332 = arith.constant 32 : i32
      %dma_wait3A_333 = arith.constant 0 : i32
      %dma_wait3A_334 = tpu.memref_slice %arg3[%add3A, %dma_wait3A_332, %dma_wait3A_333] : memref<32x79x128xi32, #tpu.memory_space<hbm>> -> memref<1x32x128xi32, #tpu.memory_space<hbm>>
      %dma_wait3A_335 = tpu.memref_squeeze %dma_wait3A_334 : memref<1x32x128xi32, #tpu.memory_space<hbm>> -> memref<32x128xi32, #tpu.memory_space<hbm>>
      tpu.wait_dma2 semaphore(%run_scoped3A_307 : memref<!tpu.dma_semaphore, #tpu.memory_space<semaphore_mem>>) src(%dma_wait3A_335 : memref<32x128xi32, #tpu.memory_space<hbm>>) dst(%dma_wait3A_331 : memref<32x128xi32, #tpu.memory_space<vmem>>)
      tpu.yield
    }) : () -> ()
    "tpu.region"() ({
      %run_scoped3A_307 = tpu.sem_alloc : memref<!tpu.dma_semaphore, #tpu.memory_space<semaphore_mem>>
      %dma_start3A_308 = arith.constant 0 : i32
      %dma_start3A_309 = arith.constant 0 : i32
      %dma_start3A_310 = tpu.memref_slice %arg8[%dma_start3A_308, %dma_start3A_309] : memref<32x128xi32, #tpu.memory_space<vmem>> -> memref<32x128xi32, #tpu.memory_space<vmem>>
      %dma_start3A_311 = arith.constant 32 : i32
      %dma_start3A_312 = arith.constant 0 : i32
      %dma_start3A_313 = tpu.memref_slice %arg4[%add3A, %dma_start3A_311, %dma_start3A_312] : memref<32x79x128xi32, #tpu.memory_space<hbm>> -> memref<1x32x128xi32, #tpu.memory_space<hbm>>
      %dma_start3A_314 = tpu.memref_squeeze %dma_start3A_313 : memref<1x32x128xi32, #tpu.memory_space<hbm>> -> memref<32x128xi32, #tpu.memory_space<hbm>>
      %dma_start3A_315 = arith.constant 0 : i32
      %dma_start3A_316 = arith.constant 0 : i32
      %dma_start3A_317 = tpu.memref_slice %arg8[%dma_start3A_315, %dma_start3A_316] : memref<32x128xi32, #tpu.memory_space<vmem>> -> memref<32x128xi32, #tpu.memory_space<vmem>>
      %dma_start3A_318 = arith.constant 32 : i32
      %dma_start3A_319 = arith.constant 0 : i32
      %dma_start3A_320 = tpu.memref_slice %arg4[%add3A, %dma_start3A_318, %dma_start3A_319] : memref<32x79x128xi32, #tpu.memory_space<hbm>> -> memref<1x32x128xi32, #tpu.memory_space<hbm>>
      %dma_start3A_321 = tpu.memref_squeeze %dma_start3A_320 : memref<1x32x128xi32, #tpu.memory_space<hbm>> -> memref<32x128xi32, #tpu.memory_space<hbm>>
      tpu.enqueue_dma source(%dma_start3A_321 : memref<32x128xi32, #tpu.memory_space<hbm>>) target(%dma_start3A_317 : memref<32x128xi32, #tpu.memory_space<vmem>>) target_semaphore(%run_scoped3A_307 : memref<!tpu.dma_semaphore, #tpu.memory_space<semaphore_mem>>)
      %dma_wait3A_322 = arith.constant 0 : i32
      %dma_wait3A_323 = arith.constant 0 : i32
      %dma_wait3A_324 = tpu.memref_slice %arg8[%dma_wait3A_322, %dma_wait3A_323] : memref<32x128xi32, #tpu.memory_space<vmem>> -> memref<32x128xi32, #tpu.memory_space<vmem>>
      %dma_wait3A_325 = arith.constant 32 : i32
      %dma_wait3A_326 = arith.constant 0 : i32
      %dma_wait3A_327 = tpu.memref_slice %arg4[%add3A, %dma_wait3A_325, %dma_wait3A_326] : memref<32x79x128xi32, #tpu.memory_space<hbm>> -> memref<1x32x128xi32, #tpu.memory_space<hbm>>
      %dma_wait3A_328 = tpu.memref_squeeze %dma_wait3A_327 : memref<1x32x128xi32, #tpu.memory_space<hbm>> -> memref<32x128xi32, #tpu.memory_space<hbm>>
      %dma_wait3A_329 = arith.constant 0 : i32
      %dma_wait3A_330 = arith.constant 0 : i32
      %dma_wait3A_331 = tpu.memref_slice %arg8[%dma_wait3A_329, %dma_wait3A_330] : memref<32x128xi32, #tpu.memory_space<vmem>> -> memref<32x128xi32, #tpu.memory_space<vmem>>
      %dma_wait3A_332 = arith.constant 32 : i32
      %dma_wait3A_333 = arith.constant 0 : i32
      %dma_wait3A_334 = tpu.memref_slice %arg4[%add3A, %dma_wait3A_332, %dma_wait3A_333] : memref<32x79x128xi32, #tpu.memory_space<hbm>> -> memref<1x32x128xi32, #tpu.memory_space<hbm>>
      %dma_wait3A_335 = tpu.memref_squeeze %dma_wait3A_334 : memref<1x32x128xi32, #tpu.memory_space<hbm>> -> memref<32x128xi32, #tpu.memory_space<hbm>>
      tpu.wait_dma2 semaphore(%run_scoped3A_307 : memref<!tpu.dma_semaphore, #tpu.memory_space<semaphore_mem>>) src(%dma_wait3A_335 : memref<32x128xi32, #tpu.memory_space<hbm>>) dst(%dma_wait3A_331 : memref<32x128xi32, #tpu.memory_space<vmem>>)
      tpu.yield
    }) : () -> ()
    %dma_start3A_116 = arith.constant 0 : i32
    %dma_start3A_117 = arith.constant 0 : i32
    %dma_start3A_118 = tpu.memref_slice %arg7[%dma_start3A_116, %dma_start3A_117] : memref<32x128xi32, #tpu.memory_space<vmem>> -> memref<1x128xi32, #tpu.memory_space<vmem>>
    %dma_start3A_119 = tpu.memref_squeeze %dma_start3A_118 : memref<1x128xi32, #tpu.memory_space<vmem>> -> memref<128xi32, #tpu.memory_space<vmem>>
    %dma_start3A_120 = arith.constant 0 : i32
    %dma_start3A_121 = arith.constant 0 : i32
    %dma_start3A_122 = tpu.memref_slice %arg2[%dma_start3A_120, %dma_start3A_121] : memref<10000x128xbf16, #tpu.memory_space<hbm>> -> memref<10000x128xbf16, #tpu.memory_space<hbm>>
    tpu.enqueue_indirect_dma source(%dma_start3A_122 : memref<10000x128xbf16, #tpu.memory_space<hbm>>) target(%arg9 : memref<128x128xbf16, #tpu.memory_space<vmem>>) offsets(%dma_start3A_119 : memref<128xi32, #tpu.memory_space<vmem>>) semaphore(%arg14 : memref<!tpu.dma_semaphore, #tpu.memory_space<semaphore_mem>>)
    %dma_start3A_123 = arith.constant 1 : i32
    %dma_start3A_124 = arith.constant 0 : i32
    %dma_start3A_125 = tpu.memref_slice %arg7[%dma_start3A_123, %dma_start3A_124] : memref<32x128xi32, #tpu.memory_space<vmem>> -> memref<1x128xi32, #tpu.memory_space<vmem>>
    %dma_start3A_126 = tpu.memref_squeeze %dma_start3A_125 : memref<1x128xi32, #tpu.memory_space<vmem>> -> memref<128xi32, #tpu.memory_space<vmem>>
    %dma_start3A_127 = arith.constant 0 : i32
    %dma_start3A_128 = arith.constant 0 : i32
    %dma_start3A_129 = tpu.memref_slice %arg2[%dma_start3A_127, %dma_start3A_128] : memref<10000x128xbf16, #tpu.memory_space<hbm>> -> memref<10000x128xbf16, #tpu.memory_space<hbm>>
    tpu.enqueue_indirect_dma source(%dma_start3A_129 : memref<10000x128xbf16, #tpu.memory_space<hbm>>) target(%arg10 : memref<128x128xbf16, #tpu.memory_space<vmem>>) offsets(%dma_start3A_126 : memref<128xi32, #tpu.memory_space<vmem>>) semaphore(%arg15 : memref<!tpu.dma_semaphore, #tpu.memory_space<semaphore_mem>>)
    %dma_start3A_130 = arith.constant 2 : i32
    %dma_start3A_131 = arith.constant 0 : i32
    %dma_start3A_132 = tpu.memref_slice %arg7[%dma_start3A_130, %dma_start3A_131] : memref<32x128xi32, #tpu.memory_space<vmem>> -> memref<1x128xi32, #tpu.memory_space<vmem>>
    %dma_start3A_133 = tpu.memref_squeeze %dma_start3A_132 : memref<1x128xi32, #tpu.memory_space<vmem>> -> memref<128xi32, #tpu.memory_space<vmem>>
    %dma_start3A_134 = arith.constant 0 : i32
    %dma_start3A_135 = arith.constant 0 : i32
    %dma_start3A_136 = tpu.memref_slice %arg2[%dma_start3A_134, %dma_start3A_135] : memref<10000x128xbf16, #tpu.memory_space<hbm>> -> memref<10000x128xbf16, #tpu.memory_space<hbm>>
    tpu.enqueue_indirect_dma source(%dma_start3A_136 : memref<10000x128xbf16, #tpu.memory_space<hbm>>) target(%arg11 : memref<128x128xbf16, #tpu.memory_space<vmem>>) offsets(%dma_start3A_133 : memref<128xi32, #tpu.memory_space<vmem>>) semaphore(%arg16 : memref<!tpu.dma_semaphore, #tpu.memory_space<semaphore_mem>>)
    %scan3A_137 = arith.constant 0 : i32
    %scan3A_138 = arith.constant 0 : i32
    %scan3A_139 = arith.constant 7 : i32
    %scan3A_140 = arith.addi %scan3A_138, %scan3A_139 : i32
    %scan3A_141 = arith.constant 1 : i32
    %scan3A_142 = scf.for %scan3A_307 = %scan3A_138 to %scan3A_140 step %scan3A_141 iter_args(%scan3A_308 = %scan3A_137) -> (i32)  : i32 {
      %mul3A_309 = arith.constant 4 : i32
      %mul3A_310 = arith.muli %mul3A_309, %scan3A_307 : i32
      %add3A_311 = arith.constant 0 : i32
      %add3A_312 = arith.addi %mul3A_310, %add3A_311 : i32
      %dma_wait3A_313 = arith.constant 0 : i32
      %dma_wait3A_314 = tpu.memref_slice %arg7[%add3A_312, %dma_wait3A_313] : memref<32x128xi32, #tpu.memory_space<vmem>> -> memref<1x128xi32, #tpu.memory_space<vmem>>
      %dma_wait3A_315 = tpu.memref_squeeze %dma_wait3A_314 : memref<1x128xi32, #tpu.memory_space<vmem>> -> memref<128xi32, #tpu.memory_space<vmem>>
      %dma_wait3A_316 = arith.constant 0 : i32
      %dma_wait3A_317 = arith.constant 0 : i32
      %dma_wait3A_318 = tpu.memref_slice %arg2[%dma_wait3A_316, %dma_wait3A_317] : memref<10000x128xbf16, #tpu.memory_space<hbm>> -> memref<10000x128xbf16, #tpu.memory_space<hbm>>
      tpu.wait_indirect_dma semaphore(%arg14 : memref<!tpu.dma_semaphore, #tpu.memory_space<semaphore_mem>>) src(%dma_wait3A_318 : memref<10000x128xbf16, #tpu.memory_space<hbm>>) dst(%arg9 : memref<128x128xbf16, #tpu.memory_space<vmem>>)
      %add3A_319 = arith.constant 4 : i32
      %add3A_320 = arith.addi %add3A_312, %add3A_319 : i32
      %sub3A = arith.constant 1 : i32
      %sub3A_321 = arith.subi %add3A_320, %sub3A : i32
      %dma_start3A_322 = arith.constant 0 : i32
      %dma_start3A_323 = tpu.memref_slice %arg7[%sub3A_321, %dma_start3A_322] : memref<32x128xi32, #tpu.memory_space<vmem>> -> memref<1x128xi32, #tpu.memory_space<vmem>>
      %dma_start3A_324 = tpu.memref_squeeze %dma_start3A_323 : memref<1x128xi32, #tpu.memory_space<vmem>> -> memref<128xi32, #tpu.memory_space<vmem>>
      %dma_start3A_325 = arith.constant 0 : i32
      %dma_start3A_326 = arith.constant 0 : i32
      %dma_start3A_327 = tpu.memref_slice %arg2[%dma_start3A_325, %dma_start3A_326] : memref<10000x128xbf16, #tpu.memory_space<hbm>> -> memref<10000x128xbf16, #tpu.memory_space<hbm>>
      tpu.enqueue_indirect_dma source(%dma_start3A_327 : memref<10000x128xbf16, #tpu.memory_space<hbm>>) target(%arg12 : memref<128x128xbf16, #tpu.memory_space<vmem>>) offsets(%dma_start3A_324 : memref<128xi32, #tpu.memory_space<vmem>>) semaphore(%arg17 : memref<!tpu.dma_semaphore, #tpu.memory_space<semaphore_mem>>)
      "tpu.region"() ({
        %run_scoped3A_389 = tpu.sem_alloc : memref<!tpu.dma_semaphore, #tpu.memory_space<semaphore_mem>>
        %dma_start3A_390 = arith.constant 0 : i32
        %dma_start3A_391 = tpu.memref_slice %arg8[%add3A_312, %dma_start3A_390] : memref<32x128xi32, #tpu.memory_space<vmem>> -> memref<1x128xi32, #tpu.memory_space<vmem>>
        %dma_start3A_392 = tpu.memref_squeeze %dma_start3A_391 : memref<1x128xi32, #tpu.memory_space<vmem>> -> memref<128xi32, #tpu.memory_space<vmem>>
        %dma_start3A_393 = arith.constant 0 : i32
        %dma_start3A_394 = arith.constant 0 : i32
        %dma_start3A_395 = tpu.memref_slice %arg13[%dma_start3A_393, %dma_start3A_394] : memref<10112x128xbf16, #tpu.memory_space<vmem_shared>> -> memref<10112x128xbf16, #tpu.memory_space<vmem_shared>>
        tpu.enqueue_indirect_dma source(%arg9 : memref<128x128xbf16, #tpu.memory_space<vmem>>) target(%dma_start3A_395 : memref<10112x128xbf16, #tpu.memory_space<vmem_shared>>) offsets(%dma_start3A_392 : memref<128xi32, #tpu.memory_space<vmem>>) semaphore(%run_scoped3A_389 : memref<!tpu.dma_semaphore, #tpu.memory_space<semaphore_mem>>) {add = true}
        %dma_wait3A_396 = arith.constant 0 : i32
        %dma_wait3A_397 = tpu.memref_slice %arg8[%add3A_312, %dma_wait3A_396] : memref<32x128xi32, #tpu.memory_space<vmem>> -> memref<1x128xi32, #tpu.memory_space<vmem>>
        %dma_wait3A_398 = tpu.memref_squeeze %dma_wait3A_397 : memref<1x128xi32, #tpu.memory_space<vmem>> -> memref<128xi32, #tpu.memory_space<vmem>>
        %dma_wait3A_399 = arith.constant 0 : i32
        %dma_wait3A_400 = arith.constant 0 : i32
        %dma_wait3A_401 = tpu.memref_slice %arg13[%dma_wait3A_399, %dma_wait3A_400] : memref<10112x128xbf16, #tpu.memory_space<vmem_shared>> -> memref<10112x128xbf16, #tpu.memory_space<vmem_shared>>
        tpu.wait_indirect_dma semaphore(%run_scoped3A_389 : memref<!tpu.dma_semaphore, #tpu.memory_space<semaphore_mem>>) src(%arg9 : memref<128x128xbf16, #tpu.memory_space<vmem>>) dst(%dma_wait3A_401 : memref<10112x128xbf16, #tpu.memory_space<vmem_shared>>)
        tpu.yield
      }) : () -> ()
      "tpu.region"() ({
        %run_scoped3A_389 = tpu.sem_alloc : memref<!tpu.dma_semaphore, #tpu.memory_space<semaphore_mem>>
        %dma_start3A_390 = arith.constant 0 : i32
        %dma_start3A_391 = tpu.memref_slice %arg8[%add3A_312, %dma_start3A_390] : memref<32x128xi32, #tpu.memory_space<vmem>> -> memref<1x128xi32, #tpu.memory_space<vmem>>
        %dma_start3A_392 = tpu.memref_squeeze %dma_start3A_391 : memref<1x128xi32, #tpu.memory_space<vmem>> -> memref<128xi32, #tpu.memory_space<vmem>>
        %dma_start3A_393 = arith.constant 0 : i32
        %dma_start3A_394 = arith.constant 0 : i32
        %dma_start3A_395 = tpu.memref_slice %arg20[%dma_start3A_393, %dma_start3A_394] : memref<10112x16xf32, #tpu.memory_space<vmem_shared>> -> memref<10112x16xf32, #tpu.memory_space<vmem_shared>>
        tpu.enqueue_indirect_dma source(%arg18 : memref<128x16xf32, #tpu.memory_space<vmem>>) target(%dma_start3A_395 : memref<10112x16xf32, #tpu.memory_space<vmem_shared>>) offsets(%dma_start3A_392 : memref<128xi32, #tpu.memory_space<vmem>>) semaphore(%run_scoped3A_389 : memref<!tpu.dma_semaphore, #tpu.memory_space<semaphore_mem>>) {add = true}
        %dma_wait3A_396 = arith.constant 0 : i32
        %dma_wait3A_397 = tpu.memref_slice %arg8[%add3A_312, %dma_wait3A_396] : memref<32x128xi32, #tpu.memory_space<vmem>> -> memref<1x128xi32, #tpu.memory_space<vmem>>
        %dma_wait3A_398 = tpu.memref_squeeze %dma_wait3A_397 : memref<1x128xi32, #tpu.memory_space<vmem>> -> memref<128xi32, #tpu.memory_space<vmem>>
        %dma_wait3A_399 = arith.constant 0 : i32
        %dma_wait3A_400 = arith.constant 0 : i32
        %dma_wait3A_401 = tpu.memref_slice %arg20[%dma_wait3A_399, %dma_wait3A_400] : memref<10112x16xf32, #tpu.memory_space<vmem_shared>> -> memref<10112x16xf32, #tpu.memory_space<vmem_shared>>
        tpu.wait_indirect_dma semaphore(%run_scoped3A_389 : memref<!tpu.dma_semaphore, #tpu.memory_space<semaphore_mem>>) src(%arg18 : memref<128x16xf32, #tpu.memory_space<vmem>>) dst(%dma_wait3A_401 : memref<10112x16xf32, #tpu.memory_space<vmem_shared>>)
        tpu.yield
      }) : () -> ()
      %mul3A_328 = arith.constant 4 : i32
      %mul3A_329 = arith.muli %mul3A_328, %scan3A_307 : i32
      %add3A_330 = arith.constant 1 : i32
      %add3A_331 = arith.addi %mul3A_329, %add3A_330 : i32
      %dma_wait3A_332 = arith.constant 0 : i32
      %dma_wait3A_333 = tpu.memref_slice %arg7[%add3A_331, %dma_wait3A_332] : memref<32x128xi32, #tpu.memory_space<vmem>> -> memref<1x128xi32, #tpu.memory_space<vmem>>
      %dma_wait3A_334 = tpu.memref_squeeze %dma_wait3A_333 : memref<1x128xi32, #tpu.memory_space<vmem>> -> memref<128xi32, #tpu.memory_space<vmem>>
      %dma_wait3A_335 = arith.constant 0 : i32
      %dma_wait3A_336 = arith.constant 0 : i32
      %dma_wait3A_337 = tpu.memref_slice %arg2[%dma_wait3A_335, %dma_wait3A_336] : memref<10000x128xbf16, #tpu.memory_space<hbm>> -> memref<10000x128xbf16, #tpu.memory_space<hbm>>
      tpu.wait_indirect_dma semaphore(%arg15 : memref<!tpu.dma_semaphore, #tpu.memory_space<semaphore_mem>>) src(%dma_wait3A_337 : memref<10000x128xbf16, #tpu.memory_space<hbm>>) dst(%arg10 : memref<128x128xbf16, #tpu.memory_space<vmem>>)
      %add3A_338 = arith.constant 4 : i32
      %add3A_339 = arith.addi %add3A_331, %add3A_338 : i32
      %sub3A_340 = arith.constant 1 : i32
      %sub3A_341 = arith.subi %add3A_339, %sub3A_340 : i32
      %dma_start3A_342 = arith.constant 0 : i32
      %dma_start3A_343 = tpu.memref_slice %arg7[%sub3A_341, %dma_start3A_342] : memref<32x128xi32, #tpu.memory_space<vmem>> -> memref<1x128xi32, #tpu.memory_space<vmem>>
      %dma_start3A_344 = tpu.memref_squeeze %dma_start3A_343 : memref<1x128xi32, #tpu.memory_space<vmem>> -> memref<128xi32, #tpu.memory_space<vmem>>
      %dma_start3A_345 = arith.constant 0 : i32
      %dma_start3A_346 = arith.constant 0 : i32
      %dma_start3A_347 = tpu.memref_slice %arg2[%dma_start3A_345, %dma_start3A_346] : memref<10000x128xbf16, #tpu.memory_space<hbm>> -> memref<10000x128xbf16, #tpu.memory_space<hbm>>
      tpu.enqueue_indirect_dma source(%dma_start3A_347 : memref<10000x128xbf16, #tpu.memory_space<hbm>>) target(%arg9 : memref<128x128xbf16, #tpu.memory_space<vmem>>) offsets(%dma_start3A_344 : memref<128xi32, #tpu.memory_space<vmem>>) semaphore(%arg14 : memref<!tpu.dma_semaphore, #tpu.memory_space<semaphore_mem>>)
      "tpu.region"() ({
        %run_scoped3A_389 = tpu.sem_alloc : memref<!tpu.dma_semaphore, #tpu.memory_space<semaphore_mem>>
        %dma_start3A_390 = arith.constant 0 : i32
        %dma_start3A_391 = tpu.memref_slice %arg8[%add3A_331, %dma_start3A_390] : memref<32x128xi32, #tpu.memory_space<vmem>> -> memref<1x128xi32, #tpu.memory_space<vmem>>
        %dma_start3A_392 = tpu.memref_squeeze %dma_start3A_391 : memref<1x128xi32, #tpu.memory_space<vmem>> -> memref<128xi32, #tpu.memory_space<vmem>>
        %dma_start3A_393 = arith.constant 0 : i32
        %dma_start3A_394 = arith.constant 0 : i32
        %dma_start3A_395 = tpu.memref_slice %arg13[%dma_start3A_393, %dma_start3A_394] : memref<10112x128xbf16, #tpu.memory_space<vmem_shared>> -> memref<10112x128xbf16, #tpu.memory_space<vmem_shared>>
        tpu.enqueue_indirect_dma source(%arg10 : memref<128x128xbf16, #tpu.memory_space<vmem>>) target(%dma_start3A_395 : memref<10112x128xbf16, #tpu.memory_space<vmem_shared>>) offsets(%dma_start3A_392 : memref<128xi32, #tpu.memory_space<vmem>>) semaphore(%run_scoped3A_389 : memref<!tpu.dma_semaphore, #tpu.memory_space<semaphore_mem>>) {add = true}
        %dma_wait3A_396 = arith.constant 0 : i32
        %dma_wait3A_397 = tpu.memref_slice %arg8[%add3A_331, %dma_wait3A_396] : memref<32x128xi32, #tpu.memory_space<vmem>> -> memref<1x128xi32, #tpu.memory_space<vmem>>
        %dma_wait3A_398 = tpu.memref_squeeze %dma_wait3A_397 : memref<1x128xi32, #tpu.memory_space<vmem>> -> memref<128xi32, #tpu.memory_space<vmem>>
        %dma_wait3A_399 = arith.constant 0 : i32
        %dma_wait3A_400 = arith.constant 0 : i32
        %dma_wait3A_401 = tpu.memref_slice %arg13[%dma_wait3A_399, %dma_wait3A_400] : memref<10112x128xbf16, #tpu.memory_space<vmem_shared>> -> memref<10112x128xbf16, #tpu.memory_space<vmem_shared>>
        tpu.wait_indirect_dma semaphore(%run_scoped3A_389 : memref<!tpu.dma_semaphore, #tpu.memory_space<semaphore_mem>>) src(%arg10 : memref<128x128xbf16, #tpu.memory_space<vmem>>) dst(%dma_wait3A_401 : memref<10112x128xbf16, #tpu.memory_space<vmem_shared>>)
        tpu.yield
      }) : () -> ()
      "tpu.region"() ({
        %run_scoped3A_389 = tpu.sem_alloc : memref<!tpu.dma_semaphore, #tpu.memory_space<semaphore_mem>>
        %dma_start3A_390 = arith.constant 0 : i32
        %dma_start3A_391 = tpu.memref_slice %arg8[%add3A_331, %dma_start3A_390] : memref<32x128xi32, #tpu.memory_space<vmem>> -> memref<1x128xi32, #tpu.memory_space<vmem>>
        %dma_start3A_392 = tpu.memref_squeeze %dma_start3A_391 : memref<1x128xi32, #tpu.memory_space<vmem>> -> memref<128xi32, #tpu.memory_space<vmem>>
        %dma_start3A_393 = arith.constant 0 : i32
        %dma_start3A_394 = arith.constant 0 : i32
        %dma_start3A_395 = tpu.memref_slice %arg20[%dma_start3A_393, %dma_start3A_394] : memref<10112x16xf32, #tpu.memory_space<vmem_shared>> -> memref<10112x16xf32, #tpu.memory_space<vmem_shared>>
        tpu.enqueue_indirect_dma source(%arg18 : memref<128x16xf32, #tpu.memory_space<vmem>>) target(%dma_start3A_395 : memref<10112x16xf32, #tpu.memory_space<vmem_shared>>) offsets(%dma_start3A_392 : memref<128xi32, #tpu.memory_space<vmem>>) semaphore(%run_scoped3A_389 : memref<!tpu.dma_semaphore, #tpu.memory_space<semaphore_mem>>) {add = true}
        %dma_wait3A_396 = arith.constant 0 : i32
        %dma_wait3A_397 = tpu.memref_slice %arg8[%add3A_331, %dma_wait3A_396] : memref<32x128xi32, #tpu.memory_space<vmem>> -> memref<1x128xi32, #tpu.memory_space<vmem>>
        %dma_wait3A_398 = tpu.memref_squeeze %dma_wait3A_397 : memref<1x128xi32, #tpu.memory_space<vmem>> -> memref<128xi32, #tpu.memory_space<vmem>>
        %dma_wait3A_399 = arith.constant 0 : i32
        %dma_wait3A_400 = arith.constant 0 : i32
        %dma_wait3A_401 = tpu.memref_slice %arg20[%dma_wait3A_399, %dma_wait3A_400] : memref<10112x16xf32, #tpu.memory_space<vmem_shared>> -> memref<10112x16xf32, #tpu.memory_space<vmem_shared>>
        tpu.wait_indirect_dma semaphore(%run_scoped3A_389 : memref<!tpu.dma_semaphore, #tpu.memory_space<semaphore_mem>>) src(%arg18 : memref<128x16xf32, #tpu.memory_space<vmem>>) dst(%dma_wait3A_401 : memref<10112x16xf32, #tpu.memory_space<vmem_shared>>)
        tpu.yield
      }) : () -> ()
      %mul3A_348 = arith.constant 4 : i32
      %mul3A_349 = arith.muli %mul3A_348, %scan3A_307 : i32
      %add3A_350 = arith.constant 2 : i32
      %add3A_351 = arith.addi %mul3A_349, %add3A_350 : i32
      %dma_wait3A_352 = arith.constant 0 : i32
      %dma_wait3A_353 = tpu.memref_slice %arg7[%add3A_351, %dma_wait3A_352] : memref<32x128xi32, #tpu.memory_space<vmem>> -> memref<1x128xi32, #tpu.memory_space<vmem>>
      %dma_wait3A_354 = tpu.memref_squeeze %dma_wait3A_353 : memref<1x128xi32, #tpu.memory_space<vmem>> -> memref<128xi32, #tpu.memory_space<vmem>>
      %dma_wait3A_355 = arith.constant 0 : i32
      %dma_wait3A_356 = arith.constant 0 : i32
      %dma_wait3A_357 = tpu.memref_slice %arg2[%dma_wait3A_355, %dma_wait3A_356] : memref<10000x128xbf16, #tpu.memory_space<hbm>> -> memref<10000x128xbf16, #tpu.memory_space<hbm>>
      tpu.wait_indirect_dma semaphore(%arg16 : memref<!tpu.dma_semaphore, #tpu.memory_space<semaphore_mem>>) src(%dma_wait3A_357 : memref<10000x128xbf16, #tpu.memory_space<hbm>>) dst(%arg11 : memref<128x128xbf16, #tpu.memory_space<vmem>>)
      %add3A_358 = arith.constant 4 : i32
      %add3A_359 = arith.addi %add3A_351, %add3A_358 : i32
      %sub3A_360 = arith.constant 1 : i32
      %sub3A_361 = arith.subi %add3A_359, %sub3A_360 : i32
      %dma_start3A_362 = arith.constant 0 : i32
      %dma_start3A_363 = tpu.memref_slice %arg7[%sub3A_361, %dma_start3A_362] : memref<32x128xi32, #tpu.memory_space<vmem>> -> memref<1x128xi32, #tpu.memory_space<vmem>>
      %dma_start3A_364 = tpu.memref_squeeze %dma_start3A_363 : memref<1x128xi32, #tpu.memory_space<vmem>> -> memref<128xi32, #tpu.memory_space<vmem>>
      %dma_start3A_365 = arith.constant 0 : i32
      %dma_start3A_366 = arith.constant 0 : i32
      %dma_start3A_367 = tpu.memref_slice %arg2[%dma_start3A_365, %dma_start3A_366] : memref<10000x128xbf16, #tpu.memory_space<hbm>> -> memref<10000x128xbf16, #tpu.memory_space<hbm>>
      tpu.enqueue_indirect_dma source(%dma_start3A_367 : memref<10000x128xbf16, #tpu.memory_space<hbm>>) target(%arg10 : memref<128x128xbf16, #tpu.memory_space<vmem>>) offsets(%dma_start3A_364 : memref<128xi32, #tpu.memory_space<vmem>>) semaphore(%arg15 : memref<!tpu.dma_semaphore, #tpu.memory_space<semaphore_mem>>)
      "tpu.region"() ({
        %run_scoped3A_389 = tpu.sem_alloc : memref<!tpu.dma_semaphore, #tpu.memory_space<semaphore_mem>>
        %dma_start3A_390 = arith.constant 0 : i32
        %dma_start3A_391 = tpu.memref_slice %arg8[%add3A_351, %dma_start3A_390] : memref<32x128xi32, #tpu.memory_space<vmem>> -> memref<1x128xi32, #tpu.memory_space<vmem>>
        %dma_start3A_392 = tpu.memref_squeeze %dma_start3A_391 : memref<1x128xi32, #tpu.memory_space<vmem>> -> memref<128xi32, #tpu.memory_space<vmem>>
        %dma_start3A_393 = arith.constant 0 : i32
        %dma_start3A_394 = arith.constant 0 : i32
        %dma_start3A_395 = tpu.memref_slice %arg13[%dma_start3A_393, %dma_start3A_394] : memref<10112x128xbf16, #tpu.memory_space<vmem_shared>> -> memref<10112x128xbf16, #tpu.memory_space<vmem_shared>>
        tpu.enqueue_indirect_dma source(%arg11 : memref<128x128xbf16, #tpu.memory_space<vmem>>) target(%dma_start3A_395 : memref<10112x128xbf16, #tpu.memory_space<vmem_shared>>) offsets(%dma_start3A_392 : memref<128xi32, #tpu.memory_space<vmem>>) semaphore(%run_scoped3A_389 : memref<!tpu.dma_semaphore, #tpu.memory_space<semaphore_mem>>) {add = true}
        %dma_wait3A_396 = arith.constant 0 : i32
        %dma_wait3A_397 = tpu.memref_slice %arg8[%add3A_351, %dma_wait3A_396] : memref<32x128xi32, #tpu.memory_space<vmem>> -> memref<1x128xi32, #tpu.memory_space<vmem>>
        %dma_wait3A_398 = tpu.memref_squeeze %dma_wait3A_397 : memref<1x128xi32, #tpu.memory_space<vmem>> -> memref<128xi32, #tpu.memory_space<vmem>>
        %dma_wait3A_399 = arith.constant 0 : i32
        %dma_wait3A_400 = arith.constant 0 : i32
        %dma_wait3A_401 = tpu.memref_slice %arg13[%dma_wait3A_399, %dma_wait3A_400] : memref<10112x128xbf16, #tpu.memory_space<vmem_shared>> -> memref<10112x128xbf16, #tpu.memory_space<vmem_shared>>
        tpu.wait_indirect_dma semaphore(%run_scoped3A_389 : memref<!tpu.dma_semaphore, #tpu.memory_space<semaphore_mem>>) src(%arg11 : memref<128x128xbf16, #tpu.memory_space<vmem>>) dst(%dma_wait3A_401 : memref<10112x128xbf16, #tpu.memory_space<vmem_shared>>)
        tpu.yield
      }) : () -> ()
      "tpu.region"() ({
        %run_scoped3A_389 = tpu.sem_alloc : memref<!tpu.dma_semaphore, #tpu.memory_space<semaphore_mem>>
        %dma_start3A_390 = arith.constant 0 : i32
        %dma_start3A_391 = tpu.memref_slice %arg8[%add3A_351, %dma_start3A_390] : memref<32x128xi32, #tpu.memory_space<vmem>> -> memref<1x128xi32, #tpu.memory_space<vmem>>
        %dma_start3A_392 = tpu.memref_squeeze %dma_start3A_391 : memref<1x128xi32, #tpu.memory_space<vmem>> -> memref<128xi32, #tpu.memory_space<vmem>>
        %dma_start3A_393 = arith.constant 0 : i32
        %dma_start3A_394 = arith.constant 0 : i32
        %dma_start3A_395 = tpu.memref_slice %arg20[%dma_start3A_393, %dma_start3A_394] : memref<10112x16xf32, #tpu.memory_space<vmem_shared>> -> memref<10112x16xf32, #tpu.memory_space<vmem_shared>>
        tpu.enqueue_indirect_dma source(%arg18 : memref<128x16xf32, #tpu.memory_space<vmem>>) target(%dma_start3A_395 : memref<10112x16xf32, #tpu.memory_space<vmem_shared>>) offsets(%dma_start3A_392 : memref<128xi32, #tpu.memory_space<vmem>>) semaphore(%run_scoped3A_389 : memref<!tpu.dma_semaphore, #tpu.memory_space<semaphore_mem>>) {add = true}
        %dma_wait3A_396 = arith.constant 0 : i32
        %dma_wait3A_397 = tpu.memref_slice %arg8[%add3A_351, %dma_wait3A_396] : memref<32x128xi32, #tpu.memory_space<vmem>> -> memref<1x128xi32, #tpu.memory_space<vmem>>
        %dma_wait3A_398 = tpu.memref_squeeze %dma_wait3A_397 : memref<1x128xi32, #tpu.memory_space<vmem>> -> memref<128xi32, #tpu.memory_space<vmem>>
        %dma_wait3A_399 = arith.constant 0 : i32
        %dma_wait3A_400 = arith.constant 0 : i32
        %dma_wait3A_401 = tpu.memref_slice %arg20[%dma_wait3A_399, %dma_wait3A_400] : memref<10112x16xf32, #tpu.memory_space<vmem_shared>> -> memref<10112x16xf32, #tpu.memory_space<vmem_shared>>
        tpu.wait_indirect_dma semaphore(%run_scoped3A_389 : memref<!tpu.dma_semaphore, #tpu.memory_space<semaphore_mem>>) src(%arg18 : memref<128x16xf32, #tpu.memory_space<vmem>>) dst(%dma_wait3A_401 : memref<10112x16xf32, #tpu.memory_space<vmem_shared>>)
        tpu.yield
      }) : () -> ()
      %mul3A_368 = arith.constant 4 : i32
      %mul3A_369 = arith.muli %mul3A_368, %scan3A_307 : i32
      %add3A_370 = arith.constant 3 : i32
      %add3A_371 = arith.addi %mul3A_369, %add3A_370 : i32
      %dma_wait3A_372 = arith.constant 0 : i32
      %dma_wait3A_373 = tpu.memref_slice %arg7[%add3A_371, %dma_wait3A_372] : memref<32x128xi32, #tpu.memory_space<vmem>> -> memref<1x128xi32, #tpu.memory_space<vmem>>
      %dma_wait3A_374 = tpu.memref_squeeze %dma_wait3A_373 : memref<1x128xi32, #tpu.memory_space<vmem>> -> memref<128xi32, #tpu.memory_space<vmem>>
      %dma_wait3A_375 = arith.constant 0 : i32
      %dma_wait3A_376 = arith.constant 0 : i32
      %dma_wait3A_377 = tpu.memref_slice %arg2[%dma_wait3A_375, %dma_wait3A_376] : memref<10000x128xbf16, #tpu.memory_space<hbm>> -> memref<10000x128xbf16, #tpu.memory_space<hbm>>
      tpu.wait_indirect_dma semaphore(%arg17 : memref<!tpu.dma_semaphore, #tpu.memory_space<semaphore_mem>>) src(%dma_wait3A_377 : memref<10000x128xbf16, #tpu.memory_space<hbm>>) dst(%arg12 : memref<128x128xbf16, #tpu.memory_space<vmem>>)
      %add3A_378 = arith.constant 4 : i32
      %add3A_379 = arith.addi %add3A_371, %add3A_378 : i32
      %sub3A_380 = arith.constant 1 : i32
      %sub3A_381 = arith.subi %add3A_379, %sub3A_380 : i32
      %dma_start3A_382 = arith.constant 0 : i32
      %dma_start3A_383 = tpu.memref_slice %arg7[%sub3A_381, %dma_start3A_382] : memref<32x128xi32, #tpu.memory_space<vmem>> -> memref<1x128xi32, #tpu.memory_space<vmem>>
      %dma_start3A_384 = tpu.memref_squeeze %dma_start3A_383 : memref<1x128xi32, #tpu.memory_space<vmem>> -> memref<128xi32, #tpu.memory_space<vmem>>
      %dma_start3A_385 = arith.constant 0 : i32
      %dma_start3A_386 = arith.constant 0 : i32
      %dma_start3A_387 = tpu.memref_slice %arg2[%dma_start3A_385, %dma_start3A_386] : memref<10000x128xbf16, #tpu.memory_space<hbm>> -> memref<10000x128xbf16, #tpu.memory_space<hbm>>
      tpu.enqueue_indirect_dma source(%dma_start3A_387 : memref<10000x128xbf16, #tpu.memory_space<hbm>>) target(%arg11 : memref<128x128xbf16, #tpu.memory_space<vmem>>) offsets(%dma_start3A_384 : memref<128xi32, #tpu.memory_space<vmem>>) semaphore(%arg16 : memref<!tpu.dma_semaphore, #tpu.memory_space<semaphore_mem>>)
      "tpu.region"() ({
        %run_scoped3A_389 = tpu.sem_alloc : memref<!tpu.dma_semaphore, #tpu.memory_space<semaphore_mem>>
        %dma_start3A_390 = arith.constant 0 : i32
        %dma_start3A_391 = tpu.memref_slice %arg8[%add3A_371, %dma_start3A_390] : memref<32x128xi32, #tpu.memory_space<vmem>> -> memref<1x128xi32, #tpu.memory_space<vmem>>
        %dma_start3A_392 = tpu.memref_squeeze %dma_start3A_391 : memref<1x128xi32, #tpu.memory_space<vmem>> -> memref<128xi32, #tpu.memory_space<vmem>>
        %dma_start3A_393 = arith.constant 0 : i32
        %dma_start3A_394 = arith.constant 0 : i32
        %dma_start3A_395 = tpu.memref_slice %arg13[%dma_start3A_393, %dma_start3A_394] : memref<10112x128xbf16, #tpu.memory_space<vmem_shared>> -> memref<10112x128xbf16, #tpu.memory_space<vmem_shared>>
        tpu.enqueue_indirect_dma source(%arg12 : memref<128x128xbf16, #tpu.memory_space<vmem>>) target(%dma_start3A_395 : memref<10112x128xbf16, #tpu.memory_space<vmem_shared>>) offsets(%dma_start3A_392 : memref<128xi32, #tpu.memory_space<vmem>>) semaphore(%run_scoped3A_389 : memref<!tpu.dma_semaphore, #tpu.memory_space<semaphore_mem>>) {add = true}
        %dma_wait3A_396 = arith.constant 0 : i32
        %dma_wait3A_397 = tpu.memref_slice %arg8[%add3A_371, %dma_wait3A_396] : memref<32x128xi32, #tpu.memory_space<vmem>> -> memref<1x128xi32, #tpu.memory_space<vmem>>
        %dma_wait3A_398 = tpu.memref_squeeze %dma_wait3A_397 : memref<1x128xi32, #tpu.memory_space<vmem>> -> memref<128xi32, #tpu.memory_space<vmem>>
        %dma_wait3A_399 = arith.constant 0 : i32
        %dma_wait3A_400 = arith.constant 0 : i32
        %dma_wait3A_401 = tpu.memref_slice %arg13[%dma_wait3A_399, %dma_wait3A_400] : memref<10112x128xbf16, #tpu.memory_space<vmem_shared>> -> memref<10112x128xbf16, #tpu.memory_space<vmem_shared>>
        tpu.wait_indirect_dma semaphore(%run_scoped3A_389 : memref<!tpu.dma_semaphore, #tpu.memory_space<semaphore_mem>>) src(%arg12 : memref<128x128xbf16, #tpu.memory_space<vmem>>) dst(%dma_wait3A_401 : memref<10112x128xbf16, #tpu.memory_space<vmem_shared>>)
        tpu.yield
      }) : () -> ()
      "tpu.region"() ({
        %run_scoped3A_389 = tpu.sem_alloc : memref<!tpu.dma_semaphore, #tpu.memory_space<semaphore_mem>>
        %dma_start3A_390 = arith.constant 0 : i32
        %dma_start3A_391 = tpu.memref_slice %arg8[%add3A_371, %dma_start3A_390] : memref<32x128xi32, #tpu.memory_space<vmem>> -> memref<1x128xi32, #tpu.memory_space<vmem>>
        %dma_start3A_392 = tpu.memref_squeeze %dma_start3A_391 : memref<1x128xi32, #tpu.memory_space<vmem>> -> memref<128xi32, #tpu.memory_space<vmem>>
        %dma_start3A_393 = arith.constant 0 : i32
        %dma_start3A_394 = arith.constant 0 : i32
        %dma_start3A_395 = tpu.memref_slice %arg20[%dma_start3A_393, %dma_start3A_394] : memref<10112x16xf32, #tpu.memory_space<vmem_shared>> -> memref<10112x16xf32, #tpu.memory_space<vmem_shared>>
        tpu.enqueue_indirect_dma source(%arg18 : memref<128x16xf32, #tpu.memory_space<vmem>>) target(%dma_start3A_395 : memref<10112x16xf32, #tpu.memory_space<vmem_shared>>) offsets(%dma_start3A_392 : memref<128xi32, #tpu.memory_space<vmem>>) semaphore(%run_scoped3A_389 : memref<!tpu.dma_semaphore, #tpu.memory_space<semaphore_mem>>) {add = true}
        %dma_wait3A_396 = arith.constant 0 : i32
        %dma_wait3A_397 = tpu.memref_slice %arg8[%add3A_371, %dma_wait3A_396] : memref<32x128xi32, #tpu.memory_space<vmem>> -> memref<1x128xi32, #tpu.memory_space<vmem>>
        %dma_wait3A_398 = tpu.memref_squeeze %dma_wait3A_397 : memref<1x128xi32, #tpu.memory_space<vmem>> -> memref<128xi32, #tpu.memory_space<vmem>>
        %dma_wait3A_399 = arith.constant 0 : i32
        %dma_wait3A_400 = arith.constant 0 : i32
        %dma_wait3A_401 = tpu.memref_slice %arg20[%dma_wait3A_399, %dma_wait3A_400] : memref<10112x16xf32, #tpu.memory_space<vmem_shared>> -> memref<10112x16xf32, #tpu.memory_space<vmem_shared>>
        tpu.wait_indirect_dma semaphore(%run_scoped3A_389 : memref<!tpu.dma_semaphore, #tpu.memory_space<semaphore_mem>>) src(%arg18 : memref<128x16xf32, #tpu.memory_space<vmem>>) dst(%dma_wait3A_401 : memref<10112x16xf32, #tpu.memory_space<vmem_shared>>)
        tpu.yield
      }) : () -> ()
      %scan3A_388 = arith.constant 0 : i32
      scf.yield %scan3A_388 : i32
    }
    %scan3A_143 = arith.constant 7 : i32
    %dma_wait3A_144 = arith.constant 28 : i32
    %dma_wait3A_145 = arith.constant 0 : i32
    %dma_wait3A_146 = tpu.memref_slice %arg7[%dma_wait3A_144, %dma_wait3A_145] : memref<32x128xi32, #tpu.memory_space<vmem>> -> memref<1x128xi32, #tpu.memory_space<vmem>>
    %dma_wait3A_147 = tpu.memref_squeeze %dma_wait3A_146 : memref<1x128xi32, #tpu.memory_space<vmem>> -> memref<128xi32, #tpu.memory_space<vmem>>
    %dma_wait3A_148 = arith.constant 0 : i32
    %dma_wait3A_149 = arith.constant 0 : i32
    %dma_wait3A_150 = tpu.memref_slice %arg2[%dma_wait3A_148, %dma_wait3A_149] : memref<10000x128xbf16, #tpu.memory_space<hbm>> -> memref<10000x128xbf16, #tpu.memory_space<hbm>>
    tpu.wait_indirect_dma semaphore(%arg14 : memref<!tpu.dma_semaphore, #tpu.memory_space<semaphore_mem>>) src(%dma_wait3A_150 : memref<10000x128xbf16, #tpu.memory_space<hbm>>) dst(%arg9 : memref<128x128xbf16, #tpu.memory_space<vmem>>)
    %dma_start3A_151 = arith.constant 31 : i32
    %dma_start3A_152 = arith.constant 0 : i32
    %dma_start3A_153 = tpu.memref_slice %arg7[%dma_start3A_151, %dma_start3A_152] : memref<32x128xi32, #tpu.memory_space<vmem>> -> memref<1x128xi32, #tpu.memory_space<vmem>>
    %dma_start3A_154 = tpu.memref_squeeze %dma_start3A_153 : memref<1x128xi32, #tpu.memory_space<vmem>> -> memref<128xi32, #tpu.memory_space<vmem>>
    %dma_start3A_155 = arith.constant 0 : i32
    %dma_start3A_156 = arith.constant 0 : i32
    %dma_start3A_157 = tpu.memref_slice %arg2[%dma_start3A_155, %dma_start3A_156] : memref<10000x128xbf16, #tpu.memory_space<hbm>> -> memref<10000x128xbf16, #tpu.memory_space<hbm>>
    tpu.enqueue_indirect_dma source(%dma_start3A_157 : memref<10000x128xbf16, #tpu.memory_space<hbm>>) target(%arg12 : memref<128x128xbf16, #tpu.memory_space<vmem>>) offsets(%dma_start3A_154 : memref<128xi32, #tpu.memory_space<vmem>>) semaphore(%arg17 : memref<!tpu.dma_semaphore, #tpu.memory_space<semaphore_mem>>)
    %run_scoped3A_158 = arith.constant 28 : i32
    "tpu.region"() ({
      %run_scoped3A_307 = tpu.sem_alloc : memref<!tpu.dma_semaphore, #tpu.memory_space<semaphore_mem>>
      %dma_start3A_308 = arith.constant 0 : i32
      %dma_start3A_309 = tpu.memref_slice %arg8[%run_scoped3A_158, %dma_start3A_308] : memref<32x128xi32, #tpu.memory_space<vmem>> -> memref<1x128xi32, #tpu.memory_space<vmem>>
      %dma_start3A_310 = tpu.memref_squeeze %dma_start3A_309 : memref<1x128xi32, #tpu.memory_space<vmem>> -> memref<128xi32, #tpu.memory_space<vmem>>
      %dma_start3A_311 = arith.constant 0 : i32
      %dma_start3A_312 = arith.constant 0 : i32
      %dma_start3A_313 = tpu.memref_slice %arg13[%dma_start3A_311, %dma_start3A_312] : memref<10112x128xbf16, #tpu.memory_space<vmem_shared>> -> memref<10112x128xbf16, #tpu.memory_space<vmem_shared>>
      tpu.enqueue_indirect_dma source(%arg9 : memref<128x128xbf16, #tpu.memory_space<vmem>>) target(%dma_start3A_313 : memref<10112x128xbf16, #tpu.memory_space<vmem_shared>>) offsets(%dma_start3A_310 : memref<128xi32, #tpu.memory_space<vmem>>) semaphore(%run_scoped3A_307 : memref<!tpu.dma_semaphore, #tpu.memory_space<semaphore_mem>>) {add = true}
      %dma_wait3A_314 = arith.constant 0 : i32
      %dma_wait3A_315 = tpu.memref_slice %arg8[%run_scoped3A_158, %dma_wait3A_314] : memref<32x128xi32, #tpu.memory_space<vmem>> -> memref<1x128xi32, #tpu.memory_space<vmem>>
      %dma_wait3A_316 = tpu.memref_squeeze %dma_wait3A_315 : memref<1x128xi32, #tpu.memory_space<vmem>> -> memref<128xi32, #tpu.memory_space<vmem>>
      %dma_wait3A_317 = arith.constant 0 : i32
      %dma_wait3A_318 = arith.constant 0 : i32
      %dma_wait3A_319 = tpu.memref_slice %arg13[%dma_wait3A_317, %dma_wait3A_318] : memref<10112x128xbf16, #tpu.memory_space<vmem_shared>> -> memref<10112x128xbf16, #tpu.memory_space<vmem_shared>>
      tpu.wait_indirect_dma semaphore(%run_scoped3A_307 : memref<!tpu.dma_semaphore, #tpu.memory_space<semaphore_mem>>) src(%arg9 : memref<128x128xbf16, #tpu.memory_space<vmem>>) dst(%dma_wait3A_319 : memref<10112x128xbf16, #tpu.memory_space<vmem_shared>>)
      tpu.yield
    }) : () -> ()
    %run_scoped3A_159 = arith.constant 28 : i32
    "tpu.region"() ({
      %run_scoped3A_307 = tpu.sem_alloc : memref<!tpu.dma_semaphore, #tpu.memory_space<semaphore_mem>>
      %dma_start3A_308 = arith.constant 0 : i32
      %dma_start3A_309 = tpu.memref_slice %arg8[%run_scoped3A_159, %dma_start3A_308] : memref<32x128xi32, #tpu.memory_space<vmem>> -> memref<1x128xi32, #tpu.memory_space<vmem>>
      %dma_start3A_310 = tpu.memref_squeeze %dma_start3A_309 : memref<1x128xi32, #tpu.memory_space<vmem>> -> memref<128xi32, #tpu.memory_space<vmem>>
      %dma_start3A_311 = arith.constant 0 : i32
      %dma_start3A_312 = arith.constant 0 : i32
      %dma_start3A_313 = tpu.memref_slice %arg20[%dma_start3A_311, %dma_start3A_312] : memref<10112x16xf32, #tpu.memory_space<vmem_shared>> -> memref<10112x16xf32, #tpu.memory_space<vmem_shared>>
      tpu.enqueue_indirect_dma source(%arg18 : memref<128x16xf32, #tpu.memory_space<vmem>>) target(%dma_start3A_313 : memref<10112x16xf32, #tpu.memory_space<vmem_shared>>) offsets(%dma_start3A_310 : memref<128xi32, #tpu.memory_space<vmem>>) semaphore(%run_scoped3A_307 : memref<!tpu.dma_semaphore, #tpu.memory_space<semaphore_mem>>) {add = true}
      %dma_wait3A_314 = arith.constant 0 : i32
      %dma_wait3A_315 = tpu.memref_slice %arg8[%run_scoped3A_159, %dma_wait3A_314] : memref<32x128xi32, #tpu.memory_space<vmem>> -> memref<1x128xi32, #tpu.memory_space<vmem>>
      %dma_wait3A_316 = tpu.memref_squeeze %dma_wait3A_315 : memref<1x128xi32, #tpu.memory_space<vmem>> -> memref<128xi32, #tpu.memory_space<vmem>>
      %dma_wait3A_317 = arith.constant 0 : i32
      %dma_wait3A_318 = arith.constant 0 : i32
      %dma_wait3A_319 = tpu.memref_slice %arg20[%dma_wait3A_317, %dma_wait3A_318] : memref<10112x16xf32, #tpu.memory_space<vmem_shared>> -> memref<10112x16xf32, #tpu.memory_space<vmem_shared>>
      tpu.wait_indirect_dma semaphore(%run_scoped3A_307 : memref<!tpu.dma_semaphore, #tpu.memory_space<semaphore_mem>>) src(%arg18 : memref<128x16xf32, #tpu.memory_space<vmem>>) dst(%dma_wait3A_319 : memref<10112x16xf32, #tpu.memory_space<vmem_shared>>)
      tpu.yield
    }) : () -> ()
    %dma_wait3A_160 = arith.constant 29 : i32
    %dma_wait3A_161 = arith.constant 0 : i32
    %dma_wait3A_162 = tpu.memref_slice %arg7[%dma_wait3A_160, %dma_wait3A_161] : memref<32x128xi32, #tpu.memory_space<vmem>> -> memref<1x128xi32, #tpu.memory_space<vmem>>
    %dma_wait3A_163 = tpu.memref_squeeze %dma_wait3A_162 : memref<1x128xi32, #tpu.memory_space<vmem>> -> memref<128xi32, #tpu.memory_space<vmem>>
    %dma_wait3A_164 = arith.constant 0 : i32
    %dma_wait3A_165 = arith.constant 0 : i32
    %dma_wait3A_166 = tpu.memref_slice %arg2[%dma_wait3A_164, %dma_wait3A_165] : memref<10000x128xbf16, #tpu.memory_space<hbm>> -> memref<10000x128xbf16, #tpu.memory_space<hbm>>
    tpu.wait_indirect_dma semaphore(%arg15 : memref<!tpu.dma_semaphore, #tpu.memory_space<semaphore_mem>>) src(%dma_wait3A_166 : memref<10000x128xbf16, #tpu.memory_space<hbm>>) dst(%arg10 : memref<128x128xbf16, #tpu.memory_space<vmem>>)
    %run_scoped3A_167 = arith.constant 29 : i32
    "tpu.region"() ({
      %run_scoped3A_307 = tpu.sem_alloc : memref<!tpu.dma_semaphore, #tpu.memory_space<semaphore_mem>>
      %dma_start3A_308 = arith.constant 0 : i32
      %dma_start3A_309 = tpu.memref_slice %arg8[%run_scoped3A_167, %dma_start3A_308] : memref<32x128xi32, #tpu.memory_space<vmem>> -> memref<1x128xi32, #tpu.memory_space<vmem>>
      %dma_start3A_310 = tpu.memref_squeeze %dma_start3A_309 : memref<1x128xi32, #tpu.memory_space<vmem>> -> memref<128xi32, #tpu.memory_space<vmem>>
      %dma_start3A_311 = arith.constant 0 : i32
      %dma_start3A_312 = arith.constant 0 : i32
      %dma_start3A_313 = tpu.memref_slice %arg13[%dma_start3A_311, %dma_start3A_312] : memref<10112x128xbf16, #tpu.memory_space<vmem_shared>> -> memref<10112x128xbf16, #tpu.memory_space<vmem_shared>>
      tpu.enqueue_indirect_dma source(%arg10 : memref<128x128xbf16, #tpu.memory_space<vmem>>) target(%dma_start3A_313 : memref<10112x128xbf16, #tpu.memory_space<vmem_shared>>) offsets(%dma_start3A_310 : memref<128xi32, #tpu.memory_space<vmem>>) semaphore(%run_scoped3A_307 : memref<!tpu.dma_semaphore, #tpu.memory_space<semaphore_mem>>) {add = true}
      %dma_wait3A_314 = arith.constant 0 : i32
      %dma_wait3A_315 = tpu.memref_slice %arg8[%run_scoped3A_167, %dma_wait3A_314] : memref<32x128xi32, #tpu.memory_space<vmem>> -> memref<1x128xi32, #tpu.memory_space<vmem>>
      %dma_wait3A_316 = tpu.memref_squeeze %dma_wait3A_315 : memref<1x128xi32, #tpu.memory_space<vmem>> -> memref<128xi32, #tpu.memory_space<vmem>>
      %dma_wait3A_317 = arith.constant 0 : i32
      %dma_wait3A_318 = arith.constant 0 : i32
      %dma_wait3A_319 = tpu.memref_slice %arg13[%dma_wait3A_317, %dma_wait3A_318] : memref<10112x128xbf16, #tpu.memory_space<vmem_shared>> -> memref<10112x128xbf16, #tpu.memory_space<vmem_shared>>
      tpu.wait_indirect_dma semaphore(%run_scoped3A_307 : memref<!tpu.dma_semaphore, #tpu.memory_space<semaphore_mem>>) src(%arg10 : memref<128x128xbf16, #tpu.memory_space<vmem>>) dst(%dma_wait3A_319 : memref<10112x128xbf16, #tpu.memory_space<vmem_shared>>)
      tpu.yield
    }) : () -> ()
    %run_scoped3A_168 = arith.constant 29 : i32
    "tpu.region"() ({
      %run_scoped3A_307 = tpu.sem_alloc : memref<!tpu.dma_semaphore, #tpu.memory_space<semaphore_mem>>
      %dma_start3A_308 = arith.constant 0 : i32
      %dma_start3A_309 = tpu.memref_slice %arg8[%run_scoped3A_168, %dma_start3A_308] : memref<32x128xi32, #tpu.memory_space<vmem>> -> memref<1x128xi32, #tpu.memory_space<vmem>>
      %dma_start3A_310 = tpu.memref_squeeze %dma_start3A_309 : memref<1x128xi32, #tpu.memory_space<vmem>> -> memref<128xi32, #tpu.memory_space<vmem>>
      %dma_start3A_311 = arith.constant 0 : i32
      %dma_start3A_312 = arith.constant 0 : i32
      %dma_start3A_313 = tpu.memref_slice %arg20[%dma_start3A_311, %dma_start3A_312] : memref<10112x16xf32, #tpu.memory_space<vmem_shared>> -> memref<10112x16xf32, #tpu.memory_space<vmem_shared>>
      tpu.enqueue_indirect_dma source(%arg18 : memref<128x16xf32, #tpu.memory_space<vmem>>) target(%dma_start3A_313 : memref<10112x16xf32, #tpu.memory_space<vmem_shared>>) offsets(%dma_start3A_310 : memref<128xi32, #tpu.memory_space<vmem>>) semaphore(%run_scoped3A_307 : memref<!tpu.dma_semaphore, #tpu.memory_space<semaphore_mem>>) {add = true}
      %dma_wait3A_314 = arith.constant 0 : i32
      %dma_wait3A_315 = tpu.memref_slice %arg8[%run_scoped3A_168, %dma_wait3A_314] : memref<32x128xi32, #tpu.memory_space<vmem>> -> memref<1x128xi32, #tpu.memory_space<vmem>>
      %dma_wait3A_316 = tpu.memref_squeeze %dma_wait3A_315 : memref<1x128xi32, #tpu.memory_space<vmem>> -> memref<128xi32, #tpu.memory_space<vmem>>
      %dma_wait3A_317 = arith.constant 0 : i32
      %dma_wait3A_318 = arith.constant 0 : i32
      %dma_wait3A_319 = tpu.memref_slice %arg20[%dma_wait3A_317, %dma_wait3A_318] : memref<10112x16xf32, #tpu.memory_space<vmem_shared>> -> memref<10112x16xf32, #tpu.memory_space<vmem_shared>>
      tpu.wait_indirect_dma semaphore(%run_scoped3A_307 : memref<!tpu.dma_semaphore, #tpu.memory_space<semaphore_mem>>) src(%arg18 : memref<128x16xf32, #tpu.memory_space<vmem>>) dst(%dma_wait3A_319 : memref<10112x16xf32, #tpu.memory_space<vmem_shared>>)
      tpu.yield
    }) : () -> ()
    %dma_wait3A_169 = arith.constant 30 : i32
    %dma_wait3A_170 = arith.constant 0 : i32
    %dma_wait3A_171 = tpu.memref_slice %arg7[%dma_wait3A_169, %dma_wait3A_170] : memref<32x128xi32, #tpu.memory_space<vmem>> -> memref<1x128xi32, #tpu.memory_space<vmem>>
    %dma_wait3A_172 = tpu.memref_squeeze %dma_wait3A_171 : memref<1x128xi32, #tpu.memory_space<vmem>> -> memref<128xi32, #tpu.memory_space<vmem>>
    %dma_wait3A_173 = arith.constant 0 : i32
    %dma_wait3A_174 = arith.constant 0 : i32
    %dma_wait3A_175 = tpu.memref_slice %arg2[%dma_wait3A_173, %dma_wait3A_174] : memref<10000x128xbf16, #tpu.memory_space<hbm>> -> memref<10000x128xbf16, #tpu.memory_space<hbm>>
    tpu.wait_indirect_dma semaphore(%arg16 : memref<!tpu.dma_semaphore, #tpu.memory_space<semaphore_mem>>) src(%dma_wait3A_175 : memref<10000x128xbf16, #tpu.memory_space<hbm>>) dst(%arg11 : memref<128x128xbf16, #tpu.memory_space<vmem>>)
    %run_scoped3A_176 = arith.constant 30 : i32
    "tpu.region"() ({
      %run_scoped3A_307 = tpu.sem_alloc : memref<!tpu.dma_semaphore, #tpu.memory_space<semaphore_mem>>
      %dma_start3A_308 = arith.constant 0 : i32
      %dma_start3A_309 = tpu.memref_slice %arg8[%run_scoped3A_176, %dma_start3A_308] : memref<32x128xi32, #tpu.memory_space<vmem>> -> memref<1x128xi32, #tpu.memory_space<vmem>>
      %dma_start3A_310 = tpu.memref_squeeze %dma_start3A_309 : memref<1x128xi32, #tpu.memory_space<vmem>> -> memref<128xi32, #tpu.memory_space<vmem>>
      %dma_start3A_311 = arith.constant 0 : i32
      %dma_start3A_312 = arith.constant 0 : i32
      %dma_start3A_313 = tpu.memref_slice %arg13[%dma_start3A_311, %dma_start3A_312] : memref<10112x128xbf16, #tpu.memory_space<vmem_shared>> -> memref<10112x128xbf16, #tpu.memory_space<vmem_shared>>
      tpu.enqueue_indirect_dma source(%arg11 : memref<128x128xbf16, #tpu.memory_space<vmem>>) target(%dma_start3A_313 : memref<10112x128xbf16, #tpu.memory_space<vmem_shared>>) offsets(%dma_start3A_310 : memref<128xi32, #tpu.memory_space<vmem>>) semaphore(%run_scoped3A_307 : memref<!tpu.dma_semaphore, #tpu.memory_space<semaphore_mem>>) {add = true}
      %dma_wait3A_314 = arith.constant 0 : i32
      %dma_wait3A_315 = tpu.memref_slice %arg8[%run_scoped3A_176, %dma_wait3A_314] : memref<32x128xi32, #tpu.memory_space<vmem>> -> memref<1x128xi32, #tpu.memory_space<vmem>>
      %dma_wait3A_316 = tpu.memref_squeeze %dma_wait3A_315 : memref<1x128xi32, #tpu.memory_space<vmem>> -> memref<128xi32, #tpu.memory_space<vmem>>
      %dma_wait3A_317 = arith.constant 0 : i32
      %dma_wait3A_318 = arith.constant 0 : i32
      %dma_wait3A_319 = tpu.memref_slice %arg13[%dma_wait3A_317, %dma_wait3A_318] : memref<10112x128xbf16, #tpu.memory_space<vmem_shared>> -> memref<10112x128xbf16, #tpu.memory_space<vmem_shared>>
      tpu.wait_indirect_dma semaphore(%run_scoped3A_307 : memref<!tpu.dma_semaphore, #tpu.memory_space<semaphore_mem>>) src(%arg11 : memref<128x128xbf16, #tpu.memory_space<vmem>>) dst(%dma_wait3A_319 : memref<10112x128xbf16, #tpu.memory_space<vmem_shared>>)
      tpu.yield
    }) : () -> ()
    %run_scoped3A_177 = arith.constant 30 : i32
    "tpu.region"() ({
      %run_scoped3A_307 = tpu.sem_alloc : memref<!tpu.dma_semaphore, #tpu.memory_space<semaphore_mem>>
      %dma_start3A_308 = arith.constant 0 : i32
      %dma_start3A_309 = tpu.memref_slice %arg8[%run_scoped3A_177, %dma_start3A_308] : memref<32x128xi32, #tpu.memory_space<vmem>> -> memref<1x128xi32, #tpu.memory_space<vmem>>
      %dma_start3A_310 = tpu.memref_squeeze %dma_start3A_309 : memref<1x128xi32, #tpu.memory_space<vmem>> -> memref<128xi32, #tpu.memory_space<vmem>>
      %dma_start3A_311 = arith.constant 0 : i32
      %dma_start3A_312 = arith.constant 0 : i32
      %dma_start3A_313 = tpu.memref_slice %arg20[%dma_start3A_311, %dma_start3A_312] : memref<10112x16xf32, #tpu.memory_space<vmem_shared>> -> memref<10112x16xf32, #tpu.memory_space<vmem_shared>>
      tpu.enqueue_indirect_dma source(%arg18 : memref<128x16xf32, #tpu.memory_space<vmem>>) target(%dma_start3A_313 : memref<10112x16xf32, #tpu.memory_space<vmem_shared>>) offsets(%dma_start3A_310 : memref<128xi32, #tpu.memory_space<vmem>>) semaphore(%run_scoped3A_307 : memref<!tpu.dma_semaphore, #tpu.memory_space<semaphore_mem>>) {add = true}
      %dma_wait3A_314 = arith.constant 0 : i32
      %dma_wait3A_315 = tpu.memref_slice %arg8[%run_scoped3A_177, %dma_wait3A_314] : memref<32x128xi32, #tpu.memory_space<vmem>> -> memref<1x128xi32, #tpu.memory_space<vmem>>
      %dma_wait3A_316 = tpu.memref_squeeze %dma_wait3A_315 : memref<1x128xi32, #tpu.memory_space<vmem>> -> memref<128xi32, #tpu.memory_space<vmem>>
      %dma_wait3A_317 = arith.constant 0 : i32
      %dma_wait3A_318 = arith.constant 0 : i32
      %dma_wait3A_319 = tpu.memref_slice %arg20[%dma_wait3A_317, %dma_wait3A_318] : memref<10112x16xf32, #tpu.memory_space<vmem_shared>> -> memref<10112x16xf32, #tpu.memory_space<vmem_shared>>
      tpu.wait_indirect_dma semaphore(%run_scoped3A_307 : memref<!tpu.dma_semaphore, #tpu.memory_space<semaphore_mem>>) src(%arg18 : memref<128x16xf32, #tpu.memory_space<vmem>>) dst(%dma_wait3A_319 : memref<10112x16xf32, #tpu.memory_space<vmem_shared>>)
      tpu.yield
    }) : () -> ()
    %dma_wait3A_178 = arith.constant 31 : i32
    %dma_wait3A_179 = arith.constant 0 : i32
    %dma_wait3A_180 = tpu.memref_slice %arg7[%dma_wait3A_178, %dma_wait3A_179] : memref<32x128xi32, #tpu.memory_space<vmem>> -> memref<1x128xi32, #tpu.memory_space<vmem>>
    %dma_wait3A_181 = tpu.memref_squeeze %dma_wait3A_180 : memref<1x128xi32, #tpu.memory_space<vmem>> -> memref<128xi32, #tpu.memory_space<vmem>>
    %dma_wait3A_182 = arith.constant 0 : i32
    %dma_wait3A_183 = arith.constant 0 : i32
    %dma_wait3A_184 = tpu.memref_slice %arg2[%dma_wait3A_182, %dma_wait3A_183] : memref<10000x128xbf16, #tpu.memory_space<hbm>> -> memref<10000x128xbf16, #tpu.memory_space<hbm>>
    tpu.wait_indirect_dma semaphore(%arg17 : memref<!tpu.dma_semaphore, #tpu.memory_space<semaphore_mem>>) src(%dma_wait3A_184 : memref<10000x128xbf16, #tpu.memory_space<hbm>>) dst(%arg12 : memref<128x128xbf16, #tpu.memory_space<vmem>>)
    %run_scoped3A_185 = arith.constant 31 : i32
    "tpu.region"() ({
      %run_scoped3A_307 = tpu.sem_alloc : memref<!tpu.dma_semaphore, #tpu.memory_space<semaphore_mem>>
      %dma_start3A_308 = arith.constant 0 : i32
      %dma_start3A_309 = tpu.memref_slice %arg8[%run_scoped3A_185, %dma_start3A_308] : memref<32x128xi32, #tpu.memory_space<vmem>> -> memref<1x128xi32, #tpu.memory_space<vmem>>
      %dma_start3A_310 = tpu.memref_squeeze %dma_start3A_309 : memref<1x128xi32, #tpu.memory_space<vmem>> -> memref<128xi32, #tpu.memory_space<vmem>>
      %dma_start3A_311 = arith.constant 0 : i32
      %dma_start3A_312 = arith.constant 0 : i32
      %dma_start3A_313 = tpu.memref_slice %arg13[%dma_start3A_311, %dma_start3A_312] : memref<10112x128xbf16, #tpu.memory_space<vmem_shared>> -> memref<10112x128xbf16, #tpu.memory_space<vmem_shared>>
      tpu.enqueue_indirect_dma source(%arg12 : memref<128x128xbf16, #tpu.memory_space<vmem>>) target(%dma_start3A_313 : memref<10112x128xbf16, #tpu.memory_space<vmem_shared>>) offsets(%dma_start3A_310 : memref<128xi32, #tpu.memory_space<vmem>>) semaphore(%run_scoped3A_307 : memref<!tpu.dma_semaphore, #tpu.memory_space<semaphore_mem>>) {add = true}
      %dma_wait3A_314 = arith.constant 0 : i32
      %dma_wait3A_315 = tpu.memref_slice %arg8[%run_scoped3A_185, %dma_wait3A_314] : memref<32x128xi32, #tpu.memory_space<vmem>> -> memref<1x128xi32, #tpu.memory_space<vmem>>
      %dma_wait3A_316 = tpu.memref_squeeze %dma_wait3A_315 : memref<1x128xi32, #tpu.memory_space<vmem>> -> memref<128xi32, #tpu.memory_space<vmem>>
      %dma_wait3A_317 = arith.constant 0 : i32
      %dma_wait3A_318 = arith.constant 0 : i32
      %dma_wait3A_319 = tpu.memref_slice %arg13[%dma_wait3A_317, %dma_wait3A_318] : memref<10112x128xbf16, #tpu.memory_space<vmem_shared>> -> memref<10112x128xbf16, #tpu.memory_space<vmem_shared>>
      tpu.wait_indirect_dma semaphore(%run_scoped3A_307 : memref<!tpu.dma_semaphore, #tpu.memory_space<semaphore_mem>>) src(%arg12 : memref<128x128xbf16, #tpu.memory_space<vmem>>) dst(%dma_wait3A_319 : memref<10112x128xbf16, #tpu.memory_space<vmem_shared>>)
      tpu.yield
    }) : () -> ()
    %run_scoped3A_186 = arith.constant 31 : i32
    "tpu.region"() ({
      %run_scoped3A_307 = tpu.sem_alloc : memref<!tpu.dma_semaphore, #tpu.memory_space<semaphore_mem>>
      %dma_start3A_308 = arith.constant 0 : i32
      %dma_start3A_309 = tpu.memref_slice %arg8[%run_scoped3A_186, %dma_start3A_308] : memref<32x128xi32, #tpu.memory_space<vmem>> -> memref<1x128xi32, #tpu.memory_space<vmem>>
      %dma_start3A_310 = tpu.memref_squeeze %dma_start3A_309 : memref<1x128xi32, #tpu.memory_space<vmem>> -> memref<128xi32, #tpu.memory_space<vmem>>
      %dma_start3A_311 = arith.constant 0 : i32
      %dma_start3A_312 = arith.constant 0 : i32
      %dma_start3A_313 = tpu.memref_slice %arg20[%dma_start3A_311, %dma_start3A_312] : memref<10112x16xf32, #tpu.memory_space<vmem_shared>> -> memref<10112x16xf32, #tpu.memory_space<vmem_shared>>
      tpu.enqueue_indirect_dma source(%arg18 : memref<128x16xf32, #tpu.memory_space<vmem>>) target(%dma_start3A_313 : memref<10112x16xf32, #tpu.memory_space<vmem_shared>>) offsets(%dma_start3A_310 : memref<128xi32, #tpu.memory_space<vmem>>) semaphore(%run_scoped3A_307 : memref<!tpu.dma_semaphore, #tpu.memory_space<semaphore_mem>>) {add = true}
      %dma_wait3A_314 = arith.constant 0 : i32
      %dma_wait3A_315 = tpu.memref_slice %arg8[%run_scoped3A_186, %dma_wait3A_314] : memref<32x128xi32, #tpu.memory_space<vmem>> -> memref<1x128xi32, #tpu.memory_space<vmem>>
      %dma_wait3A_316 = tpu.memref_squeeze %dma_wait3A_315 : memref<1x128xi32, #tpu.memory_space<vmem>> -> memref<128xi32, #tpu.memory_space<vmem>>
      %dma_wait3A_317 = arith.constant 0 : i32
      %dma_wait3A_318 = arith.constant 0 : i32
      %dma_wait3A_319 = tpu.memref_slice %arg20[%dma_wait3A_317, %dma_wait3A_318] : memref<10112x16xf32, #tpu.memory_space<vmem_shared>> -> memref<10112x16xf32, #tpu.memory_space<vmem_shared>>
      tpu.wait_indirect_dma semaphore(%run_scoped3A_307 : memref<!tpu.dma_semaphore, #tpu.memory_space<semaphore_mem>>) src(%arg18 : memref<128x16xf32, #tpu.memory_space<vmem>>) dst(%dma_wait3A_319 : memref<10112x16xf32, #tpu.memory_space<vmem_shared>>)
      tpu.yield
    }) : () -> ()
    "tpu.region"() ({
      %run_scoped3A_307 = tpu.sem_alloc : memref<!tpu.dma_semaphore, #tpu.memory_space<semaphore_mem>>
      %dma_start3A_308 = arith.constant 0 : i32
      %dma_start3A_309 = arith.constant 0 : i32
      %dma_start3A_310 = tpu.memref_slice %arg7[%dma_start3A_308, %dma_start3A_309] : memref<32x128xi32, #tpu.memory_space<vmem>> -> memref<15x128xi32, #tpu.memory_space<vmem>>
      %dma_start3A_311 = arith.constant 64 : i32
      %dma_start3A_312 = arith.constant 0 : i32
      %dma_start3A_313 = tpu.memref_slice %arg3[%add3A, %dma_start3A_311, %dma_start3A_312] : memref<32x79x128xi32, #tpu.memory_space<hbm>> -> memref<1x15x128xi32, #tpu.memory_space<hbm>>
      %dma_start3A_314 = tpu.memref_squeeze %dma_start3A_313 : memref<1x15x128xi32, #tpu.memory_space<hbm>> -> memref<15x128xi32, #tpu.memory_space<hbm>>
      %dma_start3A_315 = arith.constant 0 : i32
      %dma_start3A_316 = arith.constant 0 : i32
      %dma_start3A_317 = tpu.memref_slice %arg7[%dma_start3A_315, %dma_start3A_316] : memref<32x128xi32, #tpu.memory_space<vmem>> -> memref<15x128xi32, #tpu.memory_space<vmem>>
      %dma_start3A_318 = arith.constant 64 : i32
      %dma_start3A_319 = arith.constant 0 : i32
      %dma_start3A_320 = tpu.memref_slice %arg3[%add3A, %dma_start3A_318, %dma_start3A_319] : memref<32x79x128xi32, #tpu.memory_space<hbm>> -> memref<1x15x128xi32, #tpu.memory_space<hbm>>
      %dma_start3A_321 = tpu.memref_squeeze %dma_start3A_320 : memref<1x15x128xi32, #tpu.memory_space<hbm>> -> memref<15x128xi32, #tpu.memory_space<hbm>>
      tpu.enqueue_dma source(%dma_start3A_321 : memref<15x128xi32, #tpu.memory_space<hbm>>) target(%dma_start3A_317 : memref<15x128xi32, #tpu.memory_space<vmem>>) target_semaphore(%run_scoped3A_307 : memref<!tpu.dma_semaphore, #tpu.memory_space<semaphore_mem>>)
      %dma_wait3A_322 = arith.constant 0 : i32
      %dma_wait3A_323 = arith.constant 0 : i32
      %dma_wait3A_324 = tpu.memref_slice %arg7[%dma_wait3A_322, %dma_wait3A_323] : memref<32x128xi32, #tpu.memory_space<vmem>> -> memref<15x128xi32, #tpu.memory_space<vmem>>
      %dma_wait3A_325 = arith.constant 64 : i32
      %dma_wait3A_326 = arith.constant 0 : i32
      %dma_wait3A_327 = tpu.memref_slice %arg3[%add3A, %dma_wait3A_325, %dma_wait3A_326] : memref<32x79x128xi32, #tpu.memory_space<hbm>> -> memref<1x15x128xi32, #tpu.memory_space<hbm>>
      %dma_wait3A_328 = tpu.memref_squeeze %dma_wait3A_327 : memref<1x15x128xi32, #tpu.memory_space<hbm>> -> memref<15x128xi32, #tpu.memory_space<hbm>>
      %dma_wait3A_329 = arith.constant 0 : i32
      %dma_wait3A_330 = arith.constant 0 : i32
      %dma_wait3A_331 = tpu.memref_slice %arg7[%dma_wait3A_329, %dma_wait3A_330] : memref<32x128xi32, #tpu.memory_space<vmem>> -> memref<15x128xi32, #tpu.memory_space<vmem>>
      %dma_wait3A_332 = arith.constant 64 : i32
      %dma_wait3A_333 = arith.constant 0 : i32
      %dma_wait3A_334 = tpu.memref_slice %arg3[%add3A, %dma_wait3A_332, %dma_wait3A_333] : memref<32x79x128xi32, #tpu.memory_space<hbm>> -> memref<1x15x128xi32, #tpu.memory_space<hbm>>
      %dma_wait3A_335 = tpu.memref_squeeze %dma_wait3A_334 : memref<1x15x128xi32, #tpu.memory_space<hbm>> -> memref<15x128xi32, #tpu.memory_space<hbm>>
      tpu.wait_dma2 semaphore(%run_scoped3A_307 : memref<!tpu.dma_semaphore, #tpu.memory_space<semaphore_mem>>) src(%dma_wait3A_335 : memref<15x128xi32, #tpu.memory_space<hbm>>) dst(%dma_wait3A_331 : memref<15x128xi32, #tpu.memory_space<vmem>>)
      tpu.yield
    }) : () -> ()
    "tpu.region"() ({
      %run_scoped3A_307 = tpu.sem_alloc : memref<!tpu.dma_semaphore, #tpu.memory_space<semaphore_mem>>
      %dma_start3A_308 = arith.constant 0 : i32
      %dma_start3A_309 = arith.constant 0 : i32
      %dma_start3A_310 = tpu.memref_slice %arg8[%dma_start3A_308, %dma_start3A_309] : memref<32x128xi32, #tpu.memory_space<vmem>> -> memref<15x128xi32, #tpu.memory_space<vmem>>
      %dma_start3A_311 = arith.constant 64 : i32
      %dma_start3A_312 = arith.constant 0 : i32
      %dma_start3A_313 = tpu.memref_slice %arg4[%add3A, %dma_start3A_311, %dma_start3A_312] : memref<32x79x128xi32, #tpu.memory_space<hbm>> -> memref<1x15x128xi32, #tpu.memory_space<hbm>>
      %dma_start3A_314 = tpu.memref_squeeze %dma_start3A_313 : memref<1x15x128xi32, #tpu.memory_space<hbm>> -> memref<15x128xi32, #tpu.memory_space<hbm>>
      %dma_start3A_315 = arith.constant 0 : i32
      %dma_start3A_316 = arith.constant 0 : i32
      %dma_start3A_317 = tpu.memref_slice %arg8[%dma_start3A_315, %dma_start3A_316] : memref<32x128xi32, #tpu.memory_space<vmem>> -> memref<15x128xi32, #tpu.memory_space<vmem>>
      %dma_start3A_318 = arith.constant 64 : i32
      %dma_start3A_319 = arith.constant 0 : i32
      %dma_start3A_320 = tpu.memref_slice %arg4[%add3A, %dma_start3A_318, %dma_start3A_319] : memref<32x79x128xi32, #tpu.memory_space<hbm>> -> memref<1x15x128xi32, #tpu.memory_space<hbm>>
      %dma_start3A_321 = tpu.memref_squeeze %dma_start3A_320 : memref<1x15x128xi32, #tpu.memory_space<hbm>> -> memref<15x128xi32, #tpu.memory_space<hbm>>
      tpu.enqueue_dma source(%dma_start3A_321 : memref<15x128xi32, #tpu.memory_space<hbm>>) target(%dma_start3A_317 : memref<15x128xi32, #tpu.memory_space<vmem>>) target_semaphore(%run_scoped3A_307 : memref<!tpu.dma_semaphore, #tpu.memory_space<semaphore_mem>>)
      %dma_wait3A_322 = arith.constant 0 : i32
      %dma_wait3A_323 = arith.constant 0 : i32
      %dma_wait3A_324 = tpu.memref_slice %arg8[%dma_wait3A_322, %dma_wait3A_323] : memref<32x128xi32, #tpu.memory_space<vmem>> -> memref<15x128xi32, #tpu.memory_space<vmem>>
      %dma_wait3A_325 = arith.constant 64 : i32
      %dma_wait3A_326 = arith.constant 0 : i32
      %dma_wait3A_327 = tpu.memref_slice %arg4[%add3A, %dma_wait3A_325, %dma_wait3A_326] : memref<32x79x128xi32, #tpu.memory_space<hbm>> -> memref<1x15x128xi32, #tpu.memory_space<hbm>>
      %dma_wait3A_328 = tpu.memref_squeeze %dma_wait3A_327 : memref<1x15x128xi32, #tpu.memory_space<hbm>> -> memref<15x128xi32, #tpu.memory_space<hbm>>
      %dma_wait3A_329 = arith.constant 0 : i32
      %dma_wait3A_330 = arith.constant 0 : i32
      %dma_wait3A_331 = tpu.memref_slice %arg8[%dma_wait3A_329, %dma_wait3A_330] : memref<32x128xi32, #tpu.memory_space<vmem>> -> memref<15x128xi32, #tpu.memory_space<vmem>>
      %dma_wait3A_332 = arith.constant 64 : i32
      %dma_wait3A_333 = arith.constant 0 : i32
      %dma_wait3A_334 = tpu.memref_slice %arg4[%add3A, %dma_wait3A_332, %dma_wait3A_333] : memref<32x79x128xi32, #tpu.memory_space<hbm>> -> memref<1x15x128xi32, #tpu.memory_space<hbm>>
      %dma_wait3A_335 = tpu.memref_squeeze %dma_wait3A_334 : memref<1x15x128xi32, #tpu.memory_space<hbm>> -> memref<15x128xi32, #tpu.memory_space<hbm>>
      tpu.wait_dma2 semaphore(%run_scoped3A_307 : memref<!tpu.dma_semaphore, #tpu.memory_space<semaphore_mem>>) src(%dma_wait3A_335 : memref<15x128xi32, #tpu.memory_space<hbm>>) dst(%dma_wait3A_331 : memref<15x128xi32, #tpu.memory_space<vmem>>)
      tpu.yield
    }) : () -> ()
    %dma_start3A_187 = arith.constant 0 : i32
    %dma_start3A_188 = arith.constant 0 : i32
    %dma_start3A_189 = tpu.memref_slice %arg7[%dma_start3A_187, %dma_start3A_188] : memref<32x128xi32, #tpu.memory_space<vmem>> -> memref<1x128xi32, #tpu.memory_space<vmem>>
    %dma_start3A_190 = tpu.memref_squeeze %dma_start3A_189 : memref<1x128xi32, #tpu.memory_space<vmem>> -> memref<128xi32, #tpu.memory_space<vmem>>
    %dma_start3A_191 = arith.constant 0 : i32
    %dma_start3A_192 = arith.constant 0 : i32
    %dma_start3A_193 = tpu.memref_slice %arg2[%dma_start3A_191, %dma_start3A_192] : memref<10000x128xbf16, #tpu.memory_space<hbm>> -> memref<10000x128xbf16, #tpu.memory_space<hbm>>
    tpu.enqueue_indirect_dma source(%dma_start3A_193 : memref<10000x128xbf16, #tpu.memory_space<hbm>>) target(%arg9 : memref<128x128xbf16, #tpu.memory_space<vmem>>) offsets(%dma_start3A_190 : memref<128xi32, #tpu.memory_space<vmem>>) semaphore(%arg14 : memref<!tpu.dma_semaphore, #tpu.memory_space<semaphore_mem>>)
    %dma_start3A_194 = arith.constant 1 : i32
    %dma_start3A_195 = arith.constant 0 : i32
    %dma_start3A_196 = tpu.memref_slice %arg7[%dma_start3A_194, %dma_start3A_195] : memref<32x128xi32, #tpu.memory_space<vmem>> -> memref<1x128xi32, #tpu.memory_space<vmem>>
    %dma_start3A_197 = tpu.memref_squeeze %dma_start3A_196 : memref<1x128xi32, #tpu.memory_space<vmem>> -> memref<128xi32, #tpu.memory_space<vmem>>
    %dma_start3A_198 = arith.constant 0 : i32
    %dma_start3A_199 = arith.constant 0 : i32
    %dma_start3A_200 = tpu.memref_slice %arg2[%dma_start3A_198, %dma_start3A_199] : memref<10000x128xbf16, #tpu.memory_space<hbm>> -> memref<10000x128xbf16, #tpu.memory_space<hbm>>
    tpu.enqueue_indirect_dma source(%dma_start3A_200 : memref<10000x128xbf16, #tpu.memory_space<hbm>>) target(%arg10 : memref<128x128xbf16, #tpu.memory_space<vmem>>) offsets(%dma_start3A_197 : memref<128xi32, #tpu.memory_space<vmem>>) semaphore(%arg15 : memref<!tpu.dma_semaphore, #tpu.memory_space<semaphore_mem>>)
    %dma_start3A_201 = arith.constant 2 : i32
    %dma_start3A_202 = arith.constant 0 : i32
    %dma_start3A_203 = tpu.memref_slice %arg7[%dma_start3A_201, %dma_start3A_202] : memref<32x128xi32, #tpu.memory_space<vmem>> -> memref<1x128xi32, #tpu.memory_space<vmem>>
    %dma_start3A_204 = tpu.memref_squeeze %dma_start3A_203 : memref<1x128xi32, #tpu.memory_space<vmem>> -> memref<128xi32, #tpu.memory_space<vmem>>
    %dma_start3A_205 = arith.constant 0 : i32
    %dma_start3A_206 = arith.constant 0 : i32
    %dma_start3A_207 = tpu.memref_slice %arg2[%dma_start3A_205, %dma_start3A_206] : memref<10000x128xbf16, #tpu.memory_space<hbm>> -> memref<10000x128xbf16, #tpu.memory_space<hbm>>
    tpu.enqueue_indirect_dma source(%dma_start3A_207 : memref<10000x128xbf16, #tpu.memory_space<hbm>>) target(%arg11 : memref<128x128xbf16, #tpu.memory_space<vmem>>) offsets(%dma_start3A_204 : memref<128xi32, #tpu.memory_space<vmem>>) semaphore(%arg16 : memref<!tpu.dma_semaphore, #tpu.memory_space<semaphore_mem>>)
    %scan3A_208 = arith.constant 0 : i32
    %scan3A_209 = arith.constant 0 : i32
    %scan3A_210 = arith.constant 2 : i32
    %scan3A_211 = arith.addi %scan3A_209, %scan3A_210 : i32
    %scan3A_212 = arith.constant 1 : i32
    %scan3A_213 = scf.for %scan3A_307 = %scan3A_209 to %scan3A_211 step %scan3A_212 iter_args(%scan3A_308 = %scan3A_208) -> (i32)  : i32 {
      %mul3A_309 = arith.constant 4 : i32
      %mul3A_310 = arith.muli %mul3A_309, %scan3A_307 : i32
      %add3A_311 = arith.constant 0 : i32
      %add3A_312 = arith.addi %mul3A_310, %add3A_311 : i32
      %dma_wait3A_313 = arith.constant 0 : i32
      %dma_wait3A_314 = tpu.memref_slice %arg7[%add3A_312, %dma_wait3A_313] : memref<32x128xi32, #tpu.memory_space<vmem>> -> memref<1x128xi32, #tpu.memory_space<vmem>>
      %dma_wait3A_315 = tpu.memref_squeeze %dma_wait3A_314 : memref<1x128xi32, #tpu.memory_space<vmem>> -> memref<128xi32, #tpu.memory_space<vmem>>
      %dma_wait3A_316 = arith.constant 0 : i32
      %dma_wait3A_317 = arith.constant 0 : i32
      %dma_wait3A_318 = tpu.memref_slice %arg2[%dma_wait3A_316, %dma_wait3A_317] : memref<10000x128xbf16, #tpu.memory_space<hbm>> -> memref<10000x128xbf16, #tpu.memory_space<hbm>>
      tpu.wait_indirect_dma semaphore(%arg14 : memref<!tpu.dma_semaphore, #tpu.memory_space<semaphore_mem>>) src(%dma_wait3A_318 : memref<10000x128xbf16, #tpu.memory_space<hbm>>) dst(%arg9 : memref<128x128xbf16, #tpu.memory_space<vmem>>)
      %add3A_319 = arith.constant 4 : i32
      %add3A_320 = arith.addi %add3A_312, %add3A_319 : i32
      %sub3A = arith.constant 1 : i32
      %sub3A_321 = arith.subi %add3A_320, %sub3A : i32
      %dma_start3A_322 = arith.constant 0 : i32
      %dma_start3A_323 = tpu.memref_slice %arg7[%sub3A_321, %dma_start3A_322] : memref<32x128xi32, #tpu.memory_space<vmem>> -> memref<1x128xi32, #tpu.memory_space<vmem>>
      %dma_start3A_324 = tpu.memref_squeeze %dma_start3A_323 : memref<1x128xi32, #tpu.memory_space<vmem>> -> memref<128xi32, #tpu.memory_space<vmem>>
      %dma_start3A_325 = arith.constant 0 : i32
      %dma_start3A_326 = arith.constant 0 : i32
      %dma_start3A_327 = tpu.memref_slice %arg2[%dma_start3A_325, %dma_start3A_326] : memref<10000x128xbf16, #tpu.memory_space<hbm>> -> memref<10000x128xbf16, #tpu.memory_space<hbm>>
      tpu.enqueue_indirect_dma source(%dma_start3A_327 : memref<10000x128xbf16, #tpu.memory_space<hbm>>) target(%arg12 : memref<128x128xbf16, #tpu.memory_space<vmem>>) offsets(%dma_start3A_324 : memref<128xi32, #tpu.memory_space<vmem>>) semaphore(%arg17 : memref<!tpu.dma_semaphore, #tpu.memory_space<semaphore_mem>>)
      "tpu.region"() ({
        %run_scoped3A_389 = tpu.sem_alloc : memref<!tpu.dma_semaphore, #tpu.memory_space<semaphore_mem>>
        %dma_start3A_390 = arith.constant 0 : i32
        %dma_start3A_391 = tpu.memref_slice %arg8[%add3A_312, %dma_start3A_390] : memref<32x128xi32, #tpu.memory_space<vmem>> -> memref<1x128xi32, #tpu.memory_space<vmem>>
        %dma_start3A_392 = tpu.memref_squeeze %dma_start3A_391 : memref<1x128xi32, #tpu.memory_space<vmem>> -> memref<128xi32, #tpu.memory_space<vmem>>
        %dma_start3A_393 = arith.constant 0 : i32
        %dma_start3A_394 = arith.constant 0 : i32
        %dma_start3A_395 = tpu.memref_slice %arg13[%dma_start3A_393, %dma_start3A_394] : memref<10112x128xbf16, #tpu.memory_space<vmem_shared>> -> memref<10112x128xbf16, #tpu.memory_space<vmem_shared>>
        tpu.enqueue_indirect_dma source(%arg9 : memref<128x128xbf16, #tpu.memory_space<vmem>>) target(%dma_start3A_395 : memref<10112x128xbf16, #tpu.memory_space<vmem_shared>>) offsets(%dma_start3A_392 : memref<128xi32, #tpu.memory_space<vmem>>) semaphore(%run_scoped3A_389 : memref<!tpu.dma_semaphore, #tpu.memory_space<semaphore_mem>>) {add = true}
        %dma_wait3A_396 = arith.constant 0 : i32
        %dma_wait3A_397 = tpu.memref_slice %arg8[%add3A_312, %dma_wait3A_396] : memref<32x128xi32, #tpu.memory_space<vmem>> -> memref<1x128xi32, #tpu.memory_space<vmem>>
        %dma_wait3A_398 = tpu.memref_squeeze %dma_wait3A_397 : memref<1x128xi32, #tpu.memory_space<vmem>> -> memref<128xi32, #tpu.memory_space<vmem>>
        %dma_wait3A_399 = arith.constant 0 : i32
        %dma_wait3A_400 = arith.constant 0 : i32
        %dma_wait3A_401 = tpu.memref_slice %arg13[%dma_wait3A_399, %dma_wait3A_400] : memref<10112x128xbf16, #tpu.memory_space<vmem_shared>> -> memref<10112x128xbf16, #tpu.memory_space<vmem_shared>>
        tpu.wait_indirect_dma semaphore(%run_scoped3A_389 : memref<!tpu.dma_semaphore, #tpu.memory_space<semaphore_mem>>) src(%arg9 : memref<128x128xbf16, #tpu.memory_space<vmem>>) dst(%dma_wait3A_401 : memref<10112x128xbf16, #tpu.memory_space<vmem_shared>>)
        tpu.yield
      }) : () -> ()
      "tpu.region"() ({
        %run_scoped3A_389 = tpu.sem_alloc : memref<!tpu.dma_semaphore, #tpu.memory_space<semaphore_mem>>
        %dma_start3A_390 = arith.constant 0 : i32
        %dma_start3A_391 = tpu.memref_slice %arg8[%add3A_312, %dma_start3A_390] : memref<32x128xi32, #tpu.memory_space<vmem>> -> memref<1x128xi32, #tpu.memory_space<vmem>>
        %dma_start3A_392 = tpu.memref_squeeze %dma_start3A_391 : memref<1x128xi32, #tpu.memory_space<vmem>> -> memref<128xi32, #tpu.memory_space<vmem>>
        %dma_start3A_393 = arith.constant 0 : i32
        %dma_start3A_394 = arith.constant 0 : i32
        %dma_start3A_395 = tpu.memref_slice %arg20[%dma_start3A_393, %dma_start3A_394] : memref<10112x16xf32, #tpu.memory_space<vmem_shared>> -> memref<10112x16xf32, #tpu.memory_space<vmem_shared>>
        tpu.enqueue_indirect_dma source(%arg18 : memref<128x16xf32, #tpu.memory_space<vmem>>) target(%dma_start3A_395 : memref<10112x16xf32, #tpu.memory_space<vmem_shared>>) offsets(%dma_start3A_392 : memref<128xi32, #tpu.memory_space<vmem>>) semaphore(%run_scoped3A_389 : memref<!tpu.dma_semaphore, #tpu.memory_space<semaphore_mem>>) {add = true}
        %dma_wait3A_396 = arith.constant 0 : i32
        %dma_wait3A_397 = tpu.memref_slice %arg8[%add3A_312, %dma_wait3A_396] : memref<32x128xi32, #tpu.memory_space<vmem>> -> memref<1x128xi32, #tpu.memory_space<vmem>>
        %dma_wait3A_398 = tpu.memref_squeeze %dma_wait3A_397 : memref<1x128xi32, #tpu.memory_space<vmem>> -> memref<128xi32, #tpu.memory_space<vmem>>
        %dma_wait3A_399 = arith.constant 0 : i32
        %dma_wait3A_400 = arith.constant 0 : i32
        %dma_wait3A_401 = tpu.memref_slice %arg20[%dma_wait3A_399, %dma_wait3A_400] : memref<10112x16xf32, #tpu.memory_space<vmem_shared>> -> memref<10112x16xf32, #tpu.memory_space<vmem_shared>>
        tpu.wait_indirect_dma semaphore(%run_scoped3A_389 : memref<!tpu.dma_semaphore, #tpu.memory_space<semaphore_mem>>) src(%arg18 : memref<128x16xf32, #tpu.memory_space<vmem>>) dst(%dma_wait3A_401 : memref<10112x16xf32, #tpu.memory_space<vmem_shared>>)
        tpu.yield
      }) : () -> ()
      %mul3A_328 = arith.constant 4 : i32
      %mul3A_329 = arith.muli %mul3A_328, %scan3A_307 : i32
      %add3A_330 = arith.constant 1 : i32
      %add3A_331 = arith.addi %mul3A_329, %add3A_330 : i32
      %dma_wait3A_332 = arith.constant 0 : i32
      %dma_wait3A_333 = tpu.memref_slice %arg7[%add3A_331, %dma_wait3A_332] : memref<32x128xi32, #tpu.memory_space<vmem>> -> memref<1x128xi32, #tpu.memory_space<vmem>>
      %dma_wait3A_334 = tpu.memref_squeeze %dma_wait3A_333 : memref<1x128xi32, #tpu.memory_space<vmem>> -> memref<128xi32, #tpu.memory_space<vmem>>
      %dma_wait3A_335 = arith.constant 0 : i32
      %dma_wait3A_336 = arith.constant 0 : i32
      %dma_wait3A_337 = tpu.memref_slice %arg2[%dma_wait3A_335, %dma_wait3A_336] : memref<10000x128xbf16, #tpu.memory_space<hbm>> -> memref<10000x128xbf16, #tpu.memory_space<hbm>>
      tpu.wait_indirect_dma semaphore(%arg15 : memref<!tpu.dma_semaphore, #tpu.memory_space<semaphore_mem>>) src(%dma_wait3A_337 : memref<10000x128xbf16, #tpu.memory_space<hbm>>) dst(%arg10 : memref<128x128xbf16, #tpu.memory_space<vmem>>)
      %add3A_338 = arith.constant 4 : i32
      %add3A_339 = arith.addi %add3A_331, %add3A_338 : i32
      %sub3A_340 = arith.constant 1 : i32
      %sub3A_341 = arith.subi %add3A_339, %sub3A_340 : i32
      %dma_start3A_342 = arith.constant 0 : i32
      %dma_start3A_343 = tpu.memref_slice %arg7[%sub3A_341, %dma_start3A_342] : memref<32x128xi32, #tpu.memory_space<vmem>> -> memref<1x128xi32, #tpu.memory_space<vmem>>
      %dma_start3A_344 = tpu.memref_squeeze %dma_start3A_343 : memref<1x128xi32, #tpu.memory_space<vmem>> -> memref<128xi32, #tpu.memory_space<vmem>>
      %dma_start3A_345 = arith.constant 0 : i32
      %dma_start3A_346 = arith.constant 0 : i32
      %dma_start3A_347 = tpu.memref_slice %arg2[%dma_start3A_345, %dma_start3A_346] : memref<10000x128xbf16, #tpu.memory_space<hbm>> -> memref<10000x128xbf16, #tpu.memory_space<hbm>>
      tpu.enqueue_indirect_dma source(%dma_start3A_347 : memref<10000x128xbf16, #tpu.memory_space<hbm>>) target(%arg9 : memref<128x128xbf16, #tpu.memory_space<vmem>>) offsets(%dma_start3A_344 : memref<128xi32, #tpu.memory_space<vmem>>) semaphore(%arg14 : memref<!tpu.dma_semaphore, #tpu.memory_space<semaphore_mem>>)
      "tpu.region"() ({
        %run_scoped3A_389 = tpu.sem_alloc : memref<!tpu.dma_semaphore, #tpu.memory_space<semaphore_mem>>
        %dma_start3A_390 = arith.constant 0 : i32
        %dma_start3A_391 = tpu.memref_slice %arg8[%add3A_331, %dma_start3A_390] : memref<32x128xi32, #tpu.memory_space<vmem>> -> memref<1x128xi32, #tpu.memory_space<vmem>>
        %dma_start3A_392 = tpu.memref_squeeze %dma_start3A_391 : memref<1x128xi32, #tpu.memory_space<vmem>> -> memref<128xi32, #tpu.memory_space<vmem>>
        %dma_start3A_393 = arith.constant 0 : i32
        %dma_start3A_394 = arith.constant 0 : i32
        %dma_start3A_395 = tpu.memref_slice %arg13[%dma_start3A_393, %dma_start3A_394] : memref<10112x128xbf16, #tpu.memory_space<vmem_shared>> -> memref<10112x128xbf16, #tpu.memory_space<vmem_shared>>
        tpu.enqueue_indirect_dma source(%arg10 : memref<128x128xbf16, #tpu.memory_space<vmem>>) target(%dma_start3A_395 : memref<10112x128xbf16, #tpu.memory_space<vmem_shared>>) offsets(%dma_start3A_392 : memref<128xi32, #tpu.memory_space<vmem>>) semaphore(%run_scoped3A_389 : memref<!tpu.dma_semaphore, #tpu.memory_space<semaphore_mem>>) {add = true}
        %dma_wait3A_396 = arith.constant 0 : i32
        %dma_wait3A_397 = tpu.memref_slice %arg8[%add3A_331, %dma_wait3A_396] : memref<32x128xi32, #tpu.memory_space<vmem>> -> memref<1x128xi32, #tpu.memory_space<vmem>>
        %dma_wait3A_398 = tpu.memref_squeeze %dma_wait3A_397 : memref<1x128xi32, #tpu.memory_space<vmem>> -> memref<128xi32, #tpu.memory_space<vmem>>
        %dma_wait3A_399 = arith.constant 0 : i32
        %dma_wait3A_400 = arith.constant 0 : i32
        %dma_wait3A_401 = tpu.memref_slice %arg13[%dma_wait3A_399, %dma_wait3A_400] : memref<10112x128xbf16, #tpu.memory_space<vmem_shared>> -> memref<10112x128xbf16, #tpu.memory_space<vmem_shared>>
        tpu.wait_indirect_dma semaphore(%run_scoped3A_389 : memref<!tpu.dma_semaphore, #tpu.memory_space<semaphore_mem>>) src(%arg10 : memref<128x128xbf16, #tpu.memory_space<vmem>>) dst(%dma_wait3A_401 : memref<10112x128xbf16, #tpu.memory_space<vmem_shared>>)
        tpu.yield
      }) : () -> ()
      "tpu.region"() ({
        %run_scoped3A_389 = tpu.sem_alloc : memref<!tpu.dma_semaphore, #tpu.memory_space<semaphore_mem>>
        %dma_start3A_390 = arith.constant 0 : i32
        %dma_start3A_391 = tpu.memref_slice %arg8[%add3A_331, %dma_start3A_390] : memref<32x128xi32, #tpu.memory_space<vmem>> -> memref<1x128xi32, #tpu.memory_space<vmem>>
        %dma_start3A_392 = tpu.memref_squeeze %dma_start3A_391 : memref<1x128xi32, #tpu.memory_space<vmem>> -> memref<128xi32, #tpu.memory_space<vmem>>
        %dma_start3A_393 = arith.constant 0 : i32
        %dma_start3A_394 = arith.constant 0 : i32
        %dma_start3A_395 = tpu.memref_slice %arg20[%dma_start3A_393, %dma_start3A_394] : memref<10112x16xf32, #tpu.memory_space<vmem_shared>> -> memref<10112x16xf32, #tpu.memory_space<vmem_shared>>
        tpu.enqueue_indirect_dma source(%arg18 : memref<128x16xf32, #tpu.memory_space<vmem>>) target(%dma_start3A_395 : memref<10112x16xf32, #tpu.memory_space<vmem_shared>>) offsets(%dma_start3A_392 : memref<128xi32, #tpu.memory_space<vmem>>) semaphore(%run_scoped3A_389 : memref<!tpu.dma_semaphore, #tpu.memory_space<semaphore_mem>>) {add = true}
        %dma_wait3A_396 = arith.constant 0 : i32
        %dma_wait3A_397 = tpu.memref_slice %arg8[%add3A_331, %dma_wait3A_396] : memref<32x128xi32, #tpu.memory_space<vmem>> -> memref<1x128xi32, #tpu.memory_space<vmem>>
        %dma_wait3A_398 = tpu.memref_squeeze %dma_wait3A_397 : memref<1x128xi32, #tpu.memory_space<vmem>> -> memref<128xi32, #tpu.memory_space<vmem>>
        %dma_wait3A_399 = arith.constant 0 : i32
        %dma_wait3A_400 = arith.constant 0 : i32
        %dma_wait3A_401 = tpu.memref_slice %arg20[%dma_wait3A_399, %dma_wait3A_400] : memref<10112x16xf32, #tpu.memory_space<vmem_shared>> -> memref<10112x16xf32, #tpu.memory_space<vmem_shared>>
        tpu.wait_indirect_dma semaphore(%run_scoped3A_389 : memref<!tpu.dma_semaphore, #tpu.memory_space<semaphore_mem>>) src(%arg18 : memref<128x16xf32, #tpu.memory_space<vmem>>) dst(%dma_wait3A_401 : memref<10112x16xf32, #tpu.memory_space<vmem_shared>>)
        tpu.yield
      }) : () -> ()
      %mul3A_348 = arith.constant 4 : i32
      %mul3A_349 = arith.muli %mul3A_348, %scan3A_307 : i32
      %add3A_350 = arith.constant 2 : i32
      %add3A_351 = arith.addi %mul3A_349, %add3A_350 : i32
      %dma_wait3A_352 = arith.constant 0 : i32
      %dma_wait3A_353 = tpu.memref_slice %arg7[%add3A_351, %dma_wait3A_352] : memref<32x128xi32, #tpu.memory_space<vmem>> -> memref<1x128xi32, #tpu.memory_space<vmem>>
      %dma_wait3A_354 = tpu.memref_squeeze %dma_wait3A_353 : memref<1x128xi32, #tpu.memory_space<vmem>> -> memref<128xi32, #tpu.memory_space<vmem>>
      %dma_wait3A_355 = arith.constant 0 : i32
      %dma_wait3A_356 = arith.constant 0 : i32
      %dma_wait3A_357 = tpu.memref_slice %arg2[%dma_wait3A_355, %dma_wait3A_356] : memref<10000x128xbf16, #tpu.memory_space<hbm>> -> memref<10000x128xbf16, #tpu.memory_space<hbm>>
      tpu.wait_indirect_dma semaphore(%arg16 : memref<!tpu.dma_semaphore, #tpu.memory_space<semaphore_mem>>) src(%dma_wait3A_357 : memref<10000x128xbf16, #tpu.memory_space<hbm>>) dst(%arg11 : memref<128x128xbf16, #tpu.memory_space<vmem>>)
      %add3A_358 = arith.constant 4 : i32
      %add3A_359 = arith.addi %add3A_351, %add3A_358 : i32
      %sub3A_360 = arith.constant 1 : i32
      %sub3A_361 = arith.subi %add3A_359, %sub3A_360 : i32
      %dma_start3A_362 = arith.constant 0 : i32
      %dma_start3A_363 = tpu.memref_slice %arg7[%sub3A_361, %dma_start3A_362] : memref<32x128xi32, #tpu.memory_space<vmem>> -> memref<1x128xi32, #tpu.memory_space<vmem>>
      %dma_start3A_364 = tpu.memref_squeeze %dma_start3A_363 : memref<1x128xi32, #tpu.memory_space<vmem>> -> memref<128xi32, #tpu.memory_space<vmem>>
      %dma_start3A_365 = arith.constant 0 : i32
      %dma_start3A_366 = arith.constant 0 : i32
      %dma_start3A_367 = tpu.memref_slice %arg2[%dma_start3A_365, %dma_start3A_366] : memref<10000x128xbf16, #tpu.memory_space<hbm>> -> memref<10000x128xbf16, #tpu.memory_space<hbm>>
      tpu.enqueue_indirect_dma source(%dma_start3A_367 : memref<10000x128xbf16, #tpu.memory_space<hbm>>) target(%arg10 : memref<128x128xbf16, #tpu.memory_space<vmem>>) offsets(%dma_start3A_364 : memref<128xi32, #tpu.memory_space<vmem>>) semaphore(%arg15 : memref<!tpu.dma_semaphore, #tpu.memory_space<semaphore_mem>>)
      "tpu.region"() ({
        %run_scoped3A_389 = tpu.sem_alloc : memref<!tpu.dma_semaphore, #tpu.memory_space<semaphore_mem>>
        %dma_start3A_390 = arith.constant 0 : i32
        %dma_start3A_391 = tpu.memref_slice %arg8[%add3A_351, %dma_start3A_390] : memref<32x128xi32, #tpu.memory_space<vmem>> -> memref<1x128xi32, #tpu.memory_space<vmem>>
        %dma_start3A_392 = tpu.memref_squeeze %dma_start3A_391 : memref<1x128xi32, #tpu.memory_space<vmem>> -> memref<128xi32, #tpu.memory_space<vmem>>
        %dma_start3A_393 = arith.constant 0 : i32
        %dma_start3A_394 = arith.constant 0 : i32
        %dma_start3A_395 = tpu.memref_slice %arg13[%dma_start3A_393, %dma_start3A_394] : memref<10112x128xbf16, #tpu.memory_space<vmem_shared>> -> memref<10112x128xbf16, #tpu.memory_space<vmem_shared>>
        tpu.enqueue_indirect_dma source(%arg11 : memref<128x128xbf16, #tpu.memory_space<vmem>>) target(%dma_start3A_395 : memref<10112x128xbf16, #tpu.memory_space<vmem_shared>>) offsets(%dma_start3A_392 : memref<128xi32, #tpu.memory_space<vmem>>) semaphore(%run_scoped3A_389 : memref<!tpu.dma_semaphore, #tpu.memory_space<semaphore_mem>>) {add = true}
        %dma_wait3A_396 = arith.constant 0 : i32
        %dma_wait3A_397 = tpu.memref_slice %arg8[%add3A_351, %dma_wait3A_396] : memref<32x128xi32, #tpu.memory_space<vmem>> -> memref<1x128xi32, #tpu.memory_space<vmem>>
        %dma_wait3A_398 = tpu.memref_squeeze %dma_wait3A_397 : memref<1x128xi32, #tpu.memory_space<vmem>> -> memref<128xi32, #tpu.memory_space<vmem>>
        %dma_wait3A_399 = arith.constant 0 : i32
        %dma_wait3A_400 = arith.constant 0 : i32
        %dma_wait3A_401 = tpu.memref_slice %arg13[%dma_wait3A_399, %dma_wait3A_400] : memref<10112x128xbf16, #tpu.memory_space<vmem_shared>> -> memref<10112x128xbf16, #tpu.memory_space<vmem_shared>>
        tpu.wait_indirect_dma semaphore(%run_scoped3A_389 : memref<!tpu.dma_semaphore, #tpu.memory_space<semaphore_mem>>) src(%arg11 : memref<128x128xbf16, #tpu.memory_space<vmem>>) dst(%dma_wait3A_401 : memref<10112x128xbf16, #tpu.memory_space<vmem_shared>>)
        tpu.yield
      }) : () -> ()
      "tpu.region"() ({
        %run_scoped3A_389 = tpu.sem_alloc : memref<!tpu.dma_semaphore, #tpu.memory_space<semaphore_mem>>
        %dma_start3A_390 = arith.constant 0 : i32
        %dma_start3A_391 = tpu.memref_slice %arg8[%add3A_351, %dma_start3A_390] : memref<32x128xi32, #tpu.memory_space<vmem>> -> memref<1x128xi32, #tpu.memory_space<vmem>>
        %dma_start3A_392 = tpu.memref_squeeze %dma_start3A_391 : memref<1x128xi32, #tpu.memory_space<vmem>> -> memref<128xi32, #tpu.memory_space<vmem>>
        %dma_start3A_393 = arith.constant 0 : i32
        %dma_start3A_394 = arith.constant 0 : i32
        %dma_start3A_395 = tpu.memref_slice %arg20[%dma_start3A_393, %dma_start3A_394] : memref<10112x16xf32, #tpu.memory_space<vmem_shared>> -> memref<10112x16xf32, #tpu.memory_space<vmem_shared>>
        tpu.enqueue_indirect_dma source(%arg18 : memref<128x16xf32, #tpu.memory_space<vmem>>) target(%dma_start3A_395 : memref<10112x16xf32, #tpu.memory_space<vmem_shared>>) offsets(%dma_start3A_392 : memref<128xi32, #tpu.memory_space<vmem>>) semaphore(%run_scoped3A_389 : memref<!tpu.dma_semaphore, #tpu.memory_space<semaphore_mem>>) {add = true}
        %dma_wait3A_396 = arith.constant 0 : i32
        %dma_wait3A_397 = tpu.memref_slice %arg8[%add3A_351, %dma_wait3A_396] : memref<32x128xi32, #tpu.memory_space<vmem>> -> memref<1x128xi32, #tpu.memory_space<vmem>>
        %dma_wait3A_398 = tpu.memref_squeeze %dma_wait3A_397 : memref<1x128xi32, #tpu.memory_space<vmem>> -> memref<128xi32, #tpu.memory_space<vmem>>
        %dma_wait3A_399 = arith.constant 0 : i32
        %dma_wait3A_400 = arith.constant 0 : i32
        %dma_wait3A_401 = tpu.memref_slice %arg20[%dma_wait3A_399, %dma_wait3A_400] : memref<10112x16xf32, #tpu.memory_space<vmem_shared>> -> memref<10112x16xf32, #tpu.memory_space<vmem_shared>>
        tpu.wait_indirect_dma semaphore(%run_scoped3A_389 : memref<!tpu.dma_semaphore, #tpu.memory_space<semaphore_mem>>) src(%arg18 : memref<128x16xf32, #tpu.memory_space<vmem>>) dst(%dma_wait3A_401 : memref<10112x16xf32, #tpu.memory_space<vmem_shared>>)
        tpu.yield
      }) : () -> ()
      %mul3A_368 = arith.constant 4 : i32
      %mul3A_369 = arith.muli %mul3A_368, %scan3A_307 : i32
      %add3A_370 = arith.constant 3 : i32
      %add3A_371 = arith.addi %mul3A_369, %add3A_370 : i32
      %dma_wait3A_372 = arith.constant 0 : i32
      %dma_wait3A_373 = tpu.memref_slice %arg7[%add3A_371, %dma_wait3A_372] : memref<32x128xi32, #tpu.memory_space<vmem>> -> memref<1x128xi32, #tpu.memory_space<vmem>>
      %dma_wait3A_374 = tpu.memref_squeeze %dma_wait3A_373 : memref<1x128xi32, #tpu.memory_space<vmem>> -> memref<128xi32, #tpu.memory_space<vmem>>
      %dma_wait3A_375 = arith.constant 0 : i32
      %dma_wait3A_376 = arith.constant 0 : i32
      %dma_wait3A_377 = tpu.memref_slice %arg2[%dma_wait3A_375, %dma_wait3A_376] : memref<10000x128xbf16, #tpu.memory_space<hbm>> -> memref<10000x128xbf16, #tpu.memory_space<hbm>>
      tpu.wait_indirect_dma semaphore(%arg17 : memref<!tpu.dma_semaphore, #tpu.memory_space<semaphore_mem>>) src(%dma_wait3A_377 : memref<10000x128xbf16, #tpu.memory_space<hbm>>) dst(%arg12 : memref<128x128xbf16, #tpu.memory_space<vmem>>)
      %add3A_378 = arith.constant 4 : i32
      %add3A_379 = arith.addi %add3A_371, %add3A_378 : i32
      %sub3A_380 = arith.constant 1 : i32
      %sub3A_381 = arith.subi %add3A_379, %sub3A_380 : i32
      %dma_start3A_382 = arith.constant 0 : i32
      %dma_start3A_383 = tpu.memref_slice %arg7[%sub3A_381, %dma_start3A_382] : memref<32x128xi32, #tpu.memory_space<vmem>> -> memref<1x128xi32, #tpu.memory_space<vmem>>
      %dma_start3A_384 = tpu.memref_squeeze %dma_start3A_383 : memref<1x128xi32, #tpu.memory_space<vmem>> -> memref<128xi32, #tpu.memory_space<vmem>>
      %dma_start3A_385 = arith.constant 0 : i32
      %dma_start3A_386 = arith.constant 0 : i32
      %dma_start3A_387 = tpu.memref_slice %arg2[%dma_start3A_385, %dma_start3A_386] : memref<10000x128xbf16, #tpu.memory_space<hbm>> -> memref<10000x128xbf16, #tpu.memory_space<hbm>>
      tpu.enqueue_indirect_dma source(%dma_start3A_387 : memref<10000x128xbf16, #tpu.memory_space<hbm>>) target(%arg11 : memref<128x128xbf16, #tpu.memory_space<vmem>>) offsets(%dma_start3A_384 : memref<128xi32, #tpu.memory_space<vmem>>) semaphore(%arg16 : memref<!tpu.dma_semaphore, #tpu.memory_space<semaphore_mem>>)
      "tpu.region"() ({
        %run_scoped3A_389 = tpu.sem_alloc : memref<!tpu.dma_semaphore, #tpu.memory_space<semaphore_mem>>
        %dma_start3A_390 = arith.constant 0 : i32
        %dma_start3A_391 = tpu.memref_slice %arg8[%add3A_371, %dma_start3A_390] : memref<32x128xi32, #tpu.memory_space<vmem>> -> memref<1x128xi32, #tpu.memory_space<vmem>>
        %dma_start3A_392 = tpu.memref_squeeze %dma_start3A_391 : memref<1x128xi32, #tpu.memory_space<vmem>> -> memref<128xi32, #tpu.memory_space<vmem>>
        %dma_start3A_393 = arith.constant 0 : i32
        %dma_start3A_394 = arith.constant 0 : i32
        %dma_start3A_395 = tpu.memref_slice %arg13[%dma_start3A_393, %dma_start3A_394] : memref<10112x128xbf16, #tpu.memory_space<vmem_shared>> -> memref<10112x128xbf16, #tpu.memory_space<vmem_shared>>
        tpu.enqueue_indirect_dma source(%arg12 : memref<128x128xbf16, #tpu.memory_space<vmem>>) target(%dma_start3A_395 : memref<10112x128xbf16, #tpu.memory_space<vmem_shared>>) offsets(%dma_start3A_392 : memref<128xi32, #tpu.memory_space<vmem>>) semaphore(%run_scoped3A_389 : memref<!tpu.dma_semaphore, #tpu.memory_space<semaphore_mem>>) {add = true}
        %dma_wait3A_396 = arith.constant 0 : i32
        %dma_wait3A_397 = tpu.memref_slice %arg8[%add3A_371, %dma_wait3A_396] : memref<32x128xi32, #tpu.memory_space<vmem>> -> memref<1x128xi32, #tpu.memory_space<vmem>>
        %dma_wait3A_398 = tpu.memref_squeeze %dma_wait3A_397 : memref<1x128xi32, #tpu.memory_space<vmem>> -> memref<128xi32, #tpu.memory_space<vmem>>
        %dma_wait3A_399 = arith.constant 0 : i32
        %dma_wait3A_400 = arith.constant 0 : i32
        %dma_wait3A_401 = tpu.memref_slice %arg13[%dma_wait3A_399, %dma_wait3A_400] : memref<10112x128xbf16, #tpu.memory_space<vmem_shared>> -> memref<10112x128xbf16, #tpu.memory_space<vmem_shared>>
        tpu.wait_indirect_dma semaphore(%run_scoped3A_389 : memref<!tpu.dma_semaphore, #tpu.memory_space<semaphore_mem>>) src(%arg12 : memref<128x128xbf16, #tpu.memory_space<vmem>>) dst(%dma_wait3A_401 : memref<10112x128xbf16, #tpu.memory_space<vmem_shared>>)
        tpu.yield
      }) : () -> ()
      "tpu.region"() ({
        %run_scoped3A_389 = tpu.sem_alloc : memref<!tpu.dma_semaphore, #tpu.memory_space<semaphore_mem>>
        %dma_start3A_390 = arith.constant 0 : i32
        %dma_start3A_391 = tpu.memref_slice %arg8[%add3A_371, %dma_start3A_390] : memref<32x128xi32, #tpu.memory_space<vmem>> -> memref<1x128xi32, #tpu.memory_space<vmem>>
        %dma_start3A_392 = tpu.memref_squeeze %dma_start3A_391 : memref<1x128xi32, #tpu.memory_space<vmem>> -> memref<128xi32, #tpu.memory_space<vmem>>
        %dma_start3A_393 = arith.constant 0 : i32
        %dma_start3A_394 = arith.constant 0 : i32
        %dma_start3A_395 = tpu.memref_slice %arg20[%dma_start3A_393, %dma_start3A_394] : memref<10112x16xf32, #tpu.memory_space<vmem_shared>> -> memref<10112x16xf32, #tpu.memory_space<vmem_shared>>
        tpu.enqueue_indirect_dma source(%arg18 : memref<128x16xf32, #tpu.memory_space<vmem>>) target(%dma_start3A_395 : memref<10112x16xf32, #tpu.memory_space<vmem_shared>>) offsets(%dma_start3A_392 : memref<128xi32, #tpu.memory_space<vmem>>) semaphore(%run_scoped3A_389 : memref<!tpu.dma_semaphore, #tpu.memory_space<semaphore_mem>>) {add = true}
        %dma_wait3A_396 = arith.constant 0 : i32
        %dma_wait3A_397 = tpu.memref_slice %arg8[%add3A_371, %dma_wait3A_396] : memref<32x128xi32, #tpu.memory_space<vmem>> -> memref<1x128xi32, #tpu.memory_space<vmem>>
        %dma_wait3A_398 = tpu.memref_squeeze %dma_wait3A_397 : memref<1x128xi32, #tpu.memory_space<vmem>> -> memref<128xi32, #tpu.memory_space<vmem>>
        %dma_wait3A_399 = arith.constant 0 : i32
        %dma_wait3A_400 = arith.constant 0 : i32
        %dma_wait3A_401 = tpu.memref_slice %arg20[%dma_wait3A_399, %dma_wait3A_400] : memref<10112x16xf32, #tpu.memory_space<vmem_shared>> -> memref<10112x16xf32, #tpu.memory_space<vmem_shared>>
        tpu.wait_indirect_dma semaphore(%run_scoped3A_389 : memref<!tpu.dma_semaphore, #tpu.memory_space<semaphore_mem>>) src(%arg18 : memref<128x16xf32, #tpu.memory_space<vmem>>) dst(%dma_wait3A_401 : memref<10112x16xf32, #tpu.memory_space<vmem_shared>>)
        tpu.yield
      }) : () -> ()
      %scan3A_388 = arith.constant 0 : i32
      scf.yield %scan3A_388 : i32
    }
    %scan3A_214 = arith.constant 2 : i32
    %dma_wait3A_215 = arith.constant 8 : i32
    %dma_wait3A_216 = arith.constant 0 : i32
    %dma_wait3A_217 = tpu.memref_slice %arg7[%dma_wait3A_215, %dma_wait3A_216] : memref<32x128xi32, #tpu.memory_space<vmem>> -> memref<1x128xi32, #tpu.memory_space<vmem>>
    %dma_wait3A_218 = tpu.memref_squeeze %dma_wait3A_217 : memref<1x128xi32, #tpu.memory_space<vmem>> -> memref<128xi32, #tpu.memory_space<vmem>>
    %dma_wait3A_219 = arith.constant 0 : i32
    %dma_wait3A_220 = arith.constant 0 : i32
    %dma_wait3A_221 = tpu.memref_slice %arg2[%dma_wait3A_219, %dma_wait3A_220] : memref<10000x128xbf16, #tpu.memory_space<hbm>> -> memref<10000x128xbf16, #tpu.memory_space<hbm>>
    tpu.wait_indirect_dma semaphore(%arg14 : memref<!tpu.dma_semaphore, #tpu.memory_space<semaphore_mem>>) src(%dma_wait3A_221 : memref<10000x128xbf16, #tpu.memory_space<hbm>>) dst(%arg9 : memref<128x128xbf16, #tpu.memory_space<vmem>>)
    %dma_start3A_222 = arith.constant 11 : i32
    %dma_start3A_223 = arith.constant 0 : i32
    %dma_start3A_224 = tpu.memref_slice %arg7[%dma_start3A_222, %dma_start3A_223] : memref<32x128xi32, #tpu.memory_space<vmem>> -> memref<1x128xi32, #tpu.memory_space<vmem>>
    %dma_start3A_225 = tpu.memref_squeeze %dma_start3A_224 : memref<1x128xi32, #tpu.memory_space<vmem>> -> memref<128xi32, #tpu.memory_space<vmem>>
    %dma_start3A_226 = arith.constant 0 : i32
    %dma_start3A_227 = arith.constant 0 : i32
    %dma_start3A_228 = tpu.memref_slice %arg2[%dma_start3A_226, %dma_start3A_227] : memref<10000x128xbf16, #tpu.memory_space<hbm>> -> memref<10000x128xbf16, #tpu.memory_space<hbm>>
    tpu.enqueue_indirect_dma source(%dma_start3A_228 : memref<10000x128xbf16, #tpu.memory_space<hbm>>) target(%arg12 : memref<128x128xbf16, #tpu.memory_space<vmem>>) offsets(%dma_start3A_225 : memref<128xi32, #tpu.memory_space<vmem>>) semaphore(%arg17 : memref<!tpu.dma_semaphore, #tpu.memory_space<semaphore_mem>>)
    %run_scoped3A_229 = arith.constant 8 : i32
    "tpu.region"() ({
      %run_scoped3A_307 = tpu.sem_alloc : memref<!tpu.dma_semaphore, #tpu.memory_space<semaphore_mem>>
      %dma_start3A_308 = arith.constant 0 : i32
      %dma_start3A_309 = tpu.memref_slice %arg8[%run_scoped3A_229, %dma_start3A_308] : memref<32x128xi32, #tpu.memory_space<vmem>> -> memref<1x128xi32, #tpu.memory_space<vmem>>
      %dma_start3A_310 = tpu.memref_squeeze %dma_start3A_309 : memref<1x128xi32, #tpu.memory_space<vmem>> -> memref<128xi32, #tpu.memory_space<vmem>>
      %dma_start3A_311 = arith.constant 0 : i32
      %dma_start3A_312 = arith.constant 0 : i32
      %dma_start3A_313 = tpu.memref_slice %arg13[%dma_start3A_311, %dma_start3A_312] : memref<10112x128xbf16, #tpu.memory_space<vmem_shared>> -> memref<10112x128xbf16, #tpu.memory_space<vmem_shared>>
      tpu.enqueue_indirect_dma source(%arg9 : memref<128x128xbf16, #tpu.memory_space<vmem>>) target(%dma_start3A_313 : memref<10112x128xbf16, #tpu.memory_space<vmem_shared>>) offsets(%dma_start3A_310 : memref<128xi32, #tpu.memory_space<vmem>>) semaphore(%run_scoped3A_307 : memref<!tpu.dma_semaphore, #tpu.memory_space<semaphore_mem>>) {add = true}
      %dma_wait3A_314 = arith.constant 0 : i32
      %dma_wait3A_315 = tpu.memref_slice %arg8[%run_scoped3A_229, %dma_wait3A_314] : memref<32x128xi32, #tpu.memory_space<vmem>> -> memref<1x128xi32, #tpu.memory_space<vmem>>
      %dma_wait3A_316 = tpu.memref_squeeze %dma_wait3A_315 : memref<1x128xi32, #tpu.memory_space<vmem>> -> memref<128xi32, #tpu.memory_space<vmem>>
      %dma_wait3A_317 = arith.constant 0 : i32
      %dma_wait3A_318 = arith.constant 0 : i32
      %dma_wait3A_319 = tpu.memref_slice %arg13[%dma_wait3A_317, %dma_wait3A_318] : memref<10112x128xbf16, #tpu.memory_space<vmem_shared>> -> memref<10112x128xbf16, #tpu.memory_space<vmem_shared>>
      tpu.wait_indirect_dma semaphore(%run_scoped3A_307 : memref<!tpu.dma_semaphore, #tpu.memory_space<semaphore_mem>>) src(%arg9 : memref<128x128xbf16, #tpu.memory_space<vmem>>) dst(%dma_wait3A_319 : memref<10112x128xbf16, #tpu.memory_space<vmem_shared>>)
      tpu.yield
    }) : () -> ()
    %run_scoped3A_230 = arith.constant 8 : i32
    "tpu.region"() ({
      %run_scoped3A_307 = tpu.sem_alloc : memref<!tpu.dma_semaphore, #tpu.memory_space<semaphore_mem>>
      %dma_start3A_308 = arith.constant 0 : i32
      %dma_start3A_309 = tpu.memref_slice %arg8[%run_scoped3A_230, %dma_start3A_308] : memref<32x128xi32, #tpu.memory_space<vmem>> -> memref<1x128xi32, #tpu.memory_space<vmem>>
      %dma_start3A_310 = tpu.memref_squeeze %dma_start3A_309 : memref<1x128xi32, #tpu.memory_space<vmem>> -> memref<128xi32, #tpu.memory_space<vmem>>
      %dma_start3A_311 = arith.constant 0 : i32
      %dma_start3A_312 = arith.constant 0 : i32
      %dma_start3A_313 = tpu.memref_slice %arg20[%dma_start3A_311, %dma_start3A_312] : memref<10112x16xf32, #tpu.memory_space<vmem_shared>> -> memref<10112x16xf32, #tpu.memory_space<vmem_shared>>
      tpu.enqueue_indirect_dma source(%arg18 : memref<128x16xf32, #tpu.memory_space<vmem>>) target(%dma_start3A_313 : memref<10112x16xf32, #tpu.memory_space<vmem_shared>>) offsets(%dma_start3A_310 : memref<128xi32, #tpu.memory_space<vmem>>) semaphore(%run_scoped3A_307 : memref<!tpu.dma_semaphore, #tpu.memory_space<semaphore_mem>>) {add = true}
      %dma_wait3A_314 = arith.constant 0 : i32
      %dma_wait3A_315 = tpu.memref_slice %arg8[%run_scoped3A_230, %dma_wait3A_314] : memref<32x128xi32, #tpu.memory_space<vmem>> -> memref<1x128xi32, #tpu.memory_space<vmem>>
      %dma_wait3A_316 = tpu.memref_squeeze %dma_wait3A_315 : memref<1x128xi32, #tpu.memory_space<vmem>> -> memref<128xi32, #tpu.memory_space<vmem>>
      %dma_wait3A_317 = arith.constant 0 : i32
      %dma_wait3A_318 = arith.constant 0 : i32
      %dma_wait3A_319 = tpu.memref_slice %arg20[%dma_wait3A_317, %dma_wait3A_318] : memref<10112x16xf32, #tpu.memory_space<vmem_shared>> -> memref<10112x16xf32, #tpu.memory_space<vmem_shared>>
      tpu.wait_indirect_dma semaphore(%run_scoped3A_307 : memref<!tpu.dma_semaphore, #tpu.memory_space<semaphore_mem>>) src(%arg18 : memref<128x16xf32, #tpu.memory_space<vmem>>) dst(%dma_wait3A_319 : memref<10112x16xf32, #tpu.memory_space<vmem_shared>>)
      tpu.yield
    }) : () -> ()
    %dma_wait3A_231 = arith.constant 9 : i32
    %dma_wait3A_232 = arith.constant 0 : i32
    %dma_wait3A_233 = tpu.memref_slice %arg7[%dma_wait3A_231, %dma_wait3A_232] : memref<32x128xi32, #tpu.memory_space<vmem>> -> memref<1x128xi32, #tpu.memory_space<vmem>>
    %dma_wait3A_234 = tpu.memref_squeeze %dma_wait3A_233 : memref<1x128xi32, #tpu.memory_space<vmem>> -> memref<128xi32, #tpu.memory_space<vmem>>
    %dma_wait3A_235 = arith.constant 0 : i32
    %dma_wait3A_236 = arith.constant 0 : i32
    %dma_wait3A_237 = tpu.memref_slice %arg2[%dma_wait3A_235, %dma_wait3A_236] : memref<10000x128xbf16, #tpu.memory_space<hbm>> -> memref<10000x128xbf16, #tpu.memory_space<hbm>>
    tpu.wait_indirect_dma semaphore(%arg15 : memref<!tpu.dma_semaphore, #tpu.memory_space<semaphore_mem>>) src(%dma_wait3A_237 : memref<10000x128xbf16, #tpu.memory_space<hbm>>) dst(%arg10 : memref<128x128xbf16, #tpu.memory_space<vmem>>)
    %dma_start3A_238 = arith.constant 12 : i32
    %dma_start3A_239 = arith.constant 0 : i32
    %dma_start3A_240 = tpu.memref_slice %arg7[%dma_start3A_238, %dma_start3A_239] : memref<32x128xi32, #tpu.memory_space<vmem>> -> memref<1x128xi32, #tpu.memory_space<vmem>>
    %dma_start3A_241 = tpu.memref_squeeze %dma_start3A_240 : memref<1x128xi32, #tpu.memory_space<vmem>> -> memref<128xi32, #tpu.memory_space<vmem>>
    %dma_start3A_242 = arith.constant 0 : i32
    %dma_start3A_243 = arith.constant 0 : i32
    %dma_start3A_244 = tpu.memref_slice %arg2[%dma_start3A_242, %dma_start3A_243] : memref<10000x128xbf16, #tpu.memory_space<hbm>> -> memref<10000x128xbf16, #tpu.memory_space<hbm>>
    tpu.enqueue_indirect_dma source(%dma_start3A_244 : memref<10000x128xbf16, #tpu.memory_space<hbm>>) target(%arg9 : memref<128x128xbf16, #tpu.memory_space<vmem>>) offsets(%dma_start3A_241 : memref<128xi32, #tpu.memory_space<vmem>>) semaphore(%arg14 : memref<!tpu.dma_semaphore, #tpu.memory_space<semaphore_mem>>)
    %run_scoped3A_245 = arith.constant 9 : i32
    "tpu.region"() ({
      %run_scoped3A_307 = tpu.sem_alloc : memref<!tpu.dma_semaphore, #tpu.memory_space<semaphore_mem>>
      %dma_start3A_308 = arith.constant 0 : i32
      %dma_start3A_309 = tpu.memref_slice %arg8[%run_scoped3A_245, %dma_start3A_308] : memref<32x128xi32, #tpu.memory_space<vmem>> -> memref<1x128xi32, #tpu.memory_space<vmem>>
      %dma_start3A_310 = tpu.memref_squeeze %dma_start3A_309 : memref<1x128xi32, #tpu.memory_space<vmem>> -> memref<128xi32, #tpu.memory_space<vmem>>
      %dma_start3A_311 = arith.constant 0 : i32
      %dma_start3A_312 = arith.constant 0 : i32
      %dma_start3A_313 = tpu.memref_slice %arg13[%dma_start3A_311, %dma_start3A_312] : memref<10112x128xbf16, #tpu.memory_space<vmem_shared>> -> memref<10112x128xbf16, #tpu.memory_space<vmem_shared>>
      tpu.enqueue_indirect_dma source(%arg10 : memref<128x128xbf16, #tpu.memory_space<vmem>>) target(%dma_start3A_313 : memref<10112x128xbf16, #tpu.memory_space<vmem_shared>>) offsets(%dma_start3A_310 : memref<128xi32, #tpu.memory_space<vmem>>) semaphore(%run_scoped3A_307 : memref<!tpu.dma_semaphore, #tpu.memory_space<semaphore_mem>>) {add = true}
      %dma_wait3A_314 = arith.constant 0 : i32
      %dma_wait3A_315 = tpu.memref_slice %arg8[%run_scoped3A_245, %dma_wait3A_314] : memref<32x128xi32, #tpu.memory_space<vmem>> -> memref<1x128xi32, #tpu.memory_space<vmem>>
      %dma_wait3A_316 = tpu.memref_squeeze %dma_wait3A_315 : memref<1x128xi32, #tpu.memory_space<vmem>> -> memref<128xi32, #tpu.memory_space<vmem>>
      %dma_wait3A_317 = arith.constant 0 : i32
      %dma_wait3A_318 = arith.constant 0 : i32
      %dma_wait3A_319 = tpu.memref_slice %arg13[%dma_wait3A_317, %dma_wait3A_318] : memref<10112x128xbf16, #tpu.memory_space<vmem_shared>> -> memref<10112x128xbf16, #tpu.memory_space<vmem_shared>>
      tpu.wait_indirect_dma semaphore(%run_scoped3A_307 : memref<!tpu.dma_semaphore, #tpu.memory_space<semaphore_mem>>) src(%arg10 : memref<128x128xbf16, #tpu.memory_space<vmem>>) dst(%dma_wait3A_319 : memref<10112x128xbf16, #tpu.memory_space<vmem_shared>>)
      tpu.yield
    }) : () -> ()
    %run_scoped3A_246 = arith.constant 9 : i32
    "tpu.region"() ({
      %run_scoped3A_307 = tpu.sem_alloc : memref<!tpu.dma_semaphore, #tpu.memory_space<semaphore_mem>>
      %dma_start3A_308 = arith.constant 0 : i32
      %dma_start3A_309 = tpu.memref_slice %arg8[%run_scoped3A_246, %dma_start3A_308] : memref<32x128xi32, #tpu.memory_space<vmem>> -> memref<1x128xi32, #tpu.memory_space<vmem>>
      %dma_start3A_310 = tpu.memref_squeeze %dma_start3A_309 : memref<1x128xi32, #tpu.memory_space<vmem>> -> memref<128xi32, #tpu.memory_space<vmem>>
      %dma_start3A_311 = arith.constant 0 : i32
      %dma_start3A_312 = arith.constant 0 : i32
      %dma_start3A_313 = tpu.memref_slice %arg20[%dma_start3A_311, %dma_start3A_312] : memref<10112x16xf32, #tpu.memory_space<vmem_shared>> -> memref<10112x16xf32, #tpu.memory_space<vmem_shared>>
      tpu.enqueue_indirect_dma source(%arg18 : memref<128x16xf32, #tpu.memory_space<vmem>>) target(%dma_start3A_313 : memref<10112x16xf32, #tpu.memory_space<vmem_shared>>) offsets(%dma_start3A_310 : memref<128xi32, #tpu.memory_space<vmem>>) semaphore(%run_scoped3A_307 : memref<!tpu.dma_semaphore, #tpu.memory_space<semaphore_mem>>) {add = true}
      %dma_wait3A_314 = arith.constant 0 : i32
      %dma_wait3A_315 = tpu.memref_slice %arg8[%run_scoped3A_246, %dma_wait3A_314] : memref<32x128xi32, #tpu.memory_space<vmem>> -> memref<1x128xi32, #tpu.memory_space<vmem>>
      %dma_wait3A_316 = tpu.memref_squeeze %dma_wait3A_315 : memref<1x128xi32, #tpu.memory_space<vmem>> -> memref<128xi32, #tpu.memory_space<vmem>>
      %dma_wait3A_317 = arith.constant 0 : i32
      %dma_wait3A_318 = arith.constant 0 : i32
      %dma_wait3A_319 = tpu.memref_slice %arg20[%dma_wait3A_317, %dma_wait3A_318] : memref<10112x16xf32, #tpu.memory_space<vmem_shared>> -> memref<10112x16xf32, #tpu.memory_space<vmem_shared>>
      tpu.wait_indirect_dma semaphore(%run_scoped3A_307 : memref<!tpu.dma_semaphore, #tpu.memory_space<semaphore_mem>>) src(%arg18 : memref<128x16xf32, #tpu.memory_space<vmem>>) dst(%dma_wait3A_319 : memref<10112x16xf32, #tpu.memory_space<vmem_shared>>)
      tpu.yield
    }) : () -> ()
    %dma_wait3A_247 = arith.constant 10 : i32
    %dma_wait3A_248 = arith.constant 0 : i32
    %dma_wait3A_249 = tpu.memref_slice %arg7[%dma_wait3A_247, %dma_wait3A_248] : memref<32x128xi32, #tpu.memory_space<vmem>> -> memref<1x128xi32, #tpu.memory_space<vmem>>
    %dma_wait3A_250 = tpu.memref_squeeze %dma_wait3A_249 : memref<1x128xi32, #tpu.memory_space<vmem>> -> memref<128xi32, #tpu.memory_space<vmem>>
    %dma_wait3A_251 = arith.constant 0 : i32
    %dma_wait3A_252 = arith.constant 0 : i32
    %dma_wait3A_253 = tpu.memref_slice %arg2[%dma_wait3A_251, %dma_wait3A_252] : memref<10000x128xbf16, #tpu.memory_space<hbm>> -> memref<10000x128xbf16, #tpu.memory_space<hbm>>
    tpu.wait_indirect_dma semaphore(%arg16 : memref<!tpu.dma_semaphore, #tpu.memory_space<semaphore_mem>>) src(%dma_wait3A_253 : memref<10000x128xbf16, #tpu.memory_space<hbm>>) dst(%arg11 : memref<128x128xbf16, #tpu.memory_space<vmem>>)
    %dma_start3A_254 = arith.constant 13 : i32
    %dma_start3A_255 = arith.constant 0 : i32
    %dma_start3A_256 = tpu.memref_slice %arg7[%dma_start3A_254, %dma_start3A_255] : memref<32x128xi32, #tpu.memory_space<vmem>> -> memref<1x128xi32, #tpu.memory_space<vmem>>
    %dma_start3A_257 = tpu.memref_squeeze %dma_start3A_256 : memref<1x128xi32, #tpu.memory_space<vmem>> -> memref<128xi32, #tpu.memory_space<vmem>>
    %dma_start3A_258 = arith.constant 0 : i32
    %dma_start3A_259 = arith.constant 0 : i32
    %dma_start3A_260 = tpu.memref_slice %arg2[%dma_start3A_258, %dma_start3A_259] : memref<10000x128xbf16, #tpu.memory_space<hbm>> -> memref<10000x128xbf16, #tpu.memory_space<hbm>>
    tpu.enqueue_indirect_dma source(%dma_start3A_260 : memref<10000x128xbf16, #tpu.memory_space<hbm>>) target(%arg10 : memref<128x128xbf16, #tpu.memory_space<vmem>>) offsets(%dma_start3A_257 : memref<128xi32, #tpu.memory_space<vmem>>) semaphore(%arg15 : memref<!tpu.dma_semaphore, #tpu.memory_space<semaphore_mem>>)
    %run_scoped3A_261 = arith.constant 10 : i32
    "tpu.region"() ({
      %run_scoped3A_307 = tpu.sem_alloc : memref<!tpu.dma_semaphore, #tpu.memory_space<semaphore_mem>>
      %dma_start3A_308 = arith.constant 0 : i32
      %dma_start3A_309 = tpu.memref_slice %arg8[%run_scoped3A_261, %dma_start3A_308] : memref<32x128xi32, #tpu.memory_space<vmem>> -> memref<1x128xi32, #tpu.memory_space<vmem>>
      %dma_start3A_310 = tpu.memref_squeeze %dma_start3A_309 : memref<1x128xi32, #tpu.memory_space<vmem>> -> memref<128xi32, #tpu.memory_space<vmem>>
      %dma_start3A_311 = arith.constant 0 : i32
      %dma_start3A_312 = arith.constant 0 : i32
      %dma_start3A_313 = tpu.memref_slice %arg13[%dma_start3A_311, %dma_start3A_312] : memref<10112x128xbf16, #tpu.memory_space<vmem_shared>> -> memref<10112x128xbf16, #tpu.memory_space<vmem_shared>>
      tpu.enqueue_indirect_dma source(%arg11 : memref<128x128xbf16, #tpu.memory_space<vmem>>) target(%dma_start3A_313 : memref<10112x128xbf16, #tpu.memory_space<vmem_shared>>) offsets(%dma_start3A_310 : memref<128xi32, #tpu.memory_space<vmem>>) semaphore(%run_scoped3A_307 : memref<!tpu.dma_semaphore, #tpu.memory_space<semaphore_mem>>) {add = true}
      %dma_wait3A_314 = arith.constant 0 : i32
      %dma_wait3A_315 = tpu.memref_slice %arg8[%run_scoped3A_261, %dma_wait3A_314] : memref<32x128xi32, #tpu.memory_space<vmem>> -> memref<1x128xi32, #tpu.memory_space<vmem>>
      %dma_wait3A_316 = tpu.memref_squeeze %dma_wait3A_315 : memref<1x128xi32, #tpu.memory_space<vmem>> -> memref<128xi32, #tpu.memory_space<vmem>>
      %dma_wait3A_317 = arith.constant 0 : i32
      %dma_wait3A_318 = arith.constant 0 : i32
      %dma_wait3A_319 = tpu.memref_slice %arg13[%dma_wait3A_317, %dma_wait3A_318] : memref<10112x128xbf16, #tpu.memory_space<vmem_shared>> -> memref<10112x128xbf16, #tpu.memory_space<vmem_shared>>
      tpu.wait_indirect_dma semaphore(%run_scoped3A_307 : memref<!tpu.dma_semaphore, #tpu.memory_space<semaphore_mem>>) src(%arg11 : memref<128x128xbf16, #tpu.memory_space<vmem>>) dst(%dma_wait3A_319 : memref<10112x128xbf16, #tpu.memory_space<vmem_shared>>)
      tpu.yield
    }) : () -> ()
    %run_scoped3A_262 = arith.constant 10 : i32
    "tpu.region"() ({
      %run_scoped3A_307 = tpu.sem_alloc : memref<!tpu.dma_semaphore, #tpu.memory_space<semaphore_mem>>
      %dma_start3A_308 = arith.constant 0 : i32
      %dma_start3A_309 = tpu.memref_slice %arg8[%run_scoped3A_262, %dma_start3A_308] : memref<32x128xi32, #tpu.memory_space<vmem>> -> memref<1x128xi32, #tpu.memory_space<vmem>>
      %dma_start3A_310 = tpu.memref_squeeze %dma_start3A_309 : memref<1x128xi32, #tpu.memory_space<vmem>> -> memref<128xi32, #tpu.memory_space<vmem>>
      %dma_start3A_311 = arith.constant 0 : i32
      %dma_start3A_312 = arith.constant 0 : i32
      %dma_start3A_313 = tpu.memref_slice %arg20[%dma_start3A_311, %dma_start3A_312] : memref<10112x16xf32, #tpu.memory_space<vmem_shared>> -> memref<10112x16xf32, #tpu.memory_space<vmem_shared>>
      tpu.enqueue_indirect_dma source(%arg18 : memref<128x16xf32, #tpu.memory_space<vmem>>) target(%dma_start3A_313 : memref<10112x16xf32, #tpu.memory_space<vmem_shared>>) offsets(%dma_start3A_310 : memref<128xi32, #tpu.memory_space<vmem>>) semaphore(%run_scoped3A_307 : memref<!tpu.dma_semaphore, #tpu.memory_space<semaphore_mem>>) {add = true}
      %dma_wait3A_314 = arith.constant 0 : i32
      %dma_wait3A_315 = tpu.memref_slice %arg8[%run_scoped3A_262, %dma_wait3A_314] : memref<32x128xi32, #tpu.memory_space<vmem>> -> memref<1x128xi32, #tpu.memory_space<vmem>>
      %dma_wait3A_316 = tpu.memref_squeeze %dma_wait3A_315 : memref<1x128xi32, #tpu.memory_space<vmem>> -> memref<128xi32, #tpu.memory_space<vmem>>
      %dma_wait3A_317 = arith.constant 0 : i32
      %dma_wait3A_318 = arith.constant 0 : i32
      %dma_wait3A_319 = tpu.memref_slice %arg20[%dma_wait3A_317, %dma_wait3A_318] : memref<10112x16xf32, #tpu.memory_space<vmem_shared>> -> memref<10112x16xf32, #tpu.memory_space<vmem_shared>>
      tpu.wait_indirect_dma semaphore(%run_scoped3A_307 : memref<!tpu.dma_semaphore, #tpu.memory_space<semaphore_mem>>) src(%arg18 : memref<128x16xf32, #tpu.memory_space<vmem>>) dst(%dma_wait3A_319 : memref<10112x16xf32, #tpu.memory_space<vmem_shared>>)
      tpu.yield
    }) : () -> ()
    %dma_wait3A_263 = arith.constant 11 : i32
    %dma_wait3A_264 = arith.constant 0 : i32
    %dma_wait3A_265 = tpu.memref_slice %arg7[%dma_wait3A_263, %dma_wait3A_264] : memref<32x128xi32, #tpu.memory_space<vmem>> -> memref<1x128xi32, #tpu.memory_space<vmem>>
    %dma_wait3A_266 = tpu.memref_squeeze %dma_wait3A_265 : memref<1x128xi32, #tpu.memory_space<vmem>> -> memref<128xi32, #tpu.memory_space<vmem>>
    %dma_wait3A_267 = arith.constant 0 : i32
    %dma_wait3A_268 = arith.constant 0 : i32
    %dma_wait3A_269 = tpu.memref_slice %arg2[%dma_wait3A_267, %dma_wait3A_268] : memref<10000x128xbf16, #tpu.memory_space<hbm>> -> memref<10000x128xbf16, #tpu.memory_space<hbm>>
    tpu.wait_indirect_dma semaphore(%arg17 : memref<!tpu.dma_semaphore, #tpu.memory_space<semaphore_mem>>) src(%dma_wait3A_269 : memref<10000x128xbf16, #tpu.memory_space<hbm>>) dst(%arg12 : memref<128x128xbf16, #tpu.memory_space<vmem>>)
    %dma_start3A_270 = arith.constant 14 : i32
    %dma_start3A_271 = arith.constant 0 : i32
    %dma_start3A_272 = tpu.memref_slice %arg7[%dma_start3A_270, %dma_start3A_271] : memref<32x128xi32, #tpu.memory_space<vmem>> -> memref<1x128xi32, #tpu.memory_space<vmem>>
    %dma_start3A_273 = tpu.memref_squeeze %dma_start3A_272 : memref<1x128xi32, #tpu.memory_space<vmem>> -> memref<128xi32, #tpu.memory_space<vmem>>
    %dma_start3A_274 = arith.constant 0 : i32
    %dma_start3A_275 = arith.constant 0 : i32
    %dma_start3A_276 = tpu.memref_slice %arg2[%dma_start3A_274, %dma_start3A_275] : memref<10000x128xbf16, #tpu.memory_space<hbm>> -> memref<10000x128xbf16, #tpu.memory_space<hbm>>
    tpu.enqueue_indirect_dma source(%dma_start3A_276 : memref<10000x128xbf16, #tpu.memory_space<hbm>>) target(%arg11 : memref<128x128xbf16, #tpu.memory_space<vmem>>) offsets(%dma_start3A_273 : memref<128xi32, #tpu.memory_space<vmem>>) semaphore(%arg16 : memref<!tpu.dma_semaphore, #tpu.memory_space<semaphore_mem>>)
    %run_scoped3A_277 = arith.constant 11 : i32
    "tpu.region"() ({
      %run_scoped3A_307 = tpu.sem_alloc : memref<!tpu.dma_semaphore, #tpu.memory_space<semaphore_mem>>
      %dma_start3A_308 = arith.constant 0 : i32
      %dma_start3A_309 = tpu.memref_slice %arg8[%run_scoped3A_277, %dma_start3A_308] : memref<32x128xi32, #tpu.memory_space<vmem>> -> memref<1x128xi32, #tpu.memory_space<vmem>>
      %dma_start3A_310 = tpu.memref_squeeze %dma_start3A_309 : memref<1x128xi32, #tpu.memory_space<vmem>> -> memref<128xi32, #tpu.memory_space<vmem>>
      %dma_start3A_311 = arith.constant 0 : i32
      %dma_start3A_312 = arith.constant 0 : i32
      %dma_start3A_313 = tpu.memref_slice %arg13[%dma_start3A_311, %dma_start3A_312] : memref<10112x128xbf16, #tpu.memory_space<vmem_shared>> -> memref<10112x128xbf16, #tpu.memory_space<vmem_shared>>
      tpu.enqueue_indirect_dma source(%arg12 : memref<128x128xbf16, #tpu.memory_space<vmem>>) target(%dma_start3A_313 : memref<10112x128xbf16, #tpu.memory_space<vmem_shared>>) offsets(%dma_start3A_310 : memref<128xi32, #tpu.memory_space<vmem>>) semaphore(%run_scoped3A_307 : memref<!tpu.dma_semaphore, #tpu.memory_space<semaphore_mem>>) {add = true}
      %dma_wait3A_314 = arith.constant 0 : i32
      %dma_wait3A_315 = tpu.memref_slice %arg8[%run_scoped3A_277, %dma_wait3A_314] : memref<32x128xi32, #tpu.memory_space<vmem>> -> memref<1x128xi32, #tpu.memory_space<vmem>>
      %dma_wait3A_316 = tpu.memref_squeeze %dma_wait3A_315 : memref<1x128xi32, #tpu.memory_space<vmem>> -> memref<128xi32, #tpu.memory_space<vmem>>
      %dma_wait3A_317 = arith.constant 0 : i32
      %dma_wait3A_318 = arith.constant 0 : i32
      %dma_wait3A_319 = tpu.memref_slice %arg13[%dma_wait3A_317, %dma_wait3A_318] : memref<10112x128xbf16, #tpu.memory_space<vmem_shared>> -> memref<10112x128xbf16, #tpu.memory_space<vmem_shared>>
      tpu.wait_indirect_dma semaphore(%run_scoped3A_307 : memref<!tpu.dma_semaphore, #tpu.memory_space<semaphore_mem>>) src(%arg12 : memref<128x128xbf16, #tpu.memory_space<vmem>>) dst(%dma_wait3A_319 : memref<10112x128xbf16, #tpu.memory_space<vmem_shared>>)
      tpu.yield
    }) : () -> ()
    %run_scoped3A_278 = arith.constant 11 : i32
    "tpu.region"() ({
      %run_scoped3A_307 = tpu.sem_alloc : memref<!tpu.dma_semaphore, #tpu.memory_space<semaphore_mem>>
      %dma_start3A_308 = arith.constant 0 : i32
      %dma_start3A_309 = tpu.memref_slice %arg8[%run_scoped3A_278, %dma_start3A_308] : memref<32x128xi32, #tpu.memory_space<vmem>> -> memref<1x128xi32, #tpu.memory_space<vmem>>
      %dma_start3A_310 = tpu.memref_squeeze %dma_start3A_309 : memref<1x128xi32, #tpu.memory_space<vmem>> -> memref<128xi32, #tpu.memory_space<vmem>>
      %dma_start3A_311 = arith.constant 0 : i32
      %dma_start3A_312 = arith.constant 0 : i32
      %dma_start3A_313 = tpu.memref_slice %arg20[%dma_start3A_311, %dma_start3A_312] : memref<10112x16xf32, #tpu.memory_space<vmem_shared>> -> memref<10112x16xf32, #tpu.memory_space<vmem_shared>>
      tpu.enqueue_indirect_dma source(%arg18 : memref<128x16xf32, #tpu.memory_space<vmem>>) target(%dma_start3A_313 : memref<10112x16xf32, #tpu.memory_space<vmem_shared>>) offsets(%dma_start3A_310 : memref<128xi32, #tpu.memory_space<vmem>>) semaphore(%run_scoped3A_307 : memref<!tpu.dma_semaphore, #tpu.memory_space<semaphore_mem>>) {add = true}
      %dma_wait3A_314 = arith.constant 0 : i32
      %dma_wait3A_315 = tpu.memref_slice %arg8[%run_scoped3A_278, %dma_wait3A_314] : memref<32x128xi32, #tpu.memory_space<vmem>> -> memref<1x128xi32, #tpu.memory_space<vmem>>
      %dma_wait3A_316 = tpu.memref_squeeze %dma_wait3A_315 : memref<1x128xi32, #tpu.memory_space<vmem>> -> memref<128xi32, #tpu.memory_space<vmem>>
      %dma_wait3A_317 = arith.constant 0 : i32
      %dma_wait3A_318 = arith.constant 0 : i32
      %dma_wait3A_319 = tpu.memref_slice %arg20[%dma_wait3A_317, %dma_wait3A_318] : memref<10112x16xf32, #tpu.memory_space<vmem_shared>> -> memref<10112x16xf32, #tpu.memory_space<vmem_shared>>
      tpu.wait_indirect_dma semaphore(%run_scoped3A_307 : memref<!tpu.dma_semaphore, #tpu.memory_space<semaphore_mem>>) src(%arg18 : memref<128x16xf32, #tpu.memory_space<vmem>>) dst(%dma_wait3A_319 : memref<10112x16xf32, #tpu.memory_space<vmem_shared>>)
      tpu.yield
    }) : () -> ()
    %dma_wait3A_279 = arith.constant 12 : i32
    %dma_wait3A_280 = arith.constant 0 : i32
    %dma_wait3A_281 = tpu.memref_slice %arg7[%dma_wait3A_279, %dma_wait3A_280] : memref<32x128xi32, #tpu.memory_space<vmem>> -> memref<1x128xi32, #tpu.memory_space<vmem>>
    %dma_wait3A_282 = tpu.memref_squeeze %dma_wait3A_281 : memref<1x128xi32, #tpu.memory_space<vmem>> -> memref<128xi32, #tpu.memory_space<vmem>>
    %dma_wait3A_283 = arith.constant 0 : i32
    %dma_wait3A_284 = arith.constant 0 : i32
    %dma_wait3A_285 = tpu.memref_slice %arg2[%dma_wait3A_283, %dma_wait3A_284] : memref<10000x128xbf16, #tpu.memory_space<hbm>> -> memref<10000x128xbf16, #tpu.memory_space<hbm>>
    tpu.wait_indirect_dma semaphore(%arg14 : memref<!tpu.dma_semaphore, #tpu.memory_space<semaphore_mem>>) src(%dma_wait3A_285 : memref<10000x128xbf16, #tpu.memory_space<hbm>>) dst(%arg9 : memref<128x128xbf16, #tpu.memory_space<vmem>>)
    %run_scoped3A_286 = arith.constant 12 : i32
    "tpu.region"() ({
      %run_scoped3A_307 = tpu.sem_alloc : memref<!tpu.dma_semaphore, #tpu.memory_space<semaphore_mem>>
      %dma_start3A_308 = arith.constant 0 : i32
      %dma_start3A_309 = tpu.memref_slice %arg8[%run_scoped3A_286, %dma_start3A_308] : memref<32x128xi32, #tpu.memory_space<vmem>> -> memref<1x128xi32, #tpu.memory_space<vmem>>
      %dma_start3A_310 = tpu.memref_squeeze %dma_start3A_309 : memref<1x128xi32, #tpu.memory_space<vmem>> -> memref<128xi32, #tpu.memory_space<vmem>>
      %dma_start3A_311 = arith.constant 0 : i32
      %dma_start3A_312 = arith.constant 0 : i32
      %dma_start3A_313 = tpu.memref_slice %arg13[%dma_start3A_311, %dma_start3A_312] : memref<10112x128xbf16, #tpu.memory_space<vmem_shared>> -> memref<10112x128xbf16, #tpu.memory_space<vmem_shared>>
      tpu.enqueue_indirect_dma source(%arg9 : memref<128x128xbf16, #tpu.memory_space<vmem>>) target(%dma_start3A_313 : memref<10112x128xbf16, #tpu.memory_space<vmem_shared>>) offsets(%dma_start3A_310 : memref<128xi32, #tpu.memory_space<vmem>>) semaphore(%run_scoped3A_307 : memref<!tpu.dma_semaphore, #tpu.memory_space<semaphore_mem>>) {add = true}
      %dma_wait3A_314 = arith.constant 0 : i32
      %dma_wait3A_315 = tpu.memref_slice %arg8[%run_scoped3A_286, %dma_wait3A_314] : memref<32x128xi32, #tpu.memory_space<vmem>> -> memref<1x128xi32, #tpu.memory_space<vmem>>
      %dma_wait3A_316 = tpu.memref_squeeze %dma_wait3A_315 : memref<1x128xi32, #tpu.memory_space<vmem>> -> memref<128xi32, #tpu.memory_space<vmem>>
      %dma_wait3A_317 = arith.constant 0 : i32
      %dma_wait3A_318 = arith.constant 0 : i32
      %dma_wait3A_319 = tpu.memref_slice %arg13[%dma_wait3A_317, %dma_wait3A_318] : memref<10112x128xbf16, #tpu.memory_space<vmem_shared>> -> memref<10112x128xbf16, #tpu.memory_space<vmem_shared>>
      tpu.wait_indirect_dma semaphore(%run_scoped3A_307 : memref<!tpu.dma_semaphore, #tpu.memory_space<semaphore_mem>>) src(%arg9 : memref<128x128xbf16, #tpu.memory_space<vmem>>) dst(%dma_wait3A_319 : memref<10112x128xbf16, #tpu.memory_space<vmem_shared>>)
      tpu.yield
    }) : () -> ()
    %run_scoped3A_287 = arith.constant 12 : i32
    "tpu.region"() ({
      %run_scoped3A_307 = tpu.sem_alloc : memref<!tpu.dma_semaphore, #tpu.memory_space<semaphore_mem>>
      %dma_start3A_308 = arith.constant 0 : i32
      %dma_start3A_309 = tpu.memref_slice %arg8[%run_scoped3A_287, %dma_start3A_308] : memref<32x128xi32, #tpu.memory_space<vmem>> -> memref<1x128xi32, #tpu.memory_space<vmem>>
      %dma_start3A_310 = tpu.memref_squeeze %dma_start3A_309 : memref<1x128xi32, #tpu.memory_space<vmem>> -> memref<128xi32, #tpu.memory_space<vmem>>
      %dma_start3A_311 = arith.constant 0 : i32
      %dma_start3A_312 = arith.constant 0 : i32
      %dma_start3A_313 = tpu.memref_slice %arg20[%dma_start3A_311, %dma_start3A_312] : memref<10112x16xf32, #tpu.memory_space<vmem_shared>> -> memref<10112x16xf32, #tpu.memory_space<vmem_shared>>
      tpu.enqueue_indirect_dma source(%arg18 : memref<128x16xf32, #tpu.memory_space<vmem>>) target(%dma_start3A_313 : memref<10112x16xf32, #tpu.memory_space<vmem_shared>>) offsets(%dma_start3A_310 : memref<128xi32, #tpu.memory_space<vmem>>) semaphore(%run_scoped3A_307 : memref<!tpu.dma_semaphore, #tpu.memory_space<semaphore_mem>>) {add = true}
      %dma_wait3A_314 = arith.constant 0 : i32
      %dma_wait3A_315 = tpu.memref_slice %arg8[%run_scoped3A_287, %dma_wait3A_314] : memref<32x128xi32, #tpu.memory_space<vmem>> -> memref<1x128xi32, #tpu.memory_space<vmem>>
      %dma_wait3A_316 = tpu.memref_squeeze %dma_wait3A_315 : memref<1x128xi32, #tpu.memory_space<vmem>> -> memref<128xi32, #tpu.memory_space<vmem>>
      %dma_wait3A_317 = arith.constant 0 : i32
      %dma_wait3A_318 = arith.constant 0 : i32
      %dma_wait3A_319 = tpu.memref_slice %arg20[%dma_wait3A_317, %dma_wait3A_318] : memref<10112x16xf32, #tpu.memory_space<vmem_shared>> -> memref<10112x16xf32, #tpu.memory_space<vmem_shared>>
      tpu.wait_indirect_dma semaphore(%run_scoped3A_307 : memref<!tpu.dma_semaphore, #tpu.memory_space<semaphore_mem>>) src(%arg18 : memref<128x16xf32, #tpu.memory_space<vmem>>) dst(%dma_wait3A_319 : memref<10112x16xf32, #tpu.memory_space<vmem_shared>>)
      tpu.yield
    }) : () -> ()
    %dma_wait3A_288 = arith.constant 13 : i32
    %dma_wait3A_289 = arith.constant 0 : i32
    %dma_wait3A_290 = tpu.memref_slice %arg7[%dma_wait3A_288, %dma_wait3A_289] : memref<32x128xi32, #tpu.memory_space<vmem>> -> memref<1x128xi32, #tpu.memory_space<vmem>>
    %dma_wait3A_291 = tpu.memref_squeeze %dma_wait3A_290 : memref<1x128xi32, #tpu.memory_space<vmem>> -> memref<128xi32, #tpu.memory_space<vmem>>
    %dma_wait3A_292 = arith.constant 0 : i32
    %dma_wait3A_293 = arith.constant 0 : i32
    %dma_wait3A_294 = tpu.memref_slice %arg2[%dma_wait3A_292, %dma_wait3A_293] : memref<10000x128xbf16, #tpu.memory_space<hbm>> -> memref<10000x128xbf16, #tpu.memory_space<hbm>>
    tpu.wait_indirect_dma semaphore(%arg15 : memref<!tpu.dma_semaphore, #tpu.memory_space<semaphore_mem>>) src(%dma_wait3A_294 : memref<10000x128xbf16, #tpu.memory_space<hbm>>) dst(%arg10 : memref<128x128xbf16, #tpu.memory_space<vmem>>)
    %run_scoped3A_295 = arith.constant 13 : i32
    "tpu.region"() ({
      %run_scoped3A_307 = tpu.sem_alloc : memref<!tpu.dma_semaphore, #tpu.memory_space<semaphore_mem>>
      %dma_start3A_308 = arith.constant 0 : i32
      %dma_start3A_309 = tpu.memref_slice %arg8[%run_scoped3A_295, %dma_start3A_308] : memref<32x128xi32, #tpu.memory_space<vmem>> -> memref<1x128xi32, #tpu.memory_space<vmem>>
      %dma_start3A_310 = tpu.memref_squeeze %dma_start3A_309 : memref<1x128xi32, #tpu.memory_space<vmem>> -> memref<128xi32, #tpu.memory_space<vmem>>
      %dma_start3A_311 = arith.constant 0 : i32
      %dma_start3A_312 = arith.constant 0 : i32
      %dma_start3A_313 = tpu.memref_slice %arg13[%dma_start3A_311, %dma_start3A_312] : memref<10112x128xbf16, #tpu.memory_space<vmem_shared>> -> memref<10112x128xbf16, #tpu.memory_space<vmem_shared>>
      tpu.enqueue_indirect_dma source(%arg10 : memref<128x128xbf16, #tpu.memory_space<vmem>>) target(%dma_start3A_313 : memref<10112x128xbf16, #tpu.memory_space<vmem_shared>>) offsets(%dma_start3A_310 : memref<128xi32, #tpu.memory_space<vmem>>) semaphore(%run_scoped3A_307 : memref<!tpu.dma_semaphore, #tpu.memory_space<semaphore_mem>>) {add = true}
      %dma_wait3A_314 = arith.constant 0 : i32
      %dma_wait3A_315 = tpu.memref_slice %arg8[%run_scoped3A_295, %dma_wait3A_314] : memref<32x128xi32, #tpu.memory_space<vmem>> -> memref<1x128xi32, #tpu.memory_space<vmem>>
      %dma_wait3A_316 = tpu.memref_squeeze %dma_wait3A_315 : memref<1x128xi32, #tpu.memory_space<vmem>> -> memref<128xi32, #tpu.memory_space<vmem>>
      %dma_wait3A_317 = arith.constant 0 : i32
      %dma_wait3A_318 = arith.constant 0 : i32
      %dma_wait3A_319 = tpu.memref_slice %arg13[%dma_wait3A_317, %dma_wait3A_318] : memref<10112x128xbf16, #tpu.memory_space<vmem_shared>> -> memref<10112x128xbf16, #tpu.memory_space<vmem_shared>>
      tpu.wait_indirect_dma semaphore(%run_scoped3A_307 : memref<!tpu.dma_semaphore, #tpu.memory_space<semaphore_mem>>) src(%arg10 : memref<128x128xbf16, #tpu.memory_space<vmem>>) dst(%dma_wait3A_319 : memref<10112x128xbf16, #tpu.memory_space<vmem_shared>>)
      tpu.yield
    }) : () -> ()
    %run_scoped3A_296 = arith.constant 13 : i32
    "tpu.region"() ({
      %run_scoped3A_307 = tpu.sem_alloc : memref<!tpu.dma_semaphore, #tpu.memory_space<semaphore_mem>>
      %dma_start3A_308 = arith.constant 0 : i32
      %dma_start3A_309 = tpu.memref_slice %arg8[%run_scoped3A_296, %dma_start3A_308] : memref<32x128xi32, #tpu.memory_space<vmem>> -> memref<1x128xi32, #tpu.memory_space<vmem>>
      %dma_start3A_310 = tpu.memref_squeeze %dma_start3A_309 : memref<1x128xi32, #tpu.memory_space<vmem>> -> memref<128xi32, #tpu.memory_space<vmem>>
      %dma_start3A_311 = arith.constant 0 : i32
      %dma_start3A_312 = arith.constant 0 : i32
      %dma_start3A_313 = tpu.memref_slice %arg20[%dma_start3A_311, %dma_start3A_312] : memref<10112x16xf32, #tpu.memory_space<vmem_shared>> -> memref<10112x16xf32, #tpu.memory_space<vmem_shared>>
      tpu.enqueue_indirect_dma source(%arg18 : memref<128x16xf32, #tpu.memory_space<vmem>>) target(%dma_start3A_313 : memref<10112x16xf32, #tpu.memory_space<vmem_shared>>) offsets(%dma_start3A_310 : memref<128xi32, #tpu.memory_space<vmem>>) semaphore(%run_scoped3A_307 : memref<!tpu.dma_semaphore, #tpu.memory_space<semaphore_mem>>) {add = true}
      %dma_wait3A_314 = arith.constant 0 : i32
      %dma_wait3A_315 = tpu.memref_slice %arg8[%run_scoped3A_296, %dma_wait3A_314] : memref<32x128xi32, #tpu.memory_space<vmem>> -> memref<1x128xi32, #tpu.memory_space<vmem>>
      %dma_wait3A_316 = tpu.memref_squeeze %dma_wait3A_315 : memref<1x128xi32, #tpu.memory_space<vmem>> -> memref<128xi32, #tpu.memory_space<vmem>>
      %dma_wait3A_317 = arith.constant 0 : i32
      %dma_wait3A_318 = arith.constant 0 : i32
      %dma_wait3A_319 = tpu.memref_slice %arg20[%dma_wait3A_317, %dma_wait3A_318] : memref<10112x16xf32, #tpu.memory_space<vmem_shared>> -> memref<10112x16xf32, #tpu.memory_space<vmem_shared>>
      tpu.wait_indirect_dma semaphore(%run_scoped3A_307 : memref<!tpu.dma_semaphore, #tpu.memory_space<semaphore_mem>>) src(%arg18 : memref<128x16xf32, #tpu.memory_space<vmem>>) dst(%dma_wait3A_319 : memref<10112x16xf32, #tpu.memory_space<vmem_shared>>)
      tpu.yield
    }) : () -> ()
    %dma_wait3A_297 = arith.constant 14 : i32
    %dma_wait3A_298 = arith.constant 0 : i32
    %dma_wait3A_299 = tpu.memref_slice %arg7[%dma_wait3A_297, %dma_wait3A_298] : memref<32x128xi32, #tpu.memory_space<vmem>> -> memref<1x128xi32, #tpu.memory_space<vmem>>
    %dma_wait3A_300 = tpu.memref_squeeze %dma_wait3A_299 : memref<1x128xi32, #tpu.memory_space<vmem>> -> memref<128xi32, #tpu.memory_space<vmem>>
    %dma_wait3A_301 = arith.constant 0 : i32
    %dma_wait3A_302 = arith.constant 0 : i32
    %dma_wait3A_303 = tpu.memref_slice %arg2[%dma_wait3A_301, %dma_wait3A_302] : memref<10000x128xbf16, #tpu.memory_space<hbm>> -> memref<10000x128xbf16, #tpu.memory_space<hbm>>
    tpu.wait_indirect_dma semaphore(%arg16 : memref<!tpu.dma_semaphore, #tpu.memory_space<semaphore_mem>>) src(%dma_wait3A_303 : memref<10000x128xbf16, #tpu.memory_space<hbm>>) dst(%arg11 : memref<128x128xbf16, #tpu.memory_space<vmem>>)
    %run_scoped3A_304 = arith.constant 14 : i32
    "tpu.region"() ({
      %run_scoped3A_307 = tpu.sem_alloc : memref<!tpu.dma_semaphore, #tpu.memory_space<semaphore_mem>>
      %dma_start3A_308 = arith.constant 0 : i32
      %dma_start3A_309 = tpu.memref_slice %arg8[%run_scoped3A_304, %dma_start3A_308] : memref<32x128xi32, #tpu.memory_space<vmem>> -> memref<1x128xi32, #tpu.memory_space<vmem>>
      %dma_start3A_310 = tpu.memref_squeeze %dma_start3A_309 : memref<1x128xi32, #tpu.memory_space<vmem>> -> memref<128xi32, #tpu.memory_space<vmem>>
      %dma_start3A_311 = arith.constant 0 : i32
      %dma_start3A_312 = arith.constant 0 : i32
      %dma_start3A_313 = tpu.memref_slice %arg13[%dma_start3A_311, %dma_start3A_312] : memref<10112x128xbf16, #tpu.memory_space<vmem_shared>> -> memref<10112x128xbf16, #tpu.memory_space<vmem_shared>>
      tpu.enqueue_indirect_dma source(%arg11 : memref<128x128xbf16, #tpu.memory_space<vmem>>) target(%dma_start3A_313 : memref<10112x128xbf16, #tpu.memory_space<vmem_shared>>) offsets(%dma_start3A_310 : memref<128xi32, #tpu.memory_space<vmem>>) semaphore(%run_scoped3A_307 : memref<!tpu.dma_semaphore, #tpu.memory_space<semaphore_mem>>) {add = true}
      %dma_wait3A_314 = arith.constant 0 : i32
      %dma_wait3A_315 = tpu.memref_slice %arg8[%run_scoped3A_304, %dma_wait3A_314] : memref<32x128xi32, #tpu.memory_space<vmem>> -> memref<1x128xi32, #tpu.memory_space<vmem>>
      %dma_wait3A_316 = tpu.memref_squeeze %dma_wait3A_315 : memref<1x128xi32, #tpu.memory_space<vmem>> -> memref<128xi32, #tpu.memory_space<vmem>>
      %dma_wait3A_317 = arith.constant 0 : i32
      %dma_wait3A_318 = arith.constant 0 : i32
      %dma_wait3A_319 = tpu.memref_slice %arg13[%dma_wait3A_317, %dma_wait3A_318] : memref<10112x128xbf16, #tpu.memory_space<vmem_shared>> -> memref<10112x128xbf16, #tpu.memory_space<vmem_shared>>
      tpu.wait_indirect_dma semaphore(%run_scoped3A_307 : memref<!tpu.dma_semaphore, #tpu.memory_space<semaphore_mem>>) src(%arg11 : memref<128x128xbf16, #tpu.memory_space<vmem>>) dst(%dma_wait3A_319 : memref<10112x128xbf16, #tpu.memory_space<vmem_shared>>)
      tpu.yield
    }) : () -> ()
    %run_scoped3A_305 = arith.constant 14 : i32
    "tpu.region"() ({
      %run_scoped3A_307 = tpu.sem_alloc : memref<!tpu.dma_semaphore, #tpu.memory_space<semaphore_mem>>
      %dma_start3A_308 = arith.constant 0 : i32
      %dma_start3A_309 = tpu.memref_slice %arg8[%run_scoped3A_305, %dma_start3A_308] : memref<32x128xi32, #tpu.memory_space<vmem>> -> memref<1x128xi32, #tpu.memory_space<vmem>>
      %dma_start3A_310 = tpu.memref_squeeze %dma_start3A_309 : memref<1x128xi32, #tpu.memory_space<vmem>> -> memref<128xi32, #tpu.memory_space<vmem>>
      %dma_start3A_311 = arith.constant 0 : i32
      %dma_start3A_312 = arith.constant 0 : i32
      %dma_start3A_313 = tpu.memref_slice %arg20[%dma_start3A_311, %dma_start3A_312] : memref<10112x16xf32, #tpu.memory_space<vmem_shared>> -> memref<10112x16xf32, #tpu.memory_space<vmem_shared>>
      tpu.enqueue_indirect_dma source(%arg18 : memref<128x16xf32, #tpu.memory_space<vmem>>) target(%dma_start3A_313 : memref<10112x16xf32, #tpu.memory_space<vmem_shared>>) offsets(%dma_start3A_310 : memref<128xi32, #tpu.memory_space<vmem>>) semaphore(%run_scoped3A_307 : memref<!tpu.dma_semaphore, #tpu.memory_space<semaphore_mem>>) {add = true}
      %dma_wait3A_314 = arith.constant 0 : i32
      %dma_wait3A_315 = tpu.memref_slice %arg8[%run_scoped3A_305, %dma_wait3A_314] : memref<32x128xi32, #tpu.memory_space<vmem>> -> memref<1x128xi32, #tpu.memory_space<vmem>>
      %dma_wait3A_316 = tpu.memref_squeeze %dma_wait3A_315 : memref<1x128xi32, #tpu.memory_space<vmem>> -> memref<128xi32, #tpu.memory_space<vmem>>
      %dma_wait3A_317 = arith.constant 0 : i32
      %dma_wait3A_318 = arith.constant 0 : i32
      %dma_wait3A_319 = tpu.memref_slice %arg20[%dma_wait3A_317, %dma_wait3A_318] : memref<10112x16xf32, #tpu.memory_space<vmem_shared>> -> memref<10112x16xf32, #tpu.memory_space<vmem_shared>>
      tpu.wait_indirect_dma semaphore(%run_scoped3A_307 : memref<!tpu.dma_semaphore, #tpu.memory_space<semaphore_mem>>) src(%arg18 : memref<128x16xf32, #tpu.memory_space<vmem>>) dst(%dma_wait3A_319 : memref<10112x16xf32, #tpu.memory_space<vmem_shared>>)
      tpu.yield
    }) : () -> ()
    %barrier3A_306 = arith.constant 0 : index
    tpu.barrier barrier_id(%barrier3A_306)
    "tpu.region"() ({
      %run_scoped3A_307 = tpu.sem_alloc : memref<!tpu.dma_semaphore, #tpu.memory_space<semaphore_mem>>
      %dma_start3A_308 = arith.constant 0 : i32
      %dma_start3A_309 = tpu.memref_slice %arg5[%arg0, %mul3A_9, %dma_start3A_308] : memref<2x10112x128xbf16, #tpu.memory_space<hbm>> -> memref<1x632x128xbf16, #tpu.memory_space<hbm>>
      %dma_start3A_310 = tpu.memref_squeeze %dma_start3A_309 : memref<1x632x128xbf16, #tpu.memory_space<hbm>> -> memref<632x128xbf16, #tpu.memory_space<hbm>>
      %dma_start3A_311 = arith.constant 0 : i32
      %dma_start3A_312 = tpu.memref_slice %arg13[%mul3A_9, %dma_start3A_311] : memref<10112x128xbf16, #tpu.memory_space<vmem_shared>> -> memref<632x128xbf16, #tpu.memory_space<vmem_shared>>
      tpu.enqueue_dma source(%dma_start3A_312 : memref<632x128xbf16, #tpu.memory_space<vmem_shared>>) target(%dma_start3A_310 : memref<632x128xbf16, #tpu.memory_space<hbm>>) target_semaphore(%run_scoped3A_307 : memref<!tpu.dma_semaphore, #tpu.memory_space<semaphore_mem>>)
      %dma_wait3A_313 = arith.constant 0 : i32
      %dma_wait3A_314 = tpu.memref_slice %arg5[%arg0, %mul3A_9, %dma_wait3A_313] : memref<2x10112x128xbf16, #tpu.memory_space<hbm>> -> memref<1x632x128xbf16, #tpu.memory_space<hbm>>
      %dma_wait3A_315 = tpu.memref_squeeze %dma_wait3A_314 : memref<1x632x128xbf16, #tpu.memory_space<hbm>> -> memref<632x128xbf16, #tpu.memory_space<hbm>>
      %dma_wait3A_316 = arith.constant 0 : i32
      %dma_wait3A_317 = tpu.memref_slice %arg13[%mul3A_9, %dma_wait3A_316] : memref<10112x128xbf16, #tpu.memory_space<vmem_shared>> -> memref<632x128xbf16, #tpu.memory_space<vmem_shared>>
      tpu.wait_dma2 semaphore(%run_scoped3A_307 : memref<!tpu.dma_semaphore, #tpu.memory_space<semaphore_mem>>) src(%dma_wait3A_317 : memref<632x128xbf16, #tpu.memory_space<vmem_shared>>) dst(%dma_wait3A_315 : memref<632x128xbf16, #tpu.memory_space<hbm>>)
      tpu.yield
    }) : () -> ()
    "tpu.region"() ({
      %run_scoped3A_307 = tpu.sem_alloc : memref<!tpu.dma_semaphore, #tpu.memory_space<semaphore_mem>>
      %dma_start3A_308 = arith.constant 0 : i32
      %dma_start3A_309 = tpu.memref_slice %arg6[%arg0, %mul3A_9, %dma_start3A_308] : memref<2x10112x16xf32, #tpu.memory_space<hbm>> -> memref<1x632x16xf32, #tpu.memory_space<hbm>>
      %dma_start3A_310 = tpu.memref_squeeze %dma_start3A_309 : memref<1x632x16xf32, #tpu.memory_space<hbm>> -> memref<632x16xf32, #tpu.memory_space<hbm>>
      %dma_start3A_311 = arith.constant 0 : i32
      %dma_start3A_312 = tpu.memref_slice %arg20[%mul3A_9, %dma_start3A_311] : memref<10112x16xf32, #tpu.memory_space<vmem_shared>> -> memref<632x16xf32, #tpu.memory_space<vmem_shared>>
      tpu.enqueue_dma source(%dma_start3A_312 : memref<632x16xf32, #tpu.memory_space<vmem_shared>>) target(%dma_start3A_310 : memref<632x16xf32, #tpu.memory_space<hbm>>) target_semaphore(%run_scoped3A_307 : memref<!tpu.dma_semaphore, #tpu.memory_space<semaphore_mem>>)
      %dma_wait3A_313 = arith.constant 0 : i32
      %dma_wait3A_314 = tpu.memref_slice %arg6[%arg0, %mul3A_9, %dma_wait3A_313] : memref<2x10112x16xf32, #tpu.memory_space<hbm>> -> memref<1x632x16xf32, #tpu.memory_space<hbm>>
      %dma_wait3A_315 = tpu.memref_squeeze %dma_wait3A_314 : memref<1x632x16xf32, #tpu.memory_space<hbm>> -> memref<632x16xf32, #tpu.memory_space<hbm>>
      %dma_wait3A_316 = arith.constant 0 : i32
      %dma_wait3A_317 = tpu.memref_slice %arg20[%mul3A_9, %dma_wait3A_316] : memref<10112x16xf32, #tpu.memory_space<vmem_shared>> -> memref<632x16xf32, #tpu.memory_space<vmem_shared>>
      tpu.wait_dma2 semaphore(%run_scoped3A_307 : memref<!tpu.dma_semaphore, #tpu.memory_space<semaphore_mem>>) src(%dma_wait3A_317 : memref<632x16xf32, #tpu.memory_space<vmem_shared>>) dst(%dma_wait3A_315 : memref<632x16xf32, #tpu.memory_space<hbm>>)
      tpu.yield
    }) : () -> ()
    return
  }
}

module attributes {stable_mosaic.version = 14 : i64} {
  func.func @_tc_pre_body(%arg0: i32, %arg1: memref<1000x128xf32, #tpu.memory_space<vmem>>, %arg2: memref<128x128xf32, #tpu.memory_space<vmem>>, %arg3: memref<128x128xf32, #tpu.memory_space<vmem>>, %arg4: memref<1x128xf32, #tpu.memory_space<vmem>>, %arg5: memref<1000x128xbf16, #tpu.memory_space<vmem>>, %arg6: memref<1000x128xf32, #tpu.memory_space<vmem>>) attributes {dimension_semantics = [#tpu.dimension_semantics<arbitrary>], iteration_bounds = array<i64: 10>, scalar_prefetch = 0 : i64, scratch_operands = 0 : i64, tpu.core_type = #tpu.core_type<tc>, window_params = [{transform_indices = @transform_0, window_bounds = array<i64: 1000, 128>}, {pipeline_mode = #tpu.pipeline_mode<synchronous>, transform_indices = @transform_1, window_bounds = array<i64: 128, 128>}, {pipeline_mode = #tpu.pipeline_mode<synchronous>, transform_indices = @transform_2, window_bounds = array<i64: 128, 128>}, {pipeline_mode = #tpu.pipeline_mode<synchronous>, transform_indices = @transform_3, window_bounds = array<i64: 1, 128>}, {transform_indices = @transform_4, window_bounds = array<i64: 1000, 128>}, {transform_indices = @transform_5, window_bounds = array<i64: 1000, 128>}]} {
    %get3A = arith.constant 0 : index
    %get3A_0 = arith.constant 0 : index
    %get3A_1 = vector.load %arg1[%get3A, %get3A_0] : memref<1000x128xf32, #tpu.memory_space<vmem>>, vector<1000x128xf32>
    %get3A_2 = arith.constant 0 : index
    %get3A_3 = arith.constant 0 : index
    %get3A_4 = vector.load %arg2[%get3A_2, %get3A_3] : memref<128x128xf32, #tpu.memory_space<vmem>>, vector<128x128xf32>
    %dot_general3A = arith.constant dense<0.000000e+00> : vector<1000x128xf32>
    %dot_general3A_5 = tpu.matmul %get3A_1, %get3A_4, %dot_general3A {dimension_numbers = #tpu.dot_dimension_numbers<[1], [1], [0], [0], [0, 0, 1, 0], [], []>, transpose_lhs_hint = false} : vector<1000x128xf32>, vector<128x128xf32>, vector<1000x128xf32> -> vector<1000x128xf32>
    %convert_element_type3A = arith.truncf %dot_general3A_5 : vector<1000x128xf32> to vector<1000x128xbf16>
    %swap3A = arith.constant 0 : index
    %swap3A_6 = arith.constant 0 : index
    %swap3A_7 = vector.load %arg5[%swap3A, %swap3A_6] : memref<1000x128xbf16, #tpu.memory_space<vmem>>, vector<1000x128xbf16>
    tpu.vector_store %arg5[%swap3A, %swap3A_6], %convert_element_type3A {strides = array<i32>} : memref<1000x128xbf16, #tpu.memory_space<vmem>>, vector<1000x128xbf16>,
    %get3A_8 = arith.constant 0 : index
    %get3A_9 = arith.constant 0 : index
    %get3A_10 = vector.load %arg3[%get3A_8, %get3A_9] : memref<128x128xf32, #tpu.memory_space<vmem>>, vector<128x128xf32>
    %dot_general3A_11 = arith.constant dense<0.000000e+00> : vector<1000x128xf32>
    %dot_general3A_12 = tpu.matmul %get3A_1, %get3A_10, %dot_general3A_11 {dimension_numbers = #tpu.dot_dimension_numbers<[1], [1], [0], [0], [0, 0, 1, 0], [], []>, transpose_lhs_hint = false} : vector<1000x128xf32>, vector<128x128xf32>, vector<1000x128xf32> -> vector<1000x128xf32>
    %get3A_13 = arith.constant 0 : index
    %get3A_14 = arith.constant 0 : index
    %get3A_15 = vector.load %arg4[%get3A_13, %get3A_14] : memref<1x128xf32, #tpu.memory_space<vmem>>, vector<1x128xf32>
    %add3A = vector.broadcast %get3A_15 : vector<1x128xf32> to vector<1000x128xf32>
    %add3A_16 = arith.addf %dot_general3A_12, %add3A : vector<1000x128xf32>
    %swap3A_17 = arith.constant 0 : index
    %swap3A_18 = arith.constant 0 : index
    %swap3A_19 = vector.load %arg6[%swap3A_17, %swap3A_18] : memref<1000x128xf32, #tpu.memory_space<vmem>>, vector<1000x128xf32>
    tpu.vector_store %arg6[%swap3A_17, %swap3A_18], %add3A_16 {strides = array<i32>} : memref<1000x128xf32, #tpu.memory_space<vmem>>, vector<1000x128xf32>,
    return
  }
  func.func @transform_0(%arg0: i32) -> (i32, i32) {
    %c0_i32 = arith.constant 0 : i32
    %c0_i32_0 = arith.constant 0 : i32
    return %arg0, %c0_i32 : i32, i32
  }
  func.func @transform_1(%arg0: i32) -> (i32, i32) {
    %c0_i32 = arith.constant 0 : i32
    %c0_i32_0 = arith.constant 0 : i32
    %c0_i32_1 = arith.constant 0 : i32
    return %c0_i32, %c0_i32_0 : i32, i32
  }
  func.func @transform_2(%arg0: i32) -> (i32, i32) {
    %c0_i32 = arith.constant 0 : i32
    %c0_i32_0 = arith.constant 0 : i32
    %c0_i32_1 = arith.constant 0 : i32
    return %c0_i32, %c0_i32_0 : i32, i32
  }
  func.func @transform_3(%arg0: i32) -> (i32, i32) {
    %c0_i32 = arith.constant 0 : i32
    %c0_i32_0 = arith.constant 0 : i32
    %c0_i32_1 = arith.constant 0 : i32
    return %c0_i32, %c0_i32_0 : i32, i32
  }
  func.func @transform_4(%arg0: i32) -> (i32, i32) {
    %c0_i32 = arith.constant 0 : i32
    %c0_i32_0 = arith.constant 0 : i32
    return %arg0, %c0_i32 : i32, i32
  }
  func.func @transform_5(%arg0: i32) -> (i32, i32) {
    %c0_i32 = arith.constant 0 : i32
    %c0_i32_0 = arith.constant 0 : i32
    return %arg0, %c0_i32 : i32, i32
  }
}

module attributes {stable_mosaic.version = 14 : i64} {
  func.func @_tc_fin_body(%arg0: i32, %arg1: memref<2x1000x128xbf16, #tpu.memory_space<vmem>>, %arg2: memref<2x1000x16xf32, #tpu.memory_space<vmem>>, %arg3: memref<1000x128xf32, #tpu.memory_space<vmem>>, %arg4: memref<1000x128xf32, #tpu.memory_space<vmem>>) attributes {dimension_semantics = [#tpu.dimension_semantics<arbitrary>], iteration_bounds = array<i64: 10>, scalar_prefetch = 0 : i64, scratch_operands = 0 : i64, tpu.core_type = #tpu.core_type<tc>, window_params = [{transform_indices = @transform_0, window_bounds = array<i64: 2, 1000, 128>}, {transform_indices = @transform_1, window_bounds = array<i64: 2, 1000, 16>}, {transform_indices = @transform_2, window_bounds = array<i64: 1000, 128>}, {transform_indices = @transform_3, window_bounds = array<i64: 1000, 128>}]} {
    %get3A = arith.constant 0 : index
    %get3A_0 = arith.constant 0 : index
    %get3A_1 = arith.constant 0 : index
    %get3A_2 = vector.load %arg1[%get3A, %get3A_0, %get3A_1] : memref<2x1000x128xbf16, #tpu.memory_space<vmem>>, vector<1x1000x128xbf16>
    %get3A_3 = vector.shape_cast %get3A_2 : vector<1x1000x128xbf16> to vector<1000x128xbf16>
    %convert_element_type3A = arith.extf %get3A_3 : vector<1000x128xbf16> to vector<1000x128xf32>
    %get3A_4 = arith.constant 1 : index
    %get3A_5 = arith.constant 0 : index
    %get3A_6 = arith.constant 0 : index
    %get3A_7 = vector.load %arg1[%get3A_4, %get3A_5, %get3A_6] : memref<2x1000x128xbf16, #tpu.memory_space<vmem>>, vector<1x1000x128xbf16>
    %get3A_8 = vector.shape_cast %get3A_7 : vector<1x1000x128xbf16> to vector<1000x128xbf16>
    %convert_element_type3A_9 = arith.extf %get3A_8 : vector<1000x128xbf16> to vector<1000x128xf32>
    %add3A = arith.addf %convert_element_type3A, %convert_element_type3A_9 : vector<1000x128xf32>
    %get3A_10 = arith.constant 0 : index
    %get3A_11 = arith.constant 0 : index
    %get3A_12 = arith.constant 0 : index
    %get3A_13 = vector.load %arg2[%get3A_10, %get3A_11, %get3A_12] : memref<2x1000x16xf32, #tpu.memory_space<vmem>>, vector<1x1000x1xf32>
    %get3A_14 = vector.shape_cast %get3A_13 : vector<1x1000x1xf32> to vector<1000x1xf32>
    %get3A_15 = arith.constant 1 : index
    %get3A_16 = arith.constant 0 : index
    %get3A_17 = arith.constant 0 : index
    %get3A_18 = vector.load %arg2[%get3A_15, %get3A_16, %get3A_17] : memref<2x1000x16xf32, #tpu.memory_space<vmem>>, vector<1x1000x1xf32>
    %get3A_19 = vector.shape_cast %get3A_18 : vector<1x1000x1xf32> to vector<1000x1xf32>
    %add3A_20 = arith.addf %get3A_14, %get3A_19 : vector<1000x1xf32>
    %max3A = arith.constant 1.000000e+00 : f32
    %max3A_21 = vector.broadcast %max3A : f32 to vector<1000x1xf32>
    %max3A_22 = arith.maximumf %add3A_20, %max3A_21 : vector<1000x1xf32>
    %div3A = arith.constant 1.000000e+00 : f32
    %div3A_23 = vector.broadcast %div3A : f32 to vector<1000x1xf32>
    %div3A_24 = arith.divf %div3A_23, %max3A_22 : vector<1000x1xf32>
    %mul3A = vector.broadcast %div3A_24 : vector<1000x1xf32> to vector<1000x128xf32>
    %mul3A_25 = arith.mulf %add3A, %mul3A : vector<1000x128xf32>
    %get3A_26 = arith.constant 0 : index
    %get3A_27 = arith.constant 0 : index
    %get3A_28 = vector.load %arg3[%get3A_26, %get3A_27] : memref<1000x128xf32, #tpu.memory_space<vmem>>, vector<1000x128xf32>
    %add3A_29 = arith.addf %mul3A_25, %get3A_28 : vector<1000x128xf32>
    %swap3A = arith.constant 0 : index
    %swap3A_30 = arith.constant 0 : index
    %swap3A_31 = vector.load %arg4[%swap3A, %swap3A_30] : memref<1000x128xf32, #tpu.memory_space<vmem>>, vector<1000x128xf32>
    tpu.vector_store %arg4[%swap3A, %swap3A_30], %add3A_29 {strides = array<i32>} : memref<1000x128xf32, #tpu.memory_space<vmem>>, vector<1000x128xf32>,
    return
  }
  func.func @transform_0(%arg0: i32) -> (i32, i32, i32) {
    %c0_i32 = arith.constant 0 : i32
    %c0_i32_0 = arith.constant 0 : i32
    %c0_i32_1 = arith.constant 0 : i32
    return %c0_i32, %arg0, %c0_i32_0 : i32, i32, i32
  }
  func.func @transform_1(%arg0: i32) -> (i32, i32, i32) {
    %c0_i32 = arith.constant 0 : i32
    %c0_i32_0 = arith.constant 0 : i32
    %c0_i32_1 = arith.constant 0 : i32
    return %c0_i32, %arg0, %c0_i32_0 : i32, i32, i32
  }
  func.func @transform_2(%arg0: i32) -> (i32, i32) {
    %c0_i32 = arith.constant 0 : i32
    %c0_i32_0 = arith.constant 0 : i32
    return %arg0, %c0_i32 : i32, i32
  }
  func.func @transform_3(%arg0: i32) -> (i32, i32) {
    %c0_i32 = arith.constant 0 : i32
    %c0_i32_0 = arith.constant 0 : i32
    return %arg0, %c0_i32 : i32, i32
  }
}

module attributes {stable_mosaic.version = 14 : i64} {
  func.func @_tc_mid_body(%arg0: i32, %arg1: memref<2x1000x128xbf16, #tpu.memory_space<vmem>>, %arg2: memref<2x1000x16xf32, #tpu.memory_space<vmem>>, %arg3: memref<1000x128xf32, #tpu.memory_space<vmem>>, %arg4: memref<128x128xf32, #tpu.memory_space<vmem>>, %arg5: memref<128x128xf32, #tpu.memory_space<vmem>>, %arg6: memref<1x128xf32, #tpu.memory_space<vmem>>, %arg7: memref<1000x128xbf16, #tpu.memory_space<vmem>>, %arg8: memref<1000x128xf32, #tpu.memory_space<vmem>>) attributes {dimension_semantics = [#tpu.dimension_semantics<arbitrary>], iteration_bounds = array<i64: 10>, scalar_prefetch = 0 : i64, scratch_operands = 0 : i64, tpu.core_type = #tpu.core_type<tc>, window_params = [{transform_indices = @transform_0, window_bounds = array<i64: 2, 1000, 128>}, {transform_indices = @transform_1, window_bounds = array<i64: 2, 1000, 16>}, {transform_indices = @transform_2, window_bounds = array<i64: 1000, 128>}, {pipeline_mode = #tpu.pipeline_mode<synchronous>, transform_indices = @transform_3, window_bounds = array<i64: 128, 128>}, {pipeline_mode = #tpu.pipeline_mode<synchronous>, transform_indices = @transform_4, window_bounds = array<i64: 128, 128>}, {pipeline_mode = #tpu.pipeline_mode<synchronous>, transform_indices = @transform_5, window_bounds = array<i64: 1, 128>}, {transform_indices = @transform_6, window_bounds = array<i64: 1000, 128>}, {transform_indices = @transform_7, window_bounds = array<i64: 1000, 128>}]} {
    %get3A = arith.constant 0 : index
    %get3A_0 = arith.constant 0 : index
    %get3A_1 = arith.constant 0 : index
    %get3A_2 = vector.load %arg1[%get3A, %get3A_0, %get3A_1] : memref<2x1000x128xbf16, #tpu.memory_space<vmem>>, vector<1x1000x128xbf16>
    %get3A_3 = vector.shape_cast %get3A_2 : vector<1x1000x128xbf16> to vector<1000x128xbf16>
    %convert_element_type3A = arith.extf %get3A_3 : vector<1000x128xbf16> to vector<1000x128xf32>
    %get3A_4 = arith.constant 1 : index
    %get3A_5 = arith.constant 0 : index
    %get3A_6 = arith.constant 0 : index
    %get3A_7 = vector.load %arg1[%get3A_4, %get3A_5, %get3A_6] : memref<2x1000x128xbf16, #tpu.memory_space<vmem>>, vector<1x1000x128xbf16>
    %get3A_8 = vector.shape_cast %get3A_7 : vector<1x1000x128xbf16> to vector<1000x128xbf16>
    %convert_element_type3A_9 = arith.extf %get3A_8 : vector<1000x128xbf16> to vector<1000x128xf32>
    %add3A = arith.addf %convert_element_type3A, %convert_element_type3A_9 : vector<1000x128xf32>
    %get3A_10 = arith.constant 0 : index
    %get3A_11 = arith.constant 0 : index
    %get3A_12 = arith.constant 0 : index
    %get3A_13 = vector.load %arg2[%get3A_10, %get3A_11, %get3A_12] : memref<2x1000x16xf32, #tpu.memory_space<vmem>>, vector<1x1000x1xf32>
    %get3A_14 = vector.shape_cast %get3A_13 : vector<1x1000x1xf32> to vector<1000x1xf32>
    %get3A_15 = arith.constant 1 : index
    %get3A_16 = arith.constant 0 : index
    %get3A_17 = arith.constant 0 : index
    %get3A_18 = vector.load %arg2[%get3A_15, %get3A_16, %get3A_17] : memref<2x1000x16xf32, #tpu.memory_space<vmem>>, vector<1x1000x1xf32>
    %get3A_19 = vector.shape_cast %get3A_18 : vector<1x1000x1xf32> to vector<1000x1xf32>
    %add3A_20 = arith.addf %get3A_14, %get3A_19 : vector<1000x1xf32>
    %max3A = arith.constant 1.000000e+00 : f32
    %max3A_21 = vector.broadcast %max3A : f32 to vector<1000x1xf32>
    %max3A_22 = arith.maximumf %add3A_20, %max3A_21 : vector<1000x1xf32>
    %div3A = arith.constant 1.000000e+00 : f32
    %div3A_23 = vector.broadcast %div3A : f32 to vector<1000x1xf32>
    %div3A_24 = arith.divf %div3A_23, %max3A_22 : vector<1000x1xf32>
    %mul3A = vector.broadcast %div3A_24 : vector<1000x1xf32> to vector<1000x128xf32>
    %mul3A_25 = arith.mulf %add3A, %mul3A : vector<1000x128xf32>
    %get3A_26 = arith.constant 0 : index
    %get3A_27 = arith.constant 0 : index
    %get3A_28 = vector.load %arg3[%get3A_26, %get3A_27] : memref<1000x128xf32, #tpu.memory_space<vmem>>, vector<1000x128xf32>
    %add3A_29 = arith.addf %mul3A_25, %get3A_28 : vector<1000x128xf32>
    %max3A_30 = arith.constant 0.000000e+00 : f32
    %max3A_31 = vector.broadcast %max3A_30 : f32 to vector<1000x128xf32>
    %max3A_32 = arith.maximumf %add3A_29, %max3A_31 : vector<1000x128xf32>
    %get3A_33 = arith.constant 0 : index
    %get3A_34 = arith.constant 0 : index
    %get3A_35 = vector.load %arg4[%get3A_33, %get3A_34] : memref<128x128xf32, #tpu.memory_space<vmem>>, vector<128x128xf32>
    %dot_general3A = arith.constant dense<0.000000e+00> : vector<1000x128xf32>
    %dot_general3A_36 = tpu.matmul %max3A_32, %get3A_35, %dot_general3A {dimension_numbers = #tpu.dot_dimension_numbers<[1], [1], [0], [0], [0, 0, 1, 0], [], []>, transpose_lhs_hint = false} : vector<1000x128xf32>, vector<128x128xf32>, vector<1000x128xf32> -> vector<1000x128xf32>
    %convert_element_type3A_37 = arith.truncf %dot_general3A_36 : vector<1000x128xf32> to vector<1000x128xbf16>
    %swap3A = arith.constant 0 : index
    %swap3A_38 = arith.constant 0 : index
    %swap3A_39 = vector.load %arg7[%swap3A, %swap3A_38] : memref<1000x128xbf16, #tpu.memory_space<vmem>>, vector<1000x128xbf16>
    tpu.vector_store %arg7[%swap3A, %swap3A_38], %convert_element_type3A_37 {strides = array<i32>} : memref<1000x128xbf16, #tpu.memory_space<vmem>>, vector<1000x128xbf16>,
    %get3A_40 = arith.constant 0 : index
    %get3A_41 = arith.constant 0 : index
    %get3A_42 = vector.load %arg5[%get3A_40, %get3A_41] : memref<128x128xf32, #tpu.memory_space<vmem>>, vector<128x128xf32>
    %dot_general3A_43 = arith.constant dense<0.000000e+00> : vector<1000x128xf32>
    %dot_general3A_44 = tpu.matmul %max3A_32, %get3A_42, %dot_general3A_43 {dimension_numbers = #tpu.dot_dimension_numbers<[1], [1], [0], [0], [0, 0, 1, 0], [], []>, transpose_lhs_hint = false} : vector<1000x128xf32>, vector<128x128xf32>, vector<1000x128xf32> -> vector<1000x128xf32>
    %get3A_45 = arith.constant 0 : index
    %get3A_46 = arith.constant 0 : index
    %get3A_47 = vector.load %arg6[%get3A_45, %get3A_46] : memref<1x128xf32, #tpu.memory_space<vmem>>, vector<1x128xf32>
    %add3A_48 = vector.broadcast %get3A_47 : vector<1x128xf32> to vector<1000x128xf32>
    %add3A_49 = arith.addf %dot_general3A_44, %add3A_48 : vector<1000x128xf32>
    %swap3A_50 = arith.constant 0 : index
    %swap3A_51 = arith.constant 0 : index
    %swap3A_52 = vector.load %arg8[%swap3A_50, %swap3A_51] : memref<1000x128xf32, #tpu.memory_space<vmem>>, vector<1000x128xf32>
    tpu.vector_store %arg8[%swap3A_50, %swap3A_51], %add3A_49 {strides = array<i32>} : memref<1000x128xf32, #tpu.memory_space<vmem>>, vector<1000x128xf32>,
    return
  }
  func.func @transform_0(%arg0: i32) -> (i32, i32, i32) {
    %c0_i32 = arith.constant 0 : i32
    %c0_i32_0 = arith.constant 0 : i32
    %c0_i32_1 = arith.constant 0 : i32
    return %c0_i32, %arg0, %c0_i32_0 : i32, i32, i32
  }
  func.func @transform_1(%arg0: i32) -> (i32, i32, i32) {
    %c0_i32 = arith.constant 0 : i32
    %c0_i32_0 = arith.constant 0 : i32
    %c0_i32_1 = arith.constant 0 : i32
    return %c0_i32, %arg0, %c0_i32_0 : i32, i32, i32
  }
  func.func @transform_2(%arg0: i32) -> (i32, i32) {
    %c0_i32 = arith.constant 0 : i32
    %c0_i32_0 = arith.constant 0 : i32
    return %arg0, %c0_i32 : i32, i32
  }
  func.func @transform_3(%arg0: i32) -> (i32, i32) {
    %c0_i32 = arith.constant 0 : i32
    %c0_i32_0 = arith.constant 0 : i32
    %c0_i32_1 = arith.constant 0 : i32
    return %c0_i32, %c0_i32_0 : i32, i32
  }
  func.func @transform_4(%arg0: i32) -> (i32, i32) {
    %c0_i32 = arith.constant 0 : i32
    %c0_i32_0 = arith.constant 0 : i32
    %c0_i32_1 = arith.constant 0 : i32
    return %c0_i32, %c0_i32_0 : i32, i32
  }
  func.func @transform_5(%arg0: i32) -> (i32, i32) {
    %c0_i32 = arith.constant 0 : i32
    %c0_i32_0 = arith.constant 0 : i32
    %c0_i32_1 = arith.constant 0 : i32
    return %c0_i32, %c0_i32_0 : i32, i32
  }
  func.func @transform_6(%arg0: i32) -> (i32, i32) {
    %c0_i32 = arith.constant 0 : i32
    %c0_i32_0 = arith.constant 0 : i32
    return %arg0, %c0_i32 : i32, i32
  }
  func.func @transform_7(%arg0: i32) -> (i32, i32) {
    %c0_i32 = arith.constant 0 : i32
    %c0_i32_0 = arith.constant 0 : i32
    return %arg0, %c0_i32 : i32, i32
  }
}

</mosaic_0001>

<sc_bundles>
// kernel: kernel.10.cloned.1.call-start
scs
__scs_entry_jumppad:
0x0: {  	(pc) =	sbr.rel $0x88, $3  }
0x1: {  	(tag) =	ssettag $0x0;
	lr =	simm.s32 $0x1  }
0x2: {  	[smem:$0x3F99] =	sst lr;
	_ =	strace $0xD0000000  }
0x3: {  	_ = 	snop  }
0x4: {  	_ = 	snop  }
0x5: {  	_ = 	snop  }
0x6: {  	_ = 	snop  }
0x7: {  	_ = 	snop  }
__scs_overlays_trampoline_lowered:
0x8: {  	[smem:$0x3FA8] =	sst s0  }
0x9: {  	[smem:$0x3FA9] =	sst s1  }
0xa: {  	[smem:$0x3FAA] =	sst s2  }
0xb: {  	[smem:$0x3FAB] =	sst s3  }
0xc: {  	[smem:$0x3FAC] =	sst s4  }
0xd: {  	[smem:$0x3FAD] =	sst s5  }
0xe: {  	[smem:$0x3FAE] =	sst s6  }
0xf: {  	[smem:$0x3FAF] =	sst s7  }
0x10: {  	[smem:$0x3FB0] =	sst s8  }
0x11: {  	[smem:$0x3FB1] =	sst s9;
	s0 =	simm.s32 @!p0 $0x0  }
0x12: {  	s1 =	sld [smem:$0x3F97];
	s0 =	simm.s32 @p0 $0x1  }
0x13: {  	[smem:$0x3FB2] =	sst s0;
	s0 =	simm.s32 @!p1 $0x0  }
0x14: {  	s2 =	sld [smem:$0x3F96];
	s0 =	simm.s32 @p1 $0x1  }
0x15: {  	[smem:$0x3FB3] =	sst s0;
	s0 =	simm.s32 @!p2 $0x0  }
0x16: {  	s3 =	sld [smem:$0x3FDB];
	s0 =	simm.s32 @p2 $0x1  }
0x17: {  	s4 =	simm.s32 $0x1BF5;
	[smem:$0x3FB5] =	sst s0  }
0x18: {  	s0 =	sld [smem:$0x3F98];
	_ =	swait.ge [sflag:s4], $0x0  }
0x19: {  	s7 =	sld [smem:$0x3F99]  }
0x1a: {  	s8 =	sadd.s32 $0xFFFFE003, lr  }
0x1b: {  	s9 =	sadd.s32 $0xFFFFFEF7, lr;
	s5 =	simm.s32 $0xFFFFFFFF;
	p2 =	slt.u32 s8, $0xFFFFF086  }
0x1c: {  	p1 =	slt.u32 s9, $0xF7A;
	s5 =	simm.s32 @!p2 $0x0  }
0x1d: {  	s5 =	simm.s32 @p1 $0x1;
	p0 =	seq.s32 s7, s2  }
0x1e: {  	s7 =	smul.u32 @!p0 $0xF7A, s2;
	p2 =	seq.s32 @!p0 s5, $0x0  }
0x1f: {  	s9 =	smul.u32 $0xF7A, s1;
	s8 =	simm.s32 @!p0 $0x1BF5;
	p2 =	por !p2, p0  }
0x20: {  	[sflag:s8] =	ssyncset.s32 @!p0 $0xFFFFF086;
	s6 =	sadd.s32 @!p0 s3, s7;
	s7 =	simm.s32 @!p0 $0x108  }
0x21: {  	s3 =	sadd.s32 s3, s9;
	s6 =	sadd.s32 @!p0 $0x88, s6;
	s7 =	simm.s32 @p2 $0x1082  }
0x22: {  	[simem:s7], [sflag:s8] =	dma.local @!p0 [hbm:s6], $0xF7A  }
0x23: {  	s9 =	sor.u32 $0xD0000000, s2;
	s6 =	simm.s32 $0x108;
	_ =	swait.ge @!p0 [sflag:s8], $0x0  }
0x24: {  	s3 =	sadd.s32 $0x88, s3;
	s6 =	simm.s32 @!p1 $0x1082;
	[sflag:s4] =	ssyncset.s32 $0xFFFFF086  }
0x25: {  	[simem:s6], [sflag:s4] =	dma.local [hbm:s3], $0xF7A  }
0x26: {  	[smem:$0x3F99] =	sst s1;
	(tag) =	ssettag s2;
	_ =	strace s9  }
0x27: {  	s1 =	sld [smem:$0x3FA9]  }
0x28: {  	s2 =	sld [smem:$0x3FAA]  }
0x29: {  	s4 =	sld [smem:$0x3FAC]  }
0x2a: {  	p0 =	seq.s32 s5, $0x0;
	s5 =	sld [smem:$0x3FAD]  }
0x2b: {  	s6 =	sld [smem:$0x3FAE]  }
0x2c: {  	s7 =	sld [smem:$0x3FAF]  }
0x2d: {  	s3 =	simm.s32 $0x108;
	s8 =	sld [smem:$0x3FB0]  }
0x2e: {  	s3 =	simm.s32 @!p0 $0x1082;
	s9 =	sld [smem:$0x3FB1]  }
0x2f: {  	lr =	sadd.s32 s0, s3;
	s0 =	sld [smem:$0x3FA8]  }
0x30: {  	s3 =	sld [smem:$0x3FAB]  }
0x31: {  	[smem:$0x3FB4] =	sst s10  }
0x32: {  	s10 =	sld [smem:$0x3FB2];
	_ =	sdelay $0x3  }
0x33: {  	p0 =	seq.s32 s10, $0x1;
	s10 =	sld [smem:$0x3FB4];
	_ =	sdelay $0x3  }
0x34: {  	[smem:$0x3FB4] =	sst s10  }
0x35: {  	s10 =	sld [smem:$0x3FB3];
	_ =	sdelay $0x3  }
0x36: {  	p1 =	seq.s32 s10, $0x1;
	s10 =	sld [smem:$0x3FB4];
	_ =	sdelay $0x3  }
0x37: {  	[smem:$0x3FB4] =	sst s10  }
0x38: {  	s10 =	sld [smem:$0x3FB5]  }
0x39: {  	_ = 	snop;
	(pc) =	sbr.ind lr, $3  }
0x3a: {  	_ = 	snop  }
0x3b: {  	_ = 	snop  }
0x3c: {  	p2 =	seq.s32 s10, $0x1;
	s10 =	sld [smem:$0x3FB4]  }
0x3d: {  	_ =	shalt  }
0x3e: {  	_ =	shalt  }
0x3f: {  	_ =	shalt  }
0x40: {  	_ =	shalt  }
0x41: {  	_ =	shalt  }
0x42: {  	_ =	shalt  }
0x43: {  	_ =	shalt  }
0x44: {  	_ =	shalt  }
0x45: {  	_ =	shalt  }
0x46: {  	_ =	shalt  }
0x47: {  	_ =	shalt  }
0x48: {  	_ =	shalt  }
0x49: {  	_ =	shalt  }
0x4a: {  	_ =	shalt  }
0x4b: {  	_ =	shalt  }
0x4c: {  	_ =	shalt  }
0x4d: {  	_ =	shalt  }
0x4e: {  	_ =	shalt  }
0x4f: {  	_ =	shalt  }
0x50: {  	_ =	shalt  }
0x51: {  	_ =	shalt  }
0x52: {  	_ =	shalt  }
0x53: {  	_ =	shalt  }
0x54: {  	_ =	shalt  }
0x55: {  	_ =	shalt  }
0x56: {  	_ =	shalt  }
0x57: {  	_ =	shalt  }
0x58: {  	_ =	shalt  }
0x59: {  	_ =	shalt  }
0x5a: {  	_ =	shalt  }
0x5b: {  	_ =	shalt  }
0x5c: {  	_ =	shalt  }
0x5d: {  	_ =	shalt  }
0x5e: {  	_ =	shalt  }
0x5f: {  	_ =	shalt  }
0x60: {  	_ =	shalt  }
0x61: {  	_ =	shalt  }
0x62: {  	_ =	shalt  }
0x63: {  	_ =	shalt  }
0x64: {  	_ =	shalt  }
0x65: {  	_ =	shalt  }
0x66: {  	_ =	shalt  }
0x67: {  	_ =	shalt  }
0x68: {  	_ =	shalt  }
0x69: {  	_ =	shalt  }
0x6a: {  	_ =	shalt  }
0x6b: {  	_ =	shalt  }
0x6c: {  	_ =	shalt  }
0x6d: {  	_ =	shalt  }
0x6e: {  	_ =	shalt  }
0x6f: {  	_ =	shalt  }
0x70: {  	_ =	shalt  }
0x71: {  	_ =	shalt  }
0x72: {  	_ =	shalt  }
0x73: {  	_ =	shalt  }
0x74: {  	_ =	shalt  }
0x75: {  	_ =	shalt  }
0x76: {  	_ =	shalt  }
0x77: {  	_ =	shalt  }
0x78: {  	_ =	shalt  }
0x79: {  	_ =	shalt  }
0x7a: {  	_ =	shalt  }
0x7b: {  	_ =	shalt  }
0x7c: {  	_ =	shalt  }
0x7d: {  	_ =	shalt  }
0x7e: {  	_ =	shalt  }
0x7f: {  	_ =	shalt  }
0x80: {  	_ =	shalt  }
0x81: {  	_ =	shalt  }
0x82: {  	_ =	shalt  }
0x83: {  	_ =	shalt  }
0x84: {  	_ =	shalt  }
0x85: {  	_ =	shalt  }
0x86: {  	_ =	shalt  }
0x87: {  	_ =	shalt  }
.Lfunc_end0:
.L_simem_size_0:
called_computation.1_lowered:
.L_overlay_start_0:
0x88: {  	s2 =	sld [smem:$0x3FD9]  }
0x89: {  	s3 =	sld [smem:$0x3FFE];
	_ =	sdelay $0x1  }
0x8a: {  	s1 =	srdreg.scid  }
0x8b: {  	s0 =	sand.u32 $0x1, s1  }
0x8c: {  	s17 =	sshll.u32 s0, $0xA;
	s2 =	sadd.s32 s3, s2  }
0x8d: {  	s2 =	sadd.s32 s2, s17  }
0x8e: {  	[smem:$0x3FC0] =	sst s2  }
0x8f: {  	_ = 	snop  }
0x90: {  	s2 =	sld [smem:$0x3FD0];
	(tm) =	ssettm $0x1  }
0x91: {  	s18 =	sld [smem:$0x3FFB];
	_ =	sdelay $0x3  }
0x92: {  	_ =	strace s18  }
0x93: {  	s3 =	sld [smem:$0x3FFC];
	_ =	sdelay $0x3  }
0x94: {  	_ =	strace s3  }
0x95: {  	s3 =	sld [smem:$0x3FFD];
	_ =	sdelay $0x3  }
0x96: {  	_ =	strace s3  }
0x97: {  	_ =	strace $0x8FFFFFFF  }
0x98: {  	s19 =	sld [smem:$0x3FDB];
	_ =	sdelay $0x1  }
0x99: {  	s4 =	simm.s32 $_scs_section_size  }
0x9a: {  	s5 =	simm.s32 $_size__tile_overlayer_lowered;
	s6 =	simm.s32 $_tile_overlayer_lowered  }
0x9b: {  	s22 =	simm.s32 $0x1BFF;
	s21 =	sshll.u32 s6, $0x1;
	s3 =	sadd.s32 s4, s19  }
0x9c: {  	s7 =	simm.s32 $0x0;
	s20 =	sshll.u32 s5, $0x1;
	s5 =	sadd.s32 s21, s3  }
0x9d: {  	[timem:s7], [sflag:s22] =	dma.local [hbm:s5], s20  }
0x9e: {  	_ =	swait.ge [sflag:s22], s20  }
0x9f: {  	s4 =	ssub.s32 $0x0, s20;
	[sflag:s22] =	ssyncset.done $0x0  }
0xa0: {  	[sflag:s22] =	ssyncadd.s32 s4;
	_ =	sdelay $0x1  }
0xa1: {  	s23 =	simm.s32 $0x1B8B  }
0xa2: {  	_ =	swait.ge [sflag:s23], $0x1  }
0xa3: {  	[sflag:s23] =	ssyncset.done $0x0  }
0xa4: {  	s25 =	simm.s32 $0x1B8E;
	s24 =	sld [smem:$0x3FFE];
	[sflag:s23] =	ssyncadd.s32 $0xFFFFFFFF  }
0xa5: {  	s26 =	simm.s32 $execute0_lowered;
	[smem:$0x3FD2] =	sst s25  }
0xa6: {  	s5 =	sshll.u32 s26, $0x1;
	_ =	strace $0x80000049;
	[dreg:$0x1] =	wrdreg $0xFFFFFFFF  }
0xa7: {  	s28 =	simm.s32 $_size_execute0_lowered;
	s3 =	sadd.s32 s3, s5;
	[dreg:$0x0] =	wrdreg $0x0  }
0xa8: {  	s5 =	sshll.u32 s28, $0x1;
	[dreg:$0x2] =	wrdreg s3  }
0xa9: {  	[dreg:$0x3] =	wrdreg s5  }
0xaa: {  	[dreg:$0x4] =	wrdreg $0xC0  }
0xab: {  	_ =	task [dreg:s7], $0x5FFFF  }
0xac: {  	[dreg:$0x1] =	wrdreg $0xFFFFFFFF  }
0xad: {  	[dreg:$0x0] =	wrdreg $0x60  }
0xae: {  	[dreg:$0x2] =	wrdreg s2  }
0xaf: {  	[dreg:$0x3] =	wrdreg s24  }
0xb0: {  	[dreg:$0x4] =	wrdreg $0xA0000  }
0xb1: {  	[dreg:$0x5] =	wrdreg $0x9  }
0xb2: {  	_ =	task.clear_ibuf [dreg:s7], $0x6FFFF;
	_ =	strace $0x90000049  }
0xb3: {  	s29 =	simm.s32 $0x9;
	_ =	strace $0x8000004B  }
0xb4: {  	_ =	swait.ge [sflag:s29], $0x1  }
0xb5: {  	[sflag:s29] =	ssyncadd.s32 $0xFFFFFFFF  }
0xb6: {  	_ =	strace $0x9000004B  }
0xb7: {  	_ =	sfence  }
0xb8: {  	s30 =	sld [smem:$0x0];
	_ =	sdelay $0x2  }
0xb9: {  	s31 =	sshll.u32 s1, $0xD;
	s1 =	sshrl.u32 s1, $0x2  }
0xba: {  	s3 =	sand.u32 $0x4000, s31;
	s1 =	sadd.s32 s1, s30  }
0xbb: {  	s0 =	sor.u32 s3, s0;
	s1 =	sshll.u32 s1, $0x11  }
0xbc: {  	s0 =	sor.u32 s1, s0  }
0xbd: {  	s0 =	sadd.s32 $0x8F2B, s0  }
0xbe: {  	[sflag:s0] =	ssyncadd.remote.s32 $0x1  }
0xbf: {  	_ =	sfence.sel $0xFFFF  }
0xc0: {  	[dreg:$0x0] =	wrdreg $0xFFFFFFFF;
	(pc) =	sbr.abs _section_cstart, $3  }
0xc1: {  	[dreg:$0x1] =	wrdreg $0xFFFFFFFF  }
0xc2: {  	_ =	task.clear_ibuf [dreg:s7], $0x2FFFF;
	_ =	strace $0x9FFFFFFF  }
0xc3: {  	(tm) =	ssettm $0x7FFFFFFF  }
tec
execute0_lowered:
.L_overlay_start_1:
0x0: {  	(tag) =	ssettag $0x1  }
0x1: {  	s1 =	rddreg [dreg:$0x0]  }
0x2: {  	s0 =	rddreg [dreg:$0x1]  }
0x3: {  	s3 =	rddreg [dreg:$0x2]  }
0x4: {  	s2 =	srdreg.scid;
	s11 =	stileid.u32;
	s4 =	simm.s32 $0x0  }
0x5: {  	s18 =	simm.s32 $0x2000;
	s28 =	simm.s32 $0x2;
	s29 =	simm.s32 $0x3  }
0x6: {  	s30 =	simm.s32 $0x4;
	s31 =	simm.s32 $0xF80;
	s2 =	sand.u32 $0x1, s2  }
0x7: {  	s5 =	smul.u32 $0x13C00, s11;
	[smem:$0x7FF] =	sst s4;
	s7 =	sadd.s32 $0xC200, s0  }
0x8: {  	s8 =	sadd.s32 $0x2400, s0;
	s10 =	smul.u32 $0x27800, s11;
	s11 =	sshll.u32 s11, $0x1  }
0x9: {  	s6 =	smul.u32 $0x13C000, s2;
	s9 =	ssub.s32 $0x2, s2;
	s2 =	sor.u32 s2, s11  }
0xa: {  	_ =	strace $0x8000004A;
	s19 =	sshrl.u32 s9, $0x1;
	s2 =	smul.u32 $0x2780, s2  }
0xb: {  	s20 =	sshrl.u32 s10, $0x2;
	s6 =	sadd.s32 s5, s6;
	s5 =	sshrl.u32 s5, $0x1  }
0xc: {  	s6 =	sshrl.u32 s6, $0x4;
	s5 =	sadd.s32 s5, s3;
	s2 =	sshrl.u32 s2, $0x3  }
0xd: {  	s0 =	sadd.s32 s6, s0;
	s6 =	ssub.s32 s9, s19;
	s9 =	sadd.s32 s20, s3  }
0xe: {  	s24 =	sadd.s32 s7, s2;
	s25 =	sadd.s32 s8, s2;
	s26 =	sadd.s32 $0x200, s2  }
0xf: {  	s2 =	sadd.s32 $0x400, s2;
	s19 =	simm.s32 $0x5;
	s20 =	simm.s32 $0x1000  }
0x10: {  	s21 =	sadd.s32 $0x2000, s9;
	s22 =	sadd.s32 $0x4000, s9;
	[dreg:$0x8] =	wrdreg s24  }
0x11: {  	s23 =	sadd.s32 $0x6000, s9;
	s9 =	sadd.s32 $0x8000, s9;
	[dreg:$0x9] =	wrdreg s25  }
0x12: {  	s12 =	sadd.s32 s7, s26;
	s13 =	sadd.s32 s8, s26;
	s14 =	sadd.s32 s7, s2  }
0x13: {  	s15 =	sadd.s32 s8, s2;
	s16 =	sadd.s32 $0x65000, s0;
	s17 =	smax.u32 s6, $0x1  }
0x14: {  	s24 =	simm.s32 $0x6000;
	s25 =	simm.s32 $0x1;
	[dreg:$0x4] =	wrdreg s21  }
0x15: {  	s26 =	simm.s32 $0x8000;
	s0 =	simm.s32 $0x1E00;
	[dreg:$0x5] =	wrdreg s22  }
0x16: {  	s2 =	simm.s32 $0x1E80;
	s6 =	simm.s32 $0x1F00;
	[dreg:$0x6] =	wrdreg s23  }
0x17: {  	s7 =	simm.s32 $0x1F80;
	s8 =	simm.s32 $0x0;
	[dreg:$0x7] =	wrdreg s9  }
0x18: {  	v0 =	vimm.bf16 $0.0e+00;
	s21 =	simm.s32 $0x80;
	s22 =	simm.s32 $0x4000;
	s23 =	simm.s32 $0x100  }
.LBB2_1:
0x19: {  	s10 =	simm.s32 $0x100;
	s9 =	simm.s32 $0x0  }
.LBB2_2:
0x1a: {  	p0 =	sne.s32 s10, $0x7F00;
	[tilespmem:s9+$0x2030] =	vst v0;
	s11 =	smov.u32 s10;
	s10 =	sadd.s32 $0x100, s10  }
.Ltmp0:
0x1b: {  	[tilespmem:s9+$0x2020] =	vst v0;
	(pc) =	sbr.rel @p0 .LBB2_2-.Ltmp0, $3  }
0x1c: {  	[tilespmem:s9+$0x2000] =	vst v0  }
0x1d: {  	[tilespmem:s9+$0x2010] =	vst v0;
	_ =	sdelay $0x1  }
0x1e: {  	s9 =	sshra.s32 s11, $0x2  }
0x1f: {  	[tilespmem:s9+$0x2030] =	vst v0  }
0x20: {  	[tilespmem:s9+$0x2020] =	vst v0  }
0x21: {  	[tilespmem:s9+$0x2000] =	vst v0  }
0x22: {  	[tilespmem:s9+$0x2010] =	vst v0  }
0x23: {  	[spmem:s5] =	stream.linear.scatter [tilespmem:s18], [sflag:$0x5], $0x2000, $0x38;
	[tilespmem:$0x13E00] =	vst v63  }
0x24: {  	_ =	swait.ge [sflag:s19], $0x2000  }
0x25: {  	[sflag:s19] =	ssyncset.done $0x0  }
0x26: {  	s11 =	rddreg [dreg:$0x4];
	[sflag:s19] =	ssyncadd.s32 $0xFFFFE000  }
0x27: {  	[spmem:s11] =	stream.linear.scatter [tilespmem:s18], [sflag:$0x5], $0x2000, $0x38;
	[tilespmem:$0x13E00] =	vst v63  }
0x28: {  	_ =	swait.ge [sflag:s19], $0x2000  }
0x29: {  	[sflag:s19] =	ssyncset.done $0x0  }
0x2a: {  	s10 =	rddreg [dreg:$0x5];
	[sflag:s19] =	ssyncadd.s32 $0xFFFFE000  }
0x2b: {  	[spmem:s10] =	stream.linear.scatter [tilespmem:s18], [sflag:$0x5], $0x2000, $0x38;
	[tilespmem:$0x13E00] =	vst v63  }
0x2c: {  	_ =	swait.ge [sflag:s19], $0x2000  }
0x2d: {  	[sflag:s19] =	ssyncset.done $0x0  }
0x2e: {  	s11 =	rddreg [dreg:$0x6];
	[sflag:s19] =	ssyncadd.s32 $0xFFFFE000  }
0x2f: {  	[spmem:s11] =	stream.linear.scatter [tilespmem:s18], [sflag:$0x5], $0x2000, $0x38;
	[tilespmem:$0x13E00] =	vst v63  }
0x30: {  	_ =	swait.ge [sflag:s19], $0x2000  }
0x31: {  	[sflag:s19] =	ssyncset.done $0x0  }
0x32: {  	s10 =	rddreg [dreg:$0x7];
	[sflag:s19] =	ssyncadd.s32 $0xFFFFE000  }
0x33: {  	[spmem:s10] =	stream.linear.scatter [tilespmem:s18], [sflag:$0x5], $0x1E00, $0x38;
	[tilespmem:$0x13E00] =	vst v63  }
0x34: {  	_ =	swait.ge [sflag:s19], $0x1E00  }
0x35: {  	[sflag:s19] =	ssyncset.done $0x0  }
0x36: {  	[sflag:s19] =	ssyncadd.s32 $0xFFFFE200  }
0x37: {  	[bflag:$0x0] =	sbarrier.arrive $0xFFFF  }
0x38: {  	s9 =	simm.s32 $0x0;
	s10 =	rddreg [dreg:$0x8]  }
0x39: {  	[tilespmem:s9], [sflag:$0x5] =	stream.linear.gather [hbm4b:s10+s9], $0x1000, $0x38;
	[tilespmem:$0x13E00] =	vst v63  }
0x3a: {  	_ =	swait.ge [sflag:s19], $0x1000  }
0x3b: {  	[sflag:s19] =	ssyncset.done $0x0  }
0x3c: {  	s11 =	rddreg [dreg:$0x9];
	[sflag:s19] =	ssyncadd.s32 $0xFFFFF000  }
0x3d: {  	[tilespmem:s20], [sflag:$0x5] =	stream.linear.gather [hbm4b:s11+s9], $0x1000, $0x38;
	[tilespmem:$0x13E00] =	vst v63  }
0x3e: {  	_ =	swait.ge [sflag:s19], $0x1000  }
0x3f: {  	[sflag:s19] =	ssyncset.done $0x0  }
0x40: {  	[sflag:s19] =	ssyncadd.s32 $0xFFFFF000  }
0x41: {  	[tilespmem:s18], [sflag:$0x1] =	stream.indirect.gather [hbm4b:s1+s21], $0x40, s9, s21, $0xb8;
	[tilespmem:$0x13E00] =	vst v63  }
0x42: {  	_ = 	snop  }
0x43: {  	[tilespmem:s22], [sflag:$0x2] =	stream.indirect.gather [hbm4b:s1+s21], $0x40, s21, s21, $0xb8;
	[tilespmem:$0x13E00] =	vst v63  }
0x44: {  	_ = 	snop  }
0x45: {  	[tilespmem:s24], [sflag:$0x3] =	stream.indirect.gather [hbm4b:s1+s21], $0x40, s23, s21, $0xb8;
	[tilespmem:$0x13E00] =	vst v63  }
0x46: {  	_ =	swait.ge [sflag:s25], $0x2000  }
0x47: {  	[sflag:s25] =	ssyncset.done $0x0  }
0x48: {  	s10 =	simm.s32 $0x180;
	[sflag:s25] =	ssyncadd.s32 $0xFFFFE000  }
0x49: {  	[tilespmem:s26], [sflag:$0x4] =	stream.indirect.gather [hbm4b:s1+s21], $0x40, s10, s21, $0xb8;
	[tilespmem:$0x13E00] =	vst v63  }
0x4a: {  	s11 =	simm.s32 $0x1000  }
0x4b: {  	[spmem:s3] =	stream.indirect.scatter.add.bf16 [tilespmem:s18], [sflag:$0x5], $0x40, s11, s21, $0xb8;
	[tilespmem:$0x13E00] =	vst v63  }
0x4c: {  	_ =	swait.ge [sflag:s19], $0x2000  }
0x4d: {  	[sflag:s19] =	ssyncset.done $0x0  }
0x4e: {  	[sflag:s19] =	ssyncadd.s32 $0xFFFFE000  }
0x4f: {  	_ =	swait.ge [sflag:s28], $0x2000  }
0x50: {  	[sflag:s28] =	ssyncset.done $0x0  }
0x51: {  	s10 =	simm.s32 $0x200;
	[sflag:s28] =	ssyncadd.s32 $0xFFFFE000  }
0x52: {  	[tilespmem:s18], [sflag:$0x1] =	stream.indirect.gather [hbm4b:s1+s21], $0x40, s10, s21, $0xb8;
	[tilespmem:$0x13E00] =	vst v63  }
0x53: {  	s11 =	simm.s32 $0x1080  }
0x54: {  	[spmem:s3] =	stream.indirect.scatter.add.bf16 [tilespmem:s22], [sflag:$0x5], $0x40, s11, s21, $0xb8;
	[tilespmem:$0x13E00] =	vst v63  }
0x55: {  	_ =	swait.ge [sflag:s19], $0x2000  }
0x56: {  	[sflag:s19] =	ssyncset.done $0x0  }
0x57: {  	[sflag:s19] =	ssyncadd.s32 $0xFFFFE000  }
0x58: {  	_ =	swait.ge [sflag:s29], $0x2000  }
0x59: {  	[sflag:s29] =	ssyncset.done $0x0  }
0x5a: {  	s10 =	simm.s32 $0x280;
	[sflag:s29] =	ssyncadd.s32 $0xFFFFE000  }
0x5b: {  	[tilespmem:s22], [sflag:$0x2] =	stream.indirect.gather [hbm4b:s1+s21], $0x40, s10, s21, $0xb8;
	[tilespmem:$0x13E00] =	vst v63  }
0x5c: {  	s11 =	simm.s32 $0x1100  }
0x5d: {  	[spmem:s3] =	stream.indirect.scatter.add.bf16 [tilespmem:s24], [sflag:$0x5], $0x40, s11, s21, $0xb8;
	[tilespmem:$0x13E00] =	vst v63  }
0x5e: {  	_ =	swait.ge [sflag:s19], $0x2000  }
0x5f: {  	[sflag:s19] =	ssyncset.done $0x0  }
0x60: {  	[sflag:s19] =	ssyncadd.s32 $0xFFFFE000  }
0x61: {  	_ =	swait.ge [sflag:s30], $0x2000  }
0x62: {  	[sflag:s30] =	ssyncset.done $0x0  }
0x63: {  	s10 =	simm.s32 $0x300;
	[sflag:s30] =	ssyncadd.s32 $0xFFFFE000  }
0x64: {  	[tilespmem:s24], [sflag:$0x3] =	stream.indirect.gather [hbm4b:s1+s21], $0x40, s10, s21, $0xb8;
	[tilespmem:$0x13E00] =	vst v63  }
0x65: {  	s11 =	simm.s32 $0x1180  }
0x66: {  	[spmem:s3] =	stream.indirect.scatter.add.bf16 [tilespmem:s26], [sflag:$0x5], $0x40, s11, s21, $0xb8;
	[tilespmem:$0x13E00] =	vst v63  }
0x67: {  	_ =	swait.ge [sflag:s19], $0x2000  }
0x68: {  	s9 =	simm.s32 $0x800;
	[sflag:s19] =	ssyncset.done $0x0  }
.LBB2_4:
0x69: {  	p0 =	sne.s32 s9, $0x3000  }
0x6a: {  	[sflag:s19] =	ssyncadd.s32 $0xFFFFE000;
	s10 =	smov.u32 s9;
	s9 =	sadd.s32 $0x800, s9  }
0x6b: {  	_ = 	snop  }
0x6c: {  	_ =	swait.ge [sflag:s25], $0x2000  }
0x6d: {  	s10 =	sshra.s32 s10, $0x2;
	[sflag:s25] =	ssyncset.done $0x0  }
0x6e: {  	s11 =	sadd.s32 $0x180, s10;
	[sflag:s25] =	ssyncadd.s32 $0xFFFFE000  }
0x6f: {  	[tilespmem:s26], [sflag:$0x4] =	stream.indirect.gather [hbm4b:s1+s21], $0x40, s11, s21, $0xb8;
	[tilespmem:$0x13E00] =	vst v63  }
0x70: {  	s11 =	sadd.s32 $0x1000, s10  }
0x71: {  	[spmem:s3] =	stream.indirect.scatter.add.bf16 [tilespmem:s18], [sflag:$0x5], $0x40, s11, s21, $0xb8;
	[tilespmem:$0x13E00] =	vst v63  }
0x72: {  	_ =	swait.ge [sflag:s19], $0x2000  }
0x73: {  	[sflag:s19] =	ssyncset.done $0x0  }
0x74: {  	[sflag:s19] =	ssyncadd.s32 $0xFFFFE000  }
0x75: {  	_ =	swait.ge [sflag:s28], $0x2000  }
0x76: {  	[sflag:s28] =	ssyncset.done $0x0  }
0x77: {  	s11 =	sadd.s32 $0x200, s10;
	[sflag:s28] =	ssyncadd.s32 $0xFFFFE000  }
0x78: {  	[tilespmem:s18], [sflag:$0x1] =	stream.indirect.gather [hbm4b:s1+s21], $0x40, s11, s21, $0xb8;
	[tilespmem:$0x13E00] =	vst v63  }
0x79: {  	s11 =	sadd.s32 $0x1080, s10  }
0x7a: {  	[spmem:s3] =	stream.indirect.scatter.add.bf16 [tilespmem:s22], [sflag:$0x5], $0x40, s11, s21, $0xb8;
	[tilespmem:$0x13E00] =	vst v63  }
0x7b: {  	_ =	swait.ge [sflag:s19], $0x2000  }
0x7c: {  	[sflag:s19] =	ssyncset.done $0x0  }
0x7d: {  	[sflag:s19] =	ssyncadd.s32 $0xFFFFE000  }
0x7e: {  	_ =	swait.ge [sflag:s29], $0x2000  }
0x7f: {  	[sflag:s29] =	ssyncset.done $0x0  }
0x80: {  	s11 =	sadd.s32 $0x280, s10;
	[sflag:s29] =	ssyncadd.s32 $0xFFFFE000  }
0x81: {  	[tilespmem:s22], [sflag:$0x2] =	stream.indirect.gather [hbm4b:s1+s21], $0x40, s11, s21, $0xb8;
	[tilespmem:$0x13E00] =	vst v63  }
0x82: {  	s11 =	sadd.s32 $0x1100, s10  }
0x83: {  	[spmem:s3] =	stream.indirect.scatter.add.bf16 [tilespmem:s24], [sflag:$0x5], $0x40, s11, s21, $0xb8;
	[tilespmem:$0x13E00] =	vst v63  }
0x84: {  	_ =	swait.ge [sflag:s19], $0x2000  }
0x85: {  	[sflag:s19] =	ssyncset.done $0x0  }
0x86: {  	[sflag:s19] =	ssyncadd.s32 $0xFFFFE000  }
0x87: {  	_ =	swait.ge [sflag:s30], $0x2000  }
0x88: {  	[sflag:s30] =	ssyncset.done $0x0  }
0x89: {  	s11 =	sadd.s32 $0x300, s10;
	[sflag:s30] =	ssyncadd.s32 $0xFFFFE000  }
0x8a: {  	[tilespmem:s24], [sflag:$0x3] =	stream.indirect.gather [hbm4b:s1+s21], $0x40, s11, s21, $0xb8;
	[tilespmem:$0x13E00] =	vst v63  }
.Ltmp1:
0x8b: {  	_ = 	snop;
	(pc) =	sbr.rel @p0 .LBB2_4-.Ltmp1, $4  }
0x8c: {  	s10 =	sadd.s32 $0x1180, s10  }
0x8d: {  	[spmem:s3] =	stream.indirect.scatter.add.bf16 [tilespmem:s26], [sflag:$0x5], $0x40, s10, s21, $0xb8;
	[tilespmem:$0x13E00] =	vst v63  }
0x8e: {  	_ =	swait.ge [sflag:s19], $0x2000  }
0x8f: {  	[sflag:s19] =	ssyncset.done $0x0  }
0x90: {  	[sflag:s19] =	ssyncadd.s32 $0xFFFFE000  }
0x91: {  	_ =	swait.ge [sflag:s25], $0x2000  }
0x92: {  	[sflag:s25] =	ssyncset.done $0x0  }
0x93: {  	[sflag:s25] =	ssyncadd.s32 $0xFFFFE000  }
0x94: {  	[tilespmem:s26], [sflag:$0x4] =	stream.indirect.gather [hbm4b:s1+s21], $0x40, s31, s21, $0xb8;
	[tilespmem:$0x13E00] =	vst v63  }
0x95: {  	_ = 	snop  }
0x96: {  	[spmem:s3] =	stream.indirect.scatter.add.bf16 [tilespmem:s18], [sflag:$0x5], $0x40, s0, s21, $0xb8;
	[tilespmem:$0x13E00] =	vst v63  }
0x97: {  	_ =	swait.ge [sflag:s19], $0x2000  }
0x98: {  	[sflag:s19] =	ssyncset.done $0x0  }
0x99: {  	[sflag:s19] =	ssyncadd.s32 $0xFFFFE000  }
0x9a: {  	_ =	swait.ge [sflag:s28], $0x2000  }
0x9b: {  	[sflag:s28] =	ssyncset.done $0x0  }
0x9c: {  	[sflag:s28] =	ssyncadd.s32 $0xFFFFE000  }
0x9d: {  	[spmem:s3] =	stream.indirect.scatter.add.bf16 [tilespmem:s22], [sflag:$0x5], $0x40, s2, s21, $0xb8;
	[tilespmem:$0x13E00] =	vst v63  }
0x9e: {  	_ =	swait.ge [sflag:s19], $0x2000  }
0x9f: {  	[sflag:s19] =	ssyncset.done $0x0  }
0xa0: {  	[sflag:s19] =	ssyncadd.s32 $0xFFFFE000  }
0xa1: {  	_ =	swait.ge [sflag:s29], $0x2000  }
0xa2: {  	[sflag:s29] =	ssyncset.done $0x0  }
0xa3: {  	[sflag:s29] =	ssyncadd.s32 $0xFFFFE000  }
0xa4: {  	[spmem:s3] =	stream.indirect.scatter.add.bf16 [tilespmem:s24], [sflag:$0x5], $0x40, s6, s21, $0xb8;
	[tilespmem:$0x13E00] =	vst v63  }
0xa5: {  	_ =	swait.ge [sflag:s19], $0x2000  }
0xa6: {  	[sflag:s19] =	ssyncset.done $0x0  }
0xa7: {  	[sflag:s19] =	ssyncadd.s32 $0xFFFFE000  }
0xa8: {  	_ =	swait.ge [sflag:s30], $0x2000  }
0xa9: {  	[sflag:s30] =	ssyncset.done $0x0  }
0xaa: {  	[sflag:s30] =	ssyncadd.s32 $0xFFFFE000  }
0xab: {  	[spmem:s3] =	stream.indirect.scatter.add.bf16 [tilespmem:s26], [sflag:$0x5], $0x40, s7, s21, $0xb8;
	[tilespmem:$0x13E00] =	vst v63  }
0xac: {  	_ =	swait.ge [sflag:s19], $0x2000  }
0xad: {  	[sflag:s19] =	ssyncset.done $0x0  }
0xae: {  	s9 =	simm.s32 $0x0;
	[sflag:s19] =	ssyncadd.s32 $0xFFFFE000  }
0xaf: {  	[tilespmem:s9], [sflag:$0x5] =	stream.linear.gather [hbm4b:s12+s9], $0x1000, $0x38;
	[tilespmem:$0x13E00] =	vst v63  }
0xb0: {  	_ =	swait.ge [sflag:s19], $0x1000  }
0xb1: {  	[sflag:s19] =	ssyncset.done $0x0  }
0xb2: {  	[sflag:s19] =	ssyncadd.s32 $0xFFFFF000  }
0xb3: {  	[tilespmem:s20], [sflag:$0x5] =	stream.linear.gather [hbm4b:s13+s9], $0x1000, $0x38;
	[tilespmem:$0x13E00] =	vst v63  }
0xb4: {  	_ =	swait.ge [sflag:s19], $0x1000  }
0xb5: {  	[sflag:s19] =	ssyncset.done $0x0  }
0xb6: {  	[sflag:s19] =	ssyncadd.s32 $0xFFFFF000  }
0xb7: {  	[tilespmem:s18], [sflag:$0x1] =	stream.indirect.gather [hbm4b:s1+s21], $0x40, s9, s21, $0xb8;
	[tilespmem:$0x13E00] =	vst v63  }
0xb8: {  	_ = 	snop  }
0xb9: {  	[tilespmem:s22], [sflag:$0x2] =	stream.indirect.gather [hbm4b:s1+s21], $0x40, s21, s21, $0xb8;
	[tilespmem:$0x13E00] =	vst v63  }
0xba: {  	_ = 	snop  }
0xbb: {  	[tilespmem:s24], [sflag:$0x3] =	stream.indirect.gather [hbm4b:s1+s21], $0x40, s23, s21, $0xb8;
	[tilespmem:$0x13E00] =	vst v63  }
0xbc: {  	_ =	swait.ge [sflag:s25], $0x2000  }
0xbd: {  	[sflag:s25] =	ssyncset.done $0x0  }
0xbe: {  	s10 =	simm.s32 $0x180;
	[sflag:s25] =	ssyncadd.s32 $0xFFFFE000  }
0xbf: {  	[tilespmem:s26], [sflag:$0x4] =	stream.indirect.gather [hbm4b:s1+s21], $0x40, s10, s21, $0xb8;
	[tilespmem:$0x13E00] =	vst v63  }
0xc0: {  	s11 =	simm.s32 $0x1000  }
0xc1: {  	[spmem:s3] =	stream.indirect.scatter.add.bf16 [tilespmem:s18], [sflag:$0x5], $0x40, s11, s21, $0xb8;
	[tilespmem:$0x13E00] =	vst v63  }
0xc2: {  	_ =	swait.ge [sflag:s19], $0x2000  }
0xc3: {  	[sflag:s19] =	ssyncset.done $0x0  }
0xc4: {  	[sflag:s19] =	ssyncadd.s32 $0xFFFFE000  }
0xc5: {  	_ =	swait.ge [sflag:s28], $0x2000  }
0xc6: {  	[sflag:s28] =	ssyncset.done $0x0  }
0xc7: {  	s10 =	simm.s32 $0x200;
	[sflag:s28] =	ssyncadd.s32 $0xFFFFE000  }
0xc8: {  	[tilespmem:s18], [sflag:$0x1] =	stream.indirect.gather [hbm4b:s1+s21], $0x40, s10, s21, $0xb8;
	[tilespmem:$0x13E00] =	vst v63  }
0xc9: {  	s11 =	simm.s32 $0x1080  }
0xca: {  	[spmem:s3] =	stream.indirect.scatter.add.bf16 [tilespmem:s22], [sflag:$0x5], $0x40, s11, s21, $0xb8;
	[tilespmem:$0x13E00] =	vst v63  }
0xcb: {  	_ =	swait.ge [sflag:s19], $0x2000  }
0xcc: {  	[sflag:s19] =	ssyncset.done $0x0  }
0xcd: {  	[sflag:s19] =	ssyncadd.s32 $0xFFFFE000  }
0xce: {  	_ =	swait.ge [sflag:s29], $0x2000  }
0xcf: {  	[sflag:s29] =	ssyncset.done $0x0  }
0xd0: {  	s10 =	simm.s32 $0x280;
	[sflag:s29] =	ssyncadd.s32 $0xFFFFE000  }
0xd1: {  	[tilespmem:s22], [sflag:$0x2] =	stream.indirect.gather [hbm4b:s1+s21], $0x40, s10, s21, $0xb8;
	[tilespmem:$0x13E00] =	vst v63  }
0xd2: {  	s11 =	simm.s32 $0x1100  }
0xd3: {  	[spmem:s3] =	stream.indirect.scatter.add.bf16 [tilespmem:s24], [sflag:$0x5], $0x40, s11, s21, $0xb8;
	[tilespmem:$0x13E00] =	vst v63  }
0xd4: {  	_ =	swait.ge [sflag:s19], $0x2000  }
0xd5: {  	[sflag:s19] =	ssyncset.done $0x0  }
0xd6: {  	[sflag:s19] =	ssyncadd.s32 $0xFFFFE000  }
0xd7: {  	_ =	swait.ge [sflag:s30], $0x2000  }
0xd8: {  	[sflag:s30] =	ssyncset.done $0x0  }
0xd9: {  	s10 =	simm.s32 $0x300;
	[sflag:s30] =	ssyncadd.s32 $0xFFFFE000  }
0xda: {  	[tilespmem:s24], [sflag:$0x3] =	stream.indirect.gather [hbm4b:s1+s21], $0x40, s10, s21, $0xb8;
	[tilespmem:$0x13E00] =	vst v63  }
0xdb: {  	s11 =	simm.s32 $0x1180  }
0xdc: {  	[spmem:s3] =	stream.indirect.scatter.add.bf16 [tilespmem:s26], [sflag:$0x5], $0x40, s11, s21, $0xb8;
	[tilespmem:$0x13E00] =	vst v63  }
0xdd: {  	_ =	swait.ge [sflag:s19], $0x2000  }
0xde: {  	s9 =	simm.s32 $0x800;
	[sflag:s19] =	ssyncset.done $0x0  }
.LBB2_6:
0xdf: {  	p0 =	sne.s32 s9, $0x3000  }
0xe0: {  	[sflag:s19] =	ssyncadd.s32 $0xFFFFE000;
	s10 =	smov.u32 s9;
	s9 =	sadd.s32 $0x800, s9  }
0xe1: {  	_ = 	snop  }
0xe2: {  	_ =	swait.ge [sflag:s25], $0x2000  }
0xe3: {  	s10 =	sshra.s32 s10, $0x2;
	[sflag:s25] =	ssyncset.done $0x0  }
0xe4: {  	s11 =	sadd.s32 $0x180, s10;
	[sflag:s25] =	ssyncadd.s32 $0xFFFFE000  }
0xe5: {  	[tilespmem:s26], [sflag:$0x4] =	stream.indirect.gather [hbm4b:s1+s21], $0x40, s11, s21, $0xb8;
	[tilespmem:$0x13E00] =	vst v63  }
0xe6: {  	s11 =	sadd.s32 $0x1000, s10  }
0xe7: {  	[spmem:s3] =	stream.indirect.scatter.add.bf16 [tilespmem:s18], [sflag:$0x5], $0x40, s11, s21, $0xb8;
	[tilespmem:$0x13E00] =	vst v63  }
0xe8: {  	_ =	swait.ge [sflag:s19], $0x2000  }
0xe9: {  	[sflag:s19] =	ssyncset.done $0x0  }
0xea: {  	[sflag:s19] =	ssyncadd.s32 $0xFFFFE000  }
0xeb: {  	_ =	swait.ge [sflag:s28], $0x2000  }
0xec: {  	[sflag:s28] =	ssyncset.done $0x0  }
0xed: {  	s11 =	sadd.s32 $0x200, s10;
	[sflag:s28] =	ssyncadd.s32 $0xFFFFE000  }
0xee: {  	[tilespmem:s18], [sflag:$0x1] =	stream.indirect.gather [hbm4b:s1+s21], $0x40, s11, s21, $0xb8;
	[tilespmem:$0x13E00] =	vst v63  }
0xef: {  	s11 =	sadd.s32 $0x1080, s10  }
0xf0: {  	[spmem:s3] =	stream.indirect.scatter.add.bf16 [tilespmem:s22], [sflag:$0x5], $0x40, s11, s21, $0xb8;
	[tilespmem:$0x13E00] =	vst v63  }
0xf1: {  	_ =	swait.ge [sflag:s19], $0x2000  }
0xf2: {  	[sflag:s19] =	ssyncset.done $0x0  }
0xf3: {  	[sflag:s19] =	ssyncadd.s32 $0xFFFFE000  }
0xf4: {  	_ =	swait.ge [sflag:s29], $0x2000  }
0xf5: {  	[sflag:s29] =	ssyncset.done $0x0  }
0xf6: {  	s11 =	sadd.s32 $0x280, s10;
	[sflag:s29] =	ssyncadd.s32 $0xFFFFE000  }
0xf7: {  	[tilespmem:s22], [sflag:$0x2] =	stream.indirect.gather [hbm4b:s1+s21], $0x40, s11, s21, $0xb8;
	[tilespmem:$0x13E00] =	vst v63  }
0xf8: {  	s11 =	sadd.s32 $0x1100, s10  }
0xf9: {  	[spmem:s3] =	stream.indirect.scatter.add.bf16 [tilespmem:s24], [sflag:$0x5], $0x40, s11, s21, $0xb8;
	[tilespmem:$0x13E00] =	vst v63  }
0xfa: {  	_ =	swait.ge [sflag:s19], $0x2000  }
0xfb: {  	[sflag:s19] =	ssyncset.done $0x0  }
0xfc: {  	[sflag:s19] =	ssyncadd.s32 $0xFFFFE000  }
0xfd: {  	_ =	swait.ge [sflag:s30], $0x2000  }
0xfe: {  	[sflag:s30] =	ssyncset.done $0x0  }
0xff: {  	s11 =	sadd.s32 $0x300, s10;
	[sflag:s30] =	ssyncadd.s32 $0xFFFFE000  }
0x100: {  	[tilespmem:s24], [sflag:$0x3] =	stream.indirect.gather [hbm4b:s1+s21], $0x40, s11, s21, $0xb8;
	[tilespmem:$0x13E00] =	vst v63  }
.Ltmp2:
0x101: {  	_ = 	snop;
	(pc) =	sbr.rel @p0 .LBB2_6-.Ltmp2, $4  }
0x102: {  	s10 =	sadd.s32 $0x1180, s10  }
0x103: {  	[spmem:s3] =	stream.indirect.scatter.add.bf16 [tilespmem:s26], [sflag:$0x5], $0x40, s10, s21, $0xb8;
	[tilespmem:$0x13E00] =	vst v63  }
0x104: {  	_ =	swait.ge [sflag:s19], $0x2000  }
0x105: {  	[sflag:s19] =	ssyncset.done $0x0  }
0x106: {  	[sflag:s19] =	ssyncadd.s32 $0xFFFFE000  }
0x107: {  	_ =	swait.ge [sflag:s25], $0x2000  }
0x108: {  	[sflag:s25] =	ssyncset.done $0x0  }
0x109: {  	[sflag:s25] =	ssyncadd.s32 $0xFFFFE000  }
0x10a: {  	[tilespmem:s26], [sflag:$0x4] =	stream.indirect.gather [hbm4b:s1+s21], $0x40, s31, s21, $0xb8;
	[tilespmem:$0x13E00] =	vst v63  }
0x10b: {  	_ = 	snop  }
0x10c: {  	[spmem:s3] =	stream.indirect.scatter.add.bf16 [tilespmem:s18], [sflag:$0x5], $0x40, s0, s21, $0xb8;
	[tilespmem:$0x13E00] =	vst v63  }
0x10d: {  	_ =	swait.ge [sflag:s19], $0x2000  }
0x10e: {  	[sflag:s19] =	ssyncset.done $0x0  }
0x10f: {  	[sflag:s19] =	ssyncadd.s32 $0xFFFFE000  }
0x110: {  	_ =	swait.ge [sflag:s28], $0x2000  }
0x111: {  	[sflag:s28] =	ssyncset.done $0x0  }
0x112: {  	[sflag:s28] =	ssyncadd.s32 $0xFFFFE000  }
0x113: {  	[spmem:s3] =	stream.indirect.scatter.add.bf16 [tilespmem:s22], [sflag:$0x5], $0x40, s2, s21, $0xb8;
	[tilespmem:$0x13E00] =	vst v63  }
0x114: {  	_ =	swait.ge [sflag:s19], $0x2000  }
0x115: {  	[sflag:s19] =	ssyncset.done $0x0  }
0x116: {  	[sflag:s19] =	ssyncadd.s32 $0xFFFFE000  }
0x117: {  	_ =	swait.ge [sflag:s29], $0x2000  }
0x118: {  	[sflag:s29] =	ssyncset.done $0x0  }
0x119: {  	[sflag:s29] =	ssyncadd.s32 $0xFFFFE000  }
0x11a: {  	[spmem:s3] =	stream.indirect.scatter.add.bf16 [tilespmem:s24], [sflag:$0x5], $0x40, s6, s21, $0xb8;
	[tilespmem:$0x13E00] =	vst v63  }
0x11b: {  	_ =	swait.ge [sflag:s19], $0x2000  }
0x11c: {  	[sflag:s19] =	ssyncset.done $0x0  }
0x11d: {  	[sflag:s19] =	ssyncadd.s32 $0xFFFFE000  }
0x11e: {  	_ =	swait.ge [sflag:s30], $0x2000  }
0x11f: {  	[sflag:s30] =	ssyncset.done $0x0  }
0x120: {  	[sflag:s30] =	ssyncadd.s32 $0xFFFFE000  }
0x121: {  	[spmem:s3] =	stream.indirect.scatter.add.bf16 [tilespmem:s26], [sflag:$0x5], $0x40, s7, s21, $0xb8;
	[tilespmem:$0x13E00] =	vst v63  }
0x122: {  	_ =	swait.ge [sflag:s19], $0x2000  }
0x123: {  	[sflag:s19] =	ssyncset.done $0x0  }
0x124: {  	[sflag:s19] =	ssyncadd.s32 $0xFFFFE000  }
0x125: {  	[tilespmem:s4], [sflag:$0x5] =	stream.linear.gather [hbm4b:s14+s4], $0x780, $0x38;
	[tilespmem:$0x13E00] =	vst v63  }
0x126: {  	_ =	swait.ge [sflag:s19], $0x780  }
0x127: {  	[sflag:s19] =	ssyncset.done $0x0  }
0x128: {  	[sflag:s19] =	ssyncadd.s32 $0xFFFFF880  }
0x129: {  	[tilespmem:s20], [sflag:$0x5] =	stream.linear.gather [hbm4b:s15+s4], $0x780, $0x38;
	[tilespmem:$0x13E00] =	vst v63  }
0x12a: {  	_ =	swait.ge [sflag:s19], $0x780  }
0x12b: {  	[sflag:s19] =	ssyncset.done $0x0  }
0x12c: {  	[sflag:s19] =	ssyncadd.s32 $0xFFFFF880  }
0x12d: {  	[tilespmem:s18], [sflag:$0x1] =	stream.indirect.gather [hbm4b:s1+s21], $0x40, s4, s21, $0xb8;
	[tilespmem:$0x13E00] =	vst v63  }
0x12e: {  	_ = 	snop  }
0x12f: {  	[tilespmem:s22], [sflag:$0x2] =	stream.indirect.gather [hbm4b:s1+s21], $0x40, s21, s21, $0xb8;
	[tilespmem:$0x13E00] =	vst v63  }
0x130: {  	_ = 	snop  }
0x131: {  	[tilespmem:s24], [sflag:$0x3] =	stream.indirect.gather [hbm4b:s1+s21], $0x40, s23, s21, $0xb8;
	[tilespmem:$0x13E00] =	vst v63  }
0x132: {  	_ =	swait.ge [sflag:s25], $0x2000  }
0x133: {  	[sflag:s25] =	ssyncset.done $0x0  }
0x134: {  	s9 =	simm.s32 $0x180;
	[sflag:s25] =	ssyncadd.s32 $0xFFFFE000  }
0x135: {  	[tilespmem:s26], [sflag:$0x4] =	stream.indirect.gather [hbm4b:s1+s21], $0x40, s9, s21, $0xb8;
	[tilespmem:$0x13E00] =	vst v63  }
0x136: {  	_ = 	snop  }
0x137: {  	[spmem:s3] =	stream.indirect.scatter.add.bf16 [tilespmem:s18], [sflag:$0x5], $0x40, s20, s21, $0xb8;
	[tilespmem:$0x13E00] =	vst v63  }
0x138: {  	_ =	swait.ge [sflag:s19], $0x2000  }
0x139: {  	[sflag:s19] =	ssyncset.done $0x0  }
0x13a: {  	[sflag:s19] =	ssyncadd.s32 $0xFFFFE000  }
0x13b: {  	_ =	swait.ge [sflag:s28], $0x2000  }
0x13c: {  	[sflag:s28] =	ssyncset.done $0x0  }
0x13d: {  	s10 =	simm.s32 $0x200;
	[sflag:s28] =	ssyncadd.s32 $0xFFFFE000  }
0x13e: {  	[tilespmem:s18], [sflag:$0x1] =	stream.indirect.gather [hbm4b:s1+s21], $0x40, s10, s21, $0xb8;
	[tilespmem:$0x13E00] =	vst v63  }
0x13f: {  	s11 =	simm.s32 $0x1080  }
0x140: {  	[spmem:s3] =	stream.indirect.scatter.add.bf16 [tilespmem:s22], [sflag:$0x5], $0x40, s11, s21, $0xb8;
	[tilespmem:$0x13E00] =	vst v63  }
0x141: {  	_ =	swait.ge [sflag:s19], $0x2000  }
0x142: {  	[sflag:s19] =	ssyncset.done $0x0  }
0x143: {  	[sflag:s19] =	ssyncadd.s32 $0xFFFFE000  }
0x144: {  	_ =	swait.ge [sflag:s29], $0x2000  }
0x145: {  	[sflag:s29] =	ssyncset.done $0x0  }
0x146: {  	s10 =	simm.s32 $0x280;
	[sflag:s29] =	ssyncadd.s32 $0xFFFFE000  }
0x147: {  	[tilespmem:s22], [sflag:$0x2] =	stream.indirect.gather [hbm4b:s1+s21], $0x40, s10, s21, $0xb8;
	[tilespmem:$0x13E00] =	vst v63  }
0x148: {  	s11 =	simm.s32 $0x1100  }
0x149: {  	[spmem:s3] =	stream.indirect.scatter.add.bf16 [tilespmem:s24], [sflag:$0x5], $0x40, s11, s21, $0xb8;
	[tilespmem:$0x13E00] =	vst v63  }
0x14a: {  	_ =	swait.ge [sflag:s19], $0x2000  }
0x14b: {  	[sflag:s19] =	ssyncset.done $0x0  }
0x14c: {  	[sflag:s19] =	ssyncadd.s32 $0xFFFFE000  }
0x14d: {  	_ =	swait.ge [sflag:s30], $0x2000  }
0x14e: {  	[sflag:s30] =	ssyncset.done $0x0  }
0x14f: {  	s10 =	simm.s32 $0x300;
	[sflag:s30] =	ssyncadd.s32 $0xFFFFE000  }
0x150: {  	[tilespmem:s24], [sflag:$0x3] =	stream.indirect.gather [hbm4b:s1+s21], $0x40, s10, s21, $0xb8;
	[tilespmem:$0x13E00] =	vst v63  }
0x151: {  	s11 =	simm.s32 $0x1180  }
0x152: {  	[spmem:s3] =	stream.indirect.scatter.add.bf16 [tilespmem:s26], [sflag:$0x5], $0x40, s11, s21, $0xb8;
	[tilespmem:$0x13E00] =	vst v63  }
0x153: {  	_ =	swait.ge [sflag:s19], $0x2000  }
0x154: {  	[sflag:s19] =	ssyncset.done $0x0  }
0x155: {  	[sflag:s19] =	ssyncadd.s32 $0xFFFFE000  }
0x156: {  	_ =	swait.ge [sflag:s25], $0x2000  }
0x157: {  	[sflag:s25] =	ssyncset.done $0x0  }
0x158: {  	s10 =	simm.s32 $0x380;
	[sflag:s25] =	ssyncadd.s32 $0xFFFFE000  }
0x159: {  	[tilespmem:s26], [sflag:$0x4] =	stream.indirect.gather [hbm4b:s1+s21], $0x40, s10, s21, $0xb8;
	[tilespmem:$0x13E00] =	vst v63  }
0x15a: {  	s11 =	simm.s32 $0x1200  }
0x15b: {  	[spmem:s3] =	stream.indirect.scatter.add.bf16 [tilespmem:s18], [sflag:$0x5], $0x40, s11, s21, $0xb8;
	[tilespmem:$0x13E00] =	vst v63  }
0x15c: {  	_ =	swait.ge [sflag:s19], $0x2000  }
0x15d: {  	[sflag:s19] =	ssyncset.done $0x0  }
0x15e: {  	[sflag:s19] =	ssyncadd.s32 $0xFFFFE000  }
0x15f: {  	_ =	swait.ge [sflag:s28], $0x2000  }
0x160: {  	[sflag:s28] =	ssyncset.done $0x0  }
0x161: {  	s10 =	simm.s32 $0x400;
	[sflag:s28] =	ssyncadd.s32 $0xFFFFE000  }
0x162: {  	[tilespmem:s18], [sflag:$0x1] =	stream.indirect.gather [hbm4b:s1+s21], $0x40, s10, s21, $0xb8;
	[tilespmem:$0x13E00] =	vst v63  }
0x163: {  	s11 =	simm.s32 $0x1280  }
0x164: {  	[spmem:s3] =	stream.indirect.scatter.add.bf16 [tilespmem:s22], [sflag:$0x5], $0x40, s11, s21, $0xb8;
	[tilespmem:$0x13E00] =	vst v63  }
0x165: {  	_ =	swait.ge [sflag:s19], $0x2000  }
0x166: {  	[sflag:s19] =	ssyncset.done $0x0  }
0x167: {  	[sflag:s19] =	ssyncadd.s32 $0xFFFFE000  }
0x168: {  	_ =	swait.ge [sflag:s29], $0x2000  }
0x169: {  	[sflag:s29] =	ssyncset.done $0x0  }
0x16a: {  	s10 =	simm.s32 $0x480;
	[sflag:s29] =	ssyncadd.s32 $0xFFFFE000  }
0x16b: {  	[tilespmem:s22], [sflag:$0x2] =	stream.indirect.gather [hbm4b:s1+s21], $0x40, s10, s21, $0xb8;
	[tilespmem:$0x13E00] =	vst v63  }
0x16c: {  	s11 =	simm.s32 $0x1300  }
0x16d: {  	[spmem:s3] =	stream.indirect.scatter.add.bf16 [tilespmem:s24], [sflag:$0x5], $0x40, s11, s21, $0xb8;
	[tilespmem:$0x13E00] =	vst v63  }
0x16e: {  	_ =	swait.ge [sflag:s19], $0x2000  }
0x16f: {  	[sflag:s19] =	ssyncset.done $0x0  }
0x170: {  	[sflag:s19] =	ssyncadd.s32 $0xFFFFE000  }
0x171: {  	_ =	swait.ge [sflag:s30], $0x2000  }
0x172: {  	[sflag:s30] =	ssyncset.done $0x0  }
0x173: {  	s10 =	simm.s32 $0x500;
	[sflag:s30] =	ssyncadd.s32 $0xFFFFE000  }
0x174: {  	[tilespmem:s24], [sflag:$0x3] =	stream.indirect.gather [hbm4b:s1+s21], $0x40, s10, s21, $0xb8;
	[tilespmem:$0x13E00] =	vst v63  }
0x175: {  	s11 =	simm.s32 $0x1380  }
0x176: {  	[spmem:s3] =	stream.indirect.scatter.add.bf16 [tilespmem:s26], [sflag:$0x5], $0x40, s11, s21, $0xb8;
	[tilespmem:$0x13E00] =	vst v63  }
0x177: {  	_ =	swait.ge [sflag:s19], $0x2000  }
0x178: {  	[sflag:s19] =	ssyncset.done $0x0  }
0x179: {  	[sflag:s19] =	ssyncadd.s32 $0xFFFFE000  }
0x17a: {  	_ =	swait.ge [sflag:s25], $0x2000  }
0x17b: {  	[sflag:s25] =	ssyncset.done $0x0  }
0x17c: {  	s10 =	simm.s32 $0x580;
	[sflag:s25] =	ssyncadd.s32 $0xFFFFE000  }
0x17d: {  	[tilespmem:s26], [sflag:$0x4] =	stream.indirect.gather [hbm4b:s1+s21], $0x40, s10, s21, $0xb8;
	[tilespmem:$0x13E00] =	vst v63  }
0x17e: {  	s11 =	simm.s32 $0x1400  }
0x17f: {  	[spmem:s3] =	stream.indirect.scatter.add.bf16 [tilespmem:s18], [sflag:$0x5], $0x40, s11, s21, $0xb8;
	[tilespmem:$0x13E00] =	vst v63  }
0x180: {  	_ =	swait.ge [sflag:s19], $0x2000  }
0x181: {  	[sflag:s19] =	ssyncset.done $0x0  }
0x182: {  	[sflag:s19] =	ssyncadd.s32 $0xFFFFE000  }
0x183: {  	_ =	swait.ge [sflag:s28], $0x2000  }
0x184: {  	[sflag:s28] =	ssyncset.done $0x0  }
0x185: {  	s10 =	simm.s32 $0x600;
	[sflag:s28] =	ssyncadd.s32 $0xFFFFE000  }
0x186: {  	[tilespmem:s18], [sflag:$0x1] =	stream.indirect.gather [hbm4b:s1+s21], $0x40, s10, s21, $0xb8;
	[tilespmem:$0x13E00] =	vst v63  }
0x187: {  	s11 =	simm.s32 $0x1480  }
0x188: {  	[spmem:s3] =	stream.indirect.scatter.add.bf16 [tilespmem:s22], [sflag:$0x5], $0x40, s11, s21, $0xb8;
	[tilespmem:$0x13E00] =	vst v63  }
0x189: {  	_ =	swait.ge [sflag:s19], $0x2000  }
0x18a: {  	[sflag:s19] =	ssyncset.done $0x0  }
0x18b: {  	[sflag:s19] =	ssyncadd.s32 $0xFFFFE000  }
0x18c: {  	_ =	swait.ge [sflag:s29], $0x2000  }
0x18d: {  	[sflag:s29] =	ssyncset.done $0x0  }
0x18e: {  	s10 =	simm.s32 $0x680;
	[sflag:s29] =	ssyncadd.s32 $0xFFFFE000  }
0x18f: {  	[tilespmem:s22], [sflag:$0x2] =	stream.indirect.gather [hbm4b:s1+s21], $0x40, s10, s21, $0xb8;
	[tilespmem:$0x13E00] =	vst v63  }
0x190: {  	s11 =	simm.s32 $0x1500  }
0x191: {  	[spmem:s3] =	stream.indirect.scatter.add.bf16 [tilespmem:s24], [sflag:$0x5], $0x40, s11, s21, $0xb8;
	[tilespmem:$0x13E00] =	vst v63  }
0x192: {  	_ =	swait.ge [sflag:s19], $0x2000  }
0x193: {  	[sflag:s19] =	ssyncset.done $0x0  }
0x194: {  	[sflag:s19] =	ssyncadd.s32 $0xFFFFE000  }
0x195: {  	_ =	swait.ge [sflag:s30], $0x2000  }
0x196: {  	[sflag:s30] =	ssyncset.done $0x0  }
0x197: {  	s10 =	simm.s32 $0x700;
	[sflag:s30] =	ssyncadd.s32 $0xFFFFE000  }
0x198: {  	[tilespmem:s24], [sflag:$0x3] =	stream.indirect.gather [hbm4b:s1+s21], $0x40, s10, s21, $0xb8;
	[tilespmem:$0x13E00] =	vst v63  }
0x199: {  	s11 =	simm.s32 $0x1580  }
0x19a: {  	[spmem:s3] =	stream.indirect.scatter.add.bf16 [tilespmem:s26], [sflag:$0x5], $0x40, s11, s21, $0xb8;
	[tilespmem:$0x13E00] =	vst v63  }
0x19b: {  	_ =	swait.ge [sflag:s19], $0x2000  }
0x19c: {  	[sflag:s19] =	ssyncset.done $0x0  }
0x19d: {  	[sflag:s19] =	ssyncadd.s32 $0xFFFFE000  }
0x19e: {  	_ =	swait.ge [sflag:s25], $0x2000  }
0x19f: {  	[sflag:s25] =	ssyncset.done $0x0  }
0x1a0: {  	s10 =	simm.s32 $0x1600;
	[sflag:s25] =	ssyncadd.s32 $0xFFFFE000  }
0x1a1: {  	[spmem:s3] =	stream.indirect.scatter.add.bf16 [tilespmem:s18], [sflag:$0x5], $0x40, s10, s21, $0xb8;
	[tilespmem:$0x13E00] =	vst v63  }
0x1a2: {  	_ =	swait.ge [sflag:s19], $0x2000  }
0x1a3: {  	[sflag:s19] =	ssyncset.done $0x0  }
0x1a4: {  	[sflag:s19] =	ssyncadd.s32 $0xFFFFE000  }
0x1a5: {  	_ =	swait.ge [sflag:s28], $0x2000  }
0x1a6: {  	[sflag:s28] =	ssyncset.done $0x0  }
0x1a7: {  	s11 =	simm.s32 $0x1680;
	[sflag:s28] =	ssyncadd.s32 $0xFFFFE000  }
0x1a8: {  	[spmem:s3] =	stream.indirect.scatter.add.bf16 [tilespmem:s22], [sflag:$0x5], $0x40, s11, s21, $0xb8;
	[tilespmem:$0x13E00] =	vst v63  }
0x1a9: {  	_ =	swait.ge [sflag:s19], $0x2000  }
0x1aa: {  	[sflag:s19] =	ssyncset.done $0x0  }
0x1ab: {  	[sflag:s19] =	ssyncadd.s32 $0xFFFFE000  }
0x1ac: {  	_ =	swait.ge [sflag:s29], $0x2000  }
0x1ad: {  	[sflag:s29] =	ssyncset.done $0x0  }
0x1ae: {  	s10 =	simm.s32 $0x1700;
	[sflag:s29] =	ssyncadd.s32 $0xFFFFE000  }
0x1af: {  	[spmem:s3] =	stream.indirect.scatter.add.bf16 [tilespmem:s24], [sflag:$0x5], $0x40, s10, s21, $0xb8;
	[tilespmem:$0x13E00] =	vst v63  }
0x1b0: {  	s11 =	stileid.u32;
	_ =	swait.ge [sflag:s19], $0x2000  }
0x1b1: {  	s8 =	sadd.s32 $0x1, s8;
	s9 =	sshll.u32 s11, $0x6;
	[sflag:s19] =	ssyncset.done $0x0  }
0x1b2: {  	p0 =	sne.s32 s8, s17;
	s9 =	sor.u32 $0x1C05, s9;
	[sflag:s19] =	ssyncadd.s32 $0xFFFFE000  }
.Ltmp3:
0x1b3: {  	s10 =	sshrl.u32 s5, $0x3;
	[bflag:$0x0] =	sbarrier.arrive $0xFFFF;
	(pc) =	sbr.rel @p0 .LBB2_1-.Ltmp3, $4  }
0x1b4: {  	[hbm:s16], [sflag:s9] =	dma.local [spmem:s10], $0x13C0  }
0x1b5: {  	_ =	swait.ge [sflag:s19], $0x13C0  }
0x1b6: {  	[sflag:s19] =	ssyncset.done $0x0  }
0x1b7: {  	[sflag:s19] =	ssyncadd.s32 $0xFFFFEC40  }
0x1b8: {  	_ =	sfence.sel $0x180000  }
0x1b9: {  	[bflag:$0x0] =	sbarrier.arrive $0xFFFF  }
0x1ba: {  	_ =	strace $0x9000004A  }
0x1bb: {  	s0 =	stileid.u32;
	[bflag:$0x2] =	sbarrier.arrive $0xFFFF  }
0x1bc: {  	p0 =	sne.s32 s0, $0x0;
	s0 =	rddreg [dreg:$0x3]  }
0x1bd: {  	s0 =	sadd.s32 @!p0 $0x100000, s0  }
0x1be: {  	[sflag:s0] =	ssyncadd.tile.s32 @!p0 $0x1;
	_ =	shalt  }
.Lfunc_end2:
_tile_overlayer_lowered:
.L_overlay_start_2:
0x1bf: {  	(tag) =	ssettag $0x2  }
0x1c0: {  	s0 =	rddreg [dreg:$0x0];
	s2 =	stileid.u32  }
0x1c1: {  	s1 =	rddreg [dreg:$0x1];
	p0 =	sne.s32 s2, $0x0  }
0x1c2: {  	s3 =	rddreg [dreg:$0x2];
	[bflag:$0x3] =	sbarrier.arrive $0xFFFF;
	s2 =	simm.s32 @!p0 $0x1C05  }
0x1c3: {  	[timem:s3], [sflag:s2] =	dma.local @!p0 [hbm:s0], s1  }
0x1c4: {  	s0 =	simm.s32 @!p0 $0x5  }
0x1c5: {  	_ =	swait.ge @!p0 [sflag:s0], s1  }
0x1c6: {  	s1 =	ssub.s32 @!p0 $0x0, s1;
	[sflag:s0] =	ssyncset.done @!p0 $0x0  }
0x1c7: {  	[sflag:s0] =	ssyncadd.s32 @!p0 s1  }
0x1c8: {  	[bflag:$0x3] =	sbarrier.arrive $0xFFFF  }
0x1c9: {  	_ =	shalt  }

// kernel: kernel.7.cloned.1.call-start
scs
__scs_entry_jumppad:
0x0: {  	(pc) =	sbr.rel $0x88, $3  }
0x1: {  	(tag) =	ssettag $0x0;
	lr =	simm.s32 $0x1  }
0x2: {  	[smem:$0x3F99] =	sst lr;
	_ =	strace $0xD0000000  }
0x3: {  	_ = 	snop  }
0x4: {  	_ = 	snop  }
0x5: {  	_ = 	snop  }
0x6: {  	_ = 	snop  }
0x7: {  	_ = 	snop  }
__scs_overlays_trampoline_lowered:
0x8: {  	[smem:$0x3FA8] =	sst s0  }
0x9: {  	[smem:$0x3FA9] =	sst s1  }
0xa: {  	[smem:$0x3FAA] =	sst s2  }
0xb: {  	[smem:$0x3FAB] =	sst s3  }
0xc: {  	[smem:$0x3FAC] =	sst s4  }
0xd: {  	[smem:$0x3FAD] =	sst s5  }
0xe: {  	[smem:$0x3FAE] =	sst s6  }
0xf: {  	[smem:$0x3FAF] =	sst s7  }
0x10: {  	[smem:$0x3FB0] =	sst s8  }
0x11: {  	[smem:$0x3FB1] =	sst s9;
	s0 =	simm.s32 @!p0 $0x0  }
0x12: {  	s1 =	sld [smem:$0x3F97];
	s0 =	simm.s32 @p0 $0x1  }
0x13: {  	[smem:$0x3FB2] =	sst s0;
	s0 =	simm.s32 @!p1 $0x0  }
0x14: {  	s2 =	sld [smem:$0x3F96];
	s0 =	simm.s32 @p1 $0x1  }
0x15: {  	[smem:$0x3FB3] =	sst s0;
	s0 =	simm.s32 @!p2 $0x0  }
0x16: {  	s3 =	sld [smem:$0x3FDB];
	s0 =	simm.s32 @p2 $0x1  }
0x17: {  	s4 =	simm.s32 $0x1BF5;
	[smem:$0x3FB5] =	sst s0  }
0x18: {  	s0 =	sld [smem:$0x3F98];
	_ =	swait.ge [sflag:s4], $0x0  }
0x19: {  	s7 =	sld [smem:$0x3F99]  }
0x1a: {  	s8 =	sadd.s32 $0xFFFFE003, lr  }
0x1b: {  	s9 =	sadd.s32 $0xFFFFFEF7, lr;
	s5 =	simm.s32 $0xFFFFFFFF;
	p2 =	slt.u32 s8, $0xFFFFF086  }
0x1c: {  	p1 =	slt.u32 s9, $0xF7A;
	s5 =	simm.s32 @!p2 $0x0  }
0x1d: {  	s5 =	simm.s32 @p1 $0x1;
	p0 =	seq.s32 s7, s2  }
0x1e: {  	s7 =	smul.u32 @!p0 $0xF7A, s2;
	p2 =	seq.s32 @!p0 s5, $0x0  }
0x1f: {  	s9 =	smul.u32 $0xF7A, s1;
	s8 =	simm.s32 @!p0 $0x1BF5;
	p2 =	por !p2, p0  }
0x20: {  	[sflag:s8] =	ssyncset.s32 @!p0 $0xFFFFF086;
	s6 =	sadd.s32 @!p0 s3, s7;
	s7 =	simm.s32 @!p0 $0x108  }
0x21: {  	s3 =	sadd.s32 s3, s9;
	s6 =	sadd.s32 @!p0 $0x88, s6;
	s7 =	simm.s32 @p2 $0x1082  }
0x22: {  	[simem:s7], [sflag:s8] =	dma.local @!p0 [hbm:s6], $0xF7A  }
0x23: {  	s9 =	sor.u32 $0xD0000000, s2;
	s6 =	simm.s32 $0x108;
	_ =	swait.ge @!p0 [sflag:s8], $0x0  }
0x24: {  	s3 =	sadd.s32 $0x88, s3;
	s6 =	simm.s32 @!p1 $0x1082;
	[sflag:s4] =	ssyncset.s32 $0xFFFFF086  }
0x25: {  	[simem:s6], [sflag:s4] =	dma.local [hbm:s3], $0xF7A  }
0x26: {  	[smem:$0x3F99] =	sst s1;
	(tag) =	ssettag s2;
	_ =	strace s9  }
0x27: {  	s1 =	sld [smem:$0x3FA9]  }
0x28: {  	s2 =	sld [smem:$0x3FAA]  }
0x29: {  	s4 =	sld [smem:$0x3FAC]  }
0x2a: {  	p0 =	seq.s32 s5, $0x0;
	s5 =	sld [smem:$0x3FAD]  }
0x2b: {  	s6 =	sld [smem:$0x3FAE]  }
0x2c: {  	s7 =	sld [smem:$0x3FAF]  }
0x2d: {  	s3 =	simm.s32 $0x108;
	s8 =	sld [smem:$0x3FB0]  }
0x2e: {  	s3 =	simm.s32 @!p0 $0x1082;
	s9 =	sld [smem:$0x3FB1]  }
0x2f: {  	lr =	sadd.s32 s0, s3;
	s0 =	sld [smem:$0x3FA8]  }
0x30: {  	s3 =	sld [smem:$0x3FAB]  }
0x31: {  	[smem:$0x3FB4] =	sst s10  }
0x32: {  	s10 =	sld [smem:$0x3FB2];
	_ =	sdelay $0x3  }
0x33: {  	p0 =	seq.s32 s10, $0x1;
	s10 =	sld [smem:$0x3FB4];
	_ =	sdelay $0x3  }
0x34: {  	[smem:$0x3FB4] =	sst s10  }
0x35: {  	s10 =	sld [smem:$0x3FB3];
	_ =	sdelay $0x3  }
0x36: {  	p1 =	seq.s32 s10, $0x1;
	s10 =	sld [smem:$0x3FB4];
	_ =	sdelay $0x3  }
0x37: {  	[smem:$0x3FB4] =	sst s10  }
0x38: {  	s10 =	sld [smem:$0x3FB5]  }
0x39: {  	_ = 	snop;
	(pc) =	sbr.ind lr, $3  }
0x3a: {  	_ = 	snop  }
0x3b: {  	_ = 	snop  }
0x3c: {  	p2 =	seq.s32 s10, $0x1;
	s10 =	sld [smem:$0x3FB4]  }
0x3d: {  	_ =	shalt  }
0x3e: {  	_ =	shalt  }
0x3f: {  	_ =	shalt  }
0x40: {  	_ =	shalt  }
0x41: {  	_ =	shalt  }
0x42: {  	_ =	shalt  }
0x43: {  	_ =	shalt  }
0x44: {  	_ =	shalt  }
0x45: {  	_ =	shalt  }
0x46: {  	_ =	shalt  }
0x47: {  	_ =	shalt  }
0x48: {  	_ =	shalt  }
0x49: {  	_ =	shalt  }
0x4a: {  	_ =	shalt  }
0x4b: {  	_ =	shalt  }
0x4c: {  	_ =	shalt  }
0x4d: {  	_ =	shalt  }
0x4e: {  	_ =	shalt  }
0x4f: {  	_ =	shalt  }
0x50: {  	_ =	shalt  }
0x51: {  	_ =	shalt  }
0x52: {  	_ =	shalt  }
0x53: {  	_ =	shalt  }
0x54: {  	_ =	shalt  }
0x55: {  	_ =	shalt  }
0x56: {  	_ =	shalt  }
0x57: {  	_ =	shalt  }
0x58: {  	_ =	shalt  }
0x59: {  	_ =	shalt  }
0x5a: {  	_ =	shalt  }
0x5b: {  	_ =	shalt  }
0x5c: {  	_ =	shalt  }
0x5d: {  	_ =	shalt  }
0x5e: {  	_ =	shalt  }
0x5f: {  	_ =	shalt  }
0x60: {  	_ =	shalt  }
0x61: {  	_ =	shalt  }
0x62: {  	_ =	shalt  }
0x63: {  	_ =	shalt  }
0x64: {  	_ =	shalt  }
0x65: {  	_ =	shalt  }
0x66: {  	_ =	shalt  }
0x67: {  	_ =	shalt  }
0x68: {  	_ =	shalt  }
0x69: {  	_ =	shalt  }
0x6a: {  	_ =	shalt  }
0x6b: {  	_ =	shalt  }
0x6c: {  	_ =	shalt  }
0x6d: {  	_ =	shalt  }
0x6e: {  	_ =	shalt  }
0x6f: {  	_ =	shalt  }
0x70: {  	_ =	shalt  }
0x71: {  	_ =	shalt  }
0x72: {  	_ =	shalt  }
0x73: {  	_ =	shalt  }
0x74: {  	_ =	shalt  }
0x75: {  	_ =	shalt  }
0x76: {  	_ =	shalt  }
0x77: {  	_ =	shalt  }
0x78: {  	_ =	shalt  }
0x79: {  	_ =	shalt  }
0x7a: {  	_ =	shalt  }
0x7b: {  	_ =	shalt  }
0x7c: {  	_ =	shalt  }
0x7d: {  	_ =	shalt  }
0x7e: {  	_ =	shalt  }
0x7f: {  	_ =	shalt  }
0x80: {  	_ =	shalt  }
0x81: {  	_ =	shalt  }
0x82: {  	_ =	shalt  }
0x83: {  	_ =	shalt  }
0x84: {  	_ =	shalt  }
0x85: {  	_ =	shalt  }
0x86: {  	_ =	shalt  }
0x87: {  	_ =	shalt  }
.Lfunc_end0:
.L_simem_size_0:
called_computation_lowered:
.L_overlay_start_0:
0x88: {  	s2 =	sld [smem:$0x3FD9]  }
0x89: {  	s3 =	sld [smem:$0x3FFE];
	_ =	sdelay $0x1  }
0x8a: {  	s1 =	srdreg.scid  }
0x8b: {  	s0 =	sand.u32 $0x1, s1  }
0x8c: {  	s17 =	sshll.u32 s0, $0xA;
	s2 =	sadd.s32 s3, s2  }
0x8d: {  	s2 =	sadd.s32 s2, s17  }
0x8e: {  	[smem:$0x3FC0] =	sst s2  }
0x8f: {  	_ = 	snop  }
0x90: {  	s2 =	sld [smem:$0x3FD0];
	(tm) =	ssettm $0x1  }
0x91: {  	s18 =	sld [smem:$0x3FFB];
	_ =	sdelay $0x3  }
0x92: {  	_ =	strace s18  }
0x93: {  	s3 =	sld [smem:$0x3FFC];
	_ =	sdelay $0x3  }
0x94: {  	_ =	strace s3  }
0x95: {  	s3 =	sld [smem:$0x3FFD];
	_ =	sdelay $0x3  }
0x96: {  	_ =	strace s3  }
0x97: {  	_ =	strace $0x8FFFFFFF  }
0x98: {  	s19 =	sld [smem:$0x3FDB];
	_ =	sdelay $0x1  }
0x99: {  	s4 =	simm.s32 $_scs_section_size  }
0x9a: {  	s5 =	simm.s32 $_size__tile_overlayer_lowered;
	s6 =	simm.s32 $_tile_overlayer_lowered  }
0x9b: {  	s22 =	simm.s32 $0x1BFF;
	s21 =	sshll.u32 s6, $0x1;
	s3 =	sadd.s32 s4, s19  }
0x9c: {  	s7 =	simm.s32 $0x0;
	s20 =	sshll.u32 s5, $0x1;
	s5 =	sadd.s32 s21, s3  }
0x9d: {  	[timem:s7], [sflag:s22] =	dma.local [hbm:s5], s20  }
0x9e: {  	_ =	swait.ge [sflag:s22], s20  }
0x9f: {  	s4 =	ssub.s32 $0x0, s20;
	[sflag:s22] =	ssyncset.done $0x0  }
0xa0: {  	[sflag:s22] =	ssyncadd.s32 s4;
	_ =	sdelay $0x1  }
0xa1: {  	s23 =	simm.s32 $0x1B8B  }
0xa2: {  	_ =	swait.ge [sflag:s23], $0x1  }
0xa3: {  	[sflag:s23] =	ssyncset.done $0x0  }
0xa4: {  	s25 =	simm.s32 $0x1B8E;
	s24 =	sld [smem:$0x3FFE];
	[sflag:s23] =	ssyncadd.s32 $0xFFFFFFFF  }
0xa5: {  	s26 =	simm.s32 $execute0_lowered;
	[smem:$0x3FD2] =	sst s25  }
0xa6: {  	s5 =	sshll.u32 s26, $0x1;
	_ =	strace $0x80000046;
	[dreg:$0x1] =	wrdreg $0xFFFFFFFF  }
0xa7: {  	s28 =	simm.s32 $_size_execute0_lowered;
	s3 =	sadd.s32 s3, s5;
	[dreg:$0x0] =	wrdreg $0x0  }
0xa8: {  	s5 =	sshll.u32 s28, $0x1;
	[dreg:$0x2] =	wrdreg s3  }
0xa9: {  	[dreg:$0x3] =	wrdreg s5  }
0xaa: {  	[dreg:$0x4] =	wrdreg $0xC0  }
0xab: {  	_ =	task [dreg:s7], $0x5FFFF  }
0xac: {  	[dreg:$0x1] =	wrdreg $0xFFFFFFFF  }
0xad: {  	[dreg:$0x0] =	wrdreg $0x60  }
0xae: {  	[dreg:$0x2] =	wrdreg s2  }
0xaf: {  	[dreg:$0x3] =	wrdreg s24  }
0xb0: {  	[dreg:$0x4] =	wrdreg $0xA0000  }
0xb1: {  	[dreg:$0x5] =	wrdreg $0x14E000  }
0xb2: {  	[dreg:$0x6] =	wrdreg $0x9  }
0xb3: {  	_ =	task.clear_ibuf [dreg:s7], $0x7FFFF;
	_ =	strace $0x90000046  }
0xb4: {  	s29 =	simm.s32 $0x9;
	_ =	strace $0x80000048  }
0xb5: {  	_ =	swait.ge [sflag:s29], $0x1  }
0xb6: {  	[sflag:s29] =	ssyncadd.s32 $0xFFFFFFFF  }
0xb7: {  	_ =	strace $0x90000048  }
0xb8: {  	_ =	sfence  }
0xb9: {  	s30 =	sld [smem:$0x0];
	_ =	sdelay $0x2  }
0xba: {  	s31 =	sshll.u32 s1, $0xD;
	s1 =	sshrl.u32 s1, $0x2  }
0xbb: {  	s3 =	sand.u32 $0x4000, s31;
	s1 =	sadd.s32 s1, s30  }
0xbc: {  	s0 =	sor.u32 s3, s0;
	s1 =	sshll.u32 s1, $0x11  }
0xbd: {  	s0 =	sor.u32 s1, s0  }
0xbe: {  	s0 =	sadd.s32 $0x8F2B, s0  }
0xbf: {  	[sflag:s0] =	ssyncadd.remote.s32 $0x1  }
0xc0: {  	_ =	sfence.sel $0xFFFF  }
0xc1: {  	[dreg:$0x0] =	wrdreg $0xFFFFFFFF;
	(pc) =	sbr.abs _section_cstart, $3  }
0xc2: {  	[dreg:$0x1] =	wrdreg $0xFFFFFFFF  }
0xc3: {  	_ =	task.clear_ibuf [dreg:s7], $0x2FFFF;
	_ =	strace $0x9FFFFFFF  }
0xc4: {  	(tm) =	ssettm $0x7FFFFFFF  }
0xc5: {  	_ =	shalt  }
tec
execute0_lowered:
.L_overlay_start_1:
0x0: {  	(tag) =	ssettag $0x1  }
0x1: {  	s1 =	rddreg [dreg:$0x0]  }
0x2: {  	s0 =	rddreg [dreg:$0x1]  }
0x3: {  	s3 =	rddreg [dreg:$0x2];
	s2 =	srdreg.scid  }
0x4: {  	s15 =	stileid.u32;
	s4 =	rddreg [dreg:$0x3];
	s5 =	simm.s32 $0x0  }
0x5: {  	s28 =	simm.s32 $0x14600;
	s29 =	simm.s32 $0x1000;
	s30 =	simm.s32 $0x80  }
0x6: {  	s31 =	simm.s32 $0x4000;
	s2 =	sand.u32 $0x1, s2;
	s6 =	smul.u32 $0x13C00, s15  }
0x7: {  	[smem:$0x7FF] =	sst s5;
	s8 =	smul.u32 $0x2780, s15;
	s10 =	sadd.s32 $0xC200, s0  }
0x8: {  	s12 =	sadd.s32 $0x2400, s0;
	s14 =	smul.u32 $0x278, s15;
	s20 =	sshll.u32 s15, $0x1  }
0x9: {  	s7 =	smul.u32 $0x13C000, s2;
	_ =	strace $0x80000047;
	s11 =	ssub.s32 $0x2, s2  }
0xa: {  	s9 =	smul.u32 $0x27800, s2;
	s2 =	sor.u32 s2, s20;
	s13 =	sshrl.u32 s11, $0x1  }
0xb: {  	s21 =	sadd.s32 $0x80, s14;
	s23 =	sadd.s32 $0x100, s14;
	s16 =	sadd.s32 $0x180, s14  }
0xc: {  	s14 =	sadd.s32 $0x200, s14;
	s2 =	smul.u32 $0x2780, s2;
	s7 =	sadd.s32 s6, s7  }
0xd: {  	s9 =	sadd.s32 s8, s9;
	s6 =	sshrl.u32 s6, $0x1;
	s22 =	sshll.u32 s21, $0x6  }
0xe: {  	s24 =	sshll.u32 s23, $0x6;
	s17 =	sshll.u32 s16, $0x6;
	s26 =	sshll.u32 s14, $0x6  }
0xf: {  	s15 =	sshll.u32 s23, $0x4;
	s18 =	sshll.u32 s14, $0x4;
	s14 =	simm.s32 $0x1700  }
0x10: {  	s7 =	sshrl.u32 s7, $0x4;
	s9 =	sshrl.u32 s9, $0x3;
	s6 =	sadd.s32 s6, s3  }
0x11: {  	s25 =	sadd.s32 s17, s3;
	s19 =	sadd.s32 s18, s4;
	s2 =	sshrl.u32 s2, $0x3  }
0x12: {  	s7 =	sadd.s32 s7, s0;
	s0 =	sadd.s32 s9, s0;
	[dreg:$0x7] =	wrdreg s25  }
0x13: {  	s9 =	ssub.s32 s11, s13;
	s11 =	sadd.s32 s22, s3;
	[dreg:$0xc] =	wrdreg s19  }
0x14: {  	s17 =	sshll.u32 s16, $0x4;
	s20 =	sadd.s32 s10, s2;
	[dreg:$0x5] =	wrdreg s11  }
0x15: {  	s13 =	sshll.u32 s21, $0x4;
	s21 =	sadd.s32 s12, s2;
	[dreg:$0xd] =	wrdreg s20  }
0x16: {  	s22 =	sadd.s32 $0x200, s2;
	s11 =	sadd.s32 s24, s3;
	[dreg:$0xe] =	wrdreg s21  }
0x17: {  	s2 =	sadd.s32 $0x400, s2;
	s23 =	sadd.s32 s10, s22;
	[dreg:$0x6] =	wrdreg s11  }
0x18: {  	s16 =	simm.s32 $0x1E80;
	s24 =	sadd.s32 s10, s2;
	[dreg:$0xf] =	wrdreg s23  }
0x19: {  	s18 =	simm.s32 $0x1F80;
	s2 =	sadd.s32 s12, s2;
	[dreg:$0x11] =	wrdreg s24  }
0x1a: {  	s19 =	simm.s32 $0x0;
	s25 =	sadd.s32 $0x16000, s7;
	[dreg:$0x12] =	wrdreg s2  }
0x1b: {  	s0 =	sadd.s32 $0x3D800, s0;
	s7 =	simm.s32 $0x1;
	[dreg:$0x13] =	wrdreg s25  }
0x1c: {  	s10 =	simm.s32 $0x2;
	s11 =	sadd.s32 s26, s3;
	[dreg:$0x14] =	wrdreg s0  }
0x1d: {  	s26 =	smax.u32 s9, $0x1;
	s25 =	simm.s32 $0x2000;
	s2 =	simm.s32 $0x100  }
0x1e: {  	s0 =	simm.s32 $0x6000;
	s9 =	simm.s32 $0x13E00;
	s23 =	simm.s32 $0x1600  }
0x1f: {  	s24 =	simm.s32 $0x1680;
	[dreg:$0x8] =	wrdreg s11;
	s11 =	sadd.s32 s8, s4  }
0x20: {  	s8 =	sadd.s32 s13, s4;
	[dreg:$0x15] =	wrdreg s26;
	s26 =	simm.s32 $0x5  }
0x21: {  	s13 =	simm.s32 $0x4;
	[dreg:$0x9] =	wrdreg s8;
	s8 =	sadd.s32 s15, s4  }
0x22: {  	s15 =	simm.s32 $0x1E00;
	[dreg:$0xa] =	wrdreg s8;
	s8 =	sadd.s32 s17, s4  }
0x23: {  	s17 =	simm.s32 $0x1F00;
	[dreg:$0xb] =	wrdreg s8;
	s8 =	sadd.s32 s12, s22  }
0x24: {  	v0 =	vimm.bf16 $0.0e+00;
	v1 =	vimm.f32 $1.000000000e+00;
	v2 =	vimm.f32 $0.0e+00;
	s12 =	simm.s32 $0x3;
	[dreg:$0x10] =	wrdreg s8;
	s8 =	simm.s32 $0x8000  }
.LBB2_1:
0x25: {  	s21 =	simm.s32 $0x100;
	s20 =	simm.s32 $0x0  }
.LBB2_2:
0x26: {  	p0 =	sne.s32 s21, $0x7F00;
	[tilespmem:s20+$0x2030] =	vst v0;
	s22 =	smov.u32 s21;
	s21 =	sadd.s32 $0x100, s21  }
.Ltmp0:
0x27: {  	[tilespmem:s20+$0x2020] =	vst v0;
	(pc) =	sbr.rel @p0 .LBB2_2-.Ltmp0, $3  }
0x28: {  	[tilespmem:s20+$0x2000] =	vst v0  }
0x29: {  	[tilespmem:s20+$0x2010] =	vst v0;
	_ =	sdelay $0x1  }
0x2a: {  	s20 =	sshra.s32 s22, $0x2  }
0x2b: {  	[tilespmem:s20+$0x2030] =	vst v0  }
0x2c: {  	[tilespmem:s20+$0x2020] =	vst v0  }
0x2d: {  	[tilespmem:s20+$0x2000] =	vst v0  }
0x2e: {  	[tilespmem:s20+$0x2010] =	vst v0  }
0x2f: {  	[spmem:s6] =	stream.linear.scatter [tilespmem:s25], [sflag:$0x5], $0x2000, $0x38;
	[tilespmem:$0x17580] =	vst v63  }
0x30: {  	_ =	swait.ge [sflag:s26], $0x2000  }
0x31: {  	[sflag:s26] =	ssyncset.done $0x0  }
0x32: {  	s21 =	rddreg [dreg:$0x5];
	[sflag:s26] =	ssyncadd.s32 $0xFFFFE000  }
0x33: {  	[spmem:s21] =	stream.linear.scatter [tilespmem:s25], [sflag:$0x5], $0x2000, $0x38;
	[tilespmem:$0x17580] =	vst v63  }
0x34: {  	_ =	swait.ge [sflag:s26], $0x2000  }
0x35: {  	[sflag:s26] =	ssyncset.done $0x0  }
0x36: {  	s22 =	rddreg [dreg:$0x6];
	[sflag:s26] =	ssyncadd.s32 $0xFFFFE000  }
0x37: {  	[spmem:s22] =	stream.linear.scatter [tilespmem:s25], [sflag:$0x5], $0x2000, $0x38;
	[tilespmem:$0x17580] =	vst v63  }
0x38: {  	_ =	swait.ge [sflag:s26], $0x2000  }
0x39: {  	[sflag:s26] =	ssyncset.done $0x0  }
0x3a: {  	s21 =	rddreg [dreg:$0x7];
	[sflag:s26] =	ssyncadd.s32 $0xFFFFE000  }
0x3b: {  	[spmem:s21] =	stream.linear.scatter [tilespmem:s25], [sflag:$0x5], $0x2000, $0x38;
	[tilespmem:$0x17580] =	vst v63  }
0x3c: {  	_ =	swait.ge [sflag:s26], $0x2000  }
0x3d: {  	[sflag:s26] =	ssyncset.done $0x0  }
0x3e: {  	s22 =	rddreg [dreg:$0x8];
	[sflag:s26] =	ssyncadd.s32 $0xFFFFE000  }
0x3f: {  	[spmem:s22] =	stream.linear.scatter [tilespmem:s25], [sflag:$0x5], $0x1E00, $0x38;
	[tilespmem:$0x17580] =	vst v63  }
0x40: {  	_ =	swait.ge [sflag:s26], $0x1E00  }
0x41: {  	[sflag:s26] =	ssyncset.done $0x0  }
0x42: {  	s20 =	simm.s32 $0x40;
	s21 =	simm.s32 $0x0;
	[sflag:s26] =	ssyncadd.s32 $0xFFFFE200  }
.LBB2_4:
0x43: {  	p0 =	sne.s32 s20, $0x1FC0;
	[tilespmem:s21+$0x13E00] =	vst v1;
	s21 =	smov.u32 s20;
	s20 =	sadd.s32 $0x40, s20  }
.Ltmp1:
0x44: {  	(pc) =	sbr.rel @p0 .LBB2_4-.Ltmp1, $2  }
0x45: {  	_ =	sdelay $0x2  }
0x46: {  	s21 =	sshra.s32 s21, $0x2  }
0x47: {  	[tilespmem:s21+$0x13E00] =	vst v1;
	s20 =	simm.s32 $0x40;
	s21 =	simm.s32 $0x0  }
.LBB2_6:
0x48: {  	p0 =	sne.s32 s20, $0x1FC0;
	[tilespmem:s21+$0x14600] =	vst v2;
	s21 =	smov.u32 s20;
	s20 =	sadd.s32 $0x40, s20  }
.Ltmp2:
0x49: {  	(pc) =	sbr.rel @p0 .LBB2_6-.Ltmp2, $2  }
0x4a: {  	_ =	sdelay $0x2  }
0x4b: {  	s21 =	sshra.s32 s21, $0x2  }
0x4c: {  	[tilespmem:s21+$0x14600] =	vst v2  }
0x4d: {  	[spmem:s11] =	stream.linear.scatter [tilespmem:s28], [sflag:$0x5], $0x800, $0x38;
	[tilespmem:$0x17580] =	vst v63  }
0x4e: {  	_ =	swait.ge [sflag:s26], $0x800  }
0x4f: {  	[sflag:s26] =	ssyncset.done $0x0  }
0x50: {  	s20 =	rddreg [dreg:$0x9];
	[sflag:s26] =	ssyncadd.s32 $0xFFFFF800  }
0x51: {  	[spmem:s20] =	stream.linear.scatter [tilespmem:s28], [sflag:$0x5], $0x800, $0x38;
	[tilespmem:$0x17580] =	vst v63  }
0x52: {  	_ =	swait.ge [sflag:s26], $0x800  }
0x53: {  	[sflag:s26] =	ssyncset.done $0x0  }
0x54: {  	s21 =	rddreg [dreg:$0xa];
	[sflag:s26] =	ssyncadd.s32 $0xFFFFF800  }
0x55: {  	[spmem:s21] =	stream.linear.scatter [tilespmem:s28], [sflag:$0x5], $0x800, $0x38;
	[tilespmem:$0x17580] =	vst v63  }
0x56: {  	_ =	swait.ge [sflag:s26], $0x800  }
0x57: {  	[sflag:s26] =	ssyncset.done $0x0  }
0x58: {  	s22 =	rddreg [dreg:$0xb];
	[sflag:s26] =	ssyncadd.s32 $0xFFFFF800  }
0x59: {  	[spmem:s22] =	stream.linear.scatter [tilespmem:s28], [sflag:$0x5], $0x800, $0x38;
	[tilespmem:$0x17580] =	vst v63  }
0x5a: {  	_ =	swait.ge [sflag:s26], $0x800  }
0x5b: {  	[sflag:s26] =	ssyncset.done $0x0  }
0x5c: {  	s21 =	rddreg [dreg:$0xc];
	[sflag:s26] =	ssyncadd.s32 $0xFFFFF800  }
0x5d: {  	[spmem:s21] =	stream.linear.scatter [tilespmem:s28], [sflag:$0x5], $0x780, $0x38;
	[tilespmem:$0x17580] =	vst v63  }
0x5e: {  	_ =	swait.ge [sflag:s26], $0x780  }
0x5f: {  	[sflag:s26] =	ssyncset.done $0x0  }
0x60: {  	[sflag:s26] =	ssyncadd.s32 $0xFFFFF880  }
0x61: {  	[bflag:$0x0] =	sbarrier.arrive $0xFFFF  }
0x62: {  	s20 =	simm.s32 $0x0;
	s22 =	rddreg [dreg:$0xd]  }
0x63: {  	[tilespmem:s20], [sflag:$0x5] =	stream.linear.gather [hbm4b:s22+s20], $0x1000, $0x38;
	[tilespmem:$0x17580] =	vst v63  }
0x64: {  	_ =	swait.ge [sflag:s26], $0x1000  }
0x65: {  	[sflag:s26] =	ssyncset.done $0x0  }
0x66: {  	s22 =	rddreg [dreg:$0xe];
	[sflag:s26] =	ssyncadd.s32 $0xFFFFF000  }
0x67: {  	[tilespmem:s29], [sflag:$0x5] =	stream.linear.gather [hbm4b:s22+s20], $0x1000, $0x38;
	[tilespmem:$0x17580] =	vst v63  }
0x68: {  	_ =	swait.ge [sflag:s26], $0x1000  }
0x69: {  	[sflag:s26] =	ssyncset.done $0x0  }
0x6a: {  	[sflag:s26] =	ssyncadd.s32 $0xFFFFF000  }
0x6b: {  	[tilespmem:s25], [sflag:$0x1] =	stream.indirect.gather [hbm4b:s1+s30], $0x40, s20, s30, $0xb8;
	[tilespmem:$0x17580] =	vst v63  }
0x6c: {  	_ = 	snop  }
0x6d: {  	[tilespmem:s31], [sflag:$0x2] =	stream.indirect.gather [hbm4b:s1+s30], $0x40, s30, s30, $0xb8;
	[tilespmem:$0x17580] =	vst v63  }
0x6e: {  	_ = 	snop  }
0x6f: {  	[tilespmem:s0], [sflag:$0x3] =	stream.indirect.gather [hbm4b:s1+s30], $0x40, s2, s30, $0xb8;
	[tilespmem:$0x17580] =	vst v63  }
0x70: {  	_ =	swait.ge [sflag:s7], $0x2000  }
0x71: {  	[sflag:s7] =	ssyncset.done $0x0  }
0x72: {  	s21 =	simm.s32 $0x180;
	[sflag:s7] =	ssyncadd.s32 $0xFFFFE000  }
0x73: {  	[tilespmem:s8], [sflag:$0x4] =	stream.indirect.gather [hbm4b:s1+s30], $0x40, s21, s30, $0xb8;
	[tilespmem:$0x17580] =	vst v63  }
0x74: {  	s22 =	simm.s32 $0x1000  }
0x75: {  	[spmem:s3] =	stream.indirect.scatter.add.bf16 [tilespmem:s25], [sflag:$0x5], $0x40, s22, s30, $0xb8;
	[tilespmem:$0x17580] =	vst v63  }
0x76: {  	_ =	swait.ge [sflag:s26], $0x2000  }
0x77: {  	[sflag:s26] =	ssyncset.done $0x0  }
0x78: {  	[sflag:s26] =	ssyncadd.s32 $0xFFFFE000  }
0x79: {  	[spmem:s4] =	stream.indirect.scatter.add.f32 [tilespmem:s9], [sflag:$0x5], $0x10, s22, s30, $0xb8;
	[tilespmem:$0x17580] =	vst v63  }
0x7a: {  	_ =	swait.ge [sflag:s26], $0x800  }
0x7b: {  	[sflag:s26] =	ssyncset.done $0x0  }
0x7c: {  	[sflag:s26] =	ssyncadd.s32 $0xFFFFF800  }
0x7d: {  	_ =	swait.ge [sflag:s10], $0x2000  }
0x7e: {  	[sflag:s10] =	ssyncset.done $0x0  }
0x7f: {  	s21 =	simm.s32 $0x200;
	[sflag:s10] =	ssyncadd.s32 $0xFFFFE000  }
0x80: {  	[tilespmem:s25], [sflag:$0x1] =	stream.indirect.gather [hbm4b:s1+s30], $0x40, s21, s30, $0xb8;
	[tilespmem:$0x17580] =	vst v63  }
0x81: {  	s22 =	simm.s32 $0x1080  }
0x82: {  	[spmem:s3] =	stream.indirect.scatter.add.bf16 [tilespmem:s31], [sflag:$0x5], $0x40, s22, s30, $0xb8;
	[tilespmem:$0x17580] =	vst v63  }
0x83: {  	_ =	swait.ge [sflag:s26], $0x2000  }
0x84: {  	[sflag:s26] =	ssyncset.done $0x0  }
0x85: {  	[sflag:s26] =	ssyncadd.s32 $0xFFFFE000  }
0x86: {  	[spmem:s4] =	stream.indirect.scatter.add.f32 [tilespmem:s9], [sflag:$0x5], $0x10, s22, s30, $0xb8;
	[tilespmem:$0x17580] =	vst v63  }
0x87: {  	_ =	swait.ge [sflag:s26], $0x800  }
0x88: {  	[sflag:s26] =	ssyncset.done $0x0  }
0x89: {  	[sflag:s26] =	ssyncadd.s32 $0xFFFFF800  }
0x8a: {  	_ =	swait.ge [sflag:s12], $0x2000  }
0x8b: {  	[sflag:s12] =	ssyncset.done $0x0  }
0x8c: {  	s21 =	simm.s32 $0x280;
	[sflag:s12] =	ssyncadd.s32 $0xFFFFE000  }
0x8d: {  	[tilespmem:s31], [sflag:$0x2] =	stream.indirect.gather [hbm4b:s1+s30], $0x40, s21, s30, $0xb8;
	[tilespmem:$0x17580] =	vst v63  }
0x8e: {  	s22 =	simm.s32 $0x1100  }
0x8f: {  	[spmem:s3] =	stream.indirect.scatter.add.bf16 [tilespmem:s0], [sflag:$0x5], $0x40, s22, s30, $0xb8;
	[tilespmem:$0x17580] =	vst v63  }
0x90: {  	_ =	swait.ge [sflag:s26], $0x2000  }
0x91: {  	[sflag:s26] =	ssyncset.done $0x0  }
0x92: {  	[sflag:s26] =	ssyncadd.s32 $0xFFFFE000  }
0x93: {  	[spmem:s4] =	stream.indirect.scatter.add.f32 [tilespmem:s9], [sflag:$0x5], $0x10, s22, s30, $0xb8;
	[tilespmem:$0x17580] =	vst v63  }
0x94: {  	_ =	swait.ge [sflag:s26], $0x800  }
0x95: {  	[sflag:s26] =	ssyncset.done $0x0  }
0x96: {  	[sflag:s26] =	ssyncadd.s32 $0xFFFFF800  }
0x97: {  	_ =	swait.ge [sflag:s13], $0x2000  }
0x98: {  	[sflag:s13] =	ssyncset.done $0x0  }
0x99: {  	s21 =	simm.s32 $0x300;
	[sflag:s13] =	ssyncadd.s32 $0xFFFFE000  }
0x9a: {  	[tilespmem:s0], [sflag:$0x3] =	stream.indirect.gather [hbm4b:s1+s30], $0x40, s21, s30, $0xb8;
	[tilespmem:$0x17580] =	vst v63  }
0x9b: {  	s22 =	simm.s32 $0x1180  }
0x9c: {  	[spmem:s3] =	stream.indirect.scatter.add.bf16 [tilespmem:s8], [sflag:$0x5], $0x40, s22, s30, $0xb8;
	[tilespmem:$0x17580] =	vst v63  }
0x9d: {  	_ =	swait.ge [sflag:s26], $0x2000  }
0x9e: {  	[sflag:s26] =	ssyncset.done $0x0  }
0x9f: {  	[sflag:s26] =	ssyncadd.s32 $0xFFFFE000  }
0xa0: {  	[spmem:s4] =	stream.indirect.scatter.add.f32 [tilespmem:s9], [sflag:$0x5], $0x10, s22, s30, $0xb8;
	[tilespmem:$0x17580] =	vst v63  }
0xa1: {  	_ =	swait.ge [sflag:s26], $0x800  }
0xa2: {  	s20 =	simm.s32 $0x800;
	[sflag:s26] =	ssyncset.done $0x0  }
.LBB2_8:
0xa3: {  	p0 =	sne.s32 s20, $0x3000  }
0xa4: {  	[sflag:s26] =	ssyncadd.s32 $0xFFFFF800;
	s21 =	smov.u32 s20;
	s20 =	sadd.s32 $0x800, s20  }
0xa5: {  	_ =	swait.ge [sflag:s7], $0x2000  }
0xa6: {  	s21 =	sshra.s32 s21, $0x2;
	[sflag:s7] =	ssyncset.done $0x0  }
0xa7: {  	s22 =	sadd.s32 $0x180, s21;
	[sflag:s7] =	ssyncadd.s32 $0xFFFFE000  }
0xa8: {  	[tilespmem:s8], [sflag:$0x4] =	stream.indirect.gather [hbm4b:s1+s30], $0x40, s22, s30, $0xb8;
	[tilespmem:$0x17580] =	vst v63  }
0xa9: {  	s22 =	sadd.s32 $0x1000, s21  }
0xaa: {  	[spmem:s3] =	stream.indirect.scatter.add.bf16 [tilespmem:s25], [sflag:$0x5], $0x40, s22, s30, $0xb8;
	[tilespmem:$0x17580] =	vst v63  }
0xab: {  	_ =	swait.ge [sflag:s26], $0x2000  }
0xac: {  	[sflag:s26] =	ssyncset.done $0x0  }
0xad: {  	[sflag:s26] =	ssyncadd.s32 $0xFFFFE000  }
0xae: {  	[spmem:s4] =	stream.indirect.scatter.add.f32 [tilespmem:s9], [sflag:$0x5], $0x10, s22, s30, $0xb8;
	[tilespmem:$0x17580] =	vst v63  }
0xaf: {  	_ =	swait.ge [sflag:s26], $0x800  }
0xb0: {  	[sflag:s26] =	ssyncset.done $0x0  }
0xb1: {  	[sflag:s26] =	ssyncadd.s32 $0xFFFFF800  }
0xb2: {  	_ =	swait.ge [sflag:s10], $0x2000  }
0xb3: {  	[sflag:s10] =	ssyncset.done $0x0  }
0xb4: {  	s22 =	sadd.s32 $0x200, s21;
	[sflag:s10] =	ssyncadd.s32 $0xFFFFE000  }
0xb5: {  	[tilespmem:s25], [sflag:$0x1] =	stream.indirect.gather [hbm4b:s1+s30], $0x40, s22, s30, $0xb8;
	[tilespmem:$0x17580] =	vst v63  }
0xb6: {  	s22 =	sadd.s32 $0x1080, s21  }
0xb7: {  	[spmem:s3] =	stream.indirect.scatter.add.bf16 [tilespmem:s31], [sflag:$0x5], $0x40, s22, s30, $0xb8;
	[tilespmem:$0x17580] =	vst v63  }
0xb8: {  	_ =	swait.ge [sflag:s26], $0x2000  }
0xb9: {  	[sflag:s26] =	ssyncset.done $0x0  }
0xba: {  	[sflag:s26] =	ssyncadd.s32 $0xFFFFE000  }
0xbb: {  	[spmem:s4] =	stream.indirect.scatter.add.f32 [tilespmem:s9], [sflag:$0x5], $0x10, s22, s30, $0xb8;
	[tilespmem:$0x17580] =	vst v63  }
0xbc: {  	_ =	swait.ge [sflag:s26], $0x800  }
0xbd: {  	[sflag:s26] =	ssyncset.done $0x0  }
0xbe: {  	[sflag:s26] =	ssyncadd.s32 $0xFFFFF800  }
0xbf: {  	_ =	swait.ge [sflag:s12], $0x2000  }
0xc0: {  	[sflag:s12] =	ssyncset.done $0x0  }
0xc1: {  	s22 =	sadd.s32 $0x280, s21;
	[sflag:s12] =	ssyncadd.s32 $0xFFFFE000  }
0xc2: {  	[tilespmem:s31], [sflag:$0x2] =	stream.indirect.gather [hbm4b:s1+s30], $0x40, s22, s30, $0xb8;
	[tilespmem:$0x17580] =	vst v63  }
0xc3: {  	s22 =	sadd.s32 $0x1100, s21  }
0xc4: {  	[spmem:s3] =	stream.indirect.scatter.add.bf16 [tilespmem:s0], [sflag:$0x5], $0x40, s22, s30, $0xb8;
	[tilespmem:$0x17580] =	vst v63  }
0xc5: {  	_ =	swait.ge [sflag:s26], $0x2000  }
0xc6: {  	[sflag:s26] =	ssyncset.done $0x0  }
0xc7: {  	[sflag:s26] =	ssyncadd.s32 $0xFFFFE000  }
0xc8: {  	[spmem:s4] =	stream.indirect.scatter.add.f32 [tilespmem:s9], [sflag:$0x5], $0x10, s22, s30, $0xb8;
	[tilespmem:$0x17580] =	vst v63  }
0xc9: {  	_ =	swait.ge [sflag:s26], $0x800  }
0xca: {  	[sflag:s26] =	ssyncset.done $0x0  }
0xcb: {  	[sflag:s26] =	ssyncadd.s32 $0xFFFFF800  }
0xcc: {  	_ =	swait.ge [sflag:s13], $0x2000  }
0xcd: {  	[sflag:s13] =	ssyncset.done $0x0  }
0xce: {  	s22 =	sadd.s32 $0x300, s21;
	[sflag:s13] =	ssyncadd.s32 $0xFFFFE000  }
0xcf: {  	[tilespmem:s0], [sflag:$0x3] =	stream.indirect.gather [hbm4b:s1+s30], $0x40, s22, s30, $0xb8;
	[tilespmem:$0x17580] =	vst v63  }
0xd0: {  	s21 =	sadd.s32 $0x1180, s21  }
0xd1: {  	[spmem:s3] =	stream.indirect.scatter.add.bf16 [tilespmem:s8], [sflag:$0x5], $0x40, s21, s30, $0xb8;
	[tilespmem:$0x17580] =	vst v63  }
0xd2: {  	_ =	swait.ge [sflag:s26], $0x2000  }
.Ltmp3:
0xd3: {  	[sflag:s26] =	ssyncset.done $0x0;
	(pc) =	sbr.rel @p0 .LBB2_8-.Ltmp3, $4  }
0xd4: {  	[sflag:s26] =	ssyncadd.s32 $0xFFFFE000  }
0xd5: {  	[spmem:s4] =	stream.indirect.scatter.add.f32 [tilespmem:s9], [sflag:$0x5], $0x10, s21, s30, $0xb8;
	[tilespmem:$0x17580] =	vst v63  }
0xd6: {  	_ =	swait.ge [sflag:s26], $0x800  }
0xd7: {  	[sflag:s26] =	ssyncset.done $0x0  }
0xd8: {  	[sflag:s26] =	ssyncadd.s32 $0xFFFFF800  }
0xd9: {  	_ =	swait.ge [sflag:s7], $0x2000  }
0xda: {  	[sflag:s7] =	ssyncset.done $0x0  }
0xdb: {  	s20 =	simm.s32 $0xF80;
	[sflag:s7] =	ssyncadd.s32 $0xFFFFE000  }
0xdc: {  	[tilespmem:s8], [sflag:$0x4] =	stream.indirect.gather [hbm4b:s1+s30], $0x40, s20, s30, $0xb8;
	[tilespmem:$0x17580] =	vst v63  }
0xdd: {  	_ = 	snop  }
0xde: {  	[spmem:s3] =	stream.indirect.scatter.add.bf16 [tilespmem:s25], [sflag:$0x5], $0x40, s15, s30, $0xb8;
	[tilespmem:$0x17580] =	vst v63  }
0xdf: {  	_ =	swait.ge [sflag:s26], $0x2000  }
0xe0: {  	[sflag:s26] =	ssyncset.done $0x0  }
0xe1: {  	[sflag:s26] =	ssyncadd.s32 $0xFFFFE000  }
0xe2: {  	[spmem:s4] =	stream.indirect.scatter.add.f32 [tilespmem:s9], [sflag:$0x5], $0x10, s15, s30, $0xb8;
	[tilespmem:$0x17580] =	vst v63  }
0xe3: {  	_ =	swait.ge [sflag:s26], $0x800  }
0xe4: {  	[sflag:s26] =	ssyncset.done $0x0  }
0xe5: {  	[sflag:s26] =	ssyncadd.s32 $0xFFFFF800  }
0xe6: {  	_ =	swait.ge [sflag:s10], $0x2000  }
0xe7: {  	[sflag:s10] =	ssyncset.done $0x0  }
0xe8: {  	[sflag:s10] =	ssyncadd.s32 $0xFFFFE000  }
0xe9: {  	[spmem:s3] =	stream.indirect.scatter.add.bf16 [tilespmem:s31], [sflag:$0x5], $0x40, s16, s30, $0xb8;
	[tilespmem:$0x17580] =	vst v63  }
0xea: {  	_ =	swait.ge [sflag:s26], $0x2000  }
0xeb: {  	[sflag:s26] =	ssyncset.done $0x0  }
0xec: {  	[sflag:s26] =	ssyncadd.s32 $0xFFFFE000  }
0xed: {  	[spmem:s4] =	stream.indirect.scatter.add.f32 [tilespmem:s9], [sflag:$0x5], $0x10, s16, s30, $0xb8;
	[tilespmem:$0x17580] =	vst v63  }
0xee: {  	_ =	swait.ge [sflag:s26], $0x800  }
0xef: {  	[sflag:s26] =	ssyncset.done $0x0  }
0xf0: {  	[sflag:s26] =	ssyncadd.s32 $0xFFFFF800  }
0xf1: {  	_ =	swait.ge [sflag:s12], $0x2000  }
0xf2: {  	[sflag:s12] =	ssyncset.done $0x0  }
0xf3: {  	[sflag:s12] =	ssyncadd.s32 $0xFFFFE000  }
0xf4: {  	[spmem:s3] =	stream.indirect.scatter.add.bf16 [tilespmem:s0], [sflag:$0x5], $0x40, s17, s30, $0xb8;
	[tilespmem:$0x17580] =	vst v63  }
0xf5: {  	_ =	swait.ge [sflag:s26], $0x2000  }
0xf6: {  	[sflag:s26] =	ssyncset.done $0x0  }
0xf7: {  	[sflag:s26] =	ssyncadd.s32 $0xFFFFE000  }
0xf8: {  	[spmem:s4] =	stream.indirect.scatter.add.f32 [tilespmem:s9], [sflag:$0x5], $0x10, s17, s30, $0xb8;
	[tilespmem:$0x17580] =	vst v63  }
0xf9: {  	_ =	swait.ge [sflag:s26], $0x800  }
0xfa: {  	[sflag:s26] =	ssyncset.done $0x0  }
0xfb: {  	[sflag:s26] =	ssyncadd.s32 $0xFFFFF800  }
0xfc: {  	_ =	swait.ge [sflag:s13], $0x2000  }
0xfd: {  	[sflag:s13] =	ssyncset.done $0x0  }
0xfe: {  	[sflag:s13] =	ssyncadd.s32 $0xFFFFE000  }
0xff: {  	[spmem:s3] =	stream.indirect.scatter.add.bf16 [tilespmem:s8], [sflag:$0x5], $0x40, s18, s30, $0xb8;
	[tilespmem:$0x17580] =	vst v63  }
0x100: {  	_ =	swait.ge [sflag:s26], $0x2000  }
0x101: {  	[sflag:s26] =	ssyncset.done $0x0  }
0x102: {  	[sflag:s26] =	ssyncadd.s32 $0xFFFFE000  }
0x103: {  	[spmem:s4] =	stream.indirect.scatter.add.f32 [tilespmem:s9], [sflag:$0x5], $0x10, s18, s30, $0xb8;
	[tilespmem:$0x17580] =	vst v63  }
0x104: {  	_ =	swait.ge [sflag:s26], $0x800  }
0x105: {  	[sflag:s26] =	ssyncset.done $0x0  }
0x106: {  	s20 =	simm.s32 $0x0;
	s21 =	rddreg [dreg:$0xf];
	[sflag:s26] =	ssyncadd.s32 $0xFFFFF800  }
0x107: {  	[tilespmem:s20], [sflag:$0x5] =	stream.linear.gather [hbm4b:s21+s20], $0x1000, $0x38;
	[tilespmem:$0x17580] =	vst v63  }
0x108: {  	_ =	swait.ge [sflag:s26], $0x1000  }
0x109: {  	[sflag:s26] =	ssyncset.done $0x0  }
0x10a: {  	s22 =	rddreg [dreg:$0x10];
	[sflag:s26] =	ssyncadd.s32 $0xFFFFF000  }
0x10b: {  	[tilespmem:s29], [sflag:$0x5] =	stream.linear.gather [hbm4b:s22+s20], $0x1000, $0x38;
	[tilespmem:$0x17580] =	vst v63  }
0x10c: {  	_ =	swait.ge [sflag:s26], $0x1000  }
0x10d: {  	[sflag:s26] =	ssyncset.done $0x0  }
0x10e: {  	[sflag:s26] =	ssyncadd.s32 $0xFFFFF000  }
0x10f: {  	[tilespmem:s25], [sflag:$0x1] =	stream.indirect.gather [hbm4b:s1+s30], $0x40, s20, s30, $0xb8;
	[tilespmem:$0x17580] =	vst v63  }
0x110: {  	_ = 	snop  }
0x111: {  	[tilespmem:s31], [sflag:$0x2] =	stream.indirect.gather [hbm4b:s1+s30], $0x40, s30, s30, $0xb8;
	[tilespmem:$0x17580] =	vst v63  }
0x112: {  	_ = 	snop  }
0x113: {  	[tilespmem:s0], [sflag:$0x3] =	stream.indirect.gather [hbm4b:s1+s30], $0x40, s2, s30, $0xb8;
	[tilespmem:$0x17580] =	vst v63  }
0x114: {  	_ =	swait.ge [sflag:s7], $0x2000  }
0x115: {  	[sflag:s7] =	ssyncset.done $0x0  }
0x116: {  	s21 =	simm.s32 $0x180;
	[sflag:s7] =	ssyncadd.s32 $0xFFFFE000  }
0x117: {  	[tilespmem:s8], [sflag:$0x4] =	stream.indirect.gather [hbm4b:s1+s30], $0x40, s21, s30, $0xb8;
	[tilespmem:$0x17580] =	vst v63  }
0x118: {  	s22 =	simm.s32 $0x1000  }
0x119: {  	[spmem:s3] =	stream.indirect.scatter.add.bf16 [tilespmem:s25], [sflag:$0x5], $0x40, s22, s30, $0xb8;
	[tilespmem:$0x17580] =	vst v63  }
0x11a: {  	_ =	swait.ge [sflag:s26], $0x2000  }
0x11b: {  	[sflag:s26] =	ssyncset.done $0x0  }
0x11c: {  	[sflag:s26] =	ssyncadd.s32 $0xFFFFE000  }
0x11d: {  	[spmem:s4] =	stream.indirect.scatter.add.f32 [tilespmem:s9], [sflag:$0x5], $0x10, s22, s30, $0xb8;
	[tilespmem:$0x17580] =	vst v63  }
0x11e: {  	_ =	swait.ge [sflag:s26], $0x800  }
0x11f: {  	[sflag:s26] =	ssyncset.done $0x0  }
0x120: {  	[sflag:s26] =	ssyncadd.s32 $0xFFFFF800  }
0x121: {  	_ =	swait.ge [sflag:s10], $0x2000  }
0x122: {  	[sflag:s10] =	ssyncset.done $0x0  }
0x123: {  	s21 =	simm.s32 $0x200;
	[sflag:s10] =	ssyncadd.s32 $0xFFFFE000  }
0x124: {  	[tilespmem:s25], [sflag:$0x1] =	stream.indirect.gather [hbm4b:s1+s30], $0x40, s21, s30, $0xb8;
	[tilespmem:$0x17580] =	vst v63  }
0x125: {  	s22 =	simm.s32 $0x1080  }
0x126: {  	[spmem:s3] =	stream.indirect.scatter.add.bf16 [tilespmem:s31], [sflag:$0x5], $0x40, s22, s30, $0xb8;
	[tilespmem:$0x17580] =	vst v63  }
0x127: {  	_ =	swait.ge [sflag:s26], $0x2000  }
0x128: {  	[sflag:s26] =	ssyncset.done $0x0  }
0x129: {  	[sflag:s26] =	ssyncadd.s32 $0xFFFFE000  }
0x12a: {  	[spmem:s4] =	stream.indirect.scatter.add.f32 [tilespmem:s9], [sflag:$0x5], $0x10, s22, s30, $0xb8;
	[tilespmem:$0x17580] =	vst v63  }
0x12b: {  	_ =	swait.ge [sflag:s26], $0x800  }
0x12c: {  	[sflag:s26] =	ssyncset.done $0x0  }
0x12d: {  	[sflag:s26] =	ssyncadd.s32 $0xFFFFF800  }
0x12e: {  	_ =	swait.ge [sflag:s12], $0x2000  }
0x12f: {  	[sflag:s12] =	ssyncset.done $0x0  }
0x130: {  	s21 =	simm.s32 $0x280;
	[sflag:s12] =	ssyncadd.s32 $0xFFFFE000  }
0x131: {  	[tilespmem:s31], [sflag:$0x2] =	stream.indirect.gather [hbm4b:s1+s30], $0x40, s21, s30, $0xb8;
	[tilespmem:$0x17580] =	vst v63  }
0x132: {  	s22 =	simm.s32 $0x1100  }
0x133: {  	[spmem:s3] =	stream.indirect.scatter.add.bf16 [tilespmem:s0], [sflag:$0x5], $0x40, s22, s30, $0xb8;
	[tilespmem:$0x17580] =	vst v63  }
0x134: {  	_ =	swait.ge [sflag:s26], $0x2000  }
0x135: {  	[sflag:s26] =	ssyncset.done $0x0  }
0x136: {  	[sflag:s26] =	ssyncadd.s32 $0xFFFFE000  }
0x137: {  	[spmem:s4] =	stream.indirect.scatter.add.f32 [tilespmem:s9], [sflag:$0x5], $0x10, s22, s30, $0xb8;
	[tilespmem:$0x17580] =	vst v63  }
0x138: {  	_ =	swait.ge [sflag:s26], $0x800  }
0x139: {  	[sflag:s26] =	ssyncset.done $0x0  }
0x13a: {  	[sflag:s26] =	ssyncadd.s32 $0xFFFFF800  }
0x13b: {  	_ =	swait.ge [sflag:s13], $0x2000  }
0x13c: {  	[sflag:s13] =	ssyncset.done $0x0  }
0x13d: {  	s21 =	simm.s32 $0x300;
	[sflag:s13] =	ssyncadd.s32 $0xFFFFE000  }
0x13e: {  	[tilespmem:s0], [sflag:$0x3] =	stream.indirect.gather [hbm4b:s1+s30], $0x40, s21, s30, $0xb8;
	[tilespmem:$0x17580] =	vst v63  }
0x13f: {  	s22 =	simm.s32 $0x1180  }
0x140: {  	[spmem:s3] =	stream.indirect.scatter.add.bf16 [tilespmem:s8], [sflag:$0x5], $0x40, s22, s30, $0xb8;
	[tilespmem:$0x17580] =	vst v63  }
0x141: {  	_ =	swait.ge [sflag:s26], $0x2000  }
0x142: {  	[sflag:s26] =	ssyncset.done $0x0  }
0x143: {  	[sflag:s26] =	ssyncadd.s32 $0xFFFFE000  }
0x144: {  	[spmem:s4] =	stream.indirect.scatter.add.f32 [tilespmem:s9], [sflag:$0x5], $0x10, s22, s30, $0xb8;
	[tilespmem:$0x17580] =	vst v63  }
0x145: {  	_ =	swait.ge [sflag:s26], $0x800  }
0x146: {  	s20 =	simm.s32 $0x800;
	[sflag:s26] =	ssyncset.done $0x0  }
.LBB2_10:
0x147: {  	p0 =	sne.s32 s20, $0x3000  }
0x148: {  	[sflag:s26] =	ssyncadd.s32 $0xFFFFF800;
	s21 =	smov.u32 s20;
	s20 =	sadd.s32 $0x800, s20  }
0x149: {  	_ =	swait.ge [sflag:s7], $0x2000  }
0x14a: {  	s21 =	sshra.s32 s21, $0x2;
	[sflag:s7] =	ssyncset.done $0x0  }
0x14b: {  	s22 =	sadd.s32 $0x180, s21;
	[sflag:s7] =	ssyncadd.s32 $0xFFFFE000  }
0x14c: {  	[tilespmem:s8], [sflag:$0x4] =	stream.indirect.gather [hbm4b:s1+s30], $0x40, s22, s30, $0xb8;
	[tilespmem:$0x17580] =	vst v63  }
0x14d: {  	s22 =	sadd.s32 $0x1000, s21  }
0x14e: {  	[spmem:s3] =	stream.indirect.scatter.add.bf16 [tilespmem:s25], [sflag:$0x5], $0x40, s22, s30, $0xb8;
	[tilespmem:$0x17580] =	vst v63  }
0x14f: {  	_ =	swait.ge [sflag:s26], $0x2000  }
0x150: {  	[sflag:s26] =	ssyncset.done $0x0  }
0x151: {  	[sflag:s26] =	ssyncadd.s32 $0xFFFFE000  }
0x152: {  	[spmem:s4] =	stream.indirect.scatter.add.f32 [tilespmem:s9], [sflag:$0x5], $0x10, s22, s30, $0xb8;
	[tilespmem:$0x17580] =	vst v63  }
0x153: {  	_ =	swait.ge [sflag:s26], $0x800  }
0x154: {  	[sflag:s26] =	ssyncset.done $0x0  }
0x155: {  	[sflag:s26] =	ssyncadd.s32 $0xFFFFF800  }
0x156: {  	_ =	swait.ge [sflag:s10], $0x2000  }
0x157: {  	[sflag:s10] =	ssyncset.done $0x0  }
0x158: {  	s22 =	sadd.s32 $0x200, s21;
	[sflag:s10] =	ssyncadd.s32 $0xFFFFE000  }
0x159: {  	[tilespmem:s25], [sflag:$0x1] =	stream.indirect.gather [hbm4b:s1+s30], $0x40, s22, s30, $0xb8;
	[tilespmem:$0x17580] =	vst v63  }
0x15a: {  	s22 =	sadd.s32 $0x1080, s21  }
0x15b: {  	[spmem:s3] =	stream.indirect.scatter.add.bf16 [tilespmem:s31], [sflag:$0x5], $0x40, s22, s30, $0xb8;
	[tilespmem:$0x17580] =	vst v63  }
0x15c: {  	_ =	swait.ge [sflag:s26], $0x2000  }
0x15d: {  	[sflag:s26] =	ssyncset.done $0x0  }
0x15e: {  	[sflag:s26] =	ssyncadd.s32 $0xFFFFE000  }
0x15f: {  	[spmem:s4] =	stream.indirect.scatter.add.f32 [tilespmem:s9], [sflag:$0x5], $0x10, s22, s30, $0xb8;
	[tilespmem:$0x17580] =	vst v63  }
0x160: {  	_ =	swait.ge [sflag:s26], $0x800  }
0x161: {  	[sflag:s26] =	ssyncset.done $0x0  }
0x162: {  	[sflag:s26] =	ssyncadd.s32 $0xFFFFF800  }
0x163: {  	_ =	swait.ge [sflag:s12], $0x2000  }
0x164: {  	[sflag:s12] =	ssyncset.done $0x0  }
0x165: {  	s22 =	sadd.s32 $0x280, s21;
	[sflag:s12] =	ssyncadd.s32 $0xFFFFE000  }
0x166: {  	[tilespmem:s31], [sflag:$0x2] =	stream.indirect.gather [hbm4b:s1+s30], $0x40, s22, s30, $0xb8;
	[tilespmem:$0x17580] =	vst v63  }
0x167: {  	s22 =	sadd.s32 $0x1100, s21  }
0x168: {  	[spmem:s3] =	stream.indirect.scatter.add.bf16 [tilespmem:s0], [sflag:$0x5], $0x40, s22, s30, $0xb8;
	[tilespmem:$0x17580] =	vst v63  }
0x169: {  	_ =	swait.ge [sflag:s26], $0x2000  }
0x16a: {  	[sflag:s26] =	ssyncset.done $0x0  }
0x16b: {  	[sflag:s26] =	ssyncadd.s32 $0xFFFFE000  }
0x16c: {  	[spmem:s4] =	stream.indirect.scatter.add.f32 [tilespmem:s9], [sflag:$0x5], $0x10, s22, s30, $0xb8;
	[tilespmem:$0x17580] =	vst v63  }
0x16d: {  	_ =	swait.ge [sflag:s26], $0x800  }
0x16e: {  	[sflag:s26] =	ssyncset.done $0x0  }
0x16f: {  	[sflag:s26] =	ssyncadd.s32 $0xFFFFF800  }
0x170: {  	_ =	swait.ge [sflag:s13], $0x2000  }
0x171: {  	[sflag:s13] =	ssyncset.done $0x0  }
0x172: {  	s22 =	sadd.s32 $0x300, s21;
	[sflag:s13] =	ssyncadd.s32 $0xFFFFE000  }
0x173: {  	[tilespmem:s0], [sflag:$0x3] =	stream.indirect.gather [hbm4b:s1+s30], $0x40, s22, s30, $0xb8;
	[tilespmem:$0x17580] =	vst v63  }
0x174: {  	s21 =	sadd.s32 $0x1180, s21  }
0x175: {  	[spmem:s3] =	stream.indirect.scatter.add.bf16 [tilespmem:s8], [sflag:$0x5], $0x40, s21, s30, $0xb8;
	[tilespmem:$0x17580] =	vst v63  }
0x176: {  	_ =	swait.ge [sflag:s26], $0x2000  }
.Ltmp4:
0x177: {  	[sflag:s26] =	ssyncset.done $0x0;
	(pc) =	sbr.rel @p0 .LBB2_10-.Ltmp4, $4  }
0x178: {  	[sflag:s26] =	ssyncadd.s32 $0xFFFFE000  }
0x179: {  	[spmem:s4] =	stream.indirect.scatter.add.f32 [tilespmem:s9], [sflag:$0x5], $0x10, s21, s30, $0xb8;
	[tilespmem:$0x17580] =	vst v63  }
0x17a: {  	_ =	swait.ge [sflag:s26], $0x800  }
0x17b: {  	[sflag:s26] =	ssyncset.done $0x0  }
0x17c: {  	[sflag:s26] =	ssyncadd.s32 $0xFFFFF800  }
0x17d: {  	_ =	swait.ge [sflag:s7], $0x2000  }
0x17e: {  	[sflag:s7] =	ssyncset.done $0x0  }
0x17f: {  	s20 =	simm.s32 $0xF80;
	[sflag:s7] =	ssyncadd.s32 $0xFFFFE000  }
0x180: {  	[tilespmem:s8], [sflag:$0x4] =	stream.indirect.gather [hbm4b:s1+s30], $0x40, s20, s30, $0xb8;
	[tilespmem:$0x17580] =	vst v63  }
0x181: {  	_ = 	snop  }
0x182: {  	[spmem:s3] =	stream.indirect.scatter.add.bf16 [tilespmem:s25], [sflag:$0x5], $0x40, s15, s30, $0xb8;
	[tilespmem:$0x17580] =	vst v63  }
0x183: {  	_ =	swait.ge [sflag:s26], $0x2000  }
0x184: {  	[sflag:s26] =	ssyncset.done $0x0  }
0x185: {  	[sflag:s26] =	ssyncadd.s32 $0xFFFFE000  }
0x186: {  	[spmem:s4] =	stream.indirect.scatter.add.f32 [tilespmem:s9], [sflag:$0x5], $0x10, s15, s30, $0xb8;
	[tilespmem:$0x17580] =	vst v63  }
0x187: {  	_ =	swait.ge [sflag:s26], $0x800  }
0x188: {  	[sflag:s26] =	ssyncset.done $0x0  }
0x189: {  	[sflag:s26] =	ssyncadd.s32 $0xFFFFF800  }
0x18a: {  	_ =	swait.ge [sflag:s10], $0x2000  }
0x18b: {  	[sflag:s10] =	ssyncset.done $0x0  }
0x18c: {  	[sflag:s10] =	ssyncadd.s32 $0xFFFFE000  }
0x18d: {  	[spmem:s3] =	stream.indirect.scatter.add.bf16 [tilespmem:s31], [sflag:$0x5], $0x40, s16, s30, $0xb8;
	[tilespmem:$0x17580] =	vst v63  }
0x18e: {  	_ =	swait.ge [sflag:s26], $0x2000  }
0x18f: {  	[sflag:s26] =	ssyncset.done $0x0  }
0x190: {  	[sflag:s26] =	ssyncadd.s32 $0xFFFFE000  }
0x191: {  	[spmem:s4] =	stream.indirect.scatter.add.f32 [tilespmem:s9], [sflag:$0x5], $0x10, s16, s30, $0xb8;
	[tilespmem:$0x17580] =	vst v63  }
0x192: {  	_ =	swait.ge [sflag:s26], $0x800  }
0x193: {  	[sflag:s26] =	ssyncset.done $0x0  }
0x194: {  	[sflag:s26] =	ssyncadd.s32 $0xFFFFF800  }
0x195: {  	_ =	swait.ge [sflag:s12], $0x2000  }
0x196: {  	[sflag:s12] =	ssyncset.done $0x0  }
0x197: {  	[sflag:s12] =	ssyncadd.s32 $0xFFFFE000  }
0x198: {  	[spmem:s3] =	stream.indirect.scatter.add.bf16 [tilespmem:s0], [sflag:$0x5], $0x40, s17, s30, $0xb8;
	[tilespmem:$0x17580] =	vst v63  }
0x199: {  	_ =	swait.ge [sflag:s26], $0x2000  }
0x19a: {  	[sflag:s26] =	ssyncset.done $0x0  }
0x19b: {  	[sflag:s26] =	ssyncadd.s32 $0xFFFFE000  }
0x19c: {  	[spmem:s4] =	stream.indirect.scatter.add.f32 [tilespmem:s9], [sflag:$0x5], $0x10, s17, s30, $0xb8;
	[tilespmem:$0x17580] =	vst v63  }
0x19d: {  	_ =	swait.ge [sflag:s26], $0x800  }
0x19e: {  	[sflag:s26] =	ssyncset.done $0x0  }
0x19f: {  	[sflag:s26] =	ssyncadd.s32 $0xFFFFF800  }
0x1a0: {  	_ =	swait.ge [sflag:s13], $0x2000  }
0x1a1: {  	[sflag:s13] =	ssyncset.done $0x0  }
0x1a2: {  	[sflag:s13] =	ssyncadd.s32 $0xFFFFE000  }
0x1a3: {  	[spmem:s3] =	stream.indirect.scatter.add.bf16 [tilespmem:s8], [sflag:$0x5], $0x40, s18, s30, $0xb8;
	[tilespmem:$0x17580] =	vst v63  }
0x1a4: {  	_ =	swait.ge [sflag:s26], $0x2000  }
0x1a5: {  	[sflag:s26] =	ssyncset.done $0x0  }
0x1a6: {  	[sflag:s26] =	ssyncadd.s32 $0xFFFFE000  }
0x1a7: {  	[spmem:s4] =	stream.indirect.scatter.add.f32 [tilespmem:s9], [sflag:$0x5], $0x10, s18, s30, $0xb8;
	[tilespmem:$0x17580] =	vst v63  }
0x1a8: {  	_ =	swait.ge [sflag:s26], $0x800  }
0x1a9: {  	[sflag:s26] =	ssyncset.done $0x0  }
0x1aa: {  	s22 =	rddreg [dreg:$0x11];
	[sflag:s26] =	ssyncadd.s32 $0xFFFFF800  }
0x1ab: {  	[tilespmem:s5], [sflag:$0x5] =	stream.linear.gather [hbm4b:s22+s5], $0x780, $0x38;
	[tilespmem:$0x17580] =	vst v63  }
0x1ac: {  	_ =	swait.ge [sflag:s26], $0x780  }
0x1ad: {  	[sflag:s26] =	ssyncset.done $0x0  }
0x1ae: {  	s21 =	rddreg [dreg:$0x12];
	[sflag:s26] =	ssyncadd.s32 $0xFFFFF880  }
0x1af: {  	[tilespmem:s29], [sflag:$0x5] =	stream.linear.gather [hbm4b:s21+s5], $0x780, $0x38;
	[tilespmem:$0x17580] =	vst v63  }
0x1b0: {  	_ =	swait.ge [sflag:s26], $0x780  }
0x1b1: {  	[sflag:s26] =	ssyncset.done $0x0  }
0x1b2: {  	[sflag:s26] =	ssyncadd.s32 $0xFFFFF880  }
0x1b3: {  	[tilespmem:s25], [sflag:$0x1] =	stream.indirect.gather [hbm4b:s1+s30], $0x40, s5, s30, $0xb8;
	[tilespmem:$0x17580] =	vst v63  }
0x1b4: {  	_ = 	snop  }
0x1b5: {  	[tilespmem:s31], [sflag:$0x2] =	stream.indirect.gather [hbm4b:s1+s30], $0x40, s30, s30, $0xb8;
	[tilespmem:$0x17580] =	vst v63  }
0x1b6: {  	_ = 	snop  }
0x1b7: {  	[tilespmem:s0], [sflag:$0x3] =	stream.indirect.gather [hbm4b:s1+s30], $0x40, s2, s30, $0xb8;
	[tilespmem:$0x17580] =	vst v63  }
0x1b8: {  	_ =	swait.ge [sflag:s7], $0x2000  }
0x1b9: {  	[sflag:s7] =	ssyncset.done $0x0  }
0x1ba: {  	s22 =	simm.s32 $0x180;
	[sflag:s7] =	ssyncadd.s32 $0xFFFFE000  }
0x1bb: {  	[tilespmem:s8], [sflag:$0x4] =	stream.indirect.gather [hbm4b:s1+s30], $0x40, s22, s30, $0xb8;
	[tilespmem:$0x17580] =	vst v63  }
0x1bc: {  	_ = 	snop  }
0x1bd: {  	[spmem:s3] =	stream.indirect.scatter.add.bf16 [tilespmem:s25], [sflag:$0x5], $0x40, s29, s30, $0xb8;
	[tilespmem:$0x17580] =	vst v63  }
0x1be: {  	_ =	swait.ge [sflag:s26], $0x2000  }
0x1bf: {  	[sflag:s26] =	ssyncset.done $0x0  }
0x1c0: {  	[sflag:s26] =	ssyncadd.s32 $0xFFFFE000  }
0x1c1: {  	[spmem:s4] =	stream.indirect.scatter.add.f32 [tilespmem:s9], [sflag:$0x5], $0x10, s29, s30, $0xb8;
	[tilespmem:$0x17580] =	vst v63  }
0x1c2: {  	_ =	swait.ge [sflag:s26], $0x800  }
0x1c3: {  	[sflag:s26] =	ssyncset.done $0x0  }
0x1c4: {  	[sflag:s26] =	ssyncadd.s32 $0xFFFFF800  }
0x1c5: {  	_ =	swait.ge [sflag:s10], $0x2000  }
0x1c6: {  	[sflag:s10] =	ssyncset.done $0x0  }
0x1c7: {  	s21 =	simm.s32 $0x200;
	[sflag:s10] =	ssyncadd.s32 $0xFFFFE000  }
0x1c8: {  	[tilespmem:s25], [sflag:$0x1] =	stream.indirect.gather [hbm4b:s1+s30], $0x40, s21, s30, $0xb8;
	[tilespmem:$0x17580] =	vst v63  }
0x1c9: {  	s22 =	simm.s32 $0x1080  }
0x1ca: {  	[spmem:s3] =	stream.indirect.scatter.add.bf16 [tilespmem:s31], [sflag:$0x5], $0x40, s22, s30, $0xb8;
	[tilespmem:$0x17580] =	vst v63  }
0x1cb: {  	_ =	swait.ge [sflag:s26], $0x2000  }
0x1cc: {  	[sflag:s26] =	ssyncset.done $0x0  }
0x1cd: {  	[sflag:s26] =	ssyncadd.s32 $0xFFFFE000  }
0x1ce: {  	[spmem:s4] =	stream.indirect.scatter.add.f32 [tilespmem:s9], [sflag:$0x5], $0x10, s22, s30, $0xb8;
	[tilespmem:$0x17580] =	vst v63  }
0x1cf: {  	_ =	swait.ge [sflag:s26], $0x800  }
0x1d0: {  	[sflag:s26] =	ssyncset.done $0x0  }
0x1d1: {  	[sflag:s26] =	ssyncadd.s32 $0xFFFFF800  }
0x1d2: {  	_ =	swait.ge [sflag:s12], $0x2000  }
0x1d3: {  	[sflag:s12] =	ssyncset.done $0x0  }
0x1d4: {  	s21 =	simm.s32 $0x280;
	[sflag:s12] =	ssyncadd.s32 $0xFFFFE000  }
0x1d5: {  	[tilespmem:s31], [sflag:$0x2] =	stream.indirect.gather [hbm4b:s1+s30], $0x40, s21, s30, $0xb8;
	[tilespmem:$0x17580] =	vst v63  }
0x1d6: {  	s22 =	simm.s32 $0x1100  }
0x1d7: {  	[spmem:s3] =	stream.indirect.scatter.add.bf16 [tilespmem:s0], [sflag:$0x5], $0x40, s22, s30, $0xb8;
	[tilespmem:$0x17580] =	vst v63  }
0x1d8: {  	_ =	swait.ge [sflag:s26], $0x2000  }
0x1d9: {  	[sflag:s26] =	ssyncset.done $0x0  }
0x1da: {  	[sflag:s26] =	ssyncadd.s32 $0xFFFFE000  }
0x1db: {  	[spmem:s4] =	stream.indirect.scatter.add.f32 [tilespmem:s9], [sflag:$0x5], $0x10, s22, s30, $0xb8;
	[tilespmem:$0x17580] =	vst v63  }
0x1dc: {  	_ =	swait.ge [sflag:s26], $0x800  }
0x1dd: {  	[sflag:s26] =	ssyncset.done $0x0  }
0x1de: {  	[sflag:s26] =	ssyncadd.s32 $0xFFFFF800  }
0x1df: {  	_ =	swait.ge [sflag:s13], $0x2000  }
0x1e0: {  	[sflag:s13] =	ssyncset.done $0x0  }
0x1e1: {  	s21 =	simm.s32 $0x300;
	[sflag:s13] =	ssyncadd.s32 $0xFFFFE000  }
0x1e2: {  	[tilespmem:s0], [sflag:$0x3] =	stream.indirect.gather [hbm4b:s1+s30], $0x40, s21, s30, $0xb8;
	[tilespmem:$0x17580] =	vst v63  }
0x1e3: {  	s22 =	simm.s32 $0x1180  }
0x1e4: {  	[spmem:s3] =	stream.indirect.scatter.add.bf16 [tilespmem:s8], [sflag:$0x5], $0x40, s22, s30, $0xb8;
	[tilespmem:$0x17580] =	vst v63  }
0x1e5: {  	_ =	swait.ge [sflag:s26], $0x2000  }
0x1e6: {  	[sflag:s26] =	ssyncset.done $0x0  }
0x1e7: {  	[sflag:s26] =	ssyncadd.s32 $0xFFFFE000  }
0x1e8: {  	[spmem:s4] =	stream.indirect.scatter.add.f32 [tilespmem:s9], [sflag:$0x5], $0x10, s22, s30, $0xb8;
	[tilespmem:$0x17580] =	vst v63  }
0x1e9: {  	_ =	swait.ge [sflag:s26], $0x800  }
0x1ea: {  	[sflag:s26] =	ssyncset.done $0x0  }
0x1eb: {  	[sflag:s26] =	ssyncadd.s32 $0xFFFFF800  }
0x1ec: {  	_ =	swait.ge [sflag:s7], $0x2000  }
0x1ed: {  	[sflag:s7] =	ssyncset.done $0x0  }
0x1ee: {  	s21 =	simm.s32 $0x380;
	[sflag:s7] =	ssyncadd.s32 $0xFFFFE000  }
0x1ef: {  	[tilespmem:s8], [sflag:$0x4] =	stream.indirect.gather [hbm4b:s1+s30], $0x40, s21, s30, $0xb8;
	[tilespmem:$0x17580] =	vst v63  }
0x1f0: {  	s22 =	simm.s32 $0x1200  }
0x1f1: {  	[spmem:s3] =	stream.indirect.scatter.add.bf16 [tilespmem:s25], [sflag:$0x5], $0x40, s22, s30, $0xb8;
	[tilespmem:$0x17580] =	vst v63  }
0x1f2: {  	_ =	swait.ge [sflag:s26], $0x2000  }
0x1f3: {  	[sflag:s26] =	ssyncset.done $0x0  }
0x1f4: {  	[sflag:s26] =	ssyncadd.s32 $0xFFFFE000  }
0x1f5: {  	[spmem:s4] =	stream.indirect.scatter.add.f32 [tilespmem:s9], [sflag:$0x5], $0x10, s22, s30, $0xb8;
	[tilespmem:$0x17580] =	vst v63  }
0x1f6: {  	_ =	swait.ge [sflag:s26], $0x800  }
0x1f7: {  	[sflag:s26] =	ssyncset.done $0x0  }
0x1f8: {  	[sflag:s26] =	ssyncadd.s32 $0xFFFFF800  }
0x1f9: {  	_ =	swait.ge [sflag:s10], $0x2000  }
0x1fa: {  	[sflag:s10] =	ssyncset.done $0x0  }
0x1fb: {  	s21 =	simm.s32 $0x400;
	[sflag:s10] =	ssyncadd.s32 $0xFFFFE000  }
0x1fc: {  	[tilespmem:s25], [sflag:$0x1] =	stream.indirect.gather [hbm4b:s1+s30], $0x40, s21, s30, $0xb8;
	[tilespmem:$0x17580] =	vst v63  }
0x1fd: {  	s22 =	simm.s32 $0x1280  }
0x1fe: {  	[spmem:s3] =	stream.indirect.scatter.add.bf16 [tilespmem:s31], [sflag:$0x5], $0x40, s22, s30, $0xb8;
	[tilespmem:$0x17580] =	vst v63  }
0x1ff: {  	_ =	swait.ge [sflag:s26], $0x2000  }
0x200: {  	[sflag:s26] =	ssyncset.done $0x0  }
0x201: {  	[sflag:s26] =	ssyncadd.s32 $0xFFFFE000  }
0x202: {  	[spmem:s4] =	stream.indirect.scatter.add.f32 [tilespmem:s9], [sflag:$0x5], $0x10, s22, s30, $0xb8;
	[tilespmem:$0x17580] =	vst v63  }
0x203: {  	_ =	swait.ge [sflag:s26], $0x800  }
0x204: {  	[sflag:s26] =	ssyncset.done $0x0  }
0x205: {  	[sflag:s26] =	ssyncadd.s32 $0xFFFFF800  }
0x206: {  	_ =	swait.ge [sflag:s12], $0x2000  }
0x207: {  	[sflag:s12] =	ssyncset.done $0x0  }
0x208: {  	s21 =	simm.s32 $0x480;
	[sflag:s12] =	ssyncadd.s32 $0xFFFFE000  }
0x209: {  	[tilespmem:s31], [sflag:$0x2] =	stream.indirect.gather [hbm4b:s1+s30], $0x40, s21, s30, $0xb8;
	[tilespmem:$0x17580] =	vst v63  }
0x20a: {  	s22 =	simm.s32 $0x1300  }
0x20b: {  	[spmem:s3] =	stream.indirect.scatter.add.bf16 [tilespmem:s0], [sflag:$0x5], $0x40, s22, s30, $0xb8;
	[tilespmem:$0x17580] =	vst v63  }
0x20c: {  	_ =	swait.ge [sflag:s26], $0x2000  }
0x20d: {  	[sflag:s26] =	ssyncset.done $0x0  }
0x20e: {  	[sflag:s26] =	ssyncadd.s32 $0xFFFFE000  }
0x20f: {  	[spmem:s4] =	stream.indirect.scatter.add.f32 [tilespmem:s9], [sflag:$0x5], $0x10, s22, s30, $0xb8;
	[tilespmem:$0x17580] =	vst v63  }
0x210: {  	_ =	swait.ge [sflag:s26], $0x800  }
0x211: {  	[sflag:s26] =	ssyncset.done $0x0  }
0x212: {  	[sflag:s26] =	ssyncadd.s32 $0xFFFFF800  }
0x213: {  	_ =	swait.ge [sflag:s13], $0x2000  }
0x214: {  	[sflag:s13] =	ssyncset.done $0x0  }
0x215: {  	s21 =	simm.s32 $0x500;
	[sflag:s13] =	ssyncadd.s32 $0xFFFFE000  }
0x216: {  	[tilespmem:s0], [sflag:$0x3] =	stream.indirect.gather [hbm4b:s1+s30], $0x40, s21, s30, $0xb8;
	[tilespmem:$0x17580] =	vst v63  }
0x217: {  	s22 =	simm.s32 $0x1380  }
0x218: {  	[spmem:s3] =	stream.indirect.scatter.add.bf16 [tilespmem:s8], [sflag:$0x5], $0x40, s22, s30, $0xb8;
	[tilespmem:$0x17580] =	vst v63  }
0x219: {  	_ =	swait.ge [sflag:s26], $0x2000  }
0x21a: {  	[sflag:s26] =	ssyncset.done $0x0  }
0x21b: {  	[sflag:s26] =	ssyncadd.s32 $0xFFFFE000  }
0x21c: {  	[spmem:s4] =	stream.indirect.scatter.add.f32 [tilespmem:s9], [sflag:$0x5], $0x10, s22, s30, $0xb8;
	[tilespmem:$0x17580] =	vst v63  }
0x21d: {  	_ =	swait.ge [sflag:s26], $0x800  }
0x21e: {  	[sflag:s26] =	ssyncset.done $0x0  }
0x21f: {  	[sflag:s26] =	ssyncadd.s32 $0xFFFFF800  }
0x220: {  	_ =	swait.ge [sflag:s7], $0x2000  }
0x221: {  	[sflag:s7] =	ssyncset.done $0x0  }
0x222: {  	s21 =	simm.s32 $0x580;
	[sflag:s7] =	ssyncadd.s32 $0xFFFFE000  }
0x223: {  	[tilespmem:s8], [sflag:$0x4] =	stream.indirect.gather [hbm4b:s1+s30], $0x40, s21, s30, $0xb8;
	[tilespmem:$0x17580] =	vst v63  }
0x224: {  	s22 =	simm.s32 $0x1400  }
0x225: {  	[spmem:s3] =	stream.indirect.scatter.add.bf16 [tilespmem:s25], [sflag:$0x5], $0x40, s22, s30, $0xb8;
	[tilespmem:$0x17580] =	vst v63  }
0x226: {  	_ =	swait.ge [sflag:s26], $0x2000  }
0x227: {  	[sflag:s26] =	ssyncset.done $0x0  }
0x228: {  	[sflag:s26] =	ssyncadd.s32 $0xFFFFE000  }
0x229: {  	[spmem:s4] =	stream.indirect.scatter.add.f32 [tilespmem:s9], [sflag:$0x5], $0x10, s22, s30, $0xb8;
	[tilespmem:$0x17580] =	vst v63  }
0x22a: {  	_ =	swait.ge [sflag:s26], $0x800  }
0x22b: {  	[sflag:s26] =	ssyncset.done $0x0  }
0x22c: {  	[sflag:s26] =	ssyncadd.s32 $0xFFFFF800  }
0x22d: {  	_ =	swait.ge [sflag:s10], $0x2000  }
0x22e: {  	[sflag:s10] =	ssyncset.done $0x0  }
0x22f: {  	s21 =	simm.s32 $0x600;
	[sflag:s10] =	ssyncadd.s32 $0xFFFFE000  }
0x230: {  	[tilespmem:s25], [sflag:$0x1] =	stream.indirect.gather [hbm4b:s1+s30], $0x40, s21, s30, $0xb8;
	[tilespmem:$0x17580] =	vst v63  }
0x231: {  	s22 =	simm.s32 $0x1480  }
0x232: {  	[spmem:s3] =	stream.indirect.scatter.add.bf16 [tilespmem:s31], [sflag:$0x5], $0x40, s22, s30, $0xb8;
	[tilespmem:$0x17580] =	vst v63  }
0x233: {  	_ =	swait.ge [sflag:s26], $0x2000  }
0x234: {  	[sflag:s26] =	ssyncset.done $0x0  }
0x235: {  	[sflag:s26] =	ssyncadd.s32 $0xFFFFE000  }
0x236: {  	[spmem:s4] =	stream.indirect.scatter.add.f32 [tilespmem:s9], [sflag:$0x5], $0x10, s22, s30, $0xb8;
	[tilespmem:$0x17580] =	vst v63  }
0x237: {  	_ =	swait.ge [sflag:s26], $0x800  }
0x238: {  	[sflag:s26] =	ssyncset.done $0x0  }
0x239: {  	[sflag:s26] =	ssyncadd.s32 $0xFFFFF800  }
0x23a: {  	_ =	swait.ge [sflag:s12], $0x2000  }
0x23b: {  	[sflag:s12] =	ssyncset.done $0x0  }
0x23c: {  	s21 =	simm.s32 $0x680;
	[sflag:s12] =	ssyncadd.s32 $0xFFFFE000  }
0x23d: {  	[tilespmem:s31], [sflag:$0x2] =	stream.indirect.gather [hbm4b:s1+s30], $0x40, s21, s30, $0xb8;
	[tilespmem:$0x17580] =	vst v63  }
0x23e: {  	s22 =	simm.s32 $0x1500  }
0x23f: {  	[spmem:s3] =	stream.indirect.scatter.add.bf16 [tilespmem:s0], [sflag:$0x5], $0x40, s22, s30, $0xb8;
	[tilespmem:$0x17580] =	vst v63  }
0x240: {  	_ =	swait.ge [sflag:s26], $0x2000  }
0x241: {  	[sflag:s26] =	ssyncset.done $0x0  }
0x242: {  	[sflag:s26] =	ssyncadd.s32 $0xFFFFE000  }
0x243: {  	[spmem:s4] =	stream.indirect.scatter.add.f32 [tilespmem:s9], [sflag:$0x5], $0x10, s22, s30, $0xb8;
	[tilespmem:$0x17580] =	vst v63  }
0x244: {  	_ =	swait.ge [sflag:s26], $0x800  }
0x245: {  	[sflag:s26] =	ssyncset.done $0x0  }
0x246: {  	[sflag:s26] =	ssyncadd.s32 $0xFFFFF800  }
0x247: {  	_ =	swait.ge [sflag:s13], $0x2000  }
0x248: {  	[sflag:s13] =	ssyncset.done $0x0  }
0x249: {  	s21 =	simm.s32 $0x700;
	[sflag:s13] =	ssyncadd.s32 $0xFFFFE000  }
0x24a: {  	[tilespmem:s0], [sflag:$0x3] =	stream.indirect.gather [hbm4b:s1+s30], $0x40, s21, s30, $0xb8;
	[tilespmem:$0x17580] =	vst v63  }
0x24b: {  	s22 =	simm.s32 $0x1580  }
0x24c: {  	[spmem:s3] =	stream.indirect.scatter.add.bf16 [tilespmem:s8], [sflag:$0x5], $0x40, s22, s30, $0xb8;
	[tilespmem:$0x17580] =	vst v63  }
0x24d: {  	_ =	swait.ge [sflag:s26], $0x2000  }
0x24e: {  	[sflag:s26] =	ssyncset.done $0x0  }
0x24f: {  	[sflag:s26] =	ssyncadd.s32 $0xFFFFE000  }
0x250: {  	[spmem:s4] =	stream.indirect.scatter.add.f32 [tilespmem:s9], [sflag:$0x5], $0x10, s22, s30, $0xb8;
	[tilespmem:$0x17580] =	vst v63  }
0x251: {  	_ =	swait.ge [sflag:s26], $0x800  }
0x252: {  	[sflag:s26] =	ssyncset.done $0x0  }
0x253: {  	[sflag:s26] =	ssyncadd.s32 $0xFFFFF800  }
0x254: {  	_ =	swait.ge [sflag:s7], $0x2000  }
0x255: {  	[sflag:s7] =	ssyncset.done $0x0  }
0x256: {  	[sflag:s7] =	ssyncadd.s32 $0xFFFFE000  }
0x257: {  	[spmem:s3] =	stream.indirect.scatter.add.bf16 [tilespmem:s25], [sflag:$0x5], $0x40, s23, s30, $0xb8;
	[tilespmem:$0x17580] =	vst v63  }
0x258: {  	_ =	swait.ge [sflag:s26], $0x2000  }
0x259: {  	[sflag:s26] =	ssyncset.done $0x0  }
0x25a: {  	[sflag:s26] =	ssyncadd.s32 $0xFFFFE000  }
0x25b: {  	[spmem:s4] =	stream.indirect.scatter.add.f32 [tilespmem:s9], [sflag:$0x5], $0x10, s23, s30, $0xb8;
	[tilespmem:$0x17580] =	vst v63  }
0x25c: {  	_ =	swait.ge [sflag:s26], $0x800  }
0x25d: {  	[sflag:s26] =	ssyncset.done $0x0  }
0x25e: {  	[sflag:s26] =	ssyncadd.s32 $0xFFFFF800  }
0x25f: {  	_ =	swait.ge [sflag:s10], $0x2000  }
0x260: {  	[sflag:s10] =	ssyncset.done $0x0  }
0x261: {  	[sflag:s10] =	ssyncadd.s32 $0xFFFFE000  }
0x262: {  	[spmem:s3] =	stream.indirect.scatter.add.bf16 [tilespmem:s31], [sflag:$0x5], $0x40, s24, s30, $0xb8;
	[tilespmem:$0x17580] =	vst v63  }
0x263: {  	_ =	swait.ge [sflag:s26], $0x2000  }
0x264: {  	[sflag:s26] =	ssyncset.done $0x0  }
0x265: {  	[sflag:s26] =	ssyncadd.s32 $0xFFFFE000  }
0x266: {  	[spmem:s4] =	stream.indirect.scatter.add.f32 [tilespmem:s9], [sflag:$0x5], $0x10, s24, s30, $0xb8;
	[tilespmem:$0x17580] =	vst v63  }
0x267: {  	_ =	swait.ge [sflag:s26], $0x800  }
0x268: {  	[sflag:s26] =	ssyncset.done $0x0  }
0x269: {  	[sflag:s26] =	ssyncadd.s32 $0xFFFFF800  }
0x26a: {  	_ =	swait.ge [sflag:s12], $0x2000  }
0x26b: {  	[sflag:s12] =	ssyncset.done $0x0  }
0x26c: {  	[sflag:s12] =	ssyncadd.s32 $0xFFFFE000  }
0x26d: {  	[spmem:s3] =	stream.indirect.scatter.add.bf16 [tilespmem:s0], [sflag:$0x5], $0x40, s14, s30, $0xb8;
	[tilespmem:$0x17580] =	vst v63  }
0x26e: {  	_ =	swait.ge [sflag:s26], $0x2000  }
0x26f: {  	[sflag:s26] =	ssyncset.done $0x0  }
0x270: {  	[sflag:s26] =	ssyncadd.s32 $0xFFFFE000  }
0x271: {  	[spmem:s4] =	stream.indirect.scatter.add.f32 [tilespmem:s9], [sflag:$0x5], $0x10, s14, s30, $0xb8;
	[tilespmem:$0x17580] =	vst v63  }
0x272: {  	_ =	swait.ge [sflag:s26], $0x800  }
0x273: {  	[sflag:s26] =	ssyncset.done $0x0  }
0x274: {  	s21 =	stileid.u32;
	[sflag:s26] =	ssyncadd.s32 $0xFFFFF800  }
0x275: {  	s20 =	sshll.u32 s21, $0x6;
	[bflag:$0x0] =	sbarrier.arrive $0xFFFF  }
0x276: {  	s21 =	sshrl.u32 s6, $0x3;
	s20 =	sor.u32 $0x1C05, s20;
	s22 =	rddreg [dreg:$0x13]  }
0x277: {  	[hbm:s22], [sflag:s20] =	dma.local [spmem:s21], $0x13C0  }
0x278: {  	_ =	swait.ge [sflag:s26], $0x13C0  }
0x279: {  	[sflag:s26] =	ssyncset.done $0x0  }
0x27a: {  	s21 =	sshrl.u32 s11, $0x3;
	s22 =	rddreg [dreg:$0x14];
	[sflag:s26] =	ssyncadd.s32 $0xFFFFEC40  }
0x27b: {  	[hbm:s22], [sflag:s20] =	dma.local [spmem:s21], $0x4F0  }
0x27c: {  	_ =	swait.ge [sflag:s26], $0x4F0  }
0x27d: {  	s19 =	sadd.s32 $0x1, s19;
	s22 =	rddreg [dreg:$0x15]  }
0x27e: {  	p0 =	sne.s32 s19, s22  }
.Ltmp5:
0x27f: {  	_ = 	snop;
	(pc) =	sbr.rel @p0 .LBB2_1-.Ltmp5, $3  }
0x280: {  	_ =	sdelay $0x1  }
0x281: {  	[sflag:s26] =	ssyncset.done $0x0  }
0x282: {  	[sflag:s26] =	ssyncadd.s32 $0xFFFFFB10  }
0x283: {  	_ =	sfence.sel $0x180000  }
0x284: {  	[bflag:$0x0] =	sbarrier.arrive $0xFFFF  }
0x285: {  	_ =	strace $0x90000047  }
0x286: {  	s0 =	stileid.u32;
	[bflag:$0x2] =	sbarrier.arrive $0xFFFF  }
0x287: {  	p0 =	sne.s32 s0, $0x0;
	s0 =	rddreg [dreg:$0x4]  }
0x288: {  	s0 =	sadd.s32 @!p0 $0x100000, s0  }
0x289: {  	[sflag:s0] =	ssyncadd.tile.s32 @!p0 $0x1;
	_ =	shalt  }
.Lfunc_end2:
_tile_overlayer_lowered:
.L_overlay_start_2:
0x28a: {  	(tag) =	ssettag $0x2  }
0x28b: {  	s0 =	rddreg [dreg:$0x0];
	s2 =	stileid.u32  }
0x28c: {  	s1 =	rddreg [dreg:$0x1];
	p0 =	sne.s32 s2, $0x0  }
0x28d: {  	s3 =	rddreg [dreg:$0x2];
	[bflag:$0x3] =	sbarrier.arrive $0xFFFF;
	s2 =	simm.s32 @!p0 $0x1C05  }
0x28e: {  	[timem:s3], [sflag:s2] =	dma.local @!p0 [hbm:s0], s1  }
0x28f: {  	s0 =	simm.s32 @!p0 $0x5  }
0x290: {  	_ =	swait.ge @!p0 [sflag:s0], s1  }
0x291: {  	s1 =	ssub.s32 @!p0 $0x0, s1;
	[sflag:s0] =	ssyncset.done @!p0 $0x0  }
0x292: {  	[sflag:s0] =	ssyncadd.s32 @!p0 s1  }
0x293: {  	[bflag:$0x3] =	sbarrier.arrive $0xFFFF  }
0x294: {  	_ =	shalt  }

</sc_bundles>
